<compile_context>
chip_gen: v7x
topology: tpu7x:2x2x1
jax: 0.10.2.dev20260603
libtpu: 0.0.44.dev20260713+nightly
codegen_flags: <defaults>
</compile_context>

<pallas_src>
import jax
import jax.numpy as jnp
from jax import lax
from jax.experimental import pallas as pl
from jax.experimental.pallas import tpu as pltpu, tpu_sc as plsc

B = 4096
T = 200
D = 64
NC = 2
NS = 16
NW = NC * NS

CB = 128
NUNITS = T * (B // CB)
U_PER_W = NUNITS // NW
NBUF = 4
L = 16


def _sc_body(x_hbm, perm_hbm, signs_hbm, out_hbm,
             perm_v, signs_v,
             in_v0, in_v1, in_v2, in_v3, out_v0, out_v1, out_v2, out_v3,
             in_sem0, in_sem1, in_sem2, in_sem3,
             out_sem0, out_sem1, out_sem2, out_sem3):
    in_bufs = [in_v0, in_v1, in_v2, in_v3]
    out_bufs = [out_v0, out_v1, out_v2, out_v3]
    in_sems = [in_sem0, in_sem1, in_sem2, in_sem3]
    out_sems = [out_sem0, out_sem1, out_sem2, out_sem3]
    wid = lax.axis_index("s") * NC + lax.axis_index("c")
    pltpu.sync_copy(perm_hbm, perm_v)
    pltpu.sync_copy(signs_hbm, signs_v)
    base = wid * U_PER_W
    ncb = B // CB
    cols = [jax.lax.iota(jnp.int32, L) + L * j for j in range(CB // L)]

    def hbm_slice(ref, u):
        t = u // ncb
        c = (u % ncb) * CB
        return ref.at[t, :, pl.ds(c, CB)]

    for b in range(NBUF):
        pltpu.async_copy(hbm_slice(x_hbm, base + b), in_bufs[b], in_sems[b])

    def compute(b):
        def row_body(d, _):
            dsplat = jnp.full((L,), d, jnp.int32)
            rsplat = plsc.load_gather(perm_v, [dsplat])
            ssplat = plsc.load_gather(signs_v, [dsplat])
            for j in range(CB // L):
                v = plsc.load_gather(in_bufs[b], [rsplat, cols[j]])
                out_bufs[b][d, pl.ds(L * j, L)] = v * ssplat
            return 0

        plsc.parallel_loop(0, D, 1, unroll=8, carry=jnp.int32(0))(row_body)

    def unit_pair(i2, _):
        for b in range(NBUF):
            u = base + i2 * NBUF + b
            pltpu.make_async_copy(
                hbm_slice(x_hbm, u), in_bufs[b], in_sems[b]).wait()
            @pl.when(i2 > 0)
            def _():
                pltpu.make_async_copy(
                    out_bufs[b], hbm_slice(out_hbm, u - NBUF),
                    out_sems[b]).wait()
            compute(b)
            pltpu.async_copy(out_bufs[b], hbm_slice(out_hbm, u), out_sems[b])
            @pl.when(i2 * NBUF + b + NBUF < U_PER_W)
            def _():
                pltpu.async_copy(
                    hbm_slice(x_hbm, u + NBUF), in_bufs[b], in_sems[b])
        return 0

    lax.fori_loop(0, U_PER_W // NBUF, unit_pair, 0)
    for b in range(NBUF):
        pltpu.make_async_copy(
            out_bufs[b], hbm_slice(out_hbm, base + U_PER_W - NBUF + b),
            out_sems[b]).wait()


@jax.jit
def kernel(x, perm, signs):
    mesh = plsc.VectorSubcoreMesh(
        core_axis_name="c", subcore_axis_name="s", num_cores=NC, num_subcores=NS
    )
    run = pl.kernel(
        _sc_body,
        out_type=jax.ShapeDtypeStruct((T, D, B), jnp.float32),
        mesh=mesh,
        scratch_types=[
            pltpu.VMEM((D,), jnp.int32),
            pltpu.VMEM((D,), jnp.float32),
            pltpu.VMEM((D, CB), jnp.float32),
            pltpu.VMEM((D, CB), jnp.float32),
            pltpu.VMEM((D, CB), jnp.float32),
            pltpu.VMEM((D, CB), jnp.float32),
            pltpu.VMEM((D, CB), jnp.float32),
            pltpu.VMEM((D, CB), jnp.float32),
            pltpu.VMEM((D, CB), jnp.float32),
            pltpu.VMEM((D, CB), jnp.float32),
            pltpu.SemaphoreType.DMA,
            pltpu.SemaphoreType.DMA,
            pltpu.SemaphoreType.DMA,
            pltpu.SemaphoreType.DMA,
            pltpu.SemaphoreType.DMA,
            pltpu.SemaphoreType.DMA,
            pltpu.SemaphoreType.DMA,
            pltpu.SemaphoreType.DMA,
        ],
        compiler_params=pltpu.CompilerParams(
            needs_layout_passes=False,
            use_tc_tiling_on_sc=True,
        ),
    )
    yt = run(jnp.transpose(x, (1, 2, 0)), perm, signs)
    return jnp.transpose(yt, (2, 0, 1))

# --- scband reference (transcript-rebuilt; emitter-appended) ---
"""Pipeline reference for scband-symmetry-transform-24223615550508 (READ-ONLY COPY).

The authoritative reference and input builder live on the scoring server;
editing this copy changes nothing except your own understanding.
"""

import jax, jax.numpy as jnp
import numpy as np

D = 64

def setup_inputs(seed: int = 0) -> dict:
    key = jax.random.key(seed)
    kx, _ = jax.random.split(key)
    x = jax.random.normal(kx, (4096, 200, D), dtype=jnp.float32)
    # buffers from __init__: perm = reversed arange, signs = alternating +/-1
    perm = jnp.arange(D - 1, -1, -1, dtype=jnp.int32)
    signs = jnp.where(jnp.arange(D) % 2 == 0, 1.0, -1.0).astype(jnp.float32)
    return {"x": x, "perm": perm, "signs": signs}


def reference(x, perm, signs):
    # faithful translation of: x[..., self.perm] * self.signs
    return jnp.take(x, perm, axis=-1) * signs

if __name__ == "__main__":
    import jax
    _d = setup_inputs()
    print(jax.jit(kernel)(*tuple(_d.values())))

</pallas_src>

<mosaic_0001>
#map = affine_map<(d0, d1) -> (0, 0, 0)>
#map1 = affine_map<(d0, d1) -> (0)>
module attributes {stable_mosaic.version = 14 : i64} {
  func.func @_sc_body(%arg0: i32, %arg1: i32, %arg2: memref<200x64x4096xf32, #tpu.memory_space<hbm>>, %arg3: memref<64xi32, #tpu.memory_space<hbm>>, %arg4: memref<64xf32, #tpu.memory_space<hbm>>, %arg5: memref<200x64x4096xf32, #tpu.memory_space<hbm>>, %arg6: memref<64xi32, #tpu.memory_space<vmem>>, %arg7: memref<64xf32, #tpu.memory_space<vmem>>, %arg8: memref<64x128xf32, #tpu.memory_space<vmem>>, %arg9: memref<64x128xf32, #tpu.memory_space<vmem>>, %arg10: memref<64x128xf32, #tpu.memory_space<vmem>>, %arg11: memref<64x128xf32, #tpu.memory_space<vmem>>, %arg12: memref<64x128xf32, #tpu.memory_space<vmem>>, %arg13: memref<64x128xf32, #tpu.memory_space<vmem>>, %arg14: memref<64x128xf32, #tpu.memory_space<vmem>>, %arg15: memref<64x128xf32, #tpu.memory_space<vmem>>, %arg16: memref<!tpu.dma_semaphore, #tpu.memory_space<semaphore_mem>>, %arg17: memref<!tpu.dma_semaphore, #tpu.memory_space<semaphore_mem>>, %arg18: memref<!tpu.dma_semaphore, #tpu.memory_space<semaphore_mem>>, %arg19: memref<!tpu.dma_semaphore, #tpu.memory_space<semaphore_mem>>, %arg20: memref<!tpu.dma_semaphore, #tpu.memory_space<semaphore_mem>>, %arg21: memref<!tpu.dma_semaphore, #tpu.memory_space<semaphore_mem>>, %arg22: memref<!tpu.dma_semaphore, #tpu.memory_space<semaphore_mem>>, %arg23: memref<!tpu.dma_semaphore, #tpu.memory_space<semaphore_mem>>) attributes {dimension_semantics = [#tpu.dimension_semantics<core_parallel>, #tpu.dimension_semantics<subcore_parallel>], iteration_bounds = array<i64: 2, 16>, scalar_prefetch = 0 : i64, scratch_operands = 18 : i64, tpu.core_type = #tpu.core_type<sc_vector_subcore>, window_params = [{transform_indices = #map}, {transform_indices = #map1}, {transform_indices = #map1}, {transform_indices = #map}]} {
    %mul3A = arith.constant 2 : i32
    %mul3A_0 = arith.muli %arg1, %mul3A : i32
    %add3A = arith.addi %mul3A_0, %arg0 : i32
    "tpu.region"() ({
      %run_scoped3A = tpu.sem_alloc : memref<!tpu.dma_semaphore, #tpu.memory_space<semaphore_mem>>
      tpu.enqueue_dma source(%arg3 : memref<64xi32, #tpu.memory_space<hbm>>) target(%arg6 : memref<64xi32, #tpu.memory_space<vmem>>) target_semaphore(%run_scoped3A : memref<!tpu.dma_semaphore, #tpu.memory_space<semaphore_mem>>)
      tpu.wait_dma2 semaphore(%run_scoped3A : memref<!tpu.dma_semaphore, #tpu.memory_space<semaphore_mem>>) src(%arg3 : memref<64xi32, #tpu.memory_space<hbm>>) dst(%arg6 : memref<64xi32, #tpu.memory_space<vmem>>)
      tpu.yield
    }) : () -> ()
    "tpu.region"() ({
      %run_scoped3A = tpu.sem_alloc : memref<!tpu.dma_semaphore, #tpu.memory_space<semaphore_mem>>
      tpu.enqueue_dma source(%arg4 : memref<64xf32, #tpu.memory_space<hbm>>) target(%arg7 : memref<64xf32, #tpu.memory_space<vmem>>) target_semaphore(%run_scoped3A : memref<!tpu.dma_semaphore, #tpu.memory_space<semaphore_mem>>)
      tpu.wait_dma2 semaphore(%run_scoped3A : memref<!tpu.dma_semaphore, #tpu.memory_space<semaphore_mem>>) src(%arg4 : memref<64xf32, #tpu.memory_space<hbm>>) dst(%arg7 : memref<64xf32, #tpu.memory_space<vmem>>)
      tpu.yield
    }) : () -> ()
    %mul3A_1 = arith.constant 200 : i32
    %mul3A_2 = arith.muli %add3A, %mul3A_1 : i32
    %iota3A = tpu.iota {dimensions = array<i32: 0>} : vector<16xi32>
    %add3A_3 = arith.constant 0 : i32
    %add3A_4 = vector.broadcast %add3A_3 : i32 to vector<16xi32>
    %add3A_5 = arith.addi %iota3A, %add3A_4 : vector<16xi32>
    %iota3A_6 = tpu.iota {dimensions = array<i32: 0>} : vector<16xi32>
    %add3A_7 = arith.constant 16 : i32
    %add3A_8 = vector.broadcast %add3A_7 : i32 to vector<16xi32>
    %add3A_9 = arith.addi %iota3A_6, %add3A_8 : vector<16xi32>
    %iota3A_10 = tpu.iota {dimensions = array<i32: 0>} : vector<16xi32>
    %add3A_11 = arith.constant 32 : i32
    %add3A_12 = vector.broadcast %add3A_11 : i32 to vector<16xi32>
    %add3A_13 = arith.addi %iota3A_10, %add3A_12 : vector<16xi32>
    %iota3A_14 = tpu.iota {dimensions = array<i32: 0>} : vector<16xi32>
    %add3A_15 = arith.constant 48 : i32
    %add3A_16 = vector.broadcast %add3A_15 : i32 to vector<16xi32>
    %add3A_17 = arith.addi %iota3A_14, %add3A_16 : vector<16xi32>
    %iota3A_18 = tpu.iota {dimensions = array<i32: 0>} : vector<16xi32>
    %add3A_19 = arith.constant 64 : i32
    %add3A_20 = vector.broadcast %add3A_19 : i32 to vector<16xi32>
    %add3A_21 = arith.addi %iota3A_18, %add3A_20 : vector<16xi32>
    %iota3A_22 = tpu.iota {dimensions = array<i32: 0>} : vector<16xi32>
    %add3A_23 = arith.constant 80 : i32
    %add3A_24 = vector.broadcast %add3A_23 : i32 to vector<16xi32>
    %add3A_25 = arith.addi %iota3A_22, %add3A_24 : vector<16xi32>
    %iota3A_26 = tpu.iota {dimensions = array<i32: 0>} : vector<16xi32>
    %add3A_27 = arith.constant 96 : i32
    %add3A_28 = vector.broadcast %add3A_27 : i32 to vector<16xi32>
    %add3A_29 = arith.addi %iota3A_26, %add3A_28 : vector<16xi32>
    %iota3A_30 = tpu.iota {dimensions = array<i32: 0>} : vector<16xi32>
    %add3A_31 = arith.constant 112 : i32
    %add3A_32 = vector.broadcast %add3A_31 : i32 to vector<16xi32>
    %add3A_33 = arith.addi %iota3A_30, %add3A_32 : vector<16xi32>
    %add3A_34 = arith.constant 0 : i32
    %add3A_35 = arith.addi %mul3A_2, %add3A_34 : i32
    %jit3A = arith.constant 32 : i32
    %div3A = arith.divsi %add3A_35, %jit3A : i32
    %sign3A = arith.constant 0 : i32
    %sign3A_36 = arith.cmpi sgt, %add3A_35, %sign3A : i32
    %sign3A_37 = arith.extui %sign3A_36 : i1 to i32
    %sign3A_38 = arith.constant 0 : i32
    %sign3A_39 = arith.cmpi slt, %add3A_35, %sign3A_38 : i32
    %sign3A_40 = arith.extui %sign3A_39 : i1 to i32
    %sign3A_41 = arith.subi %sign3A_37, %sign3A_40 : i32
    %sign3A_42 = arith.constant 0 : i32
    %sign3A_43 = arith.cmpi sgt, %jit3A, %sign3A_42 : i32
    %sign3A_44 = arith.extui %sign3A_43 : i1 to i32
    %sign3A_45 = arith.constant 0 : i32
    %sign3A_46 = arith.cmpi slt, %jit3A, %sign3A_45 : i32
    %sign3A_47 = arith.extui %sign3A_46 : i1 to i32
    %sign3A_48 = arith.subi %sign3A_44, %sign3A_47 : i32
    %ne3A = arith.cmpi ne, %sign3A_41, %sign3A_48 : i32
    %rem3A = arith.remsi %add3A_35, %jit3A : i32
    %ne3A_49 = arith.constant 0 : i32
    %ne3A_50 = arith.cmpi ne, %rem3A, %ne3A_49 : i32
    %and3A = arith.andi %ne3A, %ne3A_50 : i1
    %sub3A = arith.constant 1 : i32
    %sub3A_51 = arith.subi %div3A, %sub3A : i32
    %select_n3A = arith.select %and3A, %sub3A_51, %div3A : i32
    %jit3A_52 = arith.constant 32 : i32
    %eq3A = arith.constant 0 : i32
    %eq3A_53 = arith.cmpi eq, %jit3A_52, %eq3A : i32
    %jit3A_54 = arith.constant 1 : i32
    %select_n3A_55 = arith.select %eq3A_53, %jit3A_54, %jit3A_52 : i32
    %rem3A_56 = arith.remsi %add3A_35, %select_n3A_55 : i32
    %ne3A_57 = arith.constant 0 : i32
    %ne3A_58 = arith.cmpi ne, %rem3A_56, %ne3A_57 : i32
    %lt3A = arith.constant 0 : i32
    %lt3A_59 = arith.cmpi slt, %rem3A_56, %lt3A : i32
    %lt3A_60 = arith.constant 0 : i32
    %lt3A_61 = arith.cmpi slt, %select_n3A_55, %lt3A_60 : i32
    %ne3A_62 = arith.xori %lt3A_59, %lt3A_61 : i1
    %and3A_63 = arith.andi %ne3A_62, %ne3A_58 : i1
    %add3A_64 = arith.addi %rem3A_56, %select_n3A_55 : i32
    %select_n3A_65 = arith.select %and3A_63, %add3A_64, %rem3A_56 : i32
    %mul3A_66 = arith.constant 128 : i32
    %mul3A_67 = arith.muli %select_n3A_65, %mul3A_66 : i32
    %dma_start3A = arith.constant 0 : i32
    %dma_start3A_68 = tpu.memref_slice %arg2[%select_n3A, %dma_start3A, %mul3A_67] : memref<200x64x4096xf32, #tpu.memory_space<hbm>> -> memref<1x64x128xf32, #tpu.memory_space<hbm>>
    %dma_start3A_69 = tpu.memref_squeeze %dma_start3A_68 : memref<1x64x128xf32, #tpu.memory_space<hbm>> -> memref<64x128xf32, #tpu.memory_space<hbm>>
    %dma_start3A_70 = arith.constant 0 : i32
    %dma_start3A_71 = tpu.memref_slice %arg2[%select_n3A, %dma_start3A_70, %mul3A_67] : memref<200x64x4096xf32, #tpu.memory_space<hbm>> -> memref<1x64x128xf32, #tpu.memory_space<hbm>>
    %dma_start3A_72 = tpu.memref_squeeze %dma_start3A_71 : memref<1x64x128xf32, #tpu.memory_space<hbm>> -> memref<64x128xf32, #tpu.memory_space<hbm>>
    tpu.enqueue_dma source(%dma_start3A_72 : memref<64x128xf32, #tpu.memory_space<hbm>>) target(%arg8 : memref<64x128xf32, #tpu.memory_space<vmem>>) target_semaphore(%arg16 : memref<!tpu.dma_semaphore, #tpu.memory_space<semaphore_mem>>)
    %add3A_73 = arith.constant 1 : i32
    %add3A_74 = arith.addi %mul3A_2, %add3A_73 : i32
    %jit3A_75 = arith.constant 32 : i32
    %div3A_76 = arith.divsi %add3A_74, %jit3A_75 : i32
    %sign3A_77 = arith.constant 0 : i32
    %sign3A_78 = arith.cmpi sgt, %add3A_74, %sign3A_77 : i32
    %sign3A_79 = arith.extui %sign3A_78 : i1 to i32
    %sign3A_80 = arith.constant 0 : i32
    %sign3A_81 = arith.cmpi slt, %add3A_74, %sign3A_80 : i32
    %sign3A_82 = arith.extui %sign3A_81 : i1 to i32
    %sign3A_83 = arith.subi %sign3A_79, %sign3A_82 : i32
    %sign3A_84 = arith.constant 0 : i32
    %sign3A_85 = arith.cmpi sgt, %jit3A_75, %sign3A_84 : i32
    %sign3A_86 = arith.extui %sign3A_85 : i1 to i32
    %sign3A_87 = arith.constant 0 : i32
    %sign3A_88 = arith.cmpi slt, %jit3A_75, %sign3A_87 : i32
    %sign3A_89 = arith.extui %sign3A_88 : i1 to i32
    %sign3A_90 = arith.subi %sign3A_86, %sign3A_89 : i32
    %ne3A_91 = arith.cmpi ne, %sign3A_83, %sign3A_90 : i32
    %rem3A_92 = arith.remsi %add3A_74, %jit3A_75 : i32
    %ne3A_93 = arith.constant 0 : i32
    %ne3A_94 = arith.cmpi ne, %rem3A_92, %ne3A_93 : i32
    %and3A_95 = arith.andi %ne3A_91, %ne3A_94 : i1
    %sub3A_96 = arith.constant 1 : i32
    %sub3A_97 = arith.subi %div3A_76, %sub3A_96 : i32
    %select_n3A_98 = arith.select %and3A_95, %sub3A_97, %div3A_76 : i32
    %jit3A_99 = arith.constant 32 : i32
    %eq3A_100 = arith.constant 0 : i32
    %eq3A_101 = arith.cmpi eq, %jit3A_99, %eq3A_100 : i32
    %jit3A_102 = arith.constant 1 : i32
    %select_n3A_103 = arith.select %eq3A_101, %jit3A_102, %jit3A_99 : i32
    %rem3A_104 = arith.remsi %add3A_74, %select_n3A_103 : i32
    %ne3A_105 = arith.constant 0 : i32
    %ne3A_106 = arith.cmpi ne, %rem3A_104, %ne3A_105 : i32
    %lt3A_107 = arith.constant 0 : i32
    %lt3A_108 = arith.cmpi slt, %rem3A_104, %lt3A_107 : i32
    %lt3A_109 = arith.constant 0 : i32
    %lt3A_110 = arith.cmpi slt, %select_n3A_103, %lt3A_109 : i32
    %ne3A_111 = arith.xori %lt3A_108, %lt3A_110 : i1
    %and3A_112 = arith.andi %ne3A_111, %ne3A_106 : i1
    %add3A_113 = arith.addi %rem3A_104, %select_n3A_103 : i32
    %select_n3A_114 = arith.select %and3A_112, %add3A_113, %rem3A_104 : i32
    %mul3A_115 = arith.constant 128 : i32
    %mul3A_116 = arith.muli %select_n3A_114, %mul3A_115 : i32
    %dma_start3A_117 = arith.constant 0 : i32
    %dma_start3A_118 = tpu.memref_slice %arg2[%select_n3A_98, %dma_start3A_117, %mul3A_116] : memref<200x64x4096xf32, #tpu.memory_space<hbm>> -> memref<1x64x128xf32, #tpu.memory_space<hbm>>
    %dma_start3A_119 = tpu.memref_squeeze %dma_start3A_118 : memref<1x64x128xf32, #tpu.memory_space<hbm>> -> memref<64x128xf32, #tpu.memory_space<hbm>>
    %dma_start3A_120 = arith.constant 0 : i32
    %dma_start3A_121 = tpu.memref_slice %arg2[%select_n3A_98, %dma_start3A_120, %mul3A_116] : memref<200x64x4096xf32, #tpu.memory_space<hbm>> -> memref<1x64x128xf32, #tpu.memory_space<hbm>>
    %dma_start3A_122 = tpu.memref_squeeze %dma_start3A_121 : memref<1x64x128xf32, #tpu.memory_space<hbm>> -> memref<64x128xf32, #tpu.memory_space<hbm>>
    tpu.enqueue_dma source(%dma_start3A_122 : memref<64x128xf32, #tpu.memory_space<hbm>>) target(%arg9 : memref<64x128xf32, #tpu.memory_space<vmem>>) target_semaphore(%arg17 : memref<!tpu.dma_semaphore, #tpu.memory_space<semaphore_mem>>)
    %add3A_123 = arith.constant 2 : i32
    %add3A_124 = arith.addi %mul3A_2, %add3A_123 : i32
    %jit3A_125 = arith.constant 32 : i32
    %div3A_126 = arith.divsi %add3A_124, %jit3A_125 : i32
    %sign3A_127 = arith.constant 0 : i32
    %sign3A_128 = arith.cmpi sgt, %add3A_124, %sign3A_127 : i32
    %sign3A_129 = arith.extui %sign3A_128 : i1 to i32
    %sign3A_130 = arith.constant 0 : i32
    %sign3A_131 = arith.cmpi slt, %add3A_124, %sign3A_130 : i32
    %sign3A_132 = arith.extui %sign3A_131 : i1 to i32
    %sign3A_133 = arith.subi %sign3A_129, %sign3A_132 : i32
    %sign3A_134 = arith.constant 0 : i32
    %sign3A_135 = arith.cmpi sgt, %jit3A_125, %sign3A_134 : i32
    %sign3A_136 = arith.extui %sign3A_135 : i1 to i32
    %sign3A_137 = arith.constant 0 : i32
    %sign3A_138 = arith.cmpi slt, %jit3A_125, %sign3A_137 : i32
    %sign3A_139 = arith.extui %sign3A_138 : i1 to i32
    %sign3A_140 = arith.subi %sign3A_136, %sign3A_139 : i32
    %ne3A_141 = arith.cmpi ne, %sign3A_133, %sign3A_140 : i32
    %rem3A_142 = arith.remsi %add3A_124, %jit3A_125 : i32
    %ne3A_143 = arith.constant 0 : i32
    %ne3A_144 = arith.cmpi ne, %rem3A_142, %ne3A_143 : i32
    %and3A_145 = arith.andi %ne3A_141, %ne3A_144 : i1
    %sub3A_146 = arith.constant 1 : i32
    %sub3A_147 = arith.subi %div3A_126, %sub3A_146 : i32
    %select_n3A_148 = arith.select %and3A_145, %sub3A_147, %div3A_126 : i32
    %jit3A_149 = arith.constant 32 : i32
    %eq3A_150 = arith.constant 0 : i32
    %eq3A_151 = arith.cmpi eq, %jit3A_149, %eq3A_150 : i32
    %jit3A_152 = arith.constant 1 : i32
    %select_n3A_153 = arith.select %eq3A_151, %jit3A_152, %jit3A_149 : i32
    %rem3A_154 = arith.remsi %add3A_124, %select_n3A_153 : i32
    %ne3A_155 = arith.constant 0 : i32
    %ne3A_156 = arith.cmpi ne, %rem3A_154, %ne3A_155 : i32
    %lt3A_157 = arith.constant 0 : i32
    %lt3A_158 = arith.cmpi slt, %rem3A_154, %lt3A_157 : i32
    %lt3A_159 = arith.constant 0 : i32
    %lt3A_160 = arith.cmpi slt, %select_n3A_153, %lt3A_159 : i32
    %ne3A_161 = arith.xori %lt3A_158, %lt3A_160 : i1
    %and3A_162 = arith.andi %ne3A_161, %ne3A_156 : i1
    %add3A_163 = arith.addi %rem3A_154, %select_n3A_153 : i32
    %select_n3A_164 = arith.select %and3A_162, %add3A_163, %rem3A_154 : i32
    %mul3A_165 = arith.constant 128 : i32
    %mul3A_166 = arith.muli %select_n3A_164, %mul3A_165 : i32
    %dma_start3A_167 = arith.constant 0 : i32
    %dma_start3A_168 = tpu.memref_slice %arg2[%select_n3A_148, %dma_start3A_167, %mul3A_166] : memref<200x64x4096xf32, #tpu.memory_space<hbm>> -> memref<1x64x128xf32, #tpu.memory_space<hbm>>
    %dma_start3A_169 = tpu.memref_squeeze %dma_start3A_168 : memref<1x64x128xf32, #tpu.memory_space<hbm>> -> memref<64x128xf32, #tpu.memory_space<hbm>>
    %dma_start3A_170 = arith.constant 0 : i32
    %dma_start3A_171 = tpu.memref_slice %arg2[%select_n3A_148, %dma_start3A_170, %mul3A_166] : memref<200x64x4096xf32, #tpu.memory_space<hbm>> -> memref<1x64x128xf32, #tpu.memory_space<hbm>>
    %dma_start3A_172 = tpu.memref_squeeze %dma_start3A_171 : memref<1x64x128xf32, #tpu.memory_space<hbm>> -> memref<64x128xf32, #tpu.memory_space<hbm>>
    tpu.enqueue_dma source(%dma_start3A_172 : memref<64x128xf32, #tpu.memory_space<hbm>>) target(%arg10 : memref<64x128xf32, #tpu.memory_space<vmem>>) target_semaphore(%arg18 : memref<!tpu.dma_semaphore, #tpu.memory_space<semaphore_mem>>)
    %add3A_173 = arith.constant 3 : i32
    %add3A_174 = arith.addi %mul3A_2, %add3A_173 : i32
    %jit3A_175 = arith.constant 32 : i32
    %div3A_176 = arith.divsi %add3A_174, %jit3A_175 : i32
    %sign3A_177 = arith.constant 0 : i32
    %sign3A_178 = arith.cmpi sgt, %add3A_174, %sign3A_177 : i32
    %sign3A_179 = arith.extui %sign3A_178 : i1 to i32
    %sign3A_180 = arith.constant 0 : i32
    %sign3A_181 = arith.cmpi slt, %add3A_174, %sign3A_180 : i32
    %sign3A_182 = arith.extui %sign3A_181 : i1 to i32
    %sign3A_183 = arith.subi %sign3A_179, %sign3A_182 : i32
    %sign3A_184 = arith.constant 0 : i32
    %sign3A_185 = arith.cmpi sgt, %jit3A_175, %sign3A_184 : i32
    %sign3A_186 = arith.extui %sign3A_185 : i1 to i32
    %sign3A_187 = arith.constant 0 : i32
    %sign3A_188 = arith.cmpi slt, %jit3A_175, %sign3A_187 : i32
    %sign3A_189 = arith.extui %sign3A_188 : i1 to i32
    %sign3A_190 = arith.subi %sign3A_186, %sign3A_189 : i32
    %ne3A_191 = arith.cmpi ne, %sign3A_183, %sign3A_190 : i32
    %rem3A_192 = arith.remsi %add3A_174, %jit3A_175 : i32
    %ne3A_193 = arith.constant 0 : i32
    %ne3A_194 = arith.cmpi ne, %rem3A_192, %ne3A_193 : i32
    %and3A_195 = arith.andi %ne3A_191, %ne3A_194 : i1
    %sub3A_196 = arith.constant 1 : i32
    %sub3A_197 = arith.subi %div3A_176, %sub3A_196 : i32
    %select_n3A_198 = arith.select %and3A_195, %sub3A_197, %div3A_176 : i32
    %jit3A_199 = arith.constant 32 : i32
    %eq3A_200 = arith.constant 0 : i32
    %eq3A_201 = arith.cmpi eq, %jit3A_199, %eq3A_200 : i32
    %jit3A_202 = arith.constant 1 : i32
    %select_n3A_203 = arith.select %eq3A_201, %jit3A_202, %jit3A_199 : i32
    %rem3A_204 = arith.remsi %add3A_174, %select_n3A_203 : i32
    %ne3A_205 = arith.constant 0 : i32
    %ne3A_206 = arith.cmpi ne, %rem3A_204, %ne3A_205 : i32
    %lt3A_207 = arith.constant 0 : i32
    %lt3A_208 = arith.cmpi slt, %rem3A_204, %lt3A_207 : i32
    %lt3A_209 = arith.constant 0 : i32
    %lt3A_210 = arith.cmpi slt, %select_n3A_203, %lt3A_209 : i32
    %ne3A_211 = arith.xori %lt3A_208, %lt3A_210 : i1
    %and3A_212 = arith.andi %ne3A_211, %ne3A_206 : i1
    %add3A_213 = arith.addi %rem3A_204, %select_n3A_203 : i32
    %select_n3A_214 = arith.select %and3A_212, %add3A_213, %rem3A_204 : i32
    %mul3A_215 = arith.constant 128 : i32
    %mul3A_216 = arith.muli %select_n3A_214, %mul3A_215 : i32
    %dma_start3A_217 = arith.constant 0 : i32
    %dma_start3A_218 = tpu.memref_slice %arg2[%select_n3A_198, %dma_start3A_217, %mul3A_216] : memref<200x64x4096xf32, #tpu.memory_space<hbm>> -> memref<1x64x128xf32, #tpu.memory_space<hbm>>
    %dma_start3A_219 = tpu.memref_squeeze %dma_start3A_218 : memref<1x64x128xf32, #tpu.memory_space<hbm>> -> memref<64x128xf32, #tpu.memory_space<hbm>>
    %dma_start3A_220 = arith.constant 0 : i32
    %dma_start3A_221 = tpu.memref_slice %arg2[%select_n3A_198, %dma_start3A_220, %mul3A_216] : memref<200x64x4096xf32, #tpu.memory_space<hbm>> -> memref<1x64x128xf32, #tpu.memory_space<hbm>>
    %dma_start3A_222 = tpu.memref_squeeze %dma_start3A_221 : memref<1x64x128xf32, #tpu.memory_space<hbm>> -> memref<64x128xf32, #tpu.memory_space<hbm>>
    tpu.enqueue_dma source(%dma_start3A_222 : memref<64x128xf32, #tpu.memory_space<hbm>>) target(%arg11 : memref<64x128xf32, #tpu.memory_space<vmem>>) target_semaphore(%arg19 : memref<!tpu.dma_semaphore, #tpu.memory_space<semaphore_mem>>)
    %scan3A = arith.constant 0 : i32
    %scan3A_223 = arith.constant 0 : i32
    %scan3A_224 = arith.constant 50 : i32
    %scan3A_225 = arith.addi %scan3A_223, %scan3A_224 : i32
    %scan3A_226 = arith.constant 1 : i32
    %scan3A_227 = scf.for %scan3A_444 = %scan3A_223 to %scan3A_225 step %scan3A_226 iter_args(%scan3A_445 = %scan3A) -> (i32)  : i32 {
      %mul3A_446 = arith.constant 4 : i32
      %mul3A_447 = arith.muli %scan3A_444, %mul3A_446 : i32
      %add3A_448 = arith.addi %mul3A_2, %mul3A_447 : i32
      %add3A_449 = arith.constant 0 : i32
      %add3A_450 = arith.addi %add3A_448, %add3A_449 : i32
      %jit3A_451 = arith.constant 32 : i32
      %div3A_452 = arith.divsi %add3A_450, %jit3A_451 : i32
      %sign3A_453 = arith.constant 0 : i32
      %sign3A_454 = arith.cmpi sgt, %add3A_450, %sign3A_453 : i32
      %sign3A_455 = arith.extui %sign3A_454 : i1 to i32
      %sign3A_456 = arith.constant 0 : i32
      %sign3A_457 = arith.cmpi slt, %add3A_450, %sign3A_456 : i32
      %sign3A_458 = arith.extui %sign3A_457 : i1 to i32
      %sign3A_459 = arith.subi %sign3A_455, %sign3A_458 : i32
      %sign3A_460 = arith.constant 0 : i32
      %sign3A_461 = arith.cmpi sgt, %jit3A_451, %sign3A_460 : i32
      %sign3A_462 = arith.extui %sign3A_461 : i1 to i32
      %sign3A_463 = arith.constant 0 : i32
      %sign3A_464 = arith.cmpi slt, %jit3A_451, %sign3A_463 : i32
      %sign3A_465 = arith.extui %sign3A_464 : i1 to i32
      %sign3A_466 = arith.subi %sign3A_462, %sign3A_465 : i32
      %ne3A_467 = arith.cmpi ne, %sign3A_459, %sign3A_466 : i32
      %rem3A_468 = arith.remsi %add3A_450, %jit3A_451 : i32
      %ne3A_469 = arith.constant 0 : i32
      %ne3A_470 = arith.cmpi ne, %rem3A_468, %ne3A_469 : i32
      %and3A_471 = arith.andi %ne3A_467, %ne3A_470 : i1
      %sub3A_472 = arith.constant 1 : i32
      %sub3A_473 = arith.subi %div3A_452, %sub3A_472 : i32
      %select_n3A_474 = arith.select %and3A_471, %sub3A_473, %div3A_452 : i32
      %jit3A_475 = arith.constant 32 : i32
      %eq3A_476 = arith.constant 0 : i32
      %eq3A_477 = arith.cmpi eq, %jit3A_475, %eq3A_476 : i32
      %jit3A_478 = arith.constant 1 : i32
      %select_n3A_479 = arith.select %eq3A_477, %jit3A_478, %jit3A_475 : i32
      %rem3A_480 = arith.remsi %add3A_450, %select_n3A_479 : i32
      %ne3A_481 = arith.constant 0 : i32
      %ne3A_482 = arith.cmpi ne, %rem3A_480, %ne3A_481 : i32
      %lt3A_483 = arith.constant 0 : i32
      %lt3A_484 = arith.cmpi slt, %rem3A_480, %lt3A_483 : i32
      %lt3A_485 = arith.constant 0 : i32
      %lt3A_486 = arith.cmpi slt, %select_n3A_479, %lt3A_485 : i32
      %ne3A_487 = arith.xori %lt3A_484, %lt3A_486 : i1
      %and3A_488 = arith.andi %ne3A_487, %ne3A_482 : i1
      %add3A_489 = arith.addi %rem3A_480, %select_n3A_479 : i32
      %select_n3A_490 = arith.select %and3A_488, %add3A_489, %rem3A_480 : i32
      %mul3A_491 = arith.constant 128 : i32
      %mul3A_492 = arith.muli %select_n3A_490, %mul3A_491 : i32
      %dma_wait3A_493 = arith.constant 0 : i32
      %dma_wait3A_494 = tpu.memref_slice %arg2[%select_n3A_474, %dma_wait3A_493, %mul3A_492] : memref<200x64x4096xf32, #tpu.memory_space<hbm>> -> memref<1x64x128xf32, #tpu.memory_space<hbm>>
      %dma_wait3A_495 = tpu.memref_squeeze %dma_wait3A_494 : memref<1x64x128xf32, #tpu.memory_space<hbm>> -> memref<64x128xf32, #tpu.memory_space<hbm>>
      %dma_wait3A_496 = arith.constant 0 : i32
      %dma_wait3A_497 = tpu.memref_slice %arg2[%select_n3A_474, %dma_wait3A_496, %mul3A_492] : memref<200x64x4096xf32, #tpu.memory_space<hbm>> -> memref<1x64x128xf32, #tpu.memory_space<hbm>>
      %dma_wait3A_498 = tpu.memref_squeeze %dma_wait3A_497 : memref<1x64x128xf32, #tpu.memory_space<hbm>> -> memref<64x128xf32, #tpu.memory_space<hbm>>
      tpu.wait_dma2 semaphore(%arg16 : memref<!tpu.dma_semaphore, #tpu.memory_space<semaphore_mem>>) src(%dma_wait3A_498 : memref<64x128xf32, #tpu.memory_space<hbm>>) dst(%arg8 : memref<64x128xf32, #tpu.memory_space<vmem>>)
      %gt3A = arith.constant 0 : i32
      %gt3A_499 = arith.cmpi sgt, %scan3A_444, %gt3A : i32
      %convert_element_type3A = arith.extui %gt3A_499 : i1 to i32
      %cond3A = arith.constant 0 : i32
      %cond3A_500 = arith.cmpi ne, %convert_element_type3A, %cond3A : i32
      scf.if %cond3A_500 {
        %sub3A_931 = arith.constant 4 : i32
        %sub3A_932 = arith.subi %add3A_450, %sub3A_931 : i32
        %jit3A_933 = arith.constant 32 : i32
        %div3A_934 = arith.divsi %sub3A_932, %jit3A_933 : i32
        %sign3A_935 = arith.constant 0 : i32
        %sign3A_936 = arith.cmpi sgt, %sub3A_932, %sign3A_935 : i32
        %sign3A_937 = arith.extui %sign3A_936 : i1 to i32
        %sign3A_938 = arith.constant 0 : i32
        %sign3A_939 = arith.cmpi slt, %sub3A_932, %sign3A_938 : i32
        %sign3A_940 = arith.extui %sign3A_939 : i1 to i32
        %sign3A_941 = arith.subi %sign3A_937, %sign3A_940 : i32
        %sign3A_942 = arith.constant 0 : i32
        %sign3A_943 = arith.cmpi sgt, %jit3A_933, %sign3A_942 : i32
        %sign3A_944 = arith.extui %sign3A_943 : i1 to i32
        %sign3A_945 = arith.constant 0 : i32
        %sign3A_946 = arith.cmpi slt, %jit3A_933, %sign3A_945 : i32
        %sign3A_947 = arith.extui %sign3A_946 : i1 to i32
        %sign3A_948 = arith.subi %sign3A_944, %sign3A_947 : i32
        %ne3A_949 = arith.cmpi ne, %sign3A_941, %sign3A_948 : i32
        %rem3A_950 = arith.remsi %sub3A_932, %jit3A_933 : i32
        %ne3A_951 = arith.constant 0 : i32
        %ne3A_952 = arith.cmpi ne, %rem3A_950, %ne3A_951 : i32
        %and3A_953 = arith.andi %ne3A_949, %ne3A_952 : i1
        %sub3A_954 = arith.constant 1 : i32
        %sub3A_955 = arith.subi %div3A_934, %sub3A_954 : i32
        %select_n3A_956 = arith.select %and3A_953, %sub3A_955, %div3A_934 : i32
        %jit3A_957 = arith.constant 32 : i32
        %eq3A_958 = arith.constant 0 : i32
        %eq3A_959 = arith.cmpi eq, %jit3A_957, %eq3A_958 : i32
        %jit3A_960 = arith.constant 1 : i32
        %select_n3A_961 = arith.select %eq3A_959, %jit3A_960, %jit3A_957 : i32
        %rem3A_962 = arith.remsi %sub3A_932, %select_n3A_961 : i32
        %ne3A_963 = arith.constant 0 : i32
        %ne3A_964 = arith.cmpi ne, %rem3A_962, %ne3A_963 : i32
        %lt3A_965 = arith.constant 0 : i32
        %lt3A_966 = arith.cmpi slt, %rem3A_962, %lt3A_965 : i32
        %lt3A_967 = arith.constant 0 : i32
        %lt3A_968 = arith.cmpi slt, %select_n3A_961, %lt3A_967 : i32
        %ne3A_969 = arith.xori %lt3A_966, %lt3A_968 : i1
        %and3A_970 = arith.andi %ne3A_969, %ne3A_964 : i1
        %add3A_971 = arith.addi %rem3A_962, %select_n3A_961 : i32
        %select_n3A_972 = arith.select %and3A_970, %add3A_971, %rem3A_962 : i32
        %mul3A_973 = arith.constant 128 : i32
        %mul3A_974 = arith.muli %select_n3A_972, %mul3A_973 : i32
        %dma_wait3A_975 = arith.constant 0 : i32
        %dma_wait3A_976 = tpu.memref_slice %arg5[%select_n3A_956, %dma_wait3A_975, %mul3A_974] : memref<200x64x4096xf32, #tpu.memory_space<hbm>> -> memref<1x64x128xf32, #tpu.memory_space<hbm>>
        %dma_wait3A_977 = tpu.memref_squeeze %dma_wait3A_976 : memref<1x64x128xf32, #tpu.memory_space<hbm>> -> memref<64x128xf32, #tpu.memory_space<hbm>>
        %dma_wait3A_978 = arith.constant 0 : i32
        %dma_wait3A_979 = tpu.memref_slice %arg5[%select_n3A_956, %dma_wait3A_978, %mul3A_974] : memref<200x64x4096xf32, #tpu.memory_space<hbm>> -> memref<1x64x128xf32, #tpu.memory_space<hbm>>
        %dma_wait3A_980 = tpu.memref_squeeze %dma_wait3A_979 : memref<1x64x128xf32, #tpu.memory_space<hbm>> -> memref<64x128xf32, #tpu.memory_space<hbm>>
        tpu.wait_dma2 semaphore(%arg20 : memref<!tpu.dma_semaphore, #tpu.memory_space<semaphore_mem>>) src(%arg12 : memref<64x128xf32, #tpu.memory_space<vmem>>) dst(%dma_wait3A_980 : memref<64x128xf32, #tpu.memory_space<hbm>>)
      } else {
      }
      %parallel_loop3A = arith.constant 0 : i32
      %parallel_loop3A_501 = arith.constant 64 : i32
      %parallel_loop3A_502 = arith.constant 1 : i32
      %parallel_loop3A_503 = arith.constant 0 : i32
      %parallel_loop3A_504 = scf.for %parallel_loop3A_931 = %parallel_loop3A to %parallel_loop3A_501 step %parallel_loop3A_502 iter_args(%parallel_loop3A_932 = %parallel_loop3A_503) -> (i32)  : i32 {
        %parallel_loop3A_933 = vector.broadcast %parallel_loop3A_931 : i32 to vector<16xi32>
        %parallel_loop3A_934 = tpu.vector_load_idx %arg6[%parallel_loop3A_933] : memref<64xi32, #tpu.memory_space<vmem>>[vector<16xi32>], vector<16xi32>,
        %parallel_loop3A_935 = tpu.vector_load_idx %arg7[%parallel_loop3A_933] : memref<64xf32, #tpu.memory_space<vmem>>[vector<16xi32>], vector<16xf32>,
        %parallel_loop3A_936 = tpu.vector_load_idx %arg8[%parallel_loop3A_934, %add3A_5] : memref<64x128xf32, #tpu.memory_space<vmem>>[vector<16xi32>, vector<16xi32>], vector<16xf32>,
        %parallel_loop3A_937 = arith.mulf %parallel_loop3A_936, %parallel_loop3A_935 : vector<16xf32>
        %parallel_loop3A_938 = arith.index_cast %parallel_loop3A_931 : i32 to index
        %parallel_loop3A_939 = arith.constant 0 : index
        %parallel_loop3A_940 = tpu.vector_load %arg12[%parallel_loop3A_938, %parallel_loop3A_939] {strides = array<i32>} : memref<64x128xf32, #tpu.memory_space<vmem>>, vector<16xf32>,
        tpu.vector_store %arg12[%parallel_loop3A_938, %parallel_loop3A_939], %parallel_loop3A_937 {strides = array<i32>} : memref<64x128xf32, #tpu.memory_space<vmem>>, vector<16xf32>,
        %parallel_loop3A_941 = tpu.vector_load_idx %arg8[%parallel_loop3A_934, %add3A_9] : memref<64x128xf32, #tpu.memory_space<vmem>>[vector<16xi32>, vector<16xi32>], vector<16xf32>,
        %parallel_loop3A_942 = arith.mulf %parallel_loop3A_941, %parallel_loop3A_935 : vector<16xf32>
        %parallel_loop3A_943 = arith.index_cast %parallel_loop3A_931 : i32 to index
        %parallel_loop3A_944 = arith.constant 16 : index
        %parallel_loop3A_945 = tpu.vector_load %arg12[%parallel_loop3A_943, %parallel_loop3A_944] {strides = array<i32>} : memref<64x128xf32, #tpu.memory_space<vmem>>, vector<16xf32>,
        tpu.vector_store %arg12[%parallel_loop3A_943, %parallel_loop3A_944], %parallel_loop3A_942 {strides = array<i32>} : memref<64x128xf32, #tpu.memory_space<vmem>>, vector<16xf32>,
        %parallel_loop3A_946 = tpu.vector_load_idx %arg8[%parallel_loop3A_934, %add3A_13] : memref<64x128xf32, #tpu.memory_space<vmem>>[vector<16xi32>, vector<16xi32>], vector<16xf32>,
        %parallel_loop3A_947 = arith.mulf %parallel_loop3A_946, %parallel_loop3A_935 : vector<16xf32>
        %parallel_loop3A_948 = arith.index_cast %parallel_loop3A_931 : i32 to index
        %parallel_loop3A_949 = arith.constant 32 : index
        %parallel_loop3A_950 = tpu.vector_load %arg12[%parallel_loop3A_948, %parallel_loop3A_949] {strides = array<i32>} : memref<64x128xf32, #tpu.memory_space<vmem>>, vector<16xf32>,
        tpu.vector_store %arg12[%parallel_loop3A_948, %parallel_loop3A_949], %parallel_loop3A_947 {strides = array<i32>} : memref<64x128xf32, #tpu.memory_space<vmem>>, vector<16xf32>,
        %parallel_loop3A_951 = tpu.vector_load_idx %arg8[%parallel_loop3A_934, %add3A_17] : memref<64x128xf32, #tpu.memory_space<vmem>>[vector<16xi32>, vector<16xi32>], vector<16xf32>,
        %parallel_loop3A_952 = arith.mulf %parallel_loop3A_951, %parallel_loop3A_935 : vector<16xf32>
        %parallel_loop3A_953 = arith.index_cast %parallel_loop3A_931 : i32 to index
        %parallel_loop3A_954 = arith.constant 48 : index
        %parallel_loop3A_955 = tpu.vector_load %arg12[%parallel_loop3A_953, %parallel_loop3A_954] {strides = array<i32>} : memref<64x128xf32, #tpu.memory_space<vmem>>, vector<16xf32>,
        tpu.vector_store %arg12[%parallel_loop3A_953, %parallel_loop3A_954], %parallel_loop3A_952 {strides = array<i32>} : memref<64x128xf32, #tpu.memory_space<vmem>>, vector<16xf32>,
        %parallel_loop3A_956 = tpu.vector_load_idx %arg8[%parallel_loop3A_934, %add3A_21] : memref<64x128xf32, #tpu.memory_space<vmem>>[vector<16xi32>, vector<16xi32>], vector<16xf32>,
        %parallel_loop3A_957 = arith.mulf %parallel_loop3A_956, %parallel_loop3A_935 : vector<16xf32>
        %parallel_loop3A_958 = arith.index_cast %parallel_loop3A_931 : i32 to index
        %parallel_loop3A_959 = arith.constant 64 : index
        %parallel_loop3A_960 = tpu.vector_load %arg12[%parallel_loop3A_958, %parallel_loop3A_959] {strides = array<i32>} : memref<64x128xf32, #tpu.memory_space<vmem>>, vector<16xf32>,
        tpu.vector_store %arg12[%parallel_loop3A_958, %parallel_loop3A_959], %parallel_loop3A_957 {strides = array<i32>} : memref<64x128xf32, #tpu.memory_space<vmem>>, vector<16xf32>,
        %parallel_loop3A_961 = tpu.vector_load_idx %arg8[%parallel_loop3A_934, %add3A_25] : memref<64x128xf32, #tpu.memory_space<vmem>>[vector<16xi32>, vector<16xi32>], vector<16xf32>,
        %parallel_loop3A_962 = arith.mulf %parallel_loop3A_961, %parallel_loop3A_935 : vector<16xf32>
        %parallel_loop3A_963 = arith.index_cast %parallel_loop3A_931 : i32 to index
        %parallel_loop3A_964 = arith.constant 80 : index
        %parallel_loop3A_965 = tpu.vector_load %arg12[%parallel_loop3A_963, %parallel_loop3A_964] {strides = array<i32>} : memref<64x128xf32, #tpu.memory_space<vmem>>, vector<16xf32>,
        tpu.vector_store %arg12[%parallel_loop3A_963, %parallel_loop3A_964], %parallel_loop3A_962 {strides = array<i32>} : memref<64x128xf32, #tpu.memory_space<vmem>>, vector<16xf32>,
        %parallel_loop3A_966 = tpu.vector_load_idx %arg8[%parallel_loop3A_934, %add3A_29] : memref<64x128xf32, #tpu.memory_space<vmem>>[vector<16xi32>, vector<16xi32>], vector<16xf32>,
        %parallel_loop3A_967 = arith.mulf %parallel_loop3A_966, %parallel_loop3A_935 : vector<16xf32>
        %parallel_loop3A_968 = arith.index_cast %parallel_loop3A_931 : i32 to index
        %parallel_loop3A_969 = arith.constant 96 : index
        %parallel_loop3A_970 = tpu.vector_load %arg12[%parallel_loop3A_968, %parallel_loop3A_969] {strides = array<i32>} : memref<64x128xf32, #tpu.memory_space<vmem>>, vector<16xf32>,
        tpu.vector_store %arg12[%parallel_loop3A_968, %parallel_loop3A_969], %parallel_loop3A_967 {strides = array<i32>} : memref<64x128xf32, #tpu.memory_space<vmem>>, vector<16xf32>,
        %parallel_loop3A_971 = tpu.vector_load_idx %arg8[%parallel_loop3A_934, %add3A_33] : memref<64x128xf32, #tpu.memory_space<vmem>>[vector<16xi32>, vector<16xi32>], vector<16xf32>,
        %parallel_loop3A_972 = arith.mulf %parallel_loop3A_971, %parallel_loop3A_935 : vector<16xf32>
        %parallel_loop3A_973 = arith.index_cast %parallel_loop3A_931 : i32 to index
        %parallel_loop3A_974 = arith.constant 112 : index
        %parallel_loop3A_975 = tpu.vector_load %arg12[%parallel_loop3A_973, %parallel_loop3A_974] {strides = array<i32>} : memref<64x128xf32, #tpu.memory_space<vmem>>, vector<16xf32>,
        tpu.vector_store %arg12[%parallel_loop3A_973, %parallel_loop3A_974], %parallel_loop3A_972 {strides = array<i32>} : memref<64x128xf32, #tpu.memory_space<vmem>>, vector<16xf32>,
        %parallel_loop3A_976 = arith.constant 0 : i32
        scf.yield %parallel_loop3A_976 : i32
      } {sc.loop_unroll_factor = 8 : i64, sc.parallel_access}
      %jit3A_505 = arith.constant 32 : i32
      %div3A_506 = arith.divsi %add3A_450, %jit3A_505 : i32
      %sign3A_507 = arith.constant 0 : i32
      %sign3A_508 = arith.cmpi sgt, %add3A_450, %sign3A_507 : i32
      %sign3A_509 = arith.extui %sign3A_508 : i1 to i32
      %sign3A_510 = arith.constant 0 : i32
      %sign3A_511 = arith.cmpi slt, %add3A_450, %sign3A_510 : i32
      %sign3A_512 = arith.extui %sign3A_511 : i1 to i32
      %sign3A_513 = arith.subi %sign3A_509, %sign3A_512 : i32
      %sign3A_514 = arith.constant 0 : i32
      %sign3A_515 = arith.cmpi sgt, %jit3A_505, %sign3A_514 : i32
      %sign3A_516 = arith.extui %sign3A_515 : i1 to i32
      %sign3A_517 = arith.constant 0 : i32
      %sign3A_518 = arith.cmpi slt, %jit3A_505, %sign3A_517 : i32
      %sign3A_519 = arith.extui %sign3A_518 : i1 to i32
      %sign3A_520 = arith.subi %sign3A_516, %sign3A_519 : i32
      %ne3A_521 = arith.cmpi ne, %sign3A_513, %sign3A_520 : i32
      %rem3A_522 = arith.remsi %add3A_450, %jit3A_505 : i32
      %ne3A_523 = arith.constant 0 : i32
      %ne3A_524 = arith.cmpi ne, %rem3A_522, %ne3A_523 : i32
      %and3A_525 = arith.andi %ne3A_521, %ne3A_524 : i1
      %sub3A_526 = arith.constant 1 : i32
      %sub3A_527 = arith.subi %div3A_506, %sub3A_526 : i32
      %select_n3A_528 = arith.select %and3A_525, %sub3A_527, %div3A_506 : i32
      %jit3A_529 = arith.constant 32 : i32
      %eq3A_530 = arith.constant 0 : i32
      %eq3A_531 = arith.cmpi eq, %jit3A_529, %eq3A_530 : i32
      %jit3A_532 = arith.constant 1 : i32
      %select_n3A_533 = arith.select %eq3A_531, %jit3A_532, %jit3A_529 : i32
      %rem3A_534 = arith.remsi %add3A_450, %select_n3A_533 : i32
      %ne3A_535 = arith.constant 0 : i32
      %ne3A_536 = arith.cmpi ne, %rem3A_534, %ne3A_535 : i32
      %lt3A_537 = arith.constant 0 : i32
      %lt3A_538 = arith.cmpi slt, %rem3A_534, %lt3A_537 : i32
      %lt3A_539 = arith.constant 0 : i32
      %lt3A_540 = arith.cmpi slt, %select_n3A_533, %lt3A_539 : i32
      %ne3A_541 = arith.xori %lt3A_538, %lt3A_540 : i1
      %and3A_542 = arith.andi %ne3A_541, %ne3A_536 : i1
      %add3A_543 = arith.addi %rem3A_534, %select_n3A_533 : i32
      %select_n3A_544 = arith.select %and3A_542, %add3A_543, %rem3A_534 : i32
      %mul3A_545 = arith.constant 128 : i32
      %mul3A_546 = arith.muli %select_n3A_544, %mul3A_545 : i32
      %dma_start3A_547 = arith.constant 0 : i32
      %dma_start3A_548 = tpu.memref_slice %arg5[%select_n3A_528, %dma_start3A_547, %mul3A_546] : memref<200x64x4096xf32, #tpu.memory_space<hbm>> -> memref<1x64x128xf32, #tpu.memory_space<hbm>>
      %dma_start3A_549 = tpu.memref_squeeze %dma_start3A_548 : memref<1x64x128xf32, #tpu.memory_space<hbm>> -> memref<64x128xf32, #tpu.memory_space<hbm>>
      %dma_start3A_550 = arith.constant 0 : i32
      %dma_start3A_551 = tpu.memref_slice %arg5[%select_n3A_528, %dma_start3A_550, %mul3A_546] : memref<200x64x4096xf32, #tpu.memory_space<hbm>> -> memref<1x64x128xf32, #tpu.memory_space<hbm>>
      %dma_start3A_552 = tpu.memref_squeeze %dma_start3A_551 : memref<1x64x128xf32, #tpu.memory_space<hbm>> -> memref<64x128xf32, #tpu.memory_space<hbm>>
      tpu.enqueue_dma source(%arg12 : memref<64x128xf32, #tpu.memory_space<vmem>>) target(%dma_start3A_552 : memref<64x128xf32, #tpu.memory_space<hbm>>) target_semaphore(%arg20 : memref<!tpu.dma_semaphore, #tpu.memory_space<semaphore_mem>>)
      %mul3A_553 = arith.constant 4 : i32
      %mul3A_554 = arith.muli %scan3A_444, %mul3A_553 : i32
      %add3A_555 = arith.constant 0 : i32
      %add3A_556 = arith.addi %mul3A_554, %add3A_555 : i32
      %add3A_557 = arith.constant 4 : i32
      %add3A_558 = arith.addi %add3A_556, %add3A_557 : i32
      %lt3A_559 = arith.constant 200 : i32
      %lt3A_560 = arith.cmpi slt, %add3A_558, %lt3A_559 : i32
      %convert_element_type3A_561 = arith.extui %lt3A_560 : i1 to i32
      %cond3A_562 = arith.constant 0 : i32
      %cond3A_563 = arith.cmpi ne, %convert_element_type3A_561, %cond3A_562 : i32
      scf.if %cond3A_563 {
        %add3A_931 = arith.constant 4 : i32
        %add3A_932 = arith.addi %add3A_450, %add3A_931 : i32
        %jit3A_933 = arith.constant 32 : i32
        %div3A_934 = arith.divsi %add3A_932, %jit3A_933 : i32
        %sign3A_935 = arith.constant 0 : i32
        %sign3A_936 = arith.cmpi sgt, %add3A_932, %sign3A_935 : i32
        %sign3A_937 = arith.extui %sign3A_936 : i1 to i32
        %sign3A_938 = arith.constant 0 : i32
        %sign3A_939 = arith.cmpi slt, %add3A_932, %sign3A_938 : i32
        %sign3A_940 = arith.extui %sign3A_939 : i1 to i32
        %sign3A_941 = arith.subi %sign3A_937, %sign3A_940 : i32
        %sign3A_942 = arith.constant 0 : i32
        %sign3A_943 = arith.cmpi sgt, %jit3A_933, %sign3A_942 : i32
        %sign3A_944 = arith.extui %sign3A_943 : i1 to i32
        %sign3A_945 = arith.constant 0 : i32
        %sign3A_946 = arith.cmpi slt, %jit3A_933, %sign3A_945 : i32
        %sign3A_947 = arith.extui %sign3A_946 : i1 to i32
        %sign3A_948 = arith.subi %sign3A_944, %sign3A_947 : i32
        %ne3A_949 = arith.cmpi ne, %sign3A_941, %sign3A_948 : i32
        %rem3A_950 = arith.remsi %add3A_932, %jit3A_933 : i32
        %ne3A_951 = arith.constant 0 : i32
        %ne3A_952 = arith.cmpi ne, %rem3A_950, %ne3A_951 : i32
        %and3A_953 = arith.andi %ne3A_949, %ne3A_952 : i1
        %sub3A_954 = arith.constant 1 : i32
        %sub3A_955 = arith.subi %div3A_934, %sub3A_954 : i32
        %select_n3A_956 = arith.select %and3A_953, %sub3A_955, %div3A_934 : i32
        %jit3A_957 = arith.constant 32 : i32
        %eq3A_958 = arith.constant 0 : i32
        %eq3A_959 = arith.cmpi eq, %jit3A_957, %eq3A_958 : i32
        %jit3A_960 = arith.constant 1 : i32
        %select_n3A_961 = arith.select %eq3A_959, %jit3A_960, %jit3A_957 : i32
        %rem3A_962 = arith.remsi %add3A_932, %select_n3A_961 : i32
        %ne3A_963 = arith.constant 0 : i32
        %ne3A_964 = arith.cmpi ne, %rem3A_962, %ne3A_963 : i32
        %lt3A_965 = arith.constant 0 : i32
        %lt3A_966 = arith.cmpi slt, %rem3A_962, %lt3A_965 : i32
        %lt3A_967 = arith.constant 0 : i32
        %lt3A_968 = arith.cmpi slt, %select_n3A_961, %lt3A_967 : i32
        %ne3A_969 = arith.xori %lt3A_966, %lt3A_968 : i1
        %and3A_970 = arith.andi %ne3A_969, %ne3A_964 : i1
        %add3A_971 = arith.addi %rem3A_962, %select_n3A_961 : i32
        %select_n3A_972 = arith.select %and3A_970, %add3A_971, %rem3A_962 : i32
        %mul3A_973 = arith.constant 128 : i32
        %mul3A_974 = arith.muli %select_n3A_972, %mul3A_973 : i32
        %dma_start3A_975 = arith.constant 0 : i32
        %dma_start3A_976 = tpu.memref_slice %arg2[%select_n3A_956, %dma_start3A_975, %mul3A_974] : memref<200x64x4096xf32, #tpu.memory_space<hbm>> -> memref<1x64x128xf32, #tpu.memory_space<hbm>>
        %dma_start3A_977 = tpu.memref_squeeze %dma_start3A_976 : memref<1x64x128xf32, #tpu.memory_space<hbm>> -> memref<64x128xf32, #tpu.memory_space<hbm>>
        %dma_start3A_978 = arith.constant 0 : i32
        %dma_start3A_979 = tpu.memref_slice %arg2[%select_n3A_956, %dma_start3A_978, %mul3A_974] : memref<200x64x4096xf32, #tpu.memory_space<hbm>> -> memref<1x64x128xf32, #tpu.memory_space<hbm>>
        %dma_start3A_980 = tpu.memref_squeeze %dma_start3A_979 : memref<1x64x128xf32, #tpu.memory_space<hbm>> -> memref<64x128xf32, #tpu.memory_space<hbm>>
        tpu.enqueue_dma source(%dma_start3A_980 : memref<64x128xf32, #tpu.memory_space<hbm>>) target(%arg8 : memref<64x128xf32, #tpu.memory_space<vmem>>) target_semaphore(%arg16 : memref<!tpu.dma_semaphore, #tpu.memory_space<semaphore_mem>>)
      } else {
      }
      %mul3A_564 = arith.constant 4 : i32
      %mul3A_565 = arith.muli %scan3A_444, %mul3A_564 : i32
      %add3A_566 = arith.addi %mul3A_2, %mul3A_565 : i32
      %add3A_567 = arith.constant 1 : i32
      %add3A_568 = arith.addi %add3A_566, %add3A_567 : i32
      %jit3A_569 = arith.constant 32 : i32
      %div3A_570 = arith.divsi %add3A_568, %jit3A_569 : i32
      %sign3A_571 = arith.constant 0 : i32
      %sign3A_572 = arith.cmpi sgt, %add3A_568, %sign3A_571 : i32
      %sign3A_573 = arith.extui %sign3A_572 : i1 to i32
      %sign3A_574 = arith.constant 0 : i32
      %sign3A_575 = arith.cmpi slt, %add3A_568, %sign3A_574 : i32
      %sign3A_576 = arith.extui %sign3A_575 : i1 to i32
      %sign3A_577 = arith.subi %sign3A_573, %sign3A_576 : i32
      %sign3A_578 = arith.constant 0 : i32
      %sign3A_579 = arith.cmpi sgt, %jit3A_569, %sign3A_578 : i32
      %sign3A_580 = arith.extui %sign3A_579 : i1 to i32
      %sign3A_581 = arith.constant 0 : i32
      %sign3A_582 = arith.cmpi slt, %jit3A_569, %sign3A_581 : i32
      %sign3A_583 = arith.extui %sign3A_582 : i1 to i32
      %sign3A_584 = arith.subi %sign3A_580, %sign3A_583 : i32
      %ne3A_585 = arith.cmpi ne, %sign3A_577, %sign3A_584 : i32
      %rem3A_586 = arith.remsi %add3A_568, %jit3A_569 : i32
      %ne3A_587 = arith.constant 0 : i32
      %ne3A_588 = arith.cmpi ne, %rem3A_586, %ne3A_587 : i32
      %and3A_589 = arith.andi %ne3A_585, %ne3A_588 : i1
      %sub3A_590 = arith.constant 1 : i32
      %sub3A_591 = arith.subi %div3A_570, %sub3A_590 : i32
      %select_n3A_592 = arith.select %and3A_589, %sub3A_591, %div3A_570 : i32
      %jit3A_593 = arith.constant 32 : i32
      %eq3A_594 = arith.constant 0 : i32
      %eq3A_595 = arith.cmpi eq, %jit3A_593, %eq3A_594 : i32
      %jit3A_596 = arith.constant 1 : i32
      %select_n3A_597 = arith.select %eq3A_595, %jit3A_596, %jit3A_593 : i32
      %rem3A_598 = arith.remsi %add3A_568, %select_n3A_597 : i32
      %ne3A_599 = arith.constant 0 : i32
      %ne3A_600 = arith.cmpi ne, %rem3A_598, %ne3A_599 : i32
      %lt3A_601 = arith.constant 0 : i32
      %lt3A_602 = arith.cmpi slt, %rem3A_598, %lt3A_601 : i32
      %lt3A_603 = arith.constant 0 : i32
      %lt3A_604 = arith.cmpi slt, %select_n3A_597, %lt3A_603 : i32
      %ne3A_605 = arith.xori %lt3A_602, %lt3A_604 : i1
      %and3A_606 = arith.andi %ne3A_605, %ne3A_600 : i1
      %add3A_607 = arith.addi %rem3A_598, %select_n3A_597 : i32
      %select_n3A_608 = arith.select %and3A_606, %add3A_607, %rem3A_598 : i32
      %mul3A_609 = arith.constant 128 : i32
      %mul3A_610 = arith.muli %select_n3A_608, %mul3A_609 : i32
      %dma_wait3A_611 = arith.constant 0 : i32
      %dma_wait3A_612 = tpu.memref_slice %arg2[%select_n3A_592, %dma_wait3A_611, %mul3A_610] : memref<200x64x4096xf32, #tpu.memory_space<hbm>> -> memref<1x64x128xf32, #tpu.memory_space<hbm>>
      %dma_wait3A_613 = tpu.memref_squeeze %dma_wait3A_612 : memref<1x64x128xf32, #tpu.memory_space<hbm>> -> memref<64x128xf32, #tpu.memory_space<hbm>>
      %dma_wait3A_614 = arith.constant 0 : i32
      %dma_wait3A_615 = tpu.memref_slice %arg2[%select_n3A_592, %dma_wait3A_614, %mul3A_610] : memref<200x64x4096xf32, #tpu.memory_space<hbm>> -> memref<1x64x128xf32, #tpu.memory_space<hbm>>
      %dma_wait3A_616 = tpu.memref_squeeze %dma_wait3A_615 : memref<1x64x128xf32, #tpu.memory_space<hbm>> -> memref<64x128xf32, #tpu.memory_space<hbm>>
      tpu.wait_dma2 semaphore(%arg17 : memref<!tpu.dma_semaphore, #tpu.memory_space<semaphore_mem>>) src(%dma_wait3A_616 : memref<64x128xf32, #tpu.memory_space<hbm>>) dst(%arg9 : memref<64x128xf32, #tpu.memory_space<vmem>>)
      %gt3A_617 = arith.constant 0 : i32
      %gt3A_618 = arith.cmpi sgt, %scan3A_444, %gt3A_617 : i32
      %convert_element_type3A_619 = arith.extui %gt3A_618 : i1 to i32
      %cond3A_620 = arith.constant 0 : i32
      %cond3A_621 = arith.cmpi ne, %convert_element_type3A_619, %cond3A_620 : i32
      scf.if %cond3A_621 {
        %sub3A_931 = arith.constant 4 : i32
        %sub3A_932 = arith.subi %add3A_568, %sub3A_931 : i32
        %jit3A_933 = arith.constant 32 : i32
        %div3A_934 = arith.divsi %sub3A_932, %jit3A_933 : i32
        %sign3A_935 = arith.constant 0 : i32
        %sign3A_936 = arith.cmpi sgt, %sub3A_932, %sign3A_935 : i32
        %sign3A_937 = arith.extui %sign3A_936 : i1 to i32
        %sign3A_938 = arith.constant 0 : i32
        %sign3A_939 = arith.cmpi slt, %sub3A_932, %sign3A_938 : i32
        %sign3A_940 = arith.extui %sign3A_939 : i1 to i32
        %sign3A_941 = arith.subi %sign3A_937, %sign3A_940 : i32
        %sign3A_942 = arith.constant 0 : i32
        %sign3A_943 = arith.cmpi sgt, %jit3A_933, %sign3A_942 : i32
        %sign3A_944 = arith.extui %sign3A_943 : i1 to i32
        %sign3A_945 = arith.constant 0 : i32
        %sign3A_946 = arith.cmpi slt, %jit3A_933, %sign3A_945 : i32
        %sign3A_947 = arith.extui %sign3A_946 : i1 to i32
        %sign3A_948 = arith.subi %sign3A_944, %sign3A_947 : i32
        %ne3A_949 = arith.cmpi ne, %sign3A_941, %sign3A_948 : i32
        %rem3A_950 = arith.remsi %sub3A_932, %jit3A_933 : i32
        %ne3A_951 = arith.constant 0 : i32
        %ne3A_952 = arith.cmpi ne, %rem3A_950, %ne3A_951 : i32
        %and3A_953 = arith.andi %ne3A_949, %ne3A_952 : i1
        %sub3A_954 = arith.constant 1 : i32
        %sub3A_955 = arith.subi %div3A_934, %sub3A_954 : i32
        %select_n3A_956 = arith.select %and3A_953, %sub3A_955, %div3A_934 : i32
        %jit3A_957 = arith.constant 32 : i32
        %eq3A_958 = arith.constant 0 : i32
        %eq3A_959 = arith.cmpi eq, %jit3A_957, %eq3A_958 : i32
        %jit3A_960 = arith.constant 1 : i32
        %select_n3A_961 = arith.select %eq3A_959, %jit3A_960, %jit3A_957 : i32
        %rem3A_962 = arith.remsi %sub3A_932, %select_n3A_961 : i32
        %ne3A_963 = arith.constant 0 : i32
        %ne3A_964 = arith.cmpi ne, %rem3A_962, %ne3A_963 : i32
        %lt3A_965 = arith.constant 0 : i32
        %lt3A_966 = arith.cmpi slt, %rem3A_962, %lt3A_965 : i32
        %lt3A_967 = arith.constant 0 : i32
        %lt3A_968 = arith.cmpi slt, %select_n3A_961, %lt3A_967 : i32
        %ne3A_969 = arith.xori %lt3A_966, %lt3A_968 : i1
        %and3A_970 = arith.andi %ne3A_969, %ne3A_964 : i1
        %add3A_971 = arith.addi %rem3A_962, %select_n3A_961 : i32
        %select_n3A_972 = arith.select %and3A_970, %add3A_971, %rem3A_962 : i32
        %mul3A_973 = arith.constant 128 : i32
        %mul3A_974 = arith.muli %select_n3A_972, %mul3A_973 : i32
        %dma_wait3A_975 = arith.constant 0 : i32
        %dma_wait3A_976 = tpu.memref_slice %arg5[%select_n3A_956, %dma_wait3A_975, %mul3A_974] : memref<200x64x4096xf32, #tpu.memory_space<hbm>> -> memref<1x64x128xf32, #tpu.memory_space<hbm>>
        %dma_wait3A_977 = tpu.memref_squeeze %dma_wait3A_976 : memref<1x64x128xf32, #tpu.memory_space<hbm>> -> memref<64x128xf32, #tpu.memory_space<hbm>>
        %dma_wait3A_978 = arith.constant 0 : i32
        %dma_wait3A_979 = tpu.memref_slice %arg5[%select_n3A_956, %dma_wait3A_978, %mul3A_974] : memref<200x64x4096xf32, #tpu.memory_space<hbm>> -> memref<1x64x128xf32, #tpu.memory_space<hbm>>
        %dma_wait3A_980 = tpu.memref_squeeze %dma_wait3A_979 : memref<1x64x128xf32, #tpu.memory_space<hbm>> -> memref<64x128xf32, #tpu.memory_space<hbm>>
        tpu.wait_dma2 semaphore(%arg21 : memref<!tpu.dma_semaphore, #tpu.memory_space<semaphore_mem>>) src(%arg13 : memref<64x128xf32, #tpu.memory_space<vmem>>) dst(%dma_wait3A_980 : memref<64x128xf32, #tpu.memory_space<hbm>>)
      } else {
      }
      %parallel_loop3A_622 = arith.constant 0 : i32
      %parallel_loop3A_623 = arith.constant 64 : i32
      %parallel_loop3A_624 = arith.constant 1 : i32
      %parallel_loop3A_625 = arith.constant 0 : i32
      %parallel_loop3A_626 = scf.for %parallel_loop3A_931 = %parallel_loop3A_622 to %parallel_loop3A_623 step %parallel_loop3A_624 iter_args(%parallel_loop3A_932 = %parallel_loop3A_625) -> (i32)  : i32 {
        %parallel_loop3A_933 = vector.broadcast %parallel_loop3A_931 : i32 to vector<16xi32>
        %parallel_loop3A_934 = tpu.vector_load_idx %arg6[%parallel_loop3A_933] : memref<64xi32, #tpu.memory_space<vmem>>[vector<16xi32>], vector<16xi32>,
        %parallel_loop3A_935 = tpu.vector_load_idx %arg7[%parallel_loop3A_933] : memref<64xf32, #tpu.memory_space<vmem>>[vector<16xi32>], vector<16xf32>,
        %parallel_loop3A_936 = tpu.vector_load_idx %arg9[%parallel_loop3A_934, %add3A_5] : memref<64x128xf32, #tpu.memory_space<vmem>>[vector<16xi32>, vector<16xi32>], vector<16xf32>,
        %parallel_loop3A_937 = arith.mulf %parallel_loop3A_936, %parallel_loop3A_935 : vector<16xf32>
        %parallel_loop3A_938 = arith.index_cast %parallel_loop3A_931 : i32 to index
        %parallel_loop3A_939 = arith.constant 0 : index
        %parallel_loop3A_940 = tpu.vector_load %arg13[%parallel_loop3A_938, %parallel_loop3A_939] {strides = array<i32>} : memref<64x128xf32, #tpu.memory_space<vmem>>, vector<16xf32>,
        tpu.vector_store %arg13[%parallel_loop3A_938, %parallel_loop3A_939], %parallel_loop3A_937 {strides = array<i32>} : memref<64x128xf32, #tpu.memory_space<vmem>>, vector<16xf32>,
        %parallel_loop3A_941 = tpu.vector_load_idx %arg9[%parallel_loop3A_934, %add3A_9] : memref<64x128xf32, #tpu.memory_space<vmem>>[vector<16xi32>, vector<16xi32>], vector<16xf32>,
        %parallel_loop3A_942 = arith.mulf %parallel_loop3A_941, %parallel_loop3A_935 : vector<16xf32>
        %parallel_loop3A_943 = arith.index_cast %parallel_loop3A_931 : i32 to index
        %parallel_loop3A_944 = arith.constant 16 : index
        %parallel_loop3A_945 = tpu.vector_load %arg13[%parallel_loop3A_943, %parallel_loop3A_944] {strides = array<i32>} : memref<64x128xf32, #tpu.memory_space<vmem>>, vector<16xf32>,
        tpu.vector_store %arg13[%parallel_loop3A_943, %parallel_loop3A_944], %parallel_loop3A_942 {strides = array<i32>} : memref<64x128xf32, #tpu.memory_space<vmem>>, vector<16xf32>,
        %parallel_loop3A_946 = tpu.vector_load_idx %arg9[%parallel_loop3A_934, %add3A_13] : memref<64x128xf32, #tpu.memory_space<vmem>>[vector<16xi32>, vector<16xi32>], vector<16xf32>,
        %parallel_loop3A_947 = arith.mulf %parallel_loop3A_946, %parallel_loop3A_935 : vector<16xf32>
        %parallel_loop3A_948 = arith.index_cast %parallel_loop3A_931 : i32 to index
        %parallel_loop3A_949 = arith.constant 32 : index
        %parallel_loop3A_950 = tpu.vector_load %arg13[%parallel_loop3A_948, %parallel_loop3A_949] {strides = array<i32>} : memref<64x128xf32, #tpu.memory_space<vmem>>, vector<16xf32>,
        tpu.vector_store %arg13[%parallel_loop3A_948, %parallel_loop3A_949], %parallel_loop3A_947 {strides = array<i32>} : memref<64x128xf32, #tpu.memory_space<vmem>>, vector<16xf32>,
        %parallel_loop3A_951 = tpu.vector_load_idx %arg9[%parallel_loop3A_934, %add3A_17] : memref<64x128xf32, #tpu.memory_space<vmem>>[vector<16xi32>, vector<16xi32>], vector<16xf32>,
        %parallel_loop3A_952 = arith.mulf %parallel_loop3A_951, %parallel_loop3A_935 : vector<16xf32>
        %parallel_loop3A_953 = arith.index_cast %parallel_loop3A_931 : i32 to index
        %parallel_loop3A_954 = arith.constant 48 : index
        %parallel_loop3A_955 = tpu.vector_load %arg13[%parallel_loop3A_953, %parallel_loop3A_954] {strides = array<i32>} : memref<64x128xf32, #tpu.memory_space<vmem>>, vector<16xf32>,
        tpu.vector_store %arg13[%parallel_loop3A_953, %parallel_loop3A_954], %parallel_loop3A_952 {strides = array<i32>} : memref<64x128xf32, #tpu.memory_space<vmem>>, vector<16xf32>,
        %parallel_loop3A_956 = tpu.vector_load_idx %arg9[%parallel_loop3A_934, %add3A_21] : memref<64x128xf32, #tpu.memory_space<vmem>>[vector<16xi32>, vector<16xi32>], vector<16xf32>,
        %parallel_loop3A_957 = arith.mulf %parallel_loop3A_956, %parallel_loop3A_935 : vector<16xf32>
        %parallel_loop3A_958 = arith.index_cast %parallel_loop3A_931 : i32 to index
        %parallel_loop3A_959 = arith.constant 64 : index
        %parallel_loop3A_960 = tpu.vector_load %arg13[%parallel_loop3A_958, %parallel_loop3A_959] {strides = array<i32>} : memref<64x128xf32, #tpu.memory_space<vmem>>, vector<16xf32>,
        tpu.vector_store %arg13[%parallel_loop3A_958, %parallel_loop3A_959], %parallel_loop3A_957 {strides = array<i32>} : memref<64x128xf32, #tpu.memory_space<vmem>>, vector<16xf32>,
        %parallel_loop3A_961 = tpu.vector_load_idx %arg9[%parallel_loop3A_934, %add3A_25] : memref<64x128xf32, #tpu.memory_space<vmem>>[vector<16xi32>, vector<16xi32>], vector<16xf32>,
        %parallel_loop3A_962 = arith.mulf %parallel_loop3A_961, %parallel_loop3A_935 : vector<16xf32>
        %parallel_loop3A_963 = arith.index_cast %parallel_loop3A_931 : i32 to index
        %parallel_loop3A_964 = arith.constant 80 : index
        %parallel_loop3A_965 = tpu.vector_load %arg13[%parallel_loop3A_963, %parallel_loop3A_964] {strides = array<i32>} : memref<64x128xf32, #tpu.memory_space<vmem>>, vector<16xf32>,
        tpu.vector_store %arg13[%parallel_loop3A_963, %parallel_loop3A_964], %parallel_loop3A_962 {strides = array<i32>} : memref<64x128xf32, #tpu.memory_space<vmem>>, vector<16xf32>,
        %parallel_loop3A_966 = tpu.vector_load_idx %arg9[%parallel_loop3A_934, %add3A_29] : memref<64x128xf32, #tpu.memory_space<vmem>>[vector<16xi32>, vector<16xi32>], vector<16xf32>,
        %parallel_loop3A_967 = arith.mulf %parallel_loop3A_966, %parallel_loop3A_935 : vector<16xf32>
        %parallel_loop3A_968 = arith.index_cast %parallel_loop3A_931 : i32 to index
        %parallel_loop3A_969 = arith.constant 96 : index
        %parallel_loop3A_970 = tpu.vector_load %arg13[%parallel_loop3A_968, %parallel_loop3A_969] {strides = array<i32>} : memref<64x128xf32, #tpu.memory_space<vmem>>, vector<16xf32>,
        tpu.vector_store %arg13[%parallel_loop3A_968, %parallel_loop3A_969], %parallel_loop3A_967 {strides = array<i32>} : memref<64x128xf32, #tpu.memory_space<vmem>>, vector<16xf32>,
        %parallel_loop3A_971 = tpu.vector_load_idx %arg9[%parallel_loop3A_934, %add3A_33] : memref<64x128xf32, #tpu.memory_space<vmem>>[vector<16xi32>, vector<16xi32>], vector<16xf32>,
        %parallel_loop3A_972 = arith.mulf %parallel_loop3A_971, %parallel_loop3A_935 : vector<16xf32>
        %parallel_loop3A_973 = arith.index_cast %parallel_loop3A_931 : i32 to index
        %parallel_loop3A_974 = arith.constant 112 : index
        %parallel_loop3A_975 = tpu.vector_load %arg13[%parallel_loop3A_973, %parallel_loop3A_974] {strides = array<i32>} : memref<64x128xf32, #tpu.memory_space<vmem>>, vector<16xf32>,
        tpu.vector_store %arg13[%parallel_loop3A_973, %parallel_loop3A_974], %parallel_loop3A_972 {strides = array<i32>} : memref<64x128xf32, #tpu.memory_space<vmem>>, vector<16xf32>,
        %parallel_loop3A_976 = arith.constant 0 : i32
        scf.yield %parallel_loop3A_976 : i32
      } {sc.loop_unroll_factor = 8 : i64, sc.parallel_access}
      %jit3A_627 = arith.constant 32 : i32
      %div3A_628 = arith.divsi %add3A_568, %jit3A_627 : i32
      %sign3A_629 = arith.constant 0 : i32
      %sign3A_630 = arith.cmpi sgt, %add3A_568, %sign3A_629 : i32
      %sign3A_631 = arith.extui %sign3A_630 : i1 to i32
      %sign3A_632 = arith.constant 0 : i32
      %sign3A_633 = arith.cmpi slt, %add3A_568, %sign3A_632 : i32
      %sign3A_634 = arith.extui %sign3A_633 : i1 to i32
      %sign3A_635 = arith.subi %sign3A_631, %sign3A_634 : i32
      %sign3A_636 = arith.constant 0 : i32
      %sign3A_637 = arith.cmpi sgt, %jit3A_627, %sign3A_636 : i32
      %sign3A_638 = arith.extui %sign3A_637 : i1 to i32
      %sign3A_639 = arith.constant 0 : i32
      %sign3A_640 = arith.cmpi slt, %jit3A_627, %sign3A_639 : i32
      %sign3A_641 = arith.extui %sign3A_640 : i1 to i32
      %sign3A_642 = arith.subi %sign3A_638, %sign3A_641 : i32
      %ne3A_643 = arith.cmpi ne, %sign3A_635, %sign3A_642 : i32
      %rem3A_644 = arith.remsi %add3A_568, %jit3A_627 : i32
      %ne3A_645 = arith.constant 0 : i32
      %ne3A_646 = arith.cmpi ne, %rem3A_644, %ne3A_645 : i32
      %and3A_647 = arith.andi %ne3A_643, %ne3A_646 : i1
      %sub3A_648 = arith.constant 1 : i32
      %sub3A_649 = arith.subi %div3A_628, %sub3A_648 : i32
      %select_n3A_650 = arith.select %and3A_647, %sub3A_649, %div3A_628 : i32
      %jit3A_651 = arith.constant 32 : i32
      %eq3A_652 = arith.constant 0 : i32
      %eq3A_653 = arith.cmpi eq, %jit3A_651, %eq3A_652 : i32
      %jit3A_654 = arith.constant 1 : i32
      %select_n3A_655 = arith.select %eq3A_653, %jit3A_654, %jit3A_651 : i32
      %rem3A_656 = arith.remsi %add3A_568, %select_n3A_655 : i32
      %ne3A_657 = arith.constant 0 : i32
      %ne3A_658 = arith.cmpi ne, %rem3A_656, %ne3A_657 : i32
      %lt3A_659 = arith.constant 0 : i32
      %lt3A_660 = arith.cmpi slt, %rem3A_656, %lt3A_659 : i32
      %lt3A_661 = arith.constant 0 : i32
      %lt3A_662 = arith.cmpi slt, %select_n3A_655, %lt3A_661 : i32
      %ne3A_663 = arith.xori %lt3A_660, %lt3A_662 : i1
      %and3A_664 = arith.andi %ne3A_663, %ne3A_658 : i1
      %add3A_665 = arith.addi %rem3A_656, %select_n3A_655 : i32
      %select_n3A_666 = arith.select %and3A_664, %add3A_665, %rem3A_656 : i32
      %mul3A_667 = arith.constant 128 : i32
      %mul3A_668 = arith.muli %select_n3A_666, %mul3A_667 : i32
      %dma_start3A_669 = arith.constant 0 : i32
      %dma_start3A_670 = tpu.memref_slice %arg5[%select_n3A_650, %dma_start3A_669, %mul3A_668] : memref<200x64x4096xf32, #tpu.memory_space<hbm>> -> memref<1x64x128xf32, #tpu.memory_space<hbm>>
      %dma_start3A_671 = tpu.memref_squeeze %dma_start3A_670 : memref<1x64x128xf32, #tpu.memory_space<hbm>> -> memref<64x128xf32, #tpu.memory_space<hbm>>
      %dma_start3A_672 = arith.constant 0 : i32
      %dma_start3A_673 = tpu.memref_slice %arg5[%select_n3A_650, %dma_start3A_672, %mul3A_668] : memref<200x64x4096xf32, #tpu.memory_space<hbm>> -> memref<1x64x128xf32, #tpu.memory_space<hbm>>
      %dma_start3A_674 = tpu.memref_squeeze %dma_start3A_673 : memref<1x64x128xf32, #tpu.memory_space<hbm>> -> memref<64x128xf32, #tpu.memory_space<hbm>>
      tpu.enqueue_dma source(%arg13 : memref<64x128xf32, #tpu.memory_space<vmem>>) target(%dma_start3A_674 : memref<64x128xf32, #tpu.memory_space<hbm>>) target_semaphore(%arg21 : memref<!tpu.dma_semaphore, #tpu.memory_space<semaphore_mem>>)
      %mul3A_675 = arith.constant 4 : i32
      %mul3A_676 = arith.muli %scan3A_444, %mul3A_675 : i32
      %add3A_677 = arith.constant 1 : i32
      %add3A_678 = arith.addi %mul3A_676, %add3A_677 : i32
      %add3A_679 = arith.constant 4 : i32
      %add3A_680 = arith.addi %add3A_678, %add3A_679 : i32
      %lt3A_681 = arith.constant 200 : i32
      %lt3A_682 = arith.cmpi slt, %add3A_680, %lt3A_681 : i32
      %convert_element_type3A_683 = arith.extui %lt3A_682 : i1 to i32
      %cond3A_684 = arith.constant 0 : i32
      %cond3A_685 = arith.cmpi ne, %convert_element_type3A_683, %cond3A_684 : i32
      scf.if %cond3A_685 {
        %add3A_931 = arith.constant 4 : i32
        %add3A_932 = arith.addi %add3A_568, %add3A_931 : i32
        %jit3A_933 = arith.constant 32 : i32
        %div3A_934 = arith.divsi %add3A_932, %jit3A_933 : i32
        %sign3A_935 = arith.constant 0 : i32
        %sign3A_936 = arith.cmpi sgt, %add3A_932, %sign3A_935 : i32
        %sign3A_937 = arith.extui %sign3A_936 : i1 to i32
        %sign3A_938 = arith.constant 0 : i32
        %sign3A_939 = arith.cmpi slt, %add3A_932, %sign3A_938 : i32
        %sign3A_940 = arith.extui %sign3A_939 : i1 to i32
        %sign3A_941 = arith.subi %sign3A_937, %sign3A_940 : i32
        %sign3A_942 = arith.constant 0 : i32
        %sign3A_943 = arith.cmpi sgt, %jit3A_933, %sign3A_942 : i32
        %sign3A_944 = arith.extui %sign3A_943 : i1 to i32
        %sign3A_945 = arith.constant 0 : i32
        %sign3A_946 = arith.cmpi slt, %jit3A_933, %sign3A_945 : i32
        %sign3A_947 = arith.extui %sign3A_946 : i1 to i32
        %sign3A_948 = arith.subi %sign3A_944, %sign3A_947 : i32
        %ne3A_949 = arith.cmpi ne, %sign3A_941, %sign3A_948 : i32
        %rem3A_950 = arith.remsi %add3A_932, %jit3A_933 : i32
        %ne3A_951 = arith.constant 0 : i32
        %ne3A_952 = arith.cmpi ne, %rem3A_950, %ne3A_951 : i32
        %and3A_953 = arith.andi %ne3A_949, %ne3A_952 : i1
        %sub3A_954 = arith.constant 1 : i32
        %sub3A_955 = arith.subi %div3A_934, %sub3A_954 : i32
        %select_n3A_956 = arith.select %and3A_953, %sub3A_955, %div3A_934 : i32
        %jit3A_957 = arith.constant 32 : i32
        %eq3A_958 = arith.constant 0 : i32
        %eq3A_959 = arith.cmpi eq, %jit3A_957, %eq3A_958 : i32
        %jit3A_960 = arith.constant 1 : i32
        %select_n3A_961 = arith.select %eq3A_959, %jit3A_960, %jit3A_957 : i32
        %rem3A_962 = arith.remsi %add3A_932, %select_n3A_961 : i32
        %ne3A_963 = arith.constant 0 : i32
        %ne3A_964 = arith.cmpi ne, %rem3A_962, %ne3A_963 : i32
        %lt3A_965 = arith.constant 0 : i32
        %lt3A_966 = arith.cmpi slt, %rem3A_962, %lt3A_965 : i32
        %lt3A_967 = arith.constant 0 : i32
        %lt3A_968 = arith.cmpi slt, %select_n3A_961, %lt3A_967 : i32
        %ne3A_969 = arith.xori %lt3A_966, %lt3A_968 : i1
        %and3A_970 = arith.andi %ne3A_969, %ne3A_964 : i1
        %add3A_971 = arith.addi %rem3A_962, %select_n3A_961 : i32
        %select_n3A_972 = arith.select %and3A_970, %add3A_971, %rem3A_962 : i32
        %mul3A_973 = arith.constant 128 : i32
        %mul3A_974 = arith.muli %select_n3A_972, %mul3A_973 : i32
        %dma_start3A_975 = arith.constant 0 : i32
        %dma_start3A_976 = tpu.memref_slice %arg2[%select_n3A_956, %dma_start3A_975, %mul3A_974] : memref<200x64x4096xf32, #tpu.memory_space<hbm>> -> memref<1x64x128xf32, #tpu.memory_space<hbm>>
        %dma_start3A_977 = tpu.memref_squeeze %dma_start3A_976 : memref<1x64x128xf32, #tpu.memory_space<hbm>> -> memref<64x128xf32, #tpu.memory_space<hbm>>
        %dma_start3A_978 = arith.constant 0 : i32
        %dma_start3A_979 = tpu.memref_slice %arg2[%select_n3A_956, %dma_start3A_978, %mul3A_974] : memref<200x64x4096xf32, #tpu.memory_space<hbm>> -> memref<1x64x128xf32, #tpu.memory_space<hbm>>
        %dma_start3A_980 = tpu.memref_squeeze %dma_start3A_979 : memref<1x64x128xf32, #tpu.memory_space<hbm>> -> memref<64x128xf32, #tpu.memory_space<hbm>>
        tpu.enqueue_dma source(%dma_start3A_980 : memref<64x128xf32, #tpu.memory_space<hbm>>) target(%arg9 : memref<64x128xf32, #tpu.memory_space<vmem>>) target_semaphore(%arg17 : memref<!tpu.dma_semaphore, #tpu.memory_space<semaphore_mem>>)
      } else {
      }
      %mul3A_686 = arith.constant 4 : i32
      %mul3A_687 = arith.muli %scan3A_444, %mul3A_686 : i32
      %add3A_688 = arith.addi %mul3A_2, %mul3A_687 : i32
      %add3A_689 = arith.constant 2 : i32
      %add3A_690 = arith.addi %add3A_688, %add3A_689 : i32
      %jit3A_691 = arith.constant 32 : i32
      %div3A_692 = arith.divsi %add3A_690, %jit3A_691 : i32
      %sign3A_693 = arith.constant 0 : i32
      %sign3A_694 = arith.cmpi sgt, %add3A_690, %sign3A_693 : i32
      %sign3A_695 = arith.extui %sign3A_694 : i1 to i32
      %sign3A_696 = arith.constant 0 : i32
      %sign3A_697 = arith.cmpi slt, %add3A_690, %sign3A_696 : i32
      %sign3A_698 = arith.extui %sign3A_697 : i1 to i32
      %sign3A_699 = arith.subi %sign3A_695, %sign3A_698 : i32
      %sign3A_700 = arith.constant 0 : i32
      %sign3A_701 = arith.cmpi sgt, %jit3A_691, %sign3A_700 : i32
      %sign3A_702 = arith.extui %sign3A_701 : i1 to i32
      %sign3A_703 = arith.constant 0 : i32
      %sign3A_704 = arith.cmpi slt, %jit3A_691, %sign3A_703 : i32
      %sign3A_705 = arith.extui %sign3A_704 : i1 to i32
      %sign3A_706 = arith.subi %sign3A_702, %sign3A_705 : i32
      %ne3A_707 = arith.cmpi ne, %sign3A_699, %sign3A_706 : i32
      %rem3A_708 = arith.remsi %add3A_690, %jit3A_691 : i32
      %ne3A_709 = arith.constant 0 : i32
      %ne3A_710 = arith.cmpi ne, %rem3A_708, %ne3A_709 : i32
      %and3A_711 = arith.andi %ne3A_707, %ne3A_710 : i1
      %sub3A_712 = arith.constant 1 : i32
      %sub3A_713 = arith.subi %div3A_692, %sub3A_712 : i32
      %select_n3A_714 = arith.select %and3A_711, %sub3A_713, %div3A_692 : i32
      %jit3A_715 = arith.constant 32 : i32
      %eq3A_716 = arith.constant 0 : i32
      %eq3A_717 = arith.cmpi eq, %jit3A_715, %eq3A_716 : i32
      %jit3A_718 = arith.constant 1 : i32
      %select_n3A_719 = arith.select %eq3A_717, %jit3A_718, %jit3A_715 : i32
      %rem3A_720 = arith.remsi %add3A_690, %select_n3A_719 : i32
      %ne3A_721 = arith.constant 0 : i32
      %ne3A_722 = arith.cmpi ne, %rem3A_720, %ne3A_721 : i32
      %lt3A_723 = arith.constant 0 : i32
      %lt3A_724 = arith.cmpi slt, %rem3A_720, %lt3A_723 : i32
      %lt3A_725 = arith.constant 0 : i32
      %lt3A_726 = arith.cmpi slt, %select_n3A_719, %lt3A_725 : i32
      %ne3A_727 = arith.xori %lt3A_724, %lt3A_726 : i1
      %and3A_728 = arith.andi %ne3A_727, %ne3A_722 : i1
      %add3A_729 = arith.addi %rem3A_720, %select_n3A_719 : i32
      %select_n3A_730 = arith.select %and3A_728, %add3A_729, %rem3A_720 : i32
      %mul3A_731 = arith.constant 128 : i32
      %mul3A_732 = arith.muli %select_n3A_730, %mul3A_731 : i32
      %dma_wait3A_733 = arith.constant 0 : i32
      %dma_wait3A_734 = tpu.memref_slice %arg2[%select_n3A_714, %dma_wait3A_733, %mul3A_732] : memref<200x64x4096xf32, #tpu.memory_space<hbm>> -> memref<1x64x128xf32, #tpu.memory_space<hbm>>
      %dma_wait3A_735 = tpu.memref_squeeze %dma_wait3A_734 : memref<1x64x128xf32, #tpu.memory_space<hbm>> -> memref<64x128xf32, #tpu.memory_space<hbm>>
      %dma_wait3A_736 = arith.constant 0 : i32
      %dma_wait3A_737 = tpu.memref_slice %arg2[%select_n3A_714, %dma_wait3A_736, %mul3A_732] : memref<200x64x4096xf32, #tpu.memory_space<hbm>> -> memref<1x64x128xf32, #tpu.memory_space<hbm>>
      %dma_wait3A_738 = tpu.memref_squeeze %dma_wait3A_737 : memref<1x64x128xf32, #tpu.memory_space<hbm>> -> memref<64x128xf32, #tpu.memory_space<hbm>>
      tpu.wait_dma2 semaphore(%arg18 : memref<!tpu.dma_semaphore, #tpu.memory_space<semaphore_mem>>) src(%dma_wait3A_738 : memref<64x128xf32, #tpu.memory_space<hbm>>) dst(%arg10 : memref<64x128xf32, #tpu.memory_space<vmem>>)
      %gt3A_739 = arith.constant 0 : i32
      %gt3A_740 = arith.cmpi sgt, %scan3A_444, %gt3A_739 : i32
      %convert_element_type3A_741 = arith.extui %gt3A_740 : i1 to i32
      %cond3A_742 = arith.constant 0 : i32
      %cond3A_743 = arith.cmpi ne, %convert_element_type3A_741, %cond3A_742 : i32
      scf.if %cond3A_743 {
        %sub3A_931 = arith.constant 4 : i32
        %sub3A_932 = arith.subi %add3A_690, %sub3A_931 : i32
        %jit3A_933 = arith.constant 32 : i32
        %div3A_934 = arith.divsi %sub3A_932, %jit3A_933 : i32
        %sign3A_935 = arith.constant 0 : i32
        %sign3A_936 = arith.cmpi sgt, %sub3A_932, %sign3A_935 : i32
        %sign3A_937 = arith.extui %sign3A_936 : i1 to i32
        %sign3A_938 = arith.constant 0 : i32
        %sign3A_939 = arith.cmpi slt, %sub3A_932, %sign3A_938 : i32
        %sign3A_940 = arith.extui %sign3A_939 : i1 to i32
        %sign3A_941 = arith.subi %sign3A_937, %sign3A_940 : i32
        %sign3A_942 = arith.constant 0 : i32
        %sign3A_943 = arith.cmpi sgt, %jit3A_933, %sign3A_942 : i32
        %sign3A_944 = arith.extui %sign3A_943 : i1 to i32
        %sign3A_945 = arith.constant 0 : i32
        %sign3A_946 = arith.cmpi slt, %jit3A_933, %sign3A_945 : i32
        %sign3A_947 = arith.extui %sign3A_946 : i1 to i32
        %sign3A_948 = arith.subi %sign3A_944, %sign3A_947 : i32
        %ne3A_949 = arith.cmpi ne, %sign3A_941, %sign3A_948 : i32
        %rem3A_950 = arith.remsi %sub3A_932, %jit3A_933 : i32
        %ne3A_951 = arith.constant 0 : i32
        %ne3A_952 = arith.cmpi ne, %rem3A_950, %ne3A_951 : i32
        %and3A_953 = arith.andi %ne3A_949, %ne3A_952 : i1
        %sub3A_954 = arith.constant 1 : i32
        %sub3A_955 = arith.subi %div3A_934, %sub3A_954 : i32
        %select_n3A_956 = arith.select %and3A_953, %sub3A_955, %div3A_934 : i32
        %jit3A_957 = arith.constant 32 : i32
        %eq3A_958 = arith.constant 0 : i32
        %eq3A_959 = arith.cmpi eq, %jit3A_957, %eq3A_958 : i32
        %jit3A_960 = arith.constant 1 : i32
        %select_n3A_961 = arith.select %eq3A_959, %jit3A_960, %jit3A_957 : i32
        %rem3A_962 = arith.remsi %sub3A_932, %select_n3A_961 : i32
        %ne3A_963 = arith.constant 0 : i32
        %ne3A_964 = arith.cmpi ne, %rem3A_962, %ne3A_963 : i32
        %lt3A_965 = arith.constant 0 : i32
        %lt3A_966 = arith.cmpi slt, %rem3A_962, %lt3A_965 : i32
        %lt3A_967 = arith.constant 0 : i32
        %lt3A_968 = arith.cmpi slt, %select_n3A_961, %lt3A_967 : i32
        %ne3A_969 = arith.xori %lt3A_966, %lt3A_968 : i1
        %and3A_970 = arith.andi %ne3A_969, %ne3A_964 : i1
        %add3A_971 = arith.addi %rem3A_962, %select_n3A_961 : i32
        %select_n3A_972 = arith.select %and3A_970, %add3A_971, %rem3A_962 : i32
        %mul3A_973 = arith.constant 128 : i32
        %mul3A_974 = arith.muli %select_n3A_972, %mul3A_973 : i32
        %dma_wait3A_975 = arith.constant 0 : i32
        %dma_wait3A_976 = tpu.memref_slice %arg5[%select_n3A_956, %dma_wait3A_975, %mul3A_974] : memref<200x64x4096xf32, #tpu.memory_space<hbm>> -> memref<1x64x128xf32, #tpu.memory_space<hbm>>
        %dma_wait3A_977 = tpu.memref_squeeze %dma_wait3A_976 : memref<1x64x128xf32, #tpu.memory_space<hbm>> -> memref<64x128xf32, #tpu.memory_space<hbm>>
        %dma_wait3A_978 = arith.constant 0 : i32
        %dma_wait3A_979 = tpu.memref_slice %arg5[%select_n3A_956, %dma_wait3A_978, %mul3A_974] : memref<200x64x4096xf32, #tpu.memory_space<hbm>> -> memref<1x64x128xf32, #tpu.memory_space<hbm>>
        %dma_wait3A_980 = tpu.memref_squeeze %dma_wait3A_979 : memref<1x64x128xf32, #tpu.memory_space<hbm>> -> memref<64x128xf32, #tpu.memory_space<hbm>>
        tpu.wait_dma2 semaphore(%arg22 : memref<!tpu.dma_semaphore, #tpu.memory_space<semaphore_mem>>) src(%arg14 : memref<64x128xf32, #tpu.memory_space<vmem>>) dst(%dma_wait3A_980 : memref<64x128xf32, #tpu.memory_space<hbm>>)
      } else {
      }
      %parallel_loop3A_744 = arith.constant 0 : i32
      %parallel_loop3A_745 = arith.constant 64 : i32
      %parallel_loop3A_746 = arith.constant 1 : i32
      %parallel_loop3A_747 = arith.constant 0 : i32
      %parallel_loop3A_748 = scf.for %parallel_loop3A_931 = %parallel_loop3A_744 to %parallel_loop3A_745 step %parallel_loop3A_746 iter_args(%parallel_loop3A_932 = %parallel_loop3A_747) -> (i32)  : i32 {
        %parallel_loop3A_933 = vector.broadcast %parallel_loop3A_931 : i32 to vector<16xi32>
        %parallel_loop3A_934 = tpu.vector_load_idx %arg6[%parallel_loop3A_933] : memref<64xi32, #tpu.memory_space<vmem>>[vector<16xi32>], vector<16xi32>,
        %parallel_loop3A_935 = tpu.vector_load_idx %arg7[%parallel_loop3A_933] : memref<64xf32, #tpu.memory_space<vmem>>[vector<16xi32>], vector<16xf32>,
        %parallel_loop3A_936 = tpu.vector_load_idx %arg10[%parallel_loop3A_934, %add3A_5] : memref<64x128xf32, #tpu.memory_space<vmem>>[vector<16xi32>, vector<16xi32>], vector<16xf32>,
        %parallel_loop3A_937 = arith.mulf %parallel_loop3A_936, %parallel_loop3A_935 : vector<16xf32>
        %parallel_loop3A_938 = arith.index_cast %parallel_loop3A_931 : i32 to index
        %parallel_loop3A_939 = arith.constant 0 : index
        %parallel_loop3A_940 = tpu.vector_load %arg14[%parallel_loop3A_938, %parallel_loop3A_939] {strides = array<i32>} : memref<64x128xf32, #tpu.memory_space<vmem>>, vector<16xf32>,
        tpu.vector_store %arg14[%parallel_loop3A_938, %parallel_loop3A_939], %parallel_loop3A_937 {strides = array<i32>} : memref<64x128xf32, #tpu.memory_space<vmem>>, vector<16xf32>,
        %parallel_loop3A_941 = tpu.vector_load_idx %arg10[%parallel_loop3A_934, %add3A_9] : memref<64x128xf32, #tpu.memory_space<vmem>>[vector<16xi32>, vector<16xi32>], vector<16xf32>,
        %parallel_loop3A_942 = arith.mulf %parallel_loop3A_941, %parallel_loop3A_935 : vector<16xf32>
        %parallel_loop3A_943 = arith.index_cast %parallel_loop3A_931 : i32 to index
        %parallel_loop3A_944 = arith.constant 16 : index
        %parallel_loop3A_945 = tpu.vector_load %arg14[%parallel_loop3A_943, %parallel_loop3A_944] {strides = array<i32>} : memref<64x128xf32, #tpu.memory_space<vmem>>, vector<16xf32>,
        tpu.vector_store %arg14[%parallel_loop3A_943, %parallel_loop3A_944], %parallel_loop3A_942 {strides = array<i32>} : memref<64x128xf32, #tpu.memory_space<vmem>>, vector<16xf32>,
        %parallel_loop3A_946 = tpu.vector_load_idx %arg10[%parallel_loop3A_934, %add3A_13] : memref<64x128xf32, #tpu.memory_space<vmem>>[vector<16xi32>, vector<16xi32>], vector<16xf32>,
        %parallel_loop3A_947 = arith.mulf %parallel_loop3A_946, %parallel_loop3A_935 : vector<16xf32>
        %parallel_loop3A_948 = arith.index_cast %parallel_loop3A_931 : i32 to index
        %parallel_loop3A_949 = arith.constant 32 : index
        %parallel_loop3A_950 = tpu.vector_load %arg14[%parallel_loop3A_948, %parallel_loop3A_949] {strides = array<i32>} : memref<64x128xf32, #tpu.memory_space<vmem>>, vector<16xf32>,
        tpu.vector_store %arg14[%parallel_loop3A_948, %parallel_loop3A_949], %parallel_loop3A_947 {strides = array<i32>} : memref<64x128xf32, #tpu.memory_space<vmem>>, vector<16xf32>,
        %parallel_loop3A_951 = tpu.vector_load_idx %arg10[%parallel_loop3A_934, %add3A_17] : memref<64x128xf32, #tpu.memory_space<vmem>>[vector<16xi32>, vector<16xi32>], vector<16xf32>,
        %parallel_loop3A_952 = arith.mulf %parallel_loop3A_951, %parallel_loop3A_935 : vector<16xf32>
        %parallel_loop3A_953 = arith.index_cast %parallel_loop3A_931 : i32 to index
        %parallel_loop3A_954 = arith.constant 48 : index
        %parallel_loop3A_955 = tpu.vector_load %arg14[%parallel_loop3A_953, %parallel_loop3A_954] {strides = array<i32>} : memref<64x128xf32, #tpu.memory_space<vmem>>, vector<16xf32>,
        tpu.vector_store %arg14[%parallel_loop3A_953, %parallel_loop3A_954], %parallel_loop3A_952 {strides = array<i32>} : memref<64x128xf32, #tpu.memory_space<vmem>>, vector<16xf32>,
        %parallel_loop3A_956 = tpu.vector_load_idx %arg10[%parallel_loop3A_934, %add3A_21] : memref<64x128xf32, #tpu.memory_space<vmem>>[vector<16xi32>, vector<16xi32>], vector<16xf32>,
        %parallel_loop3A_957 = arith.mulf %parallel_loop3A_956, %parallel_loop3A_935 : vector<16xf32>
        %parallel_loop3A_958 = arith.index_cast %parallel_loop3A_931 : i32 to index
        %parallel_loop3A_959 = arith.constant 64 : index
        %parallel_loop3A_960 = tpu.vector_load %arg14[%parallel_loop3A_958, %parallel_loop3A_959] {strides = array<i32>} : memref<64x128xf32, #tpu.memory_space<vmem>>, vector<16xf32>,
        tpu.vector_store %arg14[%parallel_loop3A_958, %parallel_loop3A_959], %parallel_loop3A_957 {strides = array<i32>} : memref<64x128xf32, #tpu.memory_space<vmem>>, vector<16xf32>,
        %parallel_loop3A_961 = tpu.vector_load_idx %arg10[%parallel_loop3A_934, %add3A_25] : memref<64x128xf32, #tpu.memory_space<vmem>>[vector<16xi32>, vector<16xi32>], vector<16xf32>,
        %parallel_loop3A_962 = arith.mulf %parallel_loop3A_961, %parallel_loop3A_935 : vector<16xf32>
        %parallel_loop3A_963 = arith.index_cast %parallel_loop3A_931 : i32 to index
        %parallel_loop3A_964 = arith.constant 80 : index
        %parallel_loop3A_965 = tpu.vector_load %arg14[%parallel_loop3A_963, %parallel_loop3A_964] {strides = array<i32>} : memref<64x128xf32, #tpu.memory_space<vmem>>, vector<16xf32>,
        tpu.vector_store %arg14[%parallel_loop3A_963, %parallel_loop3A_964], %parallel_loop3A_962 {strides = array<i32>} : memref<64x128xf32, #tpu.memory_space<vmem>>, vector<16xf32>,
        %parallel_loop3A_966 = tpu.vector_load_idx %arg10[%parallel_loop3A_934, %add3A_29] : memref<64x128xf32, #tpu.memory_space<vmem>>[vector<16xi32>, vector<16xi32>], vector<16xf32>,
        %parallel_loop3A_967 = arith.mulf %parallel_loop3A_966, %parallel_loop3A_935 : vector<16xf32>
        %parallel_loop3A_968 = arith.index_cast %parallel_loop3A_931 : i32 to index
        %parallel_loop3A_969 = arith.constant 96 : index
        %parallel_loop3A_970 = tpu.vector_load %arg14[%parallel_loop3A_968, %parallel_loop3A_969] {strides = array<i32>} : memref<64x128xf32, #tpu.memory_space<vmem>>, vector<16xf32>,
        tpu.vector_store %arg14[%parallel_loop3A_968, %parallel_loop3A_969], %parallel_loop3A_967 {strides = array<i32>} : memref<64x128xf32, #tpu.memory_space<vmem>>, vector<16xf32>,
        %parallel_loop3A_971 = tpu.vector_load_idx %arg10[%parallel_loop3A_934, %add3A_33] : memref<64x128xf32, #tpu.memory_space<vmem>>[vector<16xi32>, vector<16xi32>], vector<16xf32>,
        %parallel_loop3A_972 = arith.mulf %parallel_loop3A_971, %parallel_loop3A_935 : vector<16xf32>
        %parallel_loop3A_973 = arith.index_cast %parallel_loop3A_931 : i32 to index
        %parallel_loop3A_974 = arith.constant 112 : index
        %parallel_loop3A_975 = tpu.vector_load %arg14[%parallel_loop3A_973, %parallel_loop3A_974] {strides = array<i32>} : memref<64x128xf32, #tpu.memory_space<vmem>>, vector<16xf32>,
        tpu.vector_store %arg14[%parallel_loop3A_973, %parallel_loop3A_974], %parallel_loop3A_972 {strides = array<i32>} : memref<64x128xf32, #tpu.memory_space<vmem>>, vector<16xf32>,
        %parallel_loop3A_976 = arith.constant 0 : i32
        scf.yield %parallel_loop3A_976 : i32
      } {sc.loop_unroll_factor = 8 : i64, sc.parallel_access}
      %jit3A_749 = arith.constant 32 : i32
      %div3A_750 = arith.divsi %add3A_690, %jit3A_749 : i32
      %sign3A_751 = arith.constant 0 : i32
      %sign3A_752 = arith.cmpi sgt, %add3A_690, %sign3A_751 : i32
      %sign3A_753 = arith.extui %sign3A_752 : i1 to i32
      %sign3A_754 = arith.constant 0 : i32
      %sign3A_755 = arith.cmpi slt, %add3A_690, %sign3A_754 : i32
      %sign3A_756 = arith.extui %sign3A_755 : i1 to i32
      %sign3A_757 = arith.subi %sign3A_753, %sign3A_756 : i32
      %sign3A_758 = arith.constant 0 : i32
      %sign3A_759 = arith.cmpi sgt, %jit3A_749, %sign3A_758 : i32
      %sign3A_760 = arith.extui %sign3A_759 : i1 to i32
      %sign3A_761 = arith.constant 0 : i32
      %sign3A_762 = arith.cmpi slt, %jit3A_749, %sign3A_761 : i32
      %sign3A_763 = arith.extui %sign3A_762 : i1 to i32
      %sign3A_764 = arith.subi %sign3A_760, %sign3A_763 : i32
      %ne3A_765 = arith.cmpi ne, %sign3A_757, %sign3A_764 : i32
      %rem3A_766 = arith.remsi %add3A_690, %jit3A_749 : i32
      %ne3A_767 = arith.constant 0 : i32
      %ne3A_768 = arith.cmpi ne, %rem3A_766, %ne3A_767 : i32
      %and3A_769 = arith.andi %ne3A_765, %ne3A_768 : i1
      %sub3A_770 = arith.constant 1 : i32
      %sub3A_771 = arith.subi %div3A_750, %sub3A_770 : i32
      %select_n3A_772 = arith.select %and3A_769, %sub3A_771, %div3A_750 : i32
      %jit3A_773 = arith.constant 32 : i32
      %eq3A_774 = arith.constant 0 : i32
      %eq3A_775 = arith.cmpi eq, %jit3A_773, %eq3A_774 : i32
      %jit3A_776 = arith.constant 1 : i32
      %select_n3A_777 = arith.select %eq3A_775, %jit3A_776, %jit3A_773 : i32
      %rem3A_778 = arith.remsi %add3A_690, %select_n3A_777 : i32
      %ne3A_779 = arith.constant 0 : i32
      %ne3A_780 = arith.cmpi ne, %rem3A_778, %ne3A_779 : i32
      %lt3A_781 = arith.constant 0 : i32
      %lt3A_782 = arith.cmpi slt, %rem3A_778, %lt3A_781 : i32
      %lt3A_783 = arith.constant 0 : i32
      %lt3A_784 = arith.cmpi slt, %select_n3A_777, %lt3A_783 : i32
      %ne3A_785 = arith.xori %lt3A_782, %lt3A_784 : i1
      %and3A_786 = arith.andi %ne3A_785, %ne3A_780 : i1
      %add3A_787 = arith.addi %rem3A_778, %select_n3A_777 : i32
      %select_n3A_788 = arith.select %and3A_786, %add3A_787, %rem3A_778 : i32
      %mul3A_789 = arith.constant 128 : i32
      %mul3A_790 = arith.muli %select_n3A_788, %mul3A_789 : i32
      %dma_start3A_791 = arith.constant 0 : i32
      %dma_start3A_792 = tpu.memref_slice %arg5[%select_n3A_772, %dma_start3A_791, %mul3A_790] : memref<200x64x4096xf32, #tpu.memory_space<hbm>> -> memref<1x64x128xf32, #tpu.memory_space<hbm>>
      %dma_start3A_793 = tpu.memref_squeeze %dma_start3A_792 : memref<1x64x128xf32, #tpu.memory_space<hbm>> -> memref<64x128xf32, #tpu.memory_space<hbm>>
      %dma_start3A_794 = arith.constant 0 : i32
      %dma_start3A_795 = tpu.memref_slice %arg5[%select_n3A_772, %dma_start3A_794, %mul3A_790] : memref<200x64x4096xf32, #tpu.memory_space<hbm>> -> memref<1x64x128xf32, #tpu.memory_space<hbm>>
      %dma_start3A_796 = tpu.memref_squeeze %dma_start3A_795 : memref<1x64x128xf32, #tpu.memory_space<hbm>> -> memref<64x128xf32, #tpu.memory_space<hbm>>
      tpu.enqueue_dma source(%arg14 : memref<64x128xf32, #tpu.memory_space<vmem>>) target(%dma_start3A_796 : memref<64x128xf32, #tpu.memory_space<hbm>>) target_semaphore(%arg22 : memref<!tpu.dma_semaphore, #tpu.memory_space<semaphore_mem>>)
      %mul3A_797 = arith.constant 4 : i32
      %mul3A_798 = arith.muli %scan3A_444, %mul3A_797 : i32
      %add3A_799 = arith.constant 2 : i32
      %add3A_800 = arith.addi %mul3A_798, %add3A_799 : i32
      %add3A_801 = arith.constant 4 : i32
      %add3A_802 = arith.addi %add3A_800, %add3A_801 : i32
      %lt3A_803 = arith.constant 200 : i32
      %lt3A_804 = arith.cmpi slt, %add3A_802, %lt3A_803 : i32
      %convert_element_type3A_805 = arith.extui %lt3A_804 : i1 to i32
      %cond3A_806 = arith.constant 0 : i32
      %cond3A_807 = arith.cmpi ne, %convert_element_type3A_805, %cond3A_806 : i32
      scf.if %cond3A_807 {
        %add3A_931 = arith.constant 4 : i32
        %add3A_932 = arith.addi %add3A_690, %add3A_931 : i32
        %jit3A_933 = arith.constant 32 : i32
        %div3A_934 = arith.divsi %add3A_932, %jit3A_933 : i32
        %sign3A_935 = arith.constant 0 : i32
        %sign3A_936 = arith.cmpi sgt, %add3A_932, %sign3A_935 : i32
        %sign3A_937 = arith.extui %sign3A_936 : i1 to i32
        %sign3A_938 = arith.constant 0 : i32
        %sign3A_939 = arith.cmpi slt, %add3A_932, %sign3A_938 : i32
        %sign3A_940 = arith.extui %sign3A_939 : i1 to i32
        %sign3A_941 = arith.subi %sign3A_937, %sign3A_940 : i32
        %sign3A_942 = arith.constant 0 : i32
        %sign3A_943 = arith.cmpi sgt, %jit3A_933, %sign3A_942 : i32
        %sign3A_944 = arith.extui %sign3A_943 : i1 to i32
        %sign3A_945 = arith.constant 0 : i32
        %sign3A_946 = arith.cmpi slt, %jit3A_933, %sign3A_945 : i32
        %sign3A_947 = arith.extui %sign3A_946 : i1 to i32
        %sign3A_948 = arith.subi %sign3A_944, %sign3A_947 : i32
        %ne3A_949 = arith.cmpi ne, %sign3A_941, %sign3A_948 : i32
        %rem3A_950 = arith.remsi %add3A_932, %jit3A_933 : i32
        %ne3A_951 = arith.constant 0 : i32
        %ne3A_952 = arith.cmpi ne, %rem3A_950, %ne3A_951 : i32
        %and3A_953 = arith.andi %ne3A_949, %ne3A_952 : i1
        %sub3A_954 = arith.constant 1 : i32
        %sub3A_955 = arith.subi %div3A_934, %sub3A_954 : i32
        %select_n3A_956 = arith.select %and3A_953, %sub3A_955, %div3A_934 : i32
        %jit3A_957 = arith.constant 32 : i32
        %eq3A_958 = arith.constant 0 : i32
        %eq3A_959 = arith.cmpi eq, %jit3A_957, %eq3A_958 : i32
        %jit3A_960 = arith.constant 1 : i32
        %select_n3A_961 = arith.select %eq3A_959, %jit3A_960, %jit3A_957 : i32
        %rem3A_962 = arith.remsi %add3A_932, %select_n3A_961 : i32
        %ne3A_963 = arith.constant 0 : i32
        %ne3A_964 = arith.cmpi ne, %rem3A_962, %ne3A_963 : i32
        %lt3A_965 = arith.constant 0 : i32
        %lt3A_966 = arith.cmpi slt, %rem3A_962, %lt3A_965 : i32
        %lt3A_967 = arith.constant 0 : i32
        %lt3A_968 = arith.cmpi slt, %select_n3A_961, %lt3A_967 : i32
        %ne3A_969 = arith.xori %lt3A_966, %lt3A_968 : i1
        %and3A_970 = arith.andi %ne3A_969, %ne3A_964 : i1
        %add3A_971 = arith.addi %rem3A_962, %select_n3A_961 : i32
        %select_n3A_972 = arith.select %and3A_970, %add3A_971, %rem3A_962 : i32
        %mul3A_973 = arith.constant 128 : i32
        %mul3A_974 = arith.muli %select_n3A_972, %mul3A_973 : i32
        %dma_start3A_975 = arith.constant 0 : i32
        %dma_start3A_976 = tpu.memref_slice %arg2[%select_n3A_956, %dma_start3A_975, %mul3A_974] : memref<200x64x4096xf32, #tpu.memory_space<hbm>> -> memref<1x64x128xf32, #tpu.memory_space<hbm>>
        %dma_start3A_977 = tpu.memref_squeeze %dma_start3A_976 : memref<1x64x128xf32, #tpu.memory_space<hbm>> -> memref<64x128xf32, #tpu.memory_space<hbm>>
        %dma_start3A_978 = arith.constant 0 : i32
        %dma_start3A_979 = tpu.memref_slice %arg2[%select_n3A_956, %dma_start3A_978, %mul3A_974] : memref<200x64x4096xf32, #tpu.memory_space<hbm>> -> memref<1x64x128xf32, #tpu.memory_space<hbm>>
        %dma_start3A_980 = tpu.memref_squeeze %dma_start3A_979 : memref<1x64x128xf32, #tpu.memory_space<hbm>> -> memref<64x128xf32, #tpu.memory_space<hbm>>
        tpu.enqueue_dma source(%dma_start3A_980 : memref<64x128xf32, #tpu.memory_space<hbm>>) target(%arg10 : memref<64x128xf32, #tpu.memory_space<vmem>>) target_semaphore(%arg18 : memref<!tpu.dma_semaphore, #tpu.memory_space<semaphore_mem>>)
      } else {
      }
      %mul3A_808 = arith.constant 4 : i32
      %mul3A_809 = arith.muli %scan3A_444, %mul3A_808 : i32
      %add3A_810 = arith.addi %mul3A_2, %mul3A_809 : i32
      %add3A_811 = arith.constant 3 : i32
      %add3A_812 = arith.addi %add3A_810, %add3A_811 : i32
      %jit3A_813 = arith.constant 32 : i32
      %div3A_814 = arith.divsi %add3A_812, %jit3A_813 : i32
      %sign3A_815 = arith.constant 0 : i32
      %sign3A_816 = arith.cmpi sgt, %add3A_812, %sign3A_815 : i32
      %sign3A_817 = arith.extui %sign3A_816 : i1 to i32
      %sign3A_818 = arith.constant 0 : i32
      %sign3A_819 = arith.cmpi slt, %add3A_812, %sign3A_818 : i32
      %sign3A_820 = arith.extui %sign3A_819 : i1 to i32
      %sign3A_821 = arith.subi %sign3A_817, %sign3A_820 : i32
      %sign3A_822 = arith.constant 0 : i32
      %sign3A_823 = arith.cmpi sgt, %jit3A_813, %sign3A_822 : i32
      %sign3A_824 = arith.extui %sign3A_823 : i1 to i32
      %sign3A_825 = arith.constant 0 : i32
      %sign3A_826 = arith.cmpi slt, %jit3A_813, %sign3A_825 : i32
      %sign3A_827 = arith.extui %sign3A_826 : i1 to i32
      %sign3A_828 = arith.subi %sign3A_824, %sign3A_827 : i32
      %ne3A_829 = arith.cmpi ne, %sign3A_821, %sign3A_828 : i32
      %rem3A_830 = arith.remsi %add3A_812, %jit3A_813 : i32
      %ne3A_831 = arith.constant 0 : i32
      %ne3A_832 = arith.cmpi ne, %rem3A_830, %ne3A_831 : i32
      %and3A_833 = arith.andi %ne3A_829, %ne3A_832 : i1
      %sub3A_834 = arith.constant 1 : i32
      %sub3A_835 = arith.subi %div3A_814, %sub3A_834 : i32
      %select_n3A_836 = arith.select %and3A_833, %sub3A_835, %div3A_814 : i32
      %jit3A_837 = arith.constant 32 : i32
      %eq3A_838 = arith.constant 0 : i32
      %eq3A_839 = arith.cmpi eq, %jit3A_837, %eq3A_838 : i32
      %jit3A_840 = arith.constant 1 : i32
      %select_n3A_841 = arith.select %eq3A_839, %jit3A_840, %jit3A_837 : i32
      %rem3A_842 = arith.remsi %add3A_812, %select_n3A_841 : i32
      %ne3A_843 = arith.constant 0 : i32
      %ne3A_844 = arith.cmpi ne, %rem3A_842, %ne3A_843 : i32
      %lt3A_845 = arith.constant 0 : i32
      %lt3A_846 = arith.cmpi slt, %rem3A_842, %lt3A_845 : i32
      %lt3A_847 = arith.constant 0 : i32
      %lt3A_848 = arith.cmpi slt, %select_n3A_841, %lt3A_847 : i32
      %ne3A_849 = arith.xori %lt3A_846, %lt3A_848 : i1
      %and3A_850 = arith.andi %ne3A_849, %ne3A_844 : i1
      %add3A_851 = arith.addi %rem3A_842, %select_n3A_841 : i32
      %select_n3A_852 = arith.select %and3A_850, %add3A_851, %rem3A_842 : i32
      %mul3A_853 = arith.constant 128 : i32
      %mul3A_854 = arith.muli %select_n3A_852, %mul3A_853 : i32
      %dma_wait3A_855 = arith.constant 0 : i32
      %dma_wait3A_856 = tpu.memref_slice %arg2[%select_n3A_836, %dma_wait3A_855, %mul3A_854] : memref<200x64x4096xf32, #tpu.memory_space<hbm>> -> memref<1x64x128xf32, #tpu.memory_space<hbm>>
      %dma_wait3A_857 = tpu.memref_squeeze %dma_wait3A_856 : memref<1x64x128xf32, #tpu.memory_space<hbm>> -> memref<64x128xf32, #tpu.memory_space<hbm>>
      %dma_wait3A_858 = arith.constant 0 : i32
      %dma_wait3A_859 = tpu.memref_slice %arg2[%select_n3A_836, %dma_wait3A_858, %mul3A_854] : memref<200x64x4096xf32, #tpu.memory_space<hbm>> -> memref<1x64x128xf32, #tpu.memory_space<hbm>>
      %dma_wait3A_860 = tpu.memref_squeeze %dma_wait3A_859 : memref<1x64x128xf32, #tpu.memory_space<hbm>> -> memref<64x128xf32, #tpu.memory_space<hbm>>
      tpu.wait_dma2 semaphore(%arg19 : memref<!tpu.dma_semaphore, #tpu.memory_space<semaphore_mem>>) src(%dma_wait3A_860 : memref<64x128xf32, #tpu.memory_space<hbm>>) dst(%arg11 : memref<64x128xf32, #tpu.memory_space<vmem>>)
      %gt3A_861 = arith.constant 0 : i32
      %gt3A_862 = arith.cmpi sgt, %scan3A_444, %gt3A_861 : i32
      %convert_element_type3A_863 = arith.extui %gt3A_862 : i1 to i32
      %cond3A_864 = arith.constant 0 : i32
      %cond3A_865 = arith.cmpi ne, %convert_element_type3A_863, %cond3A_864 : i32
      scf.if %cond3A_865 {
        %sub3A_931 = arith.constant 4 : i32
        %sub3A_932 = arith.subi %add3A_812, %sub3A_931 : i32
        %jit3A_933 = arith.constant 32 : i32
        %div3A_934 = arith.divsi %sub3A_932, %jit3A_933 : i32
        %sign3A_935 = arith.constant 0 : i32
        %sign3A_936 = arith.cmpi sgt, %sub3A_932, %sign3A_935 : i32
        %sign3A_937 = arith.extui %sign3A_936 : i1 to i32
        %sign3A_938 = arith.constant 0 : i32
        %sign3A_939 = arith.cmpi slt, %sub3A_932, %sign3A_938 : i32
        %sign3A_940 = arith.extui %sign3A_939 : i1 to i32
        %sign3A_941 = arith.subi %sign3A_937, %sign3A_940 : i32
        %sign3A_942 = arith.constant 0 : i32
        %sign3A_943 = arith.cmpi sgt, %jit3A_933, %sign3A_942 : i32
        %sign3A_944 = arith.extui %sign3A_943 : i1 to i32
        %sign3A_945 = arith.constant 0 : i32
        %sign3A_946 = arith.cmpi slt, %jit3A_933, %sign3A_945 : i32
        %sign3A_947 = arith.extui %sign3A_946 : i1 to i32
        %sign3A_948 = arith.subi %sign3A_944, %sign3A_947 : i32
        %ne3A_949 = arith.cmpi ne, %sign3A_941, %sign3A_948 : i32
        %rem3A_950 = arith.remsi %sub3A_932, %jit3A_933 : i32
        %ne3A_951 = arith.constant 0 : i32
        %ne3A_952 = arith.cmpi ne, %rem3A_950, %ne3A_951 : i32
        %and3A_953 = arith.andi %ne3A_949, %ne3A_952 : i1
        %sub3A_954 = arith.constant 1 : i32
        %sub3A_955 = arith.subi %div3A_934, %sub3A_954 : i32
        %select_n3A_956 = arith.select %and3A_953, %sub3A_955, %div3A_934 : i32
        %jit3A_957 = arith.constant 32 : i32
        %eq3A_958 = arith.constant 0 : i32
        %eq3A_959 = arith.cmpi eq, %jit3A_957, %eq3A_958 : i32
        %jit3A_960 = arith.constant 1 : i32
        %select_n3A_961 = arith.select %eq3A_959, %jit3A_960, %jit3A_957 : i32
        %rem3A_962 = arith.remsi %sub3A_932, %select_n3A_961 : i32
        %ne3A_963 = arith.constant 0 : i32
        %ne3A_964 = arith.cmpi ne, %rem3A_962, %ne3A_963 : i32
        %lt3A_965 = arith.constant 0 : i32
        %lt3A_966 = arith.cmpi slt, %rem3A_962, %lt3A_965 : i32
        %lt3A_967 = arith.constant 0 : i32
        %lt3A_968 = arith.cmpi slt, %select_n3A_961, %lt3A_967 : i32
        %ne3A_969 = arith.xori %lt3A_966, %lt3A_968 : i1
        %and3A_970 = arith.andi %ne3A_969, %ne3A_964 : i1
        %add3A_971 = arith.addi %rem3A_962, %select_n3A_961 : i32
        %select_n3A_972 = arith.select %and3A_970, %add3A_971, %rem3A_962 : i32
        %mul3A_973 = arith.constant 128 : i32
        %mul3A_974 = arith.muli %select_n3A_972, %mul3A_973 : i32
        %dma_wait3A_975 = arith.constant 0 : i32
        %dma_wait3A_976 = tpu.memref_slice %arg5[%select_n3A_956, %dma_wait3A_975, %mul3A_974] : memref<200x64x4096xf32, #tpu.memory_space<hbm>> -> memref<1x64x128xf32, #tpu.memory_space<hbm>>
        %dma_wait3A_977 = tpu.memref_squeeze %dma_wait3A_976 : memref<1x64x128xf32, #tpu.memory_space<hbm>> -> memref<64x128xf32, #tpu.memory_space<hbm>>
        %dma_wait3A_978 = arith.constant 0 : i32
        %dma_wait3A_979 = tpu.memref_slice %arg5[%select_n3A_956, %dma_wait3A_978, %mul3A_974] : memref<200x64x4096xf32, #tpu.memory_space<hbm>> -> memref<1x64x128xf32, #tpu.memory_space<hbm>>
        %dma_wait3A_980 = tpu.memref_squeeze %dma_wait3A_979 : memref<1x64x128xf32, #tpu.memory_space<hbm>> -> memref<64x128xf32, #tpu.memory_space<hbm>>
        tpu.wait_dma2 semaphore(%arg23 : memref<!tpu.dma_semaphore, #tpu.memory_space<semaphore_mem>>) src(%arg15 : memref<64x128xf32, #tpu.memory_space<vmem>>) dst(%dma_wait3A_980 : memref<64x128xf32, #tpu.memory_space<hbm>>)
      } else {
      }
      %parallel_loop3A_866 = arith.constant 0 : i32
      %parallel_loop3A_867 = arith.constant 64 : i32
      %parallel_loop3A_868 = arith.constant 1 : i32
      %parallel_loop3A_869 = arith.constant 0 : i32
      %parallel_loop3A_870 = scf.for %parallel_loop3A_931 = %parallel_loop3A_866 to %parallel_loop3A_867 step %parallel_loop3A_868 iter_args(%parallel_loop3A_932 = %parallel_loop3A_869) -> (i32)  : i32 {
        %parallel_loop3A_933 = vector.broadcast %parallel_loop3A_931 : i32 to vector<16xi32>
        %parallel_loop3A_934 = tpu.vector_load_idx %arg6[%parallel_loop3A_933] : memref<64xi32, #tpu.memory_space<vmem>>[vector<16xi32>], vector<16xi32>,
        %parallel_loop3A_935 = tpu.vector_load_idx %arg7[%parallel_loop3A_933] : memref<64xf32, #tpu.memory_space<vmem>>[vector<16xi32>], vector<16xf32>,
        %parallel_loop3A_936 = tpu.vector_load_idx %arg11[%parallel_loop3A_934, %add3A_5] : memref<64x128xf32, #tpu.memory_space<vmem>>[vector<16xi32>, vector<16xi32>], vector<16xf32>,
        %parallel_loop3A_937 = arith.mulf %parallel_loop3A_936, %parallel_loop3A_935 : vector<16xf32>
        %parallel_loop3A_938 = arith.index_cast %parallel_loop3A_931 : i32 to index
        %parallel_loop3A_939 = arith.constant 0 : index
        %parallel_loop3A_940 = tpu.vector_load %arg15[%parallel_loop3A_938, %parallel_loop3A_939] {strides = array<i32>} : memref<64x128xf32, #tpu.memory_space<vmem>>, vector<16xf32>,
        tpu.vector_store %arg15[%parallel_loop3A_938, %parallel_loop3A_939], %parallel_loop3A_937 {strides = array<i32>} : memref<64x128xf32, #tpu.memory_space<vmem>>, vector<16xf32>,
        %parallel_loop3A_941 = tpu.vector_load_idx %arg11[%parallel_loop3A_934, %add3A_9] : memref<64x128xf32, #tpu.memory_space<vmem>>[vector<16xi32>, vector<16xi32>], vector<16xf32>,
        %parallel_loop3A_942 = arith.mulf %parallel_loop3A_941, %parallel_loop3A_935 : vector<16xf32>
        %parallel_loop3A_943 = arith.index_cast %parallel_loop3A_931 : i32 to index
        %parallel_loop3A_944 = arith.constant 16 : index
        %parallel_loop3A_945 = tpu.vector_load %arg15[%parallel_loop3A_943, %parallel_loop3A_944] {strides = array<i32>} : memref<64x128xf32, #tpu.memory_space<vmem>>, vector<16xf32>,
        tpu.vector_store %arg15[%parallel_loop3A_943, %parallel_loop3A_944], %parallel_loop3A_942 {strides = array<i32>} : memref<64x128xf32, #tpu.memory_space<vmem>>, vector<16xf32>,
        %parallel_loop3A_946 = tpu.vector_load_idx %arg11[%parallel_loop3A_934, %add3A_13] : memref<64x128xf32, #tpu.memory_space<vmem>>[vector<16xi32>, vector<16xi32>], vector<16xf32>,
        %parallel_loop3A_947 = arith.mulf %parallel_loop3A_946, %parallel_loop3A_935 : vector<16xf32>
        %parallel_loop3A_948 = arith.index_cast %parallel_loop3A_931 : i32 to index
        %parallel_loop3A_949 = arith.constant 32 : index
        %parallel_loop3A_950 = tpu.vector_load %arg15[%parallel_loop3A_948, %parallel_loop3A_949] {strides = array<i32>} : memref<64x128xf32, #tpu.memory_space<vmem>>, vector<16xf32>,
        tpu.vector_store %arg15[%parallel_loop3A_948, %parallel_loop3A_949], %parallel_loop3A_947 {strides = array<i32>} : memref<64x128xf32, #tpu.memory_space<vmem>>, vector<16xf32>,
        %parallel_loop3A_951 = tpu.vector_load_idx %arg11[%parallel_loop3A_934, %add3A_17] : memref<64x128xf32, #tpu.memory_space<vmem>>[vector<16xi32>, vector<16xi32>], vector<16xf32>,
        %parallel_loop3A_952 = arith.mulf %parallel_loop3A_951, %parallel_loop3A_935 : vector<16xf32>
        %parallel_loop3A_953 = arith.index_cast %parallel_loop3A_931 : i32 to index
        %parallel_loop3A_954 = arith.constant 48 : index
        %parallel_loop3A_955 = tpu.vector_load %arg15[%parallel_loop3A_953, %parallel_loop3A_954] {strides = array<i32>} : memref<64x128xf32, #tpu.memory_space<vmem>>, vector<16xf32>,
        tpu.vector_store %arg15[%parallel_loop3A_953, %parallel_loop3A_954], %parallel_loop3A_952 {strides = array<i32>} : memref<64x128xf32, #tpu.memory_space<vmem>>, vector<16xf32>,
        %parallel_loop3A_956 = tpu.vector_load_idx %arg11[%parallel_loop3A_934, %add3A_21] : memref<64x128xf32, #tpu.memory_space<vmem>>[vector<16xi32>, vector<16xi32>], vector<16xf32>,
        %parallel_loop3A_957 = arith.mulf %parallel_loop3A_956, %parallel_loop3A_935 : vector<16xf32>
        %parallel_loop3A_958 = arith.index_cast %parallel_loop3A_931 : i32 to index
        %parallel_loop3A_959 = arith.constant 64 : index
        %parallel_loop3A_960 = tpu.vector_load %arg15[%parallel_loop3A_958, %parallel_loop3A_959] {strides = array<i32>} : memref<64x128xf32, #tpu.memory_space<vmem>>, vector<16xf32>,
        tpu.vector_store %arg15[%parallel_loop3A_958, %parallel_loop3A_959], %parallel_loop3A_957 {strides = array<i32>} : memref<64x128xf32, #tpu.memory_space<vmem>>, vector<16xf32>,
        %parallel_loop3A_961 = tpu.vector_load_idx %arg11[%parallel_loop3A_934, %add3A_25] : memref<64x128xf32, #tpu.memory_space<vmem>>[vector<16xi32>, vector<16xi32>], vector<16xf32>,
        %parallel_loop3A_962 = arith.mulf %parallel_loop3A_961, %parallel_loop3A_935 : vector<16xf32>
        %parallel_loop3A_963 = arith.index_cast %parallel_loop3A_931 : i32 to index
        %parallel_loop3A_964 = arith.constant 80 : index
        %parallel_loop3A_965 = tpu.vector_load %arg15[%parallel_loop3A_963, %parallel_loop3A_964] {strides = array<i32>} : memref<64x128xf32, #tpu.memory_space<vmem>>, vector<16xf32>,
        tpu.vector_store %arg15[%parallel_loop3A_963, %parallel_loop3A_964], %parallel_loop3A_962 {strides = array<i32>} : memref<64x128xf32, #tpu.memory_space<vmem>>, vector<16xf32>,
        %parallel_loop3A_966 = tpu.vector_load_idx %arg11[%parallel_loop3A_934, %add3A_29] : memref<64x128xf32, #tpu.memory_space<vmem>>[vector<16xi32>, vector<16xi32>], vector<16xf32>,
        %parallel_loop3A_967 = arith.mulf %parallel_loop3A_966, %parallel_loop3A_935 : vector<16xf32>
        %parallel_loop3A_968 = arith.index_cast %parallel_loop3A_931 : i32 to index
        %parallel_loop3A_969 = arith.constant 96 : index
        %parallel_loop3A_970 = tpu.vector_load %arg15[%parallel_loop3A_968, %parallel_loop3A_969] {strides = array<i32>} : memref<64x128xf32, #tpu.memory_space<vmem>>, vector<16xf32>,
        tpu.vector_store %arg15[%parallel_loop3A_968, %parallel_loop3A_969], %parallel_loop3A_967 {strides = array<i32>} : memref<64x128xf32, #tpu.memory_space<vmem>>, vector<16xf32>,
        %parallel_loop3A_971 = tpu.vector_load_idx %arg11[%parallel_loop3A_934, %add3A_33] : memref<64x128xf32, #tpu.memory_space<vmem>>[vector<16xi32>, vector<16xi32>], vector<16xf32>,
        %parallel_loop3A_972 = arith.mulf %parallel_loop3A_971, %parallel_loop3A_935 : vector<16xf32>
        %parallel_loop3A_973 = arith.index_cast %parallel_loop3A_931 : i32 to index
        %parallel_loop3A_974 = arith.constant 112 : index
        %parallel_loop3A_975 = tpu.vector_load %arg15[%parallel_loop3A_973, %parallel_loop3A_974] {strides = array<i32>} : memref<64x128xf32, #tpu.memory_space<vmem>>, vector<16xf32>,
        tpu.vector_store %arg15[%parallel_loop3A_973, %parallel_loop3A_974], %parallel_loop3A_972 {strides = array<i32>} : memref<64x128xf32, #tpu.memory_space<vmem>>, vector<16xf32>,
        %parallel_loop3A_976 = arith.constant 0 : i32
        scf.yield %parallel_loop3A_976 : i32
      } {sc.loop_unroll_factor = 8 : i64, sc.parallel_access}
      %jit3A_871 = arith.constant 32 : i32
      %div3A_872 = arith.divsi %add3A_812, %jit3A_871 : i32
      %sign3A_873 = arith.constant 0 : i32
      %sign3A_874 = arith.cmpi sgt, %add3A_812, %sign3A_873 : i32
      %sign3A_875 = arith.extui %sign3A_874 : i1 to i32
      %sign3A_876 = arith.constant 0 : i32
      %sign3A_877 = arith.cmpi slt, %add3A_812, %sign3A_876 : i32
      %sign3A_878 = arith.extui %sign3A_877 : i1 to i32
      %sign3A_879 = arith.subi %sign3A_875, %sign3A_878 : i32
      %sign3A_880 = arith.constant 0 : i32
      %sign3A_881 = arith.cmpi sgt, %jit3A_871, %sign3A_880 : i32
      %sign3A_882 = arith.extui %sign3A_881 : i1 to i32
      %sign3A_883 = arith.constant 0 : i32
      %sign3A_884 = arith.cmpi slt, %jit3A_871, %sign3A_883 : i32
      %sign3A_885 = arith.extui %sign3A_884 : i1 to i32
      %sign3A_886 = arith.subi %sign3A_882, %sign3A_885 : i32
      %ne3A_887 = arith.cmpi ne, %sign3A_879, %sign3A_886 : i32
      %rem3A_888 = arith.remsi %add3A_812, %jit3A_871 : i32
      %ne3A_889 = arith.constant 0 : i32
      %ne3A_890 = arith.cmpi ne, %rem3A_888, %ne3A_889 : i32
      %and3A_891 = arith.andi %ne3A_887, %ne3A_890 : i1
      %sub3A_892 = arith.constant 1 : i32
      %sub3A_893 = arith.subi %div3A_872, %sub3A_892 : i32
      %select_n3A_894 = arith.select %and3A_891, %sub3A_893, %div3A_872 : i32
      %jit3A_895 = arith.constant 32 : i32
      %eq3A_896 = arith.constant 0 : i32
      %eq3A_897 = arith.cmpi eq, %jit3A_895, %eq3A_896 : i32
      %jit3A_898 = arith.constant 1 : i32
      %select_n3A_899 = arith.select %eq3A_897, %jit3A_898, %jit3A_895 : i32
      %rem3A_900 = arith.remsi %add3A_812, %select_n3A_899 : i32
      %ne3A_901 = arith.constant 0 : i32
      %ne3A_902 = arith.cmpi ne, %rem3A_900, %ne3A_901 : i32
      %lt3A_903 = arith.constant 0 : i32
      %lt3A_904 = arith.cmpi slt, %rem3A_900, %lt3A_903 : i32
      %lt3A_905 = arith.constant 0 : i32
      %lt3A_906 = arith.cmpi slt, %select_n3A_899, %lt3A_905 : i32
      %ne3A_907 = arith.xori %lt3A_904, %lt3A_906 : i1
      %and3A_908 = arith.andi %ne3A_907, %ne3A_902 : i1
      %add3A_909 = arith.addi %rem3A_900, %select_n3A_899 : i32
      %select_n3A_910 = arith.select %and3A_908, %add3A_909, %rem3A_900 : i32
      %mul3A_911 = arith.constant 128 : i32
      %mul3A_912 = arith.muli %select_n3A_910, %mul3A_911 : i32
      %dma_start3A_913 = arith.constant 0 : i32
      %dma_start3A_914 = tpu.memref_slice %arg5[%select_n3A_894, %dma_start3A_913, %mul3A_912] : memref<200x64x4096xf32, #tpu.memory_space<hbm>> -> memref<1x64x128xf32, #tpu.memory_space<hbm>>
      %dma_start3A_915 = tpu.memref_squeeze %dma_start3A_914 : memref<1x64x128xf32, #tpu.memory_space<hbm>> -> memref<64x128xf32, #tpu.memory_space<hbm>>
      %dma_start3A_916 = arith.constant 0 : i32
      %dma_start3A_917 = tpu.memref_slice %arg5[%select_n3A_894, %dma_start3A_916, %mul3A_912] : memref<200x64x4096xf32, #tpu.memory_space<hbm>> -> memref<1x64x128xf32, #tpu.memory_space<hbm>>
      %dma_start3A_918 = tpu.memref_squeeze %dma_start3A_917 : memref<1x64x128xf32, #tpu.memory_space<hbm>> -> memref<64x128xf32, #tpu.memory_space<hbm>>
      tpu.enqueue_dma source(%arg15 : memref<64x128xf32, #tpu.memory_space<vmem>>) target(%dma_start3A_918 : memref<64x128xf32, #tpu.memory_space<hbm>>) target_semaphore(%arg23 : memref<!tpu.dma_semaphore, #tpu.memory_space<semaphore_mem>>)
      %mul3A_919 = arith.constant 4 : i32
      %mul3A_920 = arith.muli %scan3A_444, %mul3A_919 : i32
      %add3A_921 = arith.constant 3 : i32
      %add3A_922 = arith.addi %mul3A_920, %add3A_921 : i32
      %add3A_923 = arith.constant 4 : i32
      %add3A_924 = arith.addi %add3A_922, %add3A_923 : i32
      %lt3A_925 = arith.constant 200 : i32
      %lt3A_926 = arith.cmpi slt, %add3A_924, %lt3A_925 : i32
      %convert_element_type3A_927 = arith.extui %lt3A_926 : i1 to i32
      %cond3A_928 = arith.constant 0 : i32
      %cond3A_929 = arith.cmpi ne, %convert_element_type3A_927, %cond3A_928 : i32
      scf.if %cond3A_929 {
        %add3A_931 = arith.constant 4 : i32
        %add3A_932 = arith.addi %add3A_812, %add3A_931 : i32
        %jit3A_933 = arith.constant 32 : i32
        %div3A_934 = arith.divsi %add3A_932, %jit3A_933 : i32
        %sign3A_935 = arith.constant 0 : i32
        %sign3A_936 = arith.cmpi sgt, %add3A_932, %sign3A_935 : i32
        %sign3A_937 = arith.extui %sign3A_936 : i1 to i32
        %sign3A_938 = arith.constant 0 : i32
        %sign3A_939 = arith.cmpi slt, %add3A_932, %sign3A_938 : i32
        %sign3A_940 = arith.extui %sign3A_939 : i1 to i32
        %sign3A_941 = arith.subi %sign3A_937, %sign3A_940 : i32
        %sign3A_942 = arith.constant 0 : i32
        %sign3A_943 = arith.cmpi sgt, %jit3A_933, %sign3A_942 : i32
        %sign3A_944 = arith.extui %sign3A_943 : i1 to i32
        %sign3A_945 = arith.constant 0 : i32
        %sign3A_946 = arith.cmpi slt, %jit3A_933, %sign3A_945 : i32
        %sign3A_947 = arith.extui %sign3A_946 : i1 to i32
        %sign3A_948 = arith.subi %sign3A_944, %sign3A_947 : i32
        %ne3A_949 = arith.cmpi ne, %sign3A_941, %sign3A_948 : i32
        %rem3A_950 = arith.remsi %add3A_932, %jit3A_933 : i32
        %ne3A_951 = arith.constant 0 : i32
        %ne3A_952 = arith.cmpi ne, %rem3A_950, %ne3A_951 : i32
        %and3A_953 = arith.andi %ne3A_949, %ne3A_952 : i1
        %sub3A_954 = arith.constant 1 : i32
        %sub3A_955 = arith.subi %div3A_934, %sub3A_954 : i32
        %select_n3A_956 = arith.select %and3A_953, %sub3A_955, %div3A_934 : i32
        %jit3A_957 = arith.constant 32 : i32
        %eq3A_958 = arith.constant 0 : i32
        %eq3A_959 = arith.cmpi eq, %jit3A_957, %eq3A_958 : i32
        %jit3A_960 = arith.constant 1 : i32
        %select_n3A_961 = arith.select %eq3A_959, %jit3A_960, %jit3A_957 : i32
        %rem3A_962 = arith.remsi %add3A_932, %select_n3A_961 : i32
        %ne3A_963 = arith.constant 0 : i32
        %ne3A_964 = arith.cmpi ne, %rem3A_962, %ne3A_963 : i32
        %lt3A_965 = arith.constant 0 : i32
        %lt3A_966 = arith.cmpi slt, %rem3A_962, %lt3A_965 : i32
        %lt3A_967 = arith.constant 0 : i32
        %lt3A_968 = arith.cmpi slt, %select_n3A_961, %lt3A_967 : i32
        %ne3A_969 = arith.xori %lt3A_966, %lt3A_968 : i1
        %and3A_970 = arith.andi %ne3A_969, %ne3A_964 : i1
        %add3A_971 = arith.addi %rem3A_962, %select_n3A_961 : i32
        %select_n3A_972 = arith.select %and3A_970, %add3A_971, %rem3A_962 : i32
        %mul3A_973 = arith.constant 128 : i32
        %mul3A_974 = arith.muli %select_n3A_972, %mul3A_973 : i32
        %dma_start3A_975 = arith.constant 0 : i32
        %dma_start3A_976 = tpu.memref_slice %arg2[%select_n3A_956, %dma_start3A_975, %mul3A_974] : memref<200x64x4096xf32, #tpu.memory_space<hbm>> -> memref<1x64x128xf32, #tpu.memory_space<hbm>>
        %dma_start3A_977 = tpu.memref_squeeze %dma_start3A_976 : memref<1x64x128xf32, #tpu.memory_space<hbm>> -> memref<64x128xf32, #tpu.memory_space<hbm>>
        %dma_start3A_978 = arith.constant 0 : i32
        %dma_start3A_979 = tpu.memref_slice %arg2[%select_n3A_956, %dma_start3A_978, %mul3A_974] : memref<200x64x4096xf32, #tpu.memory_space<hbm>> -> memref<1x64x128xf32, #tpu.memory_space<hbm>>
        %dma_start3A_980 = tpu.memref_squeeze %dma_start3A_979 : memref<1x64x128xf32, #tpu.memory_space<hbm>> -> memref<64x128xf32, #tpu.memory_space<hbm>>
        tpu.enqueue_dma source(%dma_start3A_980 : memref<64x128xf32, #tpu.memory_space<hbm>>) target(%arg11 : memref<64x128xf32, #tpu.memory_space<vmem>>) target_semaphore(%arg19 : memref<!tpu.dma_semaphore, #tpu.memory_space<semaphore_mem>>)
      } else {
      }
      %scan3A_930 = arith.constant 0 : i32
      scf.yield %scan3A_930 : i32
    }
    %scan3A_228 = arith.constant 50 : i32
    %add3A_229 = arith.constant 200 : i32
    %add3A_230 = arith.addi %mul3A_2, %add3A_229 : i32
    %sub3A_231 = arith.constant 4 : i32
    %sub3A_232 = arith.subi %add3A_230, %sub3A_231 : i32
    %add3A_233 = arith.constant 0 : i32
    %add3A_234 = arith.addi %sub3A_232, %add3A_233 : i32
    %jit3A_235 = arith.constant 32 : i32
    %div3A_236 = arith.divsi %add3A_234, %jit3A_235 : i32
    %sign3A_237 = arith.constant 0 : i32
    %sign3A_238 = arith.cmpi sgt, %add3A_234, %sign3A_237 : i32
    %sign3A_239 = arith.extui %sign3A_238 : i1 to i32
    %sign3A_240 = arith.constant 0 : i32
    %sign3A_241 = arith.cmpi slt, %add3A_234, %sign3A_240 : i32
    %sign3A_242 = arith.extui %sign3A_241 : i1 to i32
    %sign3A_243 = arith.subi %sign3A_239, %sign3A_242 : i32
    %sign3A_244 = arith.constant 0 : i32
    %sign3A_245 = arith.cmpi sgt, %jit3A_235, %sign3A_244 : i32
    %sign3A_246 = arith.extui %sign3A_245 : i1 to i32
    %sign3A_247 = arith.constant 0 : i32
    %sign3A_248 = arith.cmpi slt, %jit3A_235, %sign3A_247 : i32
    %sign3A_249 = arith.extui %sign3A_248 : i1 to i32
    %sign3A_250 = arith.subi %sign3A_246, %sign3A_249 : i32
    %ne3A_251 = arith.cmpi ne, %sign3A_243, %sign3A_250 : i32
    %rem3A_252 = arith.remsi %add3A_234, %jit3A_235 : i32
    %ne3A_253 = arith.constant 0 : i32
    %ne3A_254 = arith.cmpi ne, %rem3A_252, %ne3A_253 : i32
    %and3A_255 = arith.andi %ne3A_251, %ne3A_254 : i1
    %sub3A_256 = arith.constant 1 : i32
    %sub3A_257 = arith.subi %div3A_236, %sub3A_256 : i32
    %select_n3A_258 = arith.select %and3A_255, %sub3A_257, %div3A_236 : i32
    %jit3A_259 = arith.constant 32 : i32
    %eq3A_260 = arith.constant 0 : i32
    %eq3A_261 = arith.cmpi eq, %jit3A_259, %eq3A_260 : i32
    %jit3A_262 = arith.constant 1 : i32
    %select_n3A_263 = arith.select %eq3A_261, %jit3A_262, %jit3A_259 : i32
    %rem3A_264 = arith.remsi %add3A_234, %select_n3A_263 : i32
    %ne3A_265 = arith.constant 0 : i32
    %ne3A_266 = arith.cmpi ne, %rem3A_264, %ne3A_265 : i32
    %lt3A_267 = arith.constant 0 : i32
    %lt3A_268 = arith.cmpi slt, %rem3A_264, %lt3A_267 : i32
    %lt3A_269 = arith.constant 0 : i32
    %lt3A_270 = arith.cmpi slt, %select_n3A_263, %lt3A_269 : i32
    %ne3A_271 = arith.xori %lt3A_268, %lt3A_270 : i1
    %and3A_272 = arith.andi %ne3A_271, %ne3A_266 : i1
    %add3A_273 = arith.addi %rem3A_264, %select_n3A_263 : i32
    %select_n3A_274 = arith.select %and3A_272, %add3A_273, %rem3A_264 : i32
    %mul3A_275 = arith.constant 128 : i32
    %mul3A_276 = arith.muli %select_n3A_274, %mul3A_275 : i32
    %dma_wait3A = arith.constant 0 : i32
    %dma_wait3A_277 = tpu.memref_slice %arg5[%select_n3A_258, %dma_wait3A, %mul3A_276] : memref<200x64x4096xf32, #tpu.memory_space<hbm>> -> memref<1x64x128xf32, #tpu.memory_space<hbm>>
    %dma_wait3A_278 = tpu.memref_squeeze %dma_wait3A_277 : memref<1x64x128xf32, #tpu.memory_space<hbm>> -> memref<64x128xf32, #tpu.memory_space<hbm>>
    %dma_wait3A_279 = arith.constant 0 : i32
    %dma_wait3A_280 = tpu.memref_slice %arg5[%select_n3A_258, %dma_wait3A_279, %mul3A_276] : memref<200x64x4096xf32, #tpu.memory_space<hbm>> -> memref<1x64x128xf32, #tpu.memory_space<hbm>>
    %dma_wait3A_281 = tpu.memref_squeeze %dma_wait3A_280 : memref<1x64x128xf32, #tpu.memory_space<hbm>> -> memref<64x128xf32, #tpu.memory_space<hbm>>
    tpu.wait_dma2 semaphore(%arg20 : memref<!tpu.dma_semaphore, #tpu.memory_space<semaphore_mem>>) src(%arg12 : memref<64x128xf32, #tpu.memory_space<vmem>>) dst(%dma_wait3A_281 : memref<64x128xf32, #tpu.memory_space<hbm>>)
    %add3A_282 = arith.constant 200 : i32
    %add3A_283 = arith.addi %mul3A_2, %add3A_282 : i32
    %sub3A_284 = arith.constant 4 : i32
    %sub3A_285 = arith.subi %add3A_283, %sub3A_284 : i32
    %add3A_286 = arith.constant 1 : i32
    %add3A_287 = arith.addi %sub3A_285, %add3A_286 : i32
    %jit3A_288 = arith.constant 32 : i32
    %div3A_289 = arith.divsi %add3A_287, %jit3A_288 : i32
    %sign3A_290 = arith.constant 0 : i32
    %sign3A_291 = arith.cmpi sgt, %add3A_287, %sign3A_290 : i32
    %sign3A_292 = arith.extui %sign3A_291 : i1 to i32
    %sign3A_293 = arith.constant 0 : i32
    %sign3A_294 = arith.cmpi slt, %add3A_287, %sign3A_293 : i32
    %sign3A_295 = arith.extui %sign3A_294 : i1 to i32
    %sign3A_296 = arith.subi %sign3A_292, %sign3A_295 : i32
    %sign3A_297 = arith.constant 0 : i32
    %sign3A_298 = arith.cmpi sgt, %jit3A_288, %sign3A_297 : i32
    %sign3A_299 = arith.extui %sign3A_298 : i1 to i32
    %sign3A_300 = arith.constant 0 : i32
    %sign3A_301 = arith.cmpi slt, %jit3A_288, %sign3A_300 : i32
    %sign3A_302 = arith.extui %sign3A_301 : i1 to i32
    %sign3A_303 = arith.subi %sign3A_299, %sign3A_302 : i32
    %ne3A_304 = arith.cmpi ne, %sign3A_296, %sign3A_303 : i32
    %rem3A_305 = arith.remsi %add3A_287, %jit3A_288 : i32
    %ne3A_306 = arith.constant 0 : i32
    %ne3A_307 = arith.cmpi ne, %rem3A_305, %ne3A_306 : i32
    %and3A_308 = arith.andi %ne3A_304, %ne3A_307 : i1
    %sub3A_309 = arith.constant 1 : i32
    %sub3A_310 = arith.subi %div3A_289, %sub3A_309 : i32
    %select_n3A_311 = arith.select %and3A_308, %sub3A_310, %div3A_289 : i32
    %jit3A_312 = arith.constant 32 : i32
    %eq3A_313 = arith.constant 0 : i32
    %eq3A_314 = arith.cmpi eq, %jit3A_312, %eq3A_313 : i32
    %jit3A_315 = arith.constant 1 : i32
    %select_n3A_316 = arith.select %eq3A_314, %jit3A_315, %jit3A_312 : i32
    %rem3A_317 = arith.remsi %add3A_287, %select_n3A_316 : i32
    %ne3A_318 = arith.constant 0 : i32
    %ne3A_319 = arith.cmpi ne, %rem3A_317, %ne3A_318 : i32
    %lt3A_320 = arith.constant 0 : i32
    %lt3A_321 = arith.cmpi slt, %rem3A_317, %lt3A_320 : i32
    %lt3A_322 = arith.constant 0 : i32
    %lt3A_323 = arith.cmpi slt, %select_n3A_316, %lt3A_322 : i32
    %ne3A_324 = arith.xori %lt3A_321, %lt3A_323 : i1
    %and3A_325 = arith.andi %ne3A_324, %ne3A_319 : i1
    %add3A_326 = arith.addi %rem3A_317, %select_n3A_316 : i32
    %select_n3A_327 = arith.select %and3A_325, %add3A_326, %rem3A_317 : i32
    %mul3A_328 = arith.constant 128 : i32
    %mul3A_329 = arith.muli %select_n3A_327, %mul3A_328 : i32
    %dma_wait3A_330 = arith.constant 0 : i32
    %dma_wait3A_331 = tpu.memref_slice %arg5[%select_n3A_311, %dma_wait3A_330, %mul3A_329] : memref<200x64x4096xf32, #tpu.memory_space<hbm>> -> memref<1x64x128xf32, #tpu.memory_space<hbm>>
    %dma_wait3A_332 = tpu.memref_squeeze %dma_wait3A_331 : memref<1x64x128xf32, #tpu.memory_space<hbm>> -> memref<64x128xf32, #tpu.memory_space<hbm>>
    %dma_wait3A_333 = arith.constant 0 : i32
    %dma_wait3A_334 = tpu.memref_slice %arg5[%select_n3A_311, %dma_wait3A_333, %mul3A_329] : memref<200x64x4096xf32, #tpu.memory_space<hbm>> -> memref<1x64x128xf32, #tpu.memory_space<hbm>>
    %dma_wait3A_335 = tpu.memref_squeeze %dma_wait3A_334 : memref<1x64x128xf32, #tpu.memory_space<hbm>> -> memref<64x128xf32, #tpu.memory_space<hbm>>
    tpu.wait_dma2 semaphore(%arg21 : memref<!tpu.dma_semaphore, #tpu.memory_space<semaphore_mem>>) src(%arg13 : memref<64x128xf32, #tpu.memory_space<vmem>>) dst(%dma_wait3A_335 : memref<64x128xf32, #tpu.memory_space<hbm>>)
    %add3A_336 = arith.constant 200 : i32
    %add3A_337 = arith.addi %mul3A_2, %add3A_336 : i32
    %sub3A_338 = arith.constant 4 : i32
    %sub3A_339 = arith.subi %add3A_337, %sub3A_338 : i32
    %add3A_340 = arith.constant 2 : i32
    %add3A_341 = arith.addi %sub3A_339, %add3A_340 : i32
    %jit3A_342 = arith.constant 32 : i32
    %div3A_343 = arith.divsi %add3A_341, %jit3A_342 : i32
    %sign3A_344 = arith.constant 0 : i32
    %sign3A_345 = arith.cmpi sgt, %add3A_341, %sign3A_344 : i32
    %sign3A_346 = arith.extui %sign3A_345 : i1 to i32
    %sign3A_347 = arith.constant 0 : i32
    %sign3A_348 = arith.cmpi slt, %add3A_341, %sign3A_347 : i32
    %sign3A_349 = arith.extui %sign3A_348 : i1 to i32
    %sign3A_350 = arith.subi %sign3A_346, %sign3A_349 : i32
    %sign3A_351 = arith.constant 0 : i32
    %sign3A_352 = arith.cmpi sgt, %jit3A_342, %sign3A_351 : i32
    %sign3A_353 = arith.extui %sign3A_352 : i1 to i32
    %sign3A_354 = arith.constant 0 : i32
    %sign3A_355 = arith.cmpi slt, %jit3A_342, %sign3A_354 : i32
    %sign3A_356 = arith.extui %sign3A_355 : i1 to i32
    %sign3A_357 = arith.subi %sign3A_353, %sign3A_356 : i32
    %ne3A_358 = arith.cmpi ne, %sign3A_350, %sign3A_357 : i32
    %rem3A_359 = arith.remsi %add3A_341, %jit3A_342 : i32
    %ne3A_360 = arith.constant 0 : i32
    %ne3A_361 = arith.cmpi ne, %rem3A_359, %ne3A_360 : i32
    %and3A_362 = arith.andi %ne3A_358, %ne3A_361 : i1
    %sub3A_363 = arith.constant 1 : i32
    %sub3A_364 = arith.subi %div3A_343, %sub3A_363 : i32
    %select_n3A_365 = arith.select %and3A_362, %sub3A_364, %div3A_343 : i32
    %jit3A_366 = arith.constant 32 : i32
    %eq3A_367 = arith.constant 0 : i32
    %eq3A_368 = arith.cmpi eq, %jit3A_366, %eq3A_367 : i32
    %jit3A_369 = arith.constant 1 : i32
    %select_n3A_370 = arith.select %eq3A_368, %jit3A_369, %jit3A_366 : i32
    %rem3A_371 = arith.remsi %add3A_341, %select_n3A_370 : i32
    %ne3A_372 = arith.constant 0 : i32
    %ne3A_373 = arith.cmpi ne, %rem3A_371, %ne3A_372 : i32
    %lt3A_374 = arith.constant 0 : i32
    %lt3A_375 = arith.cmpi slt, %rem3A_371, %lt3A_374 : i32
    %lt3A_376 = arith.constant 0 : i32
    %lt3A_377 = arith.cmpi slt, %select_n3A_370, %lt3A_376 : i32
    %ne3A_378 = arith.xori %lt3A_375, %lt3A_377 : i1
    %and3A_379 = arith.andi %ne3A_378, %ne3A_373 : i1
    %add3A_380 = arith.addi %rem3A_371, %select_n3A_370 : i32
    %select_n3A_381 = arith.select %and3A_379, %add3A_380, %rem3A_371 : i32
    %mul3A_382 = arith.constant 128 : i32
    %mul3A_383 = arith.muli %select_n3A_381, %mul3A_382 : i32
    %dma_wait3A_384 = arith.constant 0 : i32
    %dma_wait3A_385 = tpu.memref_slice %arg5[%select_n3A_365, %dma_wait3A_384, %mul3A_383] : memref<200x64x4096xf32, #tpu.memory_space<hbm>> -> memref<1x64x128xf32, #tpu.memory_space<hbm>>
    %dma_wait3A_386 = tpu.memref_squeeze %dma_wait3A_385 : memref<1x64x128xf32, #tpu.memory_space<hbm>> -> memref<64x128xf32, #tpu.memory_space<hbm>>
    %dma_wait3A_387 = arith.constant 0 : i32
    %dma_wait3A_388 = tpu.memref_slice %arg5[%select_n3A_365, %dma_wait3A_387, %mul3A_383] : memref<200x64x4096xf32, #tpu.memory_space<hbm>> -> memref<1x64x128xf32, #tpu.memory_space<hbm>>
    %dma_wait3A_389 = tpu.memref_squeeze %dma_wait3A_388 : memref<1x64x128xf32, #tpu.memory_space<hbm>> -> memref<64x128xf32, #tpu.memory_space<hbm>>
    tpu.wait_dma2 semaphore(%arg22 : memref<!tpu.dma_semaphore, #tpu.memory_space<semaphore_mem>>) src(%arg14 : memref<64x128xf32, #tpu.memory_space<vmem>>) dst(%dma_wait3A_389 : memref<64x128xf32, #tpu.memory_space<hbm>>)
    %add3A_390 = arith.constant 200 : i32
    %add3A_391 = arith.addi %mul3A_2, %add3A_390 : i32
    %sub3A_392 = arith.constant 4 : i32
    %sub3A_393 = arith.subi %add3A_391, %sub3A_392 : i32
    %add3A_394 = arith.constant 3 : i32
    %add3A_395 = arith.addi %sub3A_393, %add3A_394 : i32
    %jit3A_396 = arith.constant 32 : i32
    %div3A_397 = arith.divsi %add3A_395, %jit3A_396 : i32
    %sign3A_398 = arith.constant 0 : i32
    %sign3A_399 = arith.cmpi sgt, %add3A_395, %sign3A_398 : i32
    %sign3A_400 = arith.extui %sign3A_399 : i1 to i32
    %sign3A_401 = arith.constant 0 : i32
    %sign3A_402 = arith.cmpi slt, %add3A_395, %sign3A_401 : i32
    %sign3A_403 = arith.extui %sign3A_402 : i1 to i32
    %sign3A_404 = arith.subi %sign3A_400, %sign3A_403 : i32
    %sign3A_405 = arith.constant 0 : i32
    %sign3A_406 = arith.cmpi sgt, %jit3A_396, %sign3A_405 : i32
    %sign3A_407 = arith.extui %sign3A_406 : i1 to i32
    %sign3A_408 = arith.constant 0 : i32
    %sign3A_409 = arith.cmpi slt, %jit3A_396, %sign3A_408 : i32
    %sign3A_410 = arith.extui %sign3A_409 : i1 to i32
    %sign3A_411 = arith.subi %sign3A_407, %sign3A_410 : i32
    %ne3A_412 = arith.cmpi ne, %sign3A_404, %sign3A_411 : i32
    %rem3A_413 = arith.remsi %add3A_395, %jit3A_396 : i32
    %ne3A_414 = arith.constant 0 : i32
    %ne3A_415 = arith.cmpi ne, %rem3A_413, %ne3A_414 : i32
    %and3A_416 = arith.andi %ne3A_412, %ne3A_415 : i1
    %sub3A_417 = arith.constant 1 : i32
    %sub3A_418 = arith.subi %div3A_397, %sub3A_417 : i32
    %select_n3A_419 = arith.select %and3A_416, %sub3A_418, %div3A_397 : i32
    %jit3A_420 = arith.constant 32 : i32
    %eq3A_421 = arith.constant 0 : i32
    %eq3A_422 = arith.cmpi eq, %jit3A_420, %eq3A_421 : i32
    %jit3A_423 = arith.constant 1 : i32
    %select_n3A_424 = arith.select %eq3A_422, %jit3A_423, %jit3A_420 : i32
    %rem3A_425 = arith.remsi %add3A_395, %select_n3A_424 : i32
    %ne3A_426 = arith.constant 0 : i32
    %ne3A_427 = arith.cmpi ne, %rem3A_425, %ne3A_426 : i32
    %lt3A_428 = arith.constant 0 : i32
    %lt3A_429 = arith.cmpi slt, %rem3A_425, %lt3A_428 : i32
    %lt3A_430 = arith.constant 0 : i32
    %lt3A_431 = arith.cmpi slt, %select_n3A_424, %lt3A_430 : i32
    %ne3A_432 = arith.xori %lt3A_429, %lt3A_431 : i1
    %and3A_433 = arith.andi %ne3A_432, %ne3A_427 : i1
    %add3A_434 = arith.addi %rem3A_425, %select_n3A_424 : i32
    %select_n3A_435 = arith.select %and3A_433, %add3A_434, %rem3A_425 : i32
    %mul3A_436 = arith.constant 128 : i32
    %mul3A_437 = arith.muli %select_n3A_435, %mul3A_436 : i32
    %dma_wait3A_438 = arith.constant 0 : i32
    %dma_wait3A_439 = tpu.memref_slice %arg5[%select_n3A_419, %dma_wait3A_438, %mul3A_437] : memref<200x64x4096xf32, #tpu.memory_space<hbm>> -> memref<1x64x128xf32, #tpu.memory_space<hbm>>
    %dma_wait3A_440 = tpu.memref_squeeze %dma_wait3A_439 : memref<1x64x128xf32, #tpu.memory_space<hbm>> -> memref<64x128xf32, #tpu.memory_space<hbm>>
    %dma_wait3A_441 = arith.constant 0 : i32
    %dma_wait3A_442 = tpu.memref_slice %arg5[%select_n3A_419, %dma_wait3A_441, %mul3A_437] : memref<200x64x4096xf32, #tpu.memory_space<hbm>> -> memref<1x64x128xf32, #tpu.memory_space<hbm>>
    %dma_wait3A_443 = tpu.memref_squeeze %dma_wait3A_442 : memref<1x64x128xf32, #tpu.memory_space<hbm>> -> memref<64x128xf32, #tpu.memory_space<hbm>>
    tpu.wait_dma2 semaphore(%arg23 : memref<!tpu.dma_semaphore, #tpu.memory_space<semaphore_mem>>) src(%arg15 : memref<64x128xf32, #tpu.memory_space<vmem>>) dst(%dma_wait3A_443 : memref<64x128xf32, #tpu.memory_space<hbm>>)
    return
  }
}

</mosaic_0001>

<sc_bundles>
// kernel: kernel.3.cloned.1.call-start
scs
__scs_entry_jumppad:
0x0: {  	(pc) =	sbr.rel $0x88, $3  }
0x1: {  	(tag) =	ssettag $0x0;
	lr =	simm.s32 $0x1  }
0x2: {  	[smem:$0x3F9E] =	sst lr;
	_ =	strace $0xD0000000  }
0x3: {  	_ = 	snop  }
0x4: {  	_ = 	snop  }
0x5: {  	_ = 	snop  }
0x6: {  	_ = 	snop  }
0x7: {  	_ = 	snop  }
__scs_overlays_trampoline_lowered:
0x8: {  	[smem:$0x3FAD] =	sst s0  }
0x9: {  	[smem:$0x3FAE] =	sst s1  }
0xa: {  	[smem:$0x3FAF] =	sst s2  }
0xb: {  	[smem:$0x3FB0] =	sst s3  }
0xc: {  	[smem:$0x3FB1] =	sst s4  }
0xd: {  	[smem:$0x3FB2] =	sst s5  }
0xe: {  	[smem:$0x3FB3] =	sst s6  }
0xf: {  	[smem:$0x3FB4] =	sst s7  }
0x10: {  	[smem:$0x3FB5] =	sst s8  }
0x11: {  	[smem:$0x3FB6] =	sst s9;
	s0 =	simm.s32 @!p0 $0x0  }
0x12: {  	s1 =	sld [smem:$0x3F9C];
	s0 =	simm.s32 @p0 $0x1  }
0x13: {  	[smem:$0x3FB7] =	sst s0;
	s0 =	simm.s32 @!p1 $0x0  }
0x14: {  	s2 =	sld [smem:$0x3F9B];
	s0 =	simm.s32 @p1 $0x1  }
0x15: {  	[smem:$0x3FB8] =	sst s0;
	s0 =	simm.s32 @!p2 $0x0  }
0x16: {  	s3 =	sld [smem:$0x3FDB];
	s0 =	simm.s32 @p2 $0x1  }
0x17: {  	s4 =	simm.s32 $0x1BF5;
	[smem:$0x3FBA] =	sst s0  }
0x18: {  	s0 =	sld [smem:$0x3F9D];
	_ =	swait.ge [sflag:s4], $0x0  }
0x19: {  	s7 =	sld [smem:$0x3F9E]  }
0x1a: {  	s8 =	sadd.s32 $0xFFFFE003, lr  }
0x1b: {  	s9 =	sadd.s32 $0xFFFFFEF7, lr;
	s5 =	simm.s32 $0xFFFFFFFF;
	p2 =	slt.u32 s8, $0xFFFFF086  }
0x1c: {  	p1 =	slt.u32 s9, $0xF7A;
	s5 =	simm.s32 @!p2 $0x0  }
0x1d: {  	s5 =	simm.s32 @p1 $0x1;
	p0 =	seq.s32 s7, s2  }
0x1e: {  	s7 =	smul.u32 @!p0 $0xF7A, s2;
	p2 =	seq.s32 @!p0 s5, $0x0  }
0x1f: {  	s9 =	smul.u32 $0xF7A, s1;
	s8 =	simm.s32 @!p0 $0x1BF5;
	p2 =	por !p2, p0  }
0x20: {  	[sflag:s8] =	ssyncset.s32 @!p0 $0xFFFFF086;
	s6 =	sadd.s32 @!p0 s3, s7;
	s7 =	simm.s32 @!p0 $0x108  }
0x21: {  	s3 =	sadd.s32 s3, s9;
	s6 =	sadd.s32 @!p0 $0x88, s6;
	s7 =	simm.s32 @p2 $0x1082  }
0x22: {  	[simem:s7], [sflag:s8] =	dma.local @!p0 [hbm:s6], $0xF7A  }
0x23: {  	s9 =	sor.u32 $0xD0000000, s2;
	s6 =	simm.s32 $0x108;
	_ =	swait.ge @!p0 [sflag:s8], $0x0  }
0x24: {  	s3 =	sadd.s32 $0x88, s3;
	s6 =	simm.s32 @!p1 $0x1082;
	[sflag:s4] =	ssyncset.s32 $0xFFFFF086  }
0x25: {  	[simem:s6], [sflag:s4] =	dma.local [hbm:s3], $0xF7A  }
0x26: {  	[smem:$0x3F9E] =	sst s1;
	(tag) =	ssettag s2;
	_ =	strace s9  }
0x27: {  	s1 =	sld [smem:$0x3FAE]  }
0x28: {  	s2 =	sld [smem:$0x3FAF]  }
0x29: {  	s4 =	sld [smem:$0x3FB1]  }
0x2a: {  	p0 =	seq.s32 s5, $0x0;
	s5 =	sld [smem:$0x3FB2]  }
0x2b: {  	s6 =	sld [smem:$0x3FB3]  }
0x2c: {  	s7 =	sld [smem:$0x3FB4]  }
0x2d: {  	s3 =	simm.s32 $0x108;
	s8 =	sld [smem:$0x3FB5]  }
0x2e: {  	s3 =	simm.s32 @!p0 $0x1082;
	s9 =	sld [smem:$0x3FB6]  }
0x2f: {  	lr =	sadd.s32 s0, s3;
	s0 =	sld [smem:$0x3FAD]  }
0x30: {  	s3 =	sld [smem:$0x3FB0]  }
0x31: {  	[smem:$0x3FB9] =	sst s10  }
0x32: {  	s10 =	sld [smem:$0x3FB7];
	_ =	sdelay $0x3  }
0x33: {  	p0 =	seq.s32 s10, $0x1;
	s10 =	sld [smem:$0x3FB9];
	_ =	sdelay $0x3  }
0x34: {  	[smem:$0x3FB9] =	sst s10  }
0x35: {  	s10 =	sld [smem:$0x3FB8];
	_ =	sdelay $0x3  }
0x36: {  	p1 =	seq.s32 s10, $0x1;
	s10 =	sld [smem:$0x3FB9];
	_ =	sdelay $0x3  }
0x37: {  	[smem:$0x3FB9] =	sst s10  }
0x38: {  	s10 =	sld [smem:$0x3FBA]  }
0x39: {  	_ = 	snop;
	(pc) =	sbr.ind lr, $3  }
0x3a: {  	_ = 	snop  }
0x3b: {  	_ = 	snop  }
0x3c: {  	p2 =	seq.s32 s10, $0x1;
	s10 =	sld [smem:$0x3FB9]  }
0x3d: {  	_ =	shalt  }
0x3e: {  	_ =	shalt  }
0x3f: {  	_ =	shalt  }
0x40: {  	_ =	shalt  }
0x41: {  	_ =	shalt  }
0x42: {  	_ =	shalt  }
0x43: {  	_ =	shalt  }
0x44: {  	_ =	shalt  }
0x45: {  	_ =	shalt  }
0x46: {  	_ =	shalt  }
0x47: {  	_ =	shalt  }
0x48: {  	_ =	shalt  }
0x49: {  	_ =	shalt  }
0x4a: {  	_ =	shalt  }
0x4b: {  	_ =	shalt  }
0x4c: {  	_ =	shalt  }
0x4d: {  	_ =	shalt  }
0x4e: {  	_ =	shalt  }
0x4f: {  	_ =	shalt  }
0x50: {  	_ =	shalt  }
0x51: {  	_ =	shalt  }
0x52: {  	_ =	shalt  }
0x53: {  	_ =	shalt  }
0x54: {  	_ =	shalt  }
0x55: {  	_ =	shalt  }
0x56: {  	_ =	shalt  }
0x57: {  	_ =	shalt  }
0x58: {  	_ =	shalt  }
0x59: {  	_ =	shalt  }
0x5a: {  	_ =	shalt  }
0x5b: {  	_ =	shalt  }
0x5c: {  	_ =	shalt  }
0x5d: {  	_ =	shalt  }
0x5e: {  	_ =	shalt  }
0x5f: {  	_ =	shalt  }
0x60: {  	_ =	shalt  }
0x61: {  	_ =	shalt  }
0x62: {  	_ =	shalt  }
0x63: {  	_ =	shalt  }
0x64: {  	_ =	shalt  }
0x65: {  	_ =	shalt  }
0x66: {  	_ =	shalt  }
0x67: {  	_ =	shalt  }
0x68: {  	_ =	shalt  }
0x69: {  	_ =	shalt  }
0x6a: {  	_ =	shalt  }
0x6b: {  	_ =	shalt  }
0x6c: {  	_ =	shalt  }
0x6d: {  	_ =	shalt  }
0x6e: {  	_ =	shalt  }
0x6f: {  	_ =	shalt  }
0x70: {  	_ =	shalt  }
0x71: {  	_ =	shalt  }
0x72: {  	_ =	shalt  }
0x73: {  	_ =	shalt  }
0x74: {  	_ =	shalt  }
0x75: {  	_ =	shalt  }
0x76: {  	_ =	shalt  }
0x77: {  	_ =	shalt  }
0x78: {  	_ =	shalt  }
0x79: {  	_ =	shalt  }
0x7a: {  	_ =	shalt  }
0x7b: {  	_ =	shalt  }
0x7c: {  	_ =	shalt  }
0x7d: {  	_ =	shalt  }
0x7e: {  	_ =	shalt  }
0x7f: {  	_ =	shalt  }
0x80: {  	_ =	shalt  }
0x81: {  	_ =	shalt  }
0x82: {  	_ =	shalt  }
0x83: {  	_ =	shalt  }
0x84: {  	_ =	shalt  }
0x85: {  	_ =	shalt  }
0x86: {  	_ =	shalt  }
0x87: {  	_ =	shalt  }
.Lfunc_end0:
.L_simem_size_0:
called_computation_lowered:
.L_overlay_start_0:
0x88: {  	s2 =	sld [smem:$0x3FD9]  }
0x89: {  	s3 =	sld [smem:$0x3FFE];
	_ =	sdelay $0x1  }
0x8a: {  	s1 =	srdreg.scid  }
0x8b: {  	s0 =	sand.u32 $0x1, s1  }
0x8c: {  	s18 =	sshll.u32 s0, $0xA;
	s2 =	sadd.s32 s3, s2  }
0x8d: {  	s2 =	sadd.s32 s2, s18  }
0x8e: {  	[smem:$0x3FC5] =	sst s2  }
0x8f: {  	_ = 	snop  }
0x90: {  	s2 =	sld [smem:$0x3FC9]  }
0x91: {  	s19 =	sld [smem:$0x3FC8]  }
0x92: {  	s4 =	sld [smem:$0x3FC7]  }
0x93: {  	s5 =	sld [smem:$0x3FD0];
	(tm) =	ssettm $0x1  }
0x94: {  	s6 =	sld [smem:$0x3FFB];
	_ =	sdelay $0x3  }
0x95: {  	_ =	strace s6  }
0x96: {  	s6 =	sld [smem:$0x3FFC];
	_ =	sdelay $0x3  }
0x97: {  	_ =	strace s6  }
0x98: {  	s6 =	sld [smem:$0x3FFD];
	_ =	sdelay $0x3  }
0x99: {  	_ =	strace s6  }
0x9a: {  	_ =	strace $0x8FFFFFFF  }
0x9b: {  	s20 =	sld [smem:$0x3FDB];
	_ =	sdelay $0x1  }
0x9c: {  	s7 =	simm.s32 $_scs_section_size  }
0x9d: {  	s8 =	simm.s32 $_size__tile_overlayer_lowered;
	s9 =	simm.s32 $_tile_overlayer_lowered  }
0x9e: {  	s23 =	simm.s32 $0x1BFF;
	s22 =	sshll.u32 s9, $0x1;
	s6 =	sadd.s32 s7, s20  }
0x9f: {  	s10 =	simm.s32 $0x0;
	s21 =	sshll.u32 s8, $0x1;
	s8 =	sadd.s32 s22, s6  }
0xa0: {  	[timem:s10], [sflag:s23] =	dma.local [hbm:s8], s21  }
0xa1: {  	_ =	swait.ge [sflag:s23], s21  }
0xa2: {  	s7 =	ssub.s32 $0x0, s21;
	[sflag:s23] =	ssyncset.done $0x0  }
0xa3: {  	[sflag:s23] =	ssyncadd.s32 s7;
	_ =	sdelay $0x1  }
0xa4: {  	s24 =	simm.s32 $0x1B8B  }
0xa5: {  	_ =	swait.ge [sflag:s24], $0x1  }
0xa6: {  	[sflag:s24] =	ssyncset.done $0x0  }
0xa7: {  	s25 =	simm.s32 $0x1B8E;
	[sflag:s24] =	ssyncadd.s32 $0xFFFFFFFF  }
0xa8: {  	s26 =	simm.s32 $execute0_lowered;
	[smem:$0x3FD2] =	sst s25  }
0xa9: {  	s7 =	sshll.u32 s26, $0x1;
	_ =	strace $0x80000046;
	[dreg:$0x1] =	wrdreg $0xFFFFFFFF  }
0xaa: {  	s28 =	simm.s32 $_size_execute0_lowered;
	s6 =	sadd.s32 s6, s7;
	[dreg:$0x0] =	wrdreg $0x0  }
0xab: {  	s7 =	sshll.u32 s28, $0x1;
	[dreg:$0x2] =	wrdreg s6  }
0xac: {  	[dreg:$0x3] =	wrdreg s7  }
0xad: {  	[dreg:$0x4] =	wrdreg $0xC0  }
0xae: {  	_ =	task [dreg:s10], $0x5FFFF  }
0xaf: {  	[dreg:$0x1] =	wrdreg $0xFFFFFFFF  }
0xb0: {  	[dreg:$0x0] =	wrdreg $0x60  }
0xb1: {  	[dreg:$0x2] =	wrdreg s2  }
0xb2: {  	[dreg:$0x3] =	wrdreg s19  }
0xb3: {  	[dreg:$0x4] =	wrdreg s4  }
0xb4: {  	[dreg:$0x5] =	wrdreg s5  }
0xb5: {  	[dreg:$0x6] =	wrdreg $0x9  }
0xb6: {  	_ =	task.clear_ibuf [dreg:s10], $0x7FFFF;
	_ =	strace $0x90000046  }
0xb7: {  	s29 =	simm.s32 $0x9;
	_ =	strace $0x80000048  }
0xb8: {  	_ =	swait.ge [sflag:s29], $0x1  }
0xb9: {  	[sflag:s29] =	ssyncadd.s32 $0xFFFFFFFF  }
0xba: {  	_ =	strace $0x90000048  }
0xbb: {  	_ =	sfence  }
0xbc: {  	s30 =	sld [smem:$0x0];
	_ =	sdelay $0x2  }
0xbd: {  	s31 =	sshll.u32 s1, $0xD;
	s1 =	sshrl.u32 s1, $0x2  }
0xbe: {  	s3 =	sand.u32 $0x4000, s31;
	s1 =	sadd.s32 s1, s30  }
0xbf: {  	s0 =	sor.u32 s3, s0;
	s1 =	sshll.u32 s1, $0x11  }
0xc0: {  	s0 =	sor.u32 s1, s0  }
0xc1: {  	s0 =	sadd.s32 $0x8F2B, s0  }
0xc2: {  	[sflag:s0] =	ssyncadd.remote.s32 $0x1  }
0xc3: {  	_ =	sfence.sel $0xFFFF  }
0xc4: {  	[dreg:$0x0] =	wrdreg $0xFFFFFFFF;
	(pc) =	sbr.abs _section_cstart, $3  }
0xc5: {  	[dreg:$0x1] =	wrdreg $0xFFFFFFFF  }
0xc6: {  	_ =	task.clear_ibuf [dreg:s10], $0x2FFFF;
	_ =	strace $0x9FFFFFFF  }
0xc7: {  	(tm) =	ssettm $0x7FFFFFFF  }
tec
execute0_lowered:
.L_overlay_start_1:
0x0: {  	(tag) =	ssettag $0x1  }
0x1: {  	s0 =	srdreg.scid  }
0x2: {  	s1 =	stileid.u32;
	s5 =	rddreg [dreg:$0x3];
	s6 =	simm.s32 $0x0  }
0x3: {  	s14 =	simm.s32 $0x80;
	s15 =	simm.s32 $0x400;
	s16 =	simm.s32 $0x8000  }
0x4: {  	s17 =	simm.s32 $0x100;
	s18 =	simm.s32 $0x2100;
	s19 =	simm.s32 $0x4100  }
0x5: {  	s20 =	simm.s32 $0x6100;
	s0 =	sand.u32 $0x1, s0;
	s2 =	sshll.u32 s1, $0x1  }
0x6: {  	s21 =	simm.s32 $0x1;
	s22 =	simm.s32 $0x8100;
	s2 =	sor.u32 s0, s2  }
0x7: {  	s28 =	simm.s32 $0x7;
	s29 =	simm.s32 $0xC100;
	s3 =	smul.u32 $0x190000, s2  }
0x8: {  	s30 =	simm.s32 $0x4;
	s0 =	ssub.s32 $0x2, s0;
	s4 =	sshll.u32 s2, $0xD  }
0x9: {  	s31 =	simm.s32 $0x8;
	s23 =	sshrl.u32 s0, $0x1;
	s3 =	sor.u32 s4, s3  }
0xa: {  	s1 =	rddreg [dreg:$0x0];
	s0 =	ssub.s32 s0, s23;
	s3 =	sand.u32 $0x3FC6000, s3  }
0xb: {  	[smem:$0x7FF] =	sst s6;
	s0 =	smax.u32 s0, $0x1;
	s3 =	sshrl.u32 s3, $0x3  }
0xc: {  	_ =	strace $0x80000047;
	[dreg:$0x9] =	wrdreg s0;
	s3 =	sadd.s32 s1, s3  }
.Ltmp0:
0xd: {  	s24 =	sadd.s32 $0x80, s3;
	[dreg:$0x5] =	wrdreg s3;
	(pc) =	sbr.rel .LBB2_1-.Ltmp0, $4  }
0xe: {  	v0 =	vlaneseq.u32;
	s8 =	smul.u32 $0xC8, s2;
	s25 =	sadd.s32 $0x100, s3;
	[dreg:$0x6] =	wrdreg s24  }
0xf: {  	v1 =	vor.u32 $0x10, v0;
	s2 =	simm.s32 $0xE100;
	s26 =	sadd.s32 $0x180, s3;
	[dreg:$0x7] =	wrdreg s25  }
0x10: {  	v2 =	vor.u32 $0x20, v0;
	v3 =	vor.u32 $0x30, v0;
	v4 =	vor.u32 $0x40, v0;
	s23 =	simm.s32 $0x2;
	s3 =	simm.s32 $0x0;
	[dreg:$0x8] =	wrdreg s26  }
0x11: {  	v5 =	vor.u32 $0x50, v0;
	v6 =	vor.u32 $0x60, v0;
	v7 =	vor.u32 $0x70, v0;
	s24 =	simm.s32 $0x6;
	s25 =	simm.s32 $0xA100;
	s26 =	simm.s32 $0x3  }
.LBB2_24:
0x12: {  	s0 =	simm.s32 $0x5  }
0x13: {  	_ =	swait.ge [sflag:s0], $0x2000  }
0x14: {  	[sflag:s0] =	ssyncset.done $0x0  }
0x15: {  	[sflag:s0] =	ssyncadd.s32 $0xFFFFE000  }
0x16: {  	_ =	swait.ge [sflag:s24], $0x2000  }
0x17: {  	[sflag:s24] =	ssyncset.done $0x0  }
0x18: {  	[sflag:s24] =	ssyncadd.s32 $0xFFFFE000  }
0x19: {  	_ =	swait.ge [sflag:s28], $0x2000  }
0x1a: {  	[sflag:s28] =	ssyncset.done $0x0  }
0x1b: {  	[sflag:s28] =	ssyncadd.s32 $0xFFFFE000  }
0x1c: {  	_ =	swait.ge [sflag:s31], $0x2000  }
0x1d: {  	s3 =	rddreg [dreg:$0xa]  }
0x1e: {  	s13 =	rddreg [dreg:$0x9];
	s3 =	sadd.s32 $0x1, s3  }
0x1f: {  	p0 =	sne.s32 s3, s13  }
.Ltmp1:
0x20: {  	_ = 	snop;
	(pc) =	sbr.rel @!p0 .LBB2_25-.Ltmp1, $3  }
0x21: {  	_ =	sdelay $0x1  }
0x22: {  	[sflag:s31] =	ssyncset.done $0x0  }
0x23: {  	[sflag:s31] =	ssyncadd.s32 $0xFFFFE000  }
.LBB2_1:
0x24: {  	[dreg:$0xa] =	wrdreg s3  }
0x25: {  	s0 =	rddreg [dreg:$0x1];
	s7 =	simm.s32 $0x9  }
0x26: {  	[tilespmem:s6], [sflag:$0x9] =	stream.linear.gather [hbm4b:s0+s6], $0x80, $0x38;
	[tilespmem:$0x10100] =	vst v63  }
0x27: {  	_ =	swait.ge [sflag:s7], $0x80  }
0x28: {  	[sflag:s7] =	ssyncset.done $0x0  }
0x29: {  	[sflag:s7] =	ssyncadd.s32 $0xFFFFFF80  }
0x2a: {  	s9 =	rddreg [dreg:$0x2]  }
0x2b: {  	[tilespmem:s14], [sflag:$0x9] =	stream.linear.gather [hbm4b:s9+s6], $0x80, $0x38;
	[tilespmem:$0x10100] =	vst v63  }
0x2c: {  	_ =	swait.ge [sflag:s7], $0x80  }
0x2d: {  	[sflag:s7] =	ssyncset.done $0x0  }
0x2e: {  	s10 =	rddreg [dreg:$0x5];
	[sflag:s7] =	ssyncadd.s32 $0xFFFFFF80  }
0x2f: {  	[tilespmem:s17], [sflag:$0x1] =	stream.strided.gather [hbm4b:s10+s15], $0x2000, s16, s15, $0x38;
	[tilespmem:$0x10100] =	vst v63  }
0x30: {  	s11 =	rddreg [dreg:$0x6]  }
0x31: {  	[tilespmem:s18], [sflag:$0x2] =	stream.strided.gather [hbm4b:s11+s15], $0x2000, s16, s15, $0x38;
	[tilespmem:$0x10100] =	vst v63  }
0x32: {  	s12 =	rddreg [dreg:$0x7]  }
0x33: {  	[tilespmem:s19], [sflag:$0x3] =	stream.strided.gather [hbm4b:s12+s15], $0x2000, s16, s15, $0x38;
	[tilespmem:$0x10100] =	vst v63  }
0x34: {  	s4 =	simm.s32 $0x0;
	s13 =	rddreg [dreg:$0x8]  }
0x35: {  	[tilespmem:s20], [sflag:$0x4] =	stream.strided.gather [hbm4b:s13+s15], $0x2000, s16, s15, $0x38;
	[tilespmem:$0x10100] =	vst v63  }
.LBB2_2:
0x36: {  	s0 =	simm.s32 $0x0  }
0x37: {  	_ =	swait.ge [sflag:s21], $0x2000;
	s7 =	simm.s32 $0x7;
	v8 =	vmov s0  }
0x38: {  	p0 =	seq.s32 s4, $0x0;
	s9 =	simm.s32 $0x1;
	[sflag:s21] =	ssyncset.done $0x0;
	v10 =	vmov s7;
	v8 =	vand.u32 $0xFFFFFFF8, v8  }
0x39: {  	s10 =	simm.s32 $0x6;
	s7 =	simm.s32 @!p0 $0x5;
	v9 =	vmov s9;
	[sflag:s21] =	ssyncadd.s32 $0xFFFFE000;
	v8 =	vbroadcast v8, $0x0  }
0x3a: {  	v11 =	vmov s10;
	v9 =	vand.u32 $0xFFFFFFF9, v9;
	_ =	swait.ge @!p0 [sflag:s7], $0x2000  }
0x3b: {  	s9 =	simm.s32 $0x2;
	v11 =	vand.u32 $0xFFFFFFFE, v11;
	v12 =	vbroadcast v9, $0x0;
	[sflag:s7] =	ssyncset.done @!p0 $0x0  }
0x3c: {  	s11 =	simm.s32 $0x3;
	v9 =	vmov s9;
	v11 =	vbroadcast v11, $0x0;
	[sflag:s7] =	ssyncadd.s32 @!p0 $0xFFFFE000  }
0x3d: {  	s12 =	simm.s32 $0x4;
	v14 =	vmov s11;
	v13 =	vand.u32 $0xFFFFFFFA, v9;
	v9 =	vld.idx.msk [tilespmem:v10+s14+$0x0], $0xffff  }
0x3e: {  	s13 =	simm.s32 $0x5;
	v15 =	vbroadcast v13, $0x0;
	v13 =	vand.u32 $0xFFFFFFFB, v14;
	v14 =	vmov s12;
	v18 =	vld.idx.msk [tilespmem:v10+s6+$0x0], $0xffff  }
0x3f: {  	v17 =	vbroadcast v13, $0x0;
	v13 =	vmov s13;
	v14 =	vand.u32 $0xFFFFFFFC, v14;
	v10 =	vld.idx.msk [tilespmem:v8+s14+$0x0], $0xffff  }
0x40: {  	v13 =	vand.u32 $0xFFFFFFFD, v13;
	v19 =	vbroadcast v14, $0x0;
	v8 =	vld.idx.msk [tilespmem:v8+s6+$0x0], $0xffff  }
0x41: {  	v20 =	vbroadcast v13, $0x0;
	v14 =	vld.idx.msk [tilespmem:v12+s6+$0x0], $0xffff  }
0x42: {  	v16 =	vld.idx.msk [tilespmem:v11+s6+$0x0], $0xffff  }
0x43: {  	v13 =	vld.idx.msk [tilespmem:v12+s14+$0x0], $0xffff  }
0x44: {  	v21 =	vld.idx.msk [tilespmem:v15+s6+$0x0], $0xffff  }
0x45: {  	v22 =	vld.idx.msk [tilespmem:v17+s6+$0x0], $0xffff  }
0x46: {  	v25 =	vld.idx.msk [tilespmem:v19+s6+$0x0], $0xffff  }
0x47: {  	v26 =	vld.idx.msk [tilespmem:v20+s6+$0x0], $0xffff;
	v28 =	vshll.u32 v16, $0x7  }
0x48: {  	v27 =	vshll.u32 v14, $0x7;
	v16 =	vld.idx.msk [tilespmem:v15+s14+$0x0], $0xffff;
	v29 =	vor.u32 v0, v28  }
0x49: {  	v14 =	vld.idx.msk [tilespmem:v17+s14+$0x0], $0xffff;
	v30 =	vor.u32 v0, v27;
	v24 =	vshll.u32 v21, $0x7  }
0x4a: {  	v15 =	vld.idx.msk [tilespmem:v19+s14+$0x0], $0xffff;
	v21 =	vor.u32 v0, v24;
	v23 =	vshll.u32 v22, $0x7  }
0x4b: {  	v12 =	vld.idx.msk [tilespmem:v20+s14+$0x0], $0xffff;
	v31 =	vor.u32 v0, v23;
	v22 =	vshll.u32 v25, $0x7  }
0x4c: {  	v17 =	vld.idx.msk [tilespmem:v11+s14+$0x0], $0xffff;
	v20 =	vshll.u32 v8, $0x7;
	v25 =	vor.u32 v0, v22  }
0x4d: {  	v19 =	vshll.u32 v26, $0x7;
	v26 =	vor.u32 v0, v20;
	v11 =	vld.idx.msk [tilespmem:v29+s17+$0x0], $0xffff  }
0x4e: {  	v18 =	vshll.u32 v18, $0x7;
	v8 =	vor.u32 v0, v19;
	v29 =	vld.idx.msk [tilespmem:v30+s17+$0x0], $0xffff  }
0x4f: {  	s3 =	simm.s32 $0xF;
	v30 =	vor.u32 v0, v18;
	v21 =	vld.idx.msk [tilespmem:v21+s17+$0x0], $0xffff  }
0x50: {  	v32 =	vmov s3;
	v31 =	vld.idx.msk [tilespmem:v31+s17+$0x0], $0xffff  }
0x51: {  	v33 =	vor.u32 v1, v28;
	v25 =	vld.idx.msk [tilespmem:v25+s17+$0x0], $0xffff  }
0x52: {  	v34 =	vor.u32 v1, v27;
	v26 =	vld.idx.msk [tilespmem:v26+s17+$0x0], $0xffff  }
0x53: {  	v36 =	vor.u32 v1, v24;
	v35 =	vld.idx.msk [tilespmem:v8+s17+$0x0], $0xffff;
	v11 =	vmul.f32 v11, v17  }
0x54: {  	s10 =	simm.s32 $0x8300;
	v37 =	vor.u32 v1, v23;
	v29 =	vmul.f32 v29, v13;
	v30 =	vld.idx.msk [tilespmem:v30+s17+$0x0], $0xffff  }
0x55: {  	v38 =	vor.u32 v1, v22;
	v8 =	vld.idx.msk [tilespmem:v32+s14+$0x0], $0xffff;
	v21 =	vmul.f32 v21, v16;
	[tilespmem:s10+$0x100] =	vst v11  }
0x56: {  	v50 =	vor.u32 v1, v20;
	[tilespmem:s10+$0xFFFFFE80] =	vst v29;
	v11 =	vmul.f32 v31, v14;
	v31 =	vld.idx.msk [tilespmem:v33+s17+$0x0], $0xffff  }
0x57: {  	v29 =	vor.u32 v1, v19;
	v34 =	vld.idx.msk [tilespmem:v34+s17+$0x0], $0xffff;
	[tilespmem:s10+$0xFFFFFF00] =	vst v21;
	v21 =	vmul.f32 v25, v15  }
0x58: {  	v26 =	vmul.f32 v26, v10;
	v25 =	vld.idx.msk [tilespmem:v36+s17+$0x0], $0xffff;
	[tilespmem:s10+$0xFFFFFF80] =	vst v11  }
0x59: {  	v51 =	vor.u32 v1, v18;
	v11 =	vmul.f32 v35, v12;
	v52 =	vld.idx.msk [tilespmem:v37+s17+$0x0], $0xffff;
	[tilespmem:s10+$0x0] =	vst v21  }
0x5a: {  	[tilespmem:s10+$0xFFFFFE00] =	vst v26;
	v26 =	vor.u32 v2, v27;
	v53 =	vld.idx.msk [tilespmem:v38+s17+$0x0], $0xffff  }
0x5b: {  	v21 =	vmul.f32 v30, v9;
	[tilespmem:s10+$0x80] =	vst v11;
	v11 =	vor.u32 v2, v28;
	v30 =	vld.idx.msk [tilespmem:v50+s17+$0x0], $0xffff  }
0x5c: {  	v54 =	vor.u32 v2, v24;
	v29 =	vld.idx.msk [tilespmem:v29+s17+$0x0], $0xffff;
	v34 =	vmul.f32 v34, v13  }
0x5d: {  	v55 =	vor.u32 v2, v23;
	v31 =	vmul.f32 v31, v17;
	[tilespmem:s10+$0x180] =	vst v21;
	v21 =	vld.idx.msk [tilespmem:v32+s6+$0x0], $0xffff  }
0x5e: {  	s11 =	simm.s32 $0x8;
	v56 =	vor.u32 v2, v22;
	v35 =	vld.idx.msk [tilespmem:v51+s17+$0x0], $0xffff;
	v25 =	vmul.f32 v25, v16;
	[tilespmem:s10+$0xFFFFFE90] =	vst v34  }
0x5f: {  	v39 =	vor.u32 v2, v20;
	[tilespmem:s10+$0x110] =	vst v31;
	v31 =	vmov s11;
	v57 =	vmul.f32 v52, v14;
	v26 =	vld.idx.msk [tilespmem:v26+s17+$0x0], $0xffff  }
0x60: {  	v58 =	vor.u32 v2, v19;
	v31 =	vand.u32 $0xFFFFFFF8, v31;
	v11 =	vld.idx.msk [tilespmem:v11+s17+$0x0], $0xffff;
	[tilespmem:s10+$0xFFFFFF10] =	vst v25;
	v25 =	vmul.f32 v53, v15  }
0x61: {  	v59 =	vor.u32 v2, v18;
	v31 =	vbroadcast v31, $0x0;
	v30 =	vmul.f32 v30, v10;
	v33 =	vld.idx.msk [tilespmem:v54+s17+$0x0], $0xffff;
	[tilespmem:s10+$0xFFFFFF90] =	vst v57  }
0x62: {  	v29 =	vmul.f32 v29, v12;
	v60 =	vld.idx.msk [tilespmem:v55+s17+$0x0], $0xffff;
	[tilespmem:s10+$0x10] =	vst v25  }
0x63: {  	v61 =	vmul.f32 v35, v9;
	[tilespmem:s10+$0xFFFFFE10] =	vst v30;
	v30 =	vor.u32 v3, v27;
	v25 =	vld.idx.msk [tilespmem:v56+s17+$0x0], $0xffff  }
0x64: {  	[tilespmem:s10+$0x90] =	vst v29;
	v29 =	vor.u32 v3, v28;
	v63 =	vld.idx.msk [tilespmem:v39+s17+$0x0], $0xffff  }
0x65: {  	v44 =	vor.u32 v3, v24;
	v62 =	vld.idx.msk [tilespmem:v58+s17+$0x0], $0xffff;
	[tilespmem:s10+$0x190] =	vst v61;
	v26 =	vmul.f32 v26, v13  }
0x66: {  	v46 =	vor.u32 v3, v23;
	v45 =	vmul.f32 v11, v17;
	v34 =	vld.idx.msk [tilespmem:v59+s17+$0x0], $0xffff  }
0x67: {  	v40 =	vor.u32 v3, v22;
	v11 =	vld.idx.msk [tilespmem:v31+s14+$0x0], $0xffff;
	v33 =	vmul.f32 v33, v16;
	[tilespmem:s10+$0xFFFFFEA0] =	vst v26  }
0x68: {  	v48 =	vor.u32 v3, v20;
	[tilespmem:s10+$0x120] =	vst v45;
	v26 =	vmul.f32 v60, v14;
	v30 =	vld.idx.msk [tilespmem:v30+s17+$0x0], $0xffff  }
0x69: {  	v47 =	vor.u32 v3, v19;
	v29 =	vld.idx.msk [tilespmem:v29+s17+$0x0], $0xffff;
	[tilespmem:s10+$0xFFFFFF20] =	vst v33;
	v25 =	vmul.f32 v25, v15  }
0x6a: {  	v36 =	vmul.f32 v63, v10;
	v33 =	vld.idx.msk [tilespmem:v44+s17+$0x0], $0xffff;
	[tilespmem:s10+$0xFFFFFFA0] =	vst v26  }
0x6b: {  	v49 =	vor.u32 v3, v18;
	v26 =	vmul.f32 v62, v12;
	v32 =	vld.idx.msk [tilespmem:v46+s17+$0x0], $0xffff;
	[tilespmem:s10+$0x20] =	vst v25  }
0x6c: {  	v51 =	vor.u32 v4, v27;
	[tilespmem:s10+$0xFFFFFE20] =	vst v36;
	v50 =	vld.idx.msk [tilespmem:v40+s17+$0x0], $0xffff  }
0x6d: {  	v25 =	vmul.f32 v34, v9;
	[tilespmem:s10+$0xA0] =	vst v26;
	v26 =	vor.u32 v4, v28;
	v53 =	vld.idx.msk [tilespmem:v48+s17+$0x0], $0xffff  }
0x6e: {  	v54 =	vor.u32 v4, v24;
	v52 =	vld.idx.msk [tilespmem:v47+s17+$0x0], $0xffff;
	v30 =	vmul.f32 v30, v13  }
0x6f: {  	v55 =	vor.u32 v4, v23;
	[tilespmem:s10+$0x1A0] =	vst v25;
	v25 =	vld.idx.msk [tilespmem:v31+s6+$0x0], $0xffff;
	v29 =	vmul.f32 v29, v17  }
0x70: {  	s7 =	simm.s32 $0x9;
	v56 =	vor.u32 v4, v22;
	v35 =	vld.idx.msk [tilespmem:v49+s17+$0x0], $0xffff;
	v31 =	vmul.f32 v33, v16;
	[tilespmem:s10+$0xFFFFFEB0] =	vst v30  }
0x71: {  	v57 =	vor.u32 v4, v19;
	[tilespmem:s10+$0x130] =	vst v29;
	v29 =	vmov s7;
	v30 =	vmul.f32 v32, v14;
	v34 =	vld.idx.msk [tilespmem:v51+s17+$0x0], $0xffff  }
0x72: {  	v41 =	vld.idx.msk [tilespmem:v26+s17+$0x0], $0xffff;
	v26 =	vand.u32 $0xFFFFFFF9, v29;
	v29 =	vor.u32 v4, v20;
	[tilespmem:s10+$0xFFFFFF30] =	vst v31;
	v31 =	vmul.f32 v50, v15  }
0x73: {  	v59 =	vor.u32 v4, v18;
	v26 =	vbroadcast v26, $0x0;
	v58 =	vld.idx.msk [tilespmem:v54+s17+$0x0], $0xffff;
	[tilespmem:s10+$0xFFFFFFB0] =	vst v30;
	v30 =	vmul.f32 v52, v12  }
0x74: {  	v37 =	vmul.f32 v53, v10;
	v60 =	vld.idx.msk [tilespmem:v55+s17+$0x0], $0xffff;
	[tilespmem:s10+$0x30] =	vst v31  }
0x75: {  	v62 =	vor.u32 v5, v27;
	v61 =	vmul.f32 v35, v9;
	v31 =	vld.idx.msk [tilespmem:v56+s17+$0x0], $0xffff;
	[tilespmem:s10+$0xB0] =	vst v30  }
0x76: {  	[tilespmem:s10+$0xFFFFFE30] =	vst v37;
	v30 =	vor.u32 v5, v28;
	v32 =	vld.idx.msk [tilespmem:v57+s17+$0x0], $0xffff  }
0x77: {  	v63 =	vor.u32 v5, v24;
	[tilespmem:s10+$0x1B0] =	vst v61;
	v45 =	vmul.f32 v34, v13;
	v37 =	vld.idx.msk [tilespmem:v29+s17+$0x0], $0xffff  }
0x78: {  	v46 =	vor.u32 v5, v23;
	v41 =	vmul.f32 v41, v17;
	v36 =	vld.idx.msk [tilespmem:v59+s17+$0x0], $0xffff  }
0x79: {  	s9 =	simm.s32 $0xA;
	v42 =	vor.u32 v5, v22;
	v38 =	vmul.f32 v58, v16;
	[tilespmem:s10+$0xFFFFFEC0] =	vst v45;
	v29 =	vld.idx.msk [tilespmem:v26+s6+$0x0], $0xffff  }
0x7a: {  	v47 =	vmov s9;
	v49 =	vor.u32 v5, v19;
	[tilespmem:s10+$0x140] =	vst v41;
	v48 =	vmul.f32 v60, v14;
	v35 =	vld.idx.msk [tilespmem:v62+s17+$0x0], $0xffff  }
0x7b: {  	v50 =	vor.u32 v5, v20;
	v43 =	vld.idx.msk [tilespmem:v30+s17+$0x0], $0xffff;
	v30 =	vand.u32 $0xFFFFFFFA, v47;
	[tilespmem:s10+$0xFFFFFF40] =	vst v38;
	v31 =	vmul.f32 v31, v15  }
0x7c: {  	v51 =	vor.u32 v5, v18;
	v30 =	vbroadcast v30, $0x0;
	v38 =	vld.idx.msk [tilespmem:v63+s17+$0x0], $0xffff;
	[tilespmem:s10+$0xFFFFFFC0] =	vst v48;
	v32 =	vmul.f32 v32, v12  }
0x7d: {  	v37 =	vmul.f32 v37, v10;
	v34 =	vld.idx.msk [tilespmem:v46+s17+$0x0], $0xffff;
	[tilespmem:s10+$0x40] =	vst v31  }
0x7e: {  	v54 =	vor.u32 v6, v27;
	v31 =	vmul.f32 v36, v9;
	v52 =	vld.idx.msk [tilespmem:v42+s17+$0x0], $0xffff;
	[tilespmem:s10+$0xC0] =	vst v32  }
0x7f: {  	v53 =	vor.u32 v6, v28;
	[tilespmem:s10+$0xFFFFFE40] =	vst v37;
	v39 =	vld.idx.msk [tilespmem:v49+s17+$0x0], $0xffff  }
0x80: {  	[tilespmem:s10+$0x1C0] =	vst v31;
	v35 =	vmul.f32 v35, v13;
	v41 =	vld.idx.msk [tilespmem:v50+s17+$0x0], $0xffff  }
0x81: {  	v55 =	vor.u32 v6, v24;
	v56 =	vmul.f32 v43, v17;
	v44 =	vld.idx.msk [tilespmem:v51+s17+$0x0], $0xffff  }
0x82: {  	s12 =	simm.s32 $0xB;
	v57 =	vor.u32 v6, v23;
	[tilespmem:s10+$0xFFFFFED0] =	vst v35;
	v31 =	vld.idx.msk [tilespmem:v30+s6+$0x0], $0xffff  }
0x83: {  	v59 =	vor.u32 v6, v22;
	v62 =	vmov s12;
	v58 =	vmul.f32 v38, v16;
	[tilespmem:s10+$0x150] =	vst v56;
	v36 =	vld.idx.msk [tilespmem:v54+s17+$0x0], $0xffff  }
0x84: {  	v45 =	vor.u32 v6, v19;
	v63 =	vand.u32 $0xFFFFFFFB, v62;
	v34 =	vmul.f32 v34, v14;
	v37 =	vld.idx.msk [tilespmem:v53+s17+$0x0], $0xffff  }
0x85: {  	[tilespmem:s10+$0xFFFFFF50] =	vst v58;
	v60 =	vmul.f32 v52, v15;
	v61 =	vmul.f32 v39, v12;
	v39 =	vor.u32 v6, v20  }
0x86: {  	v40 =	vor.u32 v6, v18;
	v32 =	vbroadcast v63, $0x0;
	v35 =	vld.idx.msk [tilespmem:v55+s17+$0x0], $0xffff;
	[tilespmem:s10+$0xFFFFFFD0] =	vst v34  }
0x87: {  	v46 =	vmul.f32 v41, v10;
	v34 =	vld.idx.msk [tilespmem:v57+s17+$0x0], $0xffff;
	[tilespmem:s10+$0x50] =	vst v60  }
0x88: {  	s13 =	sshll.u32 s4, $0x2;
	v28 =	vor.u32 v7, v28;
	v41 =	vmul.f32 v44, v9;
	v33 =	vld.idx.msk [tilespmem:v59+s17+$0x0], $0xffff;
	[tilespmem:s10+$0xD0] =	vst v61  }
0x89: {  	s0 =	simm.s32 $0xE;
	s9 =	sadd.s32 s8, s13;
	s7 =	simm.s32 $0x10;
	v38 =	vor.u32 v7, v27;
	[tilespmem:s10+$0xFFFFFE50] =	vst v46;
	v27 =	vld.idx.msk [tilespmem:v45+s17+$0x0], $0xffff  }
.LBB2_3:
0x8a: {  	p1 =	slt.u32 s7, $0x38;
	v42 =	vmov s0;
	v39 =	vld.idx.msk [tilespmem:v39+s17+$0x0], $0xffff;
	v24 =	vor.u32 v7, v24;
	v37 =	vmul.f32 v37, v17;
	[tilespmem:s10+$0x1D0] =	vst v41  }
0x8b: {  	v36 =	vmul.f32 v36, v13;
	v23 =	vor.u32 v7, v23;
	v41 =	vand.u32 $0xFFFFFFFE, v42;
	v40 =	vld.idx.msk [tilespmem:v40+s17+$0x0], $0xffff  }
0x8c: {  	s0 =	sadd.s32 $0x4, s11;
	s12 =	sadd.s32 $0x5, s11;
	v22 =	vor.u32 v7, v22;
	s11 =	smov.u32 s7;
	v35 =	vmul.f32 v35, v16;
	v42 =	vld.idx.msk [tilespmem:v32+s6+$0x0], $0xffff;
	v41 =	vbroadcast v41, $0x0;
	[tilespmem:s10+$0x160] =	vst v37  }
0x8d: {  	v43 =	vmov s12;
	v37 =	vmov s0;
	v34 =	vmul.f32 v34, v14;
	[tilespmem:s10+$0xFFFFFEE0] =	vst v36;
	v28 =	vld.idx.msk [tilespmem:v28+s17+$0x0], $0xffff  }
0x8e: {  	v19 =	vor.u32 v7, v19;
	v36 =	vand.u32 $0xFFFFFFFC, v37;
	v33 =	vmul.f32 v33, v15;
	v37 =	vld.idx.msk [tilespmem:v38+s17+$0x0], $0xffff;
	[tilespmem:s10+$0xFFFFFF60] =	vst v35  }
0x8f: {  	v20 =	vor.u32 v7, v20;
	v35 =	vand.u32 $0xFFFFFFFD, v43;
	v27 =	vmul.f32 v27, v12;
	v24 =	vld.idx.msk [tilespmem:v24+s17+$0x0], $0xffff;
	[tilespmem:s10+$0xFFFFFFE0] =	vst v34  }
0x90: {  	v18 =	vor.u32 v7, v18;
	v34 =	vbroadcast v36, $0x0;
	v36 =	vmul.f32 v39, v10;
	v23 =	vld.idx.msk [tilespmem:v23+s17+$0x0], $0xffff;
	[tilespmem:s10+$0x60] =	vst v33  }
0x91: {  	v33 =	vbroadcast v35, $0x0;
	v22 =	vld.idx.msk [tilespmem:v22+s17+$0x0], $0xffff;
	[tilespmem:s10+$0xE0] =	vst v27;
	v27 =	vmul.f32 v40, v9  }
0x92: {  	v35 =	vld.idx.msk [tilespmem:v41+s6+$0x0], $0xffff;
	[tilespmem:s10+$0xFFFFFE60] =	vst v36  }
0x93: {  	v17 =	vmul.f32 v28, v17;
	v19 =	vld.idx.msk [tilespmem:v19+s17+$0x0], $0xffff;
	[tilespmem:s10+$0x1E0] =	vst v27  }
0x94: {  	v13 =	vmul.f32 v37, v13;
	v20 =	vld.idx.msk [tilespmem:v20+s17+$0x0], $0xffff  }
0x95: {  	v16 =	vmul.f32 v24, v16;
	[tilespmem:s10+$0x170] =	vst v17;
	v17 =	vld.idx.msk [tilespmem:v18+s17+$0x0], $0xffff  }
0x96: {  	v14 =	vmul.f32 v23, v14;
	v18 =	vld.idx.msk [tilespmem:v34+s6+$0x0], $0xffff;
	[tilespmem:s10+$0xFFFFFEF0] =	vst v13  }
0x97: {  	v15 =	vmul.f32 v22, v15;
	v36 =	vld.idx.msk [tilespmem:v33+s6+$0x0], $0xffff;
	[tilespmem:s10+$0xFFFFFF70] =	vst v16  }
0x98: {  	v28 =	vshll.u32 v35, $0x7;
	v13 =	vld.idx.msk [tilespmem:v26+s14+$0x0], $0xffff;
	[tilespmem:s10+$0xFFFFFFF0] =	vst v14  }
0x99: {  	v27 =	vshll.u32 v29, $0x7;
	v26 =	vor.u32 v0, v28;
	v12 =	vmul.f32 v19, v12;
	v16 =	vld.idx.msk [tilespmem:v30+s14+$0x0], $0xffff;
	[tilespmem:s10+$0x70] =	vst v15  }
0x9a: {  	v29 =	vor.u32 v0, v27;
	v24 =	vshll.u32 v31, $0x7;
	v19 =	vmul.f32 v20, v10;
	v10 =	vmovc v11;
	v14 =	vld.idx.msk [tilespmem:v32+s14+$0x0], $0xffff  }
0x9b: {  	v23 =	vshll.u32 v42, $0x7;
	v11 =	vor.u32 v0, v24;
	v20 =	vmul.f32 v17, v9;
	v15 =	vld.idx.msk [tilespmem:v34+s14+$0x0], $0xffff;
	[tilespmem:s10+$0xF0] =	vst v12  }
0x9c: {  	v30 =	vor.u32 v0, v23;
	v9 =	vmov v8;
	v22 =	vshll.u32 v18, $0x7;
	v12 =	vld.idx.msk [tilespmem:v33+s14+$0x0], $0xffff;
	[tilespmem:s10+$0xFFFFFE70] =	vst v19  }
0x9d: {  	v8 =	vor.u32 v0, v22;
	v19 =	vshll.u32 v36, $0x7;
	v17 =	vld.idx.msk [tilespmem:v41+s14+$0x0], $0xffff;
	[tilespmem:s10+$0x1F0] =	vst v20  }
0x9e: {  	v20 =	vshll.u32 v25, $0x7;
	v25 =	vor.u32 v0, v19;
	v26 =	vld.idx.msk [tilespmem:v26+s17+$0x0], $0xffff  }
0x9f: {  	v18 =	vshll.u32 v21, $0x7;
	v31 =	vor.u32 v0, v20;
	v29 =	vld.idx.msk [tilespmem:v29+s17+$0x0], $0xffff  }
0xa0: {  	s0 =	sadd.s32 $0x7, s7;
	v21 =	vor.u32 v0, v18;
	v11 =	vld.idx.msk [tilespmem:v11+s17+$0x0], $0xffff  }
0xa1: {  	v32 =	vmov s0;
	v30 =	vld.idx.msk [tilespmem:v30+s17+$0x0], $0xffff  }
0xa2: {  	v34 =	vor.u32 v1, v28;
	v33 =	vld.idx.msk [tilespmem:v8+s17+$0x0], $0xffff  }
0xa3: {  	v35 =	vor.u32 v1, v27;
	v25 =	vld.idx.msk [tilespmem:v25+s17+$0x0], $0xffff  }
0xa4: {  	v36 =	vor.u32 v1, v24;
	v26 =	vmul.f32 v26, v17;
	v31 =	vld.idx.msk [tilespmem:v31+s17+$0x0], $0xffff  }
0xa5: {  	v37 =	vor.u32 v1, v23;
	s10 =	sadd.s32 $0x400, s10;
	v29 =	vmul.f32 v29, v13;
	v21 =	vld.idx.msk [tilespmem:v21+s17+$0x0], $0xffff  }
0xa6: {  	v38 =	vor.u32 v1, v22;
	v11 =	vmul.f32 v11, v16;
	v8 =	vld.idx.msk [tilespmem:v32+s14+$0x0], $0xffff;
	[tilespmem:s10+$0x100] =	vst v26  }
0xa7: {  	v26 =	vmul.f32 v30, v14;
	[tilespmem:s10+$0xFFFFFE80] =	vst v29;
	v29 =	vor.u32 v1, v19;
	v30 =	vld.idx.msk [tilespmem:v34+s17+$0x0], $0xffff  }
0xa8: {  	v34 =	vor.u32 v1, v20;
	v35 =	vld.idx.msk [tilespmem:v35+s17+$0x0], $0xffff;
	[tilespmem:s10+$0xFFFFFF00] =	vst v11;
	v11 =	vmul.f32 v33, v15  }
0xa9: {  	v25 =	vmul.f32 v25, v12;
	v33 =	vld.idx.msk [tilespmem:v36+s17+$0x0], $0xffff;
	[tilespmem:s10+$0xFFFFFF80] =	vst v26;
	v26 =	vor.u32 v1, v18  }
0xaa: {  	v31 =	vmul.f32 v31, v10;
	v36 =	vld.idx.msk [tilespmem:v37+s17+$0x0], $0xffff;
	[tilespmem:s10+$0x0] =	vst v11  }
0xab: {  	v21 =	vmul.f32 v21, v9;
	v11 =	vld.idx.msk [tilespmem:v38+s17+$0x0], $0xffff;
	[tilespmem:s10+$0x80] =	vst v25;
	v25 =	vor.u32 v2, v28  }
0xac: {  	[tilespmem:s10+$0xFFFFFE00] =	vst v31;
	v31 =	vor.u32 v2, v27;
	v29 =	vld.idx.msk [tilespmem:v29+s17+$0x0], $0xffff  }
0xad: {  	v37 =	vor.u32 v2, v24;
	v30 =	vmul.f32 v30, v17;
	v34 =	vld.idx.msk [tilespmem:v34+s17+$0x0], $0xffff;
	[tilespmem:s10+$0x180] =	vst v21  }
0xae: {  	v38 =	vor.u32 v2, v23;
	v35 =	vmul.f32 v35, v13;
	v26 =	vld.idx.msk [tilespmem:v26+s17+$0x0], $0xffff  }
0xaf: {  	v21 =	vld.idx.msk [tilespmem:v32+s6+$0x0], $0xffff;
	v32 =	vmul.f32 v33, v16;
	v33 =	vor.u32 v2, v22;
	[tilespmem:s10+$0x110] =	vst v30  }
0xb0: {  	v30 =	vmov s7;
	[tilespmem:s10+$0xFFFFFE90] =	vst v35;
	v35 =	vmul.f32 v36, v14;
	v36 =	vor.u32 v2, v19;
	v25 =	vld.idx.msk [tilespmem:v25+s17+$0x0], $0xffff  }
0xb1: {  	v39 =	vor.u32 v2, v20;
	v30 =	vand.u32 $0xFFFFFFF8, v30;
	v11 =	vmul.f32 v11, v15;
	v31 =	vld.idx.msk [tilespmem:v31+s17+$0x0], $0xffff;
	[tilespmem:s10+$0xFFFFFF10] =	vst v32  }
0xb2: {  	v30 =	vbroadcast v30, $0x0;
	v29 =	vmul.f32 v29, v12;
	v32 =	vld.idx.msk [tilespmem:v37+s17+$0x0], $0xffff;
	[tilespmem:s10+$0xFFFFFF90] =	vst v35;
	v35 =	vor.u32 v2, v18  }
0xb3: {  	v34 =	vmul.f32 v34, v10;
	v37 =	vld.idx.msk [tilespmem:v38+s17+$0x0], $0xffff;
	[tilespmem:s10+$0x10] =	vst v11  }
0xb4: {  	v11 =	vmul.f32 v26, v9;
	v33 =	vld.idx.msk [tilespmem:v33+s17+$0x0], $0xffff;
	[tilespmem:s10+$0x90] =	vst v29;
	v29 =	vor.u32 v3, v28  }
0xb5: {  	v26 =	vor.u32 v3, v27;
	[tilespmem:s10+$0xFFFFFE10] =	vst v34;
	v34 =	vld.idx.msk [tilespmem:v36+s17+$0x0], $0xffff  }
0xb6: {  	v38 =	vor.u32 v3, v24;
	v25 =	vmul.f32 v25, v17;
	v36 =	vld.idx.msk [tilespmem:v39+s17+$0x0], $0xffff;
	[tilespmem:s10+$0x190] =	vst v11  }
0xb7: {  	v31 =	vmul.f32 v31, v13;
	v39 =	vor.u32 v3, v23;
	v35 =	vld.idx.msk [tilespmem:v35+s17+$0x0], $0xffff  }
0xb8: {  	v40 =	vor.u32 v3, v22;
	v32 =	vmul.f32 v32, v16;
	v11 =	vld.idx.msk [tilespmem:v30+s14+$0x0], $0xffff;
	[tilespmem:s10+$0x120] =	vst v25  }
0xb9: {  	v25 =	vmul.f32 v37, v14;
	[tilespmem:s10+$0xFFFFFEA0] =	vst v31;
	v31 =	vor.u32 v3, v19;
	v29 =	vld.idx.msk [tilespmem:v29+s17+$0x0], $0xffff  }
0xba: {  	v37 =	vor.u32 v3, v20;
	v26 =	vld.idx.msk [tilespmem:v26+s17+$0x0], $0xffff;
	[tilespmem:s10+$0xFFFFFF20] =	vst v32;
	v32 =	vmul.f32 v33, v15  }
0xbb: {  	v33 =	vld.idx.msk [tilespmem:v38+s17+$0x0], $0xffff;
	[tilespmem:s10+$0xFFFFFFA0] =	vst v25;
	v25 =	vmul.f32 v34, v12;
	v34 =	vor.u32 v3, v18  }
0xbc: {  	v36 =	vmul.f32 v36, v10;
	v38 =	vld.idx.msk [tilespmem:v39+s17+$0x0], $0xffff;
	[tilespmem:s10+$0x20] =	vst v32  }
0xbd: {  	v39 =	vor.u32 v4, v28;
	v32 =	vld.idx.msk [tilespmem:v40+s17+$0x0], $0xffff;
	[tilespmem:s10+$0xA0] =	vst v25;
	v25 =	vmul.f32 v35, v9  }
0xbe: {  	v35 =	vor.u32 v4, v27;
	[tilespmem:s10+$0xFFFFFE20] =	vst v36;
	v31 =	vld.idx.msk [tilespmem:v31+s17+$0x0], $0xffff  }
0xbf: {  	v29 =	vmul.f32 v29, v17;
	v36 =	vld.idx.msk [tilespmem:v37+s17+$0x0], $0xffff;
	v37 =	vor.u32 v4, v24;
	[tilespmem:s10+$0x1A0] =	vst v25  }
0xc0: {  	v40 =	vor.u32 v4, v23;
	v26 =	vmul.f32 v26, v13;
	v34 =	vld.idx.msk [tilespmem:v34+s17+$0x0], $0xffff  }
0xc1: {  	s0 =	sadd.s32 $0x1, s7;
	v25 =	vld.idx.msk [tilespmem:v30+s6+$0x0], $0xffff;
	v30 =	vmul.f32 v33, v16;
	v33 =	vor.u32 v4, v22;
	[tilespmem:s10+$0x130] =	vst v29  }
0xc2: {  	v41 =	vor.u32 v4, v19;
	v29 =	vmov s0;
	v38 =	vmul.f32 v38, v14;
	[tilespmem:s10+$0xFFFFFEB0] =	vst v26;
	v39 =	vld.idx.msk [tilespmem:v39+s17+$0x0], $0xffff  }
0xc3: {  	v26 =	vand.u32 $0xFFFFFFF9, v29;
	v29 =	vor.u32 v4, v20;
	v35 =	vld.idx.msk [tilespmem:v35+s17+$0x0], $0xffff;
	[tilespmem:s10+$0xFFFFFF30] =	vst v30;
	v30 =	vmul.f32 v32, v15  }
0xc4: {  	v26 =	vbroadcast v26, $0x0;
	v31 =	vmul.f32 v31, v12;
	v32 =	vld.idx.msk [tilespmem:v37+s17+$0x0], $0xffff;
	[tilespmem:s10+$0xFFFFFFB0] =	vst v38;
	v37 =	vor.u32 v4, v18  }
0xc5: {  	v36 =	vmul.f32 v36, v10;
	v38 =	vld.idx.msk [tilespmem:v40+s17+$0x0], $0xffff;
	[tilespmem:s10+$0x30] =	vst v30  }
0xc6: {  	v30 =	vld.idx.msk [tilespmem:v33+s17+$0x0], $0xffff;
	[tilespmem:s10+$0xB0] =	vst v31;
	v31 =	vor.u32 v5, v28;
	v33 =	vmul.f32 v34, v9  }
0xc7: {  	v34 =	vor.u32 v5, v27;
	[tilespmem:s10+$0xFFFFFE30] =	vst v36;
	v36 =	vld.idx.msk [tilespmem:v41+s17+$0x0], $0xffff  }
0xc8: {  	v41 =	vor.u32 v5, v24;
	v39 =	vmul.f32 v39, v17;
	v40 =	vld.idx.msk [tilespmem:v29+s17+$0x0], $0xffff;
	[tilespmem:s10+$0x1B0] =	vst v33  }
0xc9: {  	v33 =	vmul.f32 v35, v13;
	v35 =	vor.u32 v5, v23;
	v37 =	vld.idx.msk [tilespmem:v37+s17+$0x0], $0xffff  }
0xca: {  	v42 =	vor.u32 v5, v22;
	s0 =	sadd.s32 $0x2, s7;
	v32 =	vmul.f32 v32, v16;
	v29 =	vld.idx.msk [tilespmem:v26+s6+$0x0], $0xffff;
	[tilespmem:s10+$0x140] =	vst v39  }
0xcb: {  	v39 =	vmov s0;
	[tilespmem:s10+$0xFFFFFEC0] =	vst v33;
	v33 =	vmul.f32 v38, v14;
	v38 =	vor.u32 v5, v19;
	v31 =	vld.idx.msk [tilespmem:v31+s17+$0x0], $0xffff  }
0xcc: {  	v43 =	vor.u32 v5, v20;
	v39 =	vand.u32 $0xFFFFFFFA, v39;
	v34 =	vld.idx.msk [tilespmem:v34+s17+$0x0], $0xffff;
	[tilespmem:s10+$0xFFFFFF40] =	vst v32;
	v32 =	vmul.f32 v30, v15  }
0xcd: {  	v30 =	vbroadcast v39, $0x0;
	v39 =	vld.idx.msk [tilespmem:v41+s17+$0x0], $0xffff;
	[tilespmem:s10+$0xFFFFFFC0] =	vst v33;
	v33 =	vmul.f32 v36, v12;
	v36 =	vor.u32 v5, v18  }
0xce: {  	v40 =	vmul.f32 v40, v10;
	v35 =	vld.idx.msk [tilespmem:v35+s17+$0x0], $0xffff;
	[tilespmem:s10+$0x40] =	vst v32  }
0xcf: {  	v37 =	vmul.f32 v37, v9;
	v32 =	vld.idx.msk [tilespmem:v42+s17+$0x0], $0xffff;
	[tilespmem:s10+$0xC0] =	vst v33;
	v33 =	vor.u32 v6, v28  }
0xd0: {  	[tilespmem:s10+$0xFFFFFE40] =	vst v40;
	v40 =	vor.u32 v6, v27;
	v38 =	vld.idx.msk [tilespmem:v38+s17+$0x0], $0xffff  }
0xd1: {  	v42 =	vor.u32 v6, v24;
	v41 =	vld.idx.msk [tilespmem:v43+s17+$0x0], $0xffff;
	v43 =	vmul.f32 v31, v17;
	[tilespmem:s10+$0x1C0] =	vst v37  }
0xd2: {  	v44 =	vor.u32 v6, v23;
	v34 =	vmul.f32 v34, v13;
	v45 =	vld.idx.msk [tilespmem:v36+s17+$0x0], $0xffff  }
0xd3: {  	v47 =	vor.u32 v6, v22;
	s0 =	sadd.s32 $0x3, s7;
	v46 =	vmul.f32 v39, v16;
	v31 =	vld.idx.msk [tilespmem:v30+s6+$0x0], $0xffff;
	[tilespmem:s10+$0x150] =	vst v43  }
0xd4: {  	v36 =	vmov s0;
	v43 =	vor.u32 v6, v19;
	[tilespmem:s10+$0xFFFFFED0] =	vst v34;
	v34 =	vmul.f32 v35, v14;
	v37 =	vld.idx.msk [tilespmem:v33+s17+$0x0], $0xffff  }
.Ltmp2:
0xd5: {  	v39 =	vor.u32 v6, v20;
	v33 =	vand.u32 $0xFFFFFFFB, v36;
	v36 =	vld.idx.msk [tilespmem:v40+s17+$0x0], $0xffff;
	[tilespmem:s10+$0xFFFFFF50] =	vst v46;
	v46 =	vmul.f32 v32, v15;
	(pc) =	sbr.rel @p1 .LBB2_3-.Ltmp2, $4  }
0xd6: {  	v32 =	vbroadcast v33, $0x0;
	v38 =	vmul.f32 v38, v12;
	v40 =	vor.u32 v6, v18;
	v35 =	vld.idx.msk [tilespmem:v42+s17+$0x0], $0xffff;
	[tilespmem:s10+$0xFFFFFFD0] =	vst v34  }
0xd7: {  	v42 =	vmul.f32 v41, v10;
	v34 =	vld.idx.msk [tilespmem:v44+s17+$0x0], $0xffff;
	[tilespmem:s10+$0x50] =	vst v46  }
0xd8: {  	v28 =	vor.u32 v7, v28;
	v41 =	vmul.f32 v45, v9;
	v33 =	vld.idx.msk [tilespmem:v47+s17+$0x0], $0xffff;
	[tilespmem:s10+$0xD0] =	vst v38  }
0xd9: {  	s7 =	sadd.s32 $0x8, s7;
	s0 =	sadd.s32 $0x6, s11;
	v38 =	vor.u32 v7, v27;
	[tilespmem:s10+$0xFFFFFE50] =	vst v42;
	v27 =	vld.idx.msk [tilespmem:v43+s17+$0x0], $0xffff  }
0xda: {  	_ =	sdelay $0x3  }
0xdb: {  	v39 =	vld.idx.msk [tilespmem:v39+s17+$0x0], $0xffff;
	v24 =	vor.u32 v7, v24;
	v37 =	vmul.f32 v37, v17;
	[tilespmem:s10+$0x1D0] =	vst v41  }
0xdc: {  	v42 =	vmov s0;
	v36 =	vmul.f32 v36, v13;
	v23 =	vor.u32 v7, v23;
	v40 =	vld.idx.msk [tilespmem:v40+s17+$0x0], $0xffff  }
0xdd: {  	v22 =	vor.u32 v7, v22;
	v49 =	vand.u32 $0xFFFFFFFE, v42;
	v42 =	vld.idx.msk [tilespmem:v32+s6+$0x0], $0xffff;
	v35 =	vmul.f32 v35, v16;
	[tilespmem:s10+$0x160] =	vst v37  }
0xde: {  	v19 =	vor.u32 v7, v19;
	[tilespmem:s10+$0xFFFFFEE0] =	vst v36;
	v34 =	vmul.f32 v34, v14;
	v51 =	vld.idx.msk [tilespmem:v28+s17+$0x0], $0xffff  }
0xdf: {  	v41 =	vbroadcast v49, $0x0;
	v38 =	vld.idx.msk [tilespmem:v38+s17+$0x0], $0xffff;
	[tilespmem:s10+$0xFFFFFF60] =	vst v35;
	v33 =	vmul.f32 v33, v15  }
0xe0: {  	s13 =	sadd.s32 $0x4, s11;
	[tilespmem:s10+$0xFFFFFFE0] =	vst v34;
	v55 =	vmul.f32 v27, v12;
	v54 =	vld.idx.msk [tilespmem:v24+s17+$0x0], $0xffff  }
0xe1: {  	v20 =	vor.u32 v7, v20;
	v50 =	vmov s13;
	v34 =	vld.idx.msk [tilespmem:v23+s17+$0x0], $0xffff;
	[tilespmem:s10+$0x60] =	vst v33  }
0xe2: {  	v53 =	vand.u32 $0xFFFFFFFC, v50;
	v59 =	vld.idx.msk [tilespmem:v22+s17+$0x0], $0xffff;
	[tilespmem:s10+$0xE0] =	vst v55  }
0xe3: {  	s7 =	sadd.s32 $0x5, s11;
	v18 =	vor.u32 v7, v18;
	v56 =	vbroadcast v53, $0x0;
	v57 =	vmul.f32 v39, v10;
	v62 =	vld.idx.msk [tilespmem:v19+s17+$0x0], $0xffff  }
0xe4: {  	v52 =	vmov s7;
	v19 =	vld.idx.msk [tilespmem:v30+s14+$0x0], $0xffff  }
0xe5: {  	v28 =	vand.u32 $0xFFFFFFFD, v52;
	v60 =	vmul.f32 v40, v9;
	[tilespmem:s10+$0xFFFFFE60] =	vst v57;
	v61 =	vld.idx.msk [tilespmem:v41+s6+$0x0], $0xffff  }
0xe6: {  	v58 =	vbroadcast v28, $0x0;
	v63 =	vld.idx.msk [tilespmem:v20+s17+$0x0], $0xffff  }
0xe7: {  	[tilespmem:s10+$0x1E0] =	vst v60;
	v20 =	vld.idx.msk [tilespmem:v32+s14+$0x0], $0xffff  }
0xe8: {  	v43 =	vld.idx.msk [tilespmem:v18+s17+$0x0], $0xffff  }
0xe9: {  	v22 =	vshll.u32 v29, $0x7;
	v44 =	vld.idx.msk [tilespmem:v56+s6+$0x0], $0xffff  }
0xea: {  	v24 =	vshll.u32 v31, $0x7;
	v23 =	vshll.u32 v42, $0x7;
	v49 =	vor.u32 v0, v22;
	v18 =	vld.idx.msk [tilespmem:v26+s14+$0x0], $0xffff  }
0xeb: {  	v53 =	vor.u32 v0, v23;
	v50 =	vmul.f32 v51, v17;
	v51 =	vor.u32 v0, v24;
	v17 =	vld.idx.msk [tilespmem:v56+s14+$0x0], $0xffff  }
0xec: {  	v52 =	vmul.f32 v38, v13;
	v45 =	vld.idx.msk [tilespmem:v58+s6+$0x0], $0xffff;
	v34 =	vmul.f32 v34, v14;
	v14 =	vshll.u32 v25, $0x7  }
0xed: {  	v13 =	vld.idx.msk [tilespmem:v58+s14+$0x0], $0xffff;
	v57 =	vmul.f32 v59, v15;
	v58 =	vor.u32 v0, v14;
	v15 =	vshll.u32 v21, $0x7  }
0xee: {  	v54 =	vmul.f32 v54, v16;
	v16 =	vld.idx.msk [tilespmem:v41+s14+$0x0], $0xffff;
	v28 =	vshll.u32 v61, $0x7;
	v61 =	vor.u32 v0, v15  }
0xef: {  	[tilespmem:s10+$0x170] =	vst v50;
	v30 =	vld.idx.msk [tilespmem:v49+s17+$0x0], $0xffff;
	v48 =	vor.u32 v0, v28  }
0xf0: {  	[tilespmem:s10+$0xFFFFFEF0] =	vst v52;
	v60 =	vld.idx.msk [tilespmem:v51+s17+$0x0], $0xffff;
	v26 =	vshll.u32 v44, $0x7  }
0xf1: {  	v59 =	vmul.f32 v62, v12;
	v62 =	vmul.f32 v63, v10;
	v63 =	vld.idx.msk [tilespmem:v53+s17+$0x0], $0xffff;
	v55 =	vor.u32 v0, v26  }
0xf2: {  	[tilespmem:s10+$0xFFFFFF70] =	vst v54;
	v41 =	vmul.f32 v43, v9;
	v43 =	vor.u32 v1, v22;
	v27 =	vshll.u32 v45, $0x7;
	v46 =	vld.idx.msk [tilespmem:v58+s17+$0x0], $0xffff  }
0xf3: {  	[tilespmem:s10+$0xFFFFFFF0] =	vst v34;
	v56 =	vor.u32 v0, v27;
	v32 =	vld.idx.msk [tilespmem:v61+s17+$0x0], $0xffff  }
0xf4: {  	[tilespmem:s10+$0x70] =	vst v57;
	v45 =	vor.u32 v1, v24;
	v30 =	vmul.f32 v30, v18;
	v29 =	vld.idx.msk [tilespmem:v48+s17+$0x0], $0xffff  }
0xf5: {  	s3 =	sadd.s32 $0x400, s10;
	v52 =	vor.u32 v1, v14;
	[tilespmem:s10+$0xF0] =	vst v59;
	v21 =	vmul.f32 v60, v19  }
0xf6: {  	v47 =	vor.u32 v1, v23;
	v49 =	vmul.f32 v63, v20;
	[tilespmem:s3+$0xFFFFFE80] =	vst v30;
	v42 =	vld.idx.msk [tilespmem:v55+s17+$0x0], $0xffff  }
0xf7: {  	v53 =	vor.u32 v1, v15;
	v31 =	vld.idx.msk [tilespmem:v43+s17+$0x0], $0xffff;
	[tilespmem:s3+$0xFFFFFF00] =	vst v21;
	v9 =	vmul.f32 v46, v11  }
0xf8: {  	v40 =	vor.u32 v1, v28;
	[tilespmem:s3+$0xFFFFFF80] =	vst v49;
	v44 =	vld.idx.msk [tilespmem:v56+s17+$0x0], $0xffff;
	v56 =	vmul.f32 v32, v8  }
0xf9: {  	v21 =	vld.idx.msk [tilespmem:v45+s17+$0x0], $0xffff;
	[tilespmem:s3+$0xFFFFFE00] =	vst v9;
	v29 =	vmul.f32 v29, v16  }
0xfa: {  	v48 =	vor.u32 v1, v26;
	v34 =	vld.idx.msk [tilespmem:v52+s17+$0x0], $0xffff;
	[tilespmem:s3+$0x180] =	vst v56  }
0xfb: {  	v50 =	vor.u32 v1, v27;
	v12 =	vmul.f32 v42, v17;
	[tilespmem:s3+$0x100] =	vst v29;
	v29 =	vld.idx.msk [tilespmem:v47+s17+$0x0], $0xffff  }
0xfc: {  	v57 =	vor.u32 v2, v22;
	[tilespmem:s10+$0xFFFFFE70] =	vst v62;
	v60 =	vmul.f32 v31, v18;
	v25 =	vld.idx.msk [tilespmem:v53+s17+$0x0], $0xffff  }
0xfd: {  	v59 =	vor.u32 v2, v24;
	v10 =	vmul.f32 v44, v13;
	v51 =	vld.idx.msk [tilespmem:v40+s17+$0x0], $0xffff;
	[tilespmem:s3+$0x0] =	vst v12  }
0xfe: {  	v61 =	vor.u32 v2, v23;
	v21 =	vmul.f32 v21, v19;
	[tilespmem:s3+$0xFFFFFE90] =	vst v60  }
0xff: {  	v38 =	vor.u32 v2, v14;
	v55 =	vld.idx.msk [tilespmem:v48+s17+$0x0], $0xffff;
	[tilespmem:s3+$0x80] =	vst v10;
	v34 =	vmul.f32 v34, v11  }
0x100: {  	v40 =	vor.u32 v2, v15;
	[tilespmem:s3+$0xFFFFFF10] =	vst v21;
	v58 =	vld.idx.msk [tilespmem:v50+s17+$0x0], $0xffff;
	v63 =	vmul.f32 v29, v20  }
0x101: {  	v54 =	vor.u32 v2, v28;
	v32 =	vld.idx.msk [tilespmem:v57+s17+$0x0], $0xffff;
	v43 =	vmul.f32 v25, v8;
	[tilespmem:s3+$0xFFFFFE10] =	vst v34  }
0x102: {  	v62 =	vor.u32 v2, v26;
	v30 =	vld.idx.msk [tilespmem:v59+s17+$0x0], $0xffff;
	v33 =	vmul.f32 v51, v16;
	[tilespmem:s3+$0xFFFFFF90] =	vst v63  }
0x103: {  	v37 =	vor.u32 v2, v27;
	[tilespmem:s3+$0x190] =	vst v43;
	v31 =	vld.idx.msk [tilespmem:v61+s17+$0x0], $0xffff  }
0x104: {  	v44 =	vor.u32 v3, v22;
	v39 =	vmul.f32 v55, v17;
	[tilespmem:s3+$0x110] =	vst v33;
	v33 =	vld.idx.msk [tilespmem:v38+s17+$0x0], $0xffff  }
0x105: {  	[tilespmem:s10+$0x1F0] =	vst v41;
	v45 =	vor.u32 v3, v24;
	v9 =	vmul.f32 v58, v13;
	v10 =	vld.idx.msk [tilespmem:v40+s17+$0x0], $0xffff  }
0x106: {  	v47 =	vor.u32 v3, v23;
	v46 =	vmul.f32 v32, v18;
	v12 =	vld.idx.msk [tilespmem:v54+s17+$0x0], $0xffff;
	[tilespmem:s3+$0x10] =	vst v39  }
0x107: {  	v51 =	vor.u32 v3, v14;
	v30 =	vmul.f32 v30, v19;
	v42 =	vld.idx.msk [tilespmem:v62+s17+$0x0], $0xffff;
	[tilespmem:s3+$0x90] =	vst v9  }
0x108: {  	[tilespmem:s3+$0xFFFFFEA0] =	vst v46;
	v54 =	vor.u32 v3, v15;
	v29 =	vld.idx.msk [tilespmem:v37+s17+$0x0], $0xffff;
	v49 =	vmul.f32 v31, v20  }
0x109: {  	v41 =	vor.u32 v3, v28;
	v25 =	vld.idx.msk [tilespmem:v44+s17+$0x0], $0xffff;
	[tilespmem:s3+$0xFFFFFF20] =	vst v30;
	v33 =	vmul.f32 v33, v11  }
0x10a: {  	v48 =	vor.u32 v3, v26;
	v34 =	vld.idx.msk [tilespmem:v45+s17+$0x0], $0xffff;
	v57 =	vmul.f32 v10, v8;
	[tilespmem:s3+$0xFFFFFFA0] =	vst v49  }
0x10b: {  	v50 =	vor.u32 v3, v27;
	v12 =	vmul.f32 v12, v16;
	[tilespmem:s3+$0xFFFFFE20] =	vst v33;
	v32 =	vld.idx.msk [tilespmem:v47+s17+$0x0], $0xffff  }
0x10c: {  	v58 =	vor.u32 v4, v22;
	v52 =	vmul.f32 v42, v17;
	[tilespmem:s3+$0x1A0] =	vst v57;
	v31 =	vld.idx.msk [tilespmem:v51+s17+$0x0], $0xffff  }
0x10d: {  	v59 =	vor.u32 v4, v24;
	[tilespmem:s3+$0x120] =	vst v12;
	v53 =	vmul.f32 v29, v13;
	v29 =	vld.idx.msk [tilespmem:v54+s17+$0x0], $0xffff  }
0x10e: {  	v61 =	vor.u32 v4, v23;
	v60 =	vmul.f32 v25, v18;
	v21 =	vld.idx.msk [tilespmem:v41+s17+$0x0], $0xffff;
	[tilespmem:s3+$0x20] =	vst v52  }
0x10f: {  	v38 =	vor.u32 v4, v14;
	v34 =	vmul.f32 v34, v19;
	v56 =	vld.idx.msk [tilespmem:v48+s17+$0x0], $0xffff;
	[tilespmem:s3+$0xA0] =	vst v53  }
0x110: {  	[tilespmem:s3+$0xFFFFFEB0] =	vst v60;
	v41 =	vor.u32 v4, v15;
	v12 =	vld.idx.msk [tilespmem:v50+s17+$0x0], $0xffff;
	v63 =	vmul.f32 v32, v20  }
0x111: {  	v55 =	vor.u32 v4, v28;
	v10 =	vld.idx.msk [tilespmem:v58+s17+$0x0], $0xffff;
	[tilespmem:s3+$0xFFFFFF30] =	vst v34;
	v31 =	vmul.f32 v31, v11  }
0x112: {  	v62 =	vor.u32 v4, v26;
	v33 =	vld.idx.msk [tilespmem:v59+s17+$0x0], $0xffff;
	v44 =	vmul.f32 v29, v8;
	[tilespmem:s3+$0xFFFFFFB0] =	vst v63  }
0x113: {  	v37 =	vor.u32 v4, v27;
	v21 =	vmul.f32 v21, v16;
	[tilespmem:s3+$0xFFFFFE30] =	vst v31;
	v25 =	vld.idx.msk [tilespmem:v61+s17+$0x0], $0xffff  }
0x114: {  	v45 =	vor.u32 v5, v22;
	v39 =	vmul.f32 v56, v17;
	[tilespmem:s3+$0x1B0] =	vst v44;
	v32 =	vld.idx.msk [tilespmem:v38+s17+$0x0], $0xffff  }
0x115: {  	v46 =	vor.u32 v5, v24;
	[tilespmem:s3+$0x130] =	vst v21;
	v40 =	vmul.f32 v12, v13;
	v12 =	vld.idx.msk [tilespmem:v41+s17+$0x0], $0xffff  }
0x116: {  	v48 =	vor.u32 v5, v23;
	v47 =	vmul.f32 v10, v18;
	v30 =	vld.idx.msk [tilespmem:v55+s17+$0x0], $0xffff;
	[tilespmem:s3+$0x30] =	vst v39  }
0x117: {  	v52 =	vor.u32 v5, v14;
	v33 =	vmul.f32 v33, v19;
	v43 =	vld.idx.msk [tilespmem:v62+s17+$0x0], $0xffff;
	[tilespmem:s3+$0xB0] =	vst v40  }
0x118: {  	[tilespmem:s3+$0xFFFFFEC0] =	vst v47;
	v55 =	vor.u32 v5, v15;
	v21 =	vld.idx.msk [tilespmem:v37+s17+$0x0], $0xffff;
	v50 =	vmul.f32 v25, v20  }
0x119: {  	v42 =	vor.u32 v5, v28;
	v29 =	vld.idx.msk [tilespmem:v45+s17+$0x0], $0xffff;
	[tilespmem:s3+$0xFFFFFF40] =	vst v33;
	v32 =	vmul.f32 v32, v11  }
0x11a: {  	v49 =	vor.u32 v5, v26;
	v31 =	vld.idx.msk [tilespmem:v46+s17+$0x0], $0xffff;
	v58 =	vmul.f32 v12, v8;
	[tilespmem:s3+$0xFFFFFFC0] =	vst v50  }
0x11b: {  	v51 =	vor.u32 v5, v27;
	v30 =	vmul.f32 v30, v16;
	[tilespmem:s3+$0xFFFFFE40] =	vst v32;
	v10 =	vld.idx.msk [tilespmem:v48+s17+$0x0], $0xffff  }
0x11c: {  	v59 =	vor.u32 v6, v22;
	v53 =	vmul.f32 v43, v17;
	[tilespmem:s3+$0x1C0] =	vst v58;
	v34 =	vld.idx.msk [tilespmem:v52+s17+$0x0], $0xffff  }
0x11d: {  	v60 =	vor.u32 v6, v24;
	[tilespmem:s3+$0x140] =	vst v30;
	v54 =	vmul.f32 v21, v13;
	v21 =	vld.idx.msk [tilespmem:v55+s17+$0x0], $0xffff  }
0x11e: {  	v62 =	vor.u32 v6, v23;
	v61 =	vmul.f32 v29, v18;
	v30 =	vld.idx.msk [tilespmem:v42+s17+$0x0], $0xffff;
	[tilespmem:s3+$0x40] =	vst v53  }
0x11f: {  	v39 =	vor.u32 v6, v14;
	v31 =	vmul.f32 v31, v19;
	v57 =	vld.idx.msk [tilespmem:v49+s17+$0x0], $0xffff;
	[tilespmem:s3+$0xC0] =	vst v54  }
0x120: {  	[tilespmem:s3+$0xFFFFFED0] =	vst v61;
	v42 =	vor.u32 v6, v15;
	v25 =	vld.idx.msk [tilespmem:v51+s17+$0x0], $0xffff;
	v37 =	vmul.f32 v10, v20  }
0x121: {  	v56 =	vor.u32 v6, v28;
	v12 =	vld.idx.msk [tilespmem:v59+s17+$0x0], $0xffff;
	[tilespmem:s3+$0xFFFFFF50] =	vst v31;
	v34 =	vmul.f32 v34, v11  }
0x122: {  	v63 =	vor.u32 v6, v26;
	v32 =	vld.idx.msk [tilespmem:v60+s17+$0x0], $0xffff;
	v43 =	vmul.f32 v21, v8;
	[tilespmem:s3+$0xFFFFFFD0] =	vst v37  }
0x123: {  	v38 =	vor.u32 v6, v27;
	v30 =	vmul.f32 v30, v16;
	[tilespmem:s3+$0xFFFFFE50] =	vst v34;
	v29 =	vld.idx.msk [tilespmem:v62+s17+$0x0], $0xffff  }
0x124: {  	v44 =	vor.u32 v7, v22;
	v40 =	vmul.f32 v57, v17;
	[tilespmem:s3+$0x1D0] =	vst v43;
	v47 =	vld.idx.msk [tilespmem:v39+s17+$0x0], $0xffff  }
0x125: {  	v45 =	vor.u32 v7, v24;
	[tilespmem:s3+$0x150] =	vst v30;
	v41 =	vmul.f32 v25, v13;
	v50 =	vld.idx.msk [tilespmem:v42+s17+$0x0], $0xffff  }
0x126: {  	v49 =	vor.u32 v7, v23;
	v48 =	vmul.f32 v12, v18;
	v30 =	vld.idx.msk [tilespmem:v56+s17+$0x0], $0xffff;
	[tilespmem:s3+$0x50] =	vst v40  }
0x127: {  	v14 =	vor.u32 v7, v14;
	v51 =	vmul.f32 v32, v19;
	v31 =	vld.idx.msk [tilespmem:v63+s17+$0x0], $0xffff;
	[tilespmem:s3+$0xD0] =	vst v41  }
0x128: {  	v55 =	vor.u32 v7, v15;
	[tilespmem:s3+$0xFFFFFEE0] =	vst v48;
	v10 =	vld.idx.msk [tilespmem:v38+s17+$0x0], $0xffff;
	v52 =	vmul.f32 v29, v20  }
0x129: {  	v28 =	vor.u32 v7, v28;
	v21 =	vld.idx.msk [tilespmem:v44+s17+$0x0], $0xffff;
	[tilespmem:s3+$0xFFFFFF60] =	vst v51;
	v56 =	vmul.f32 v47, v11  }
0x12a: {  	v26 =	vor.u32 v7, v26;
	v22 =	vld.idx.msk [tilespmem:v45+s17+$0x0], $0xffff;
	v57 =	vmul.f32 v50, v8;
	[tilespmem:s3+$0xFFFFFFE0] =	vst v52  }
0x12b: {  	v27 =	vor.u32 v7, v27;
	v46 =	vmul.f32 v30, v16;
	[tilespmem:s3+$0xFFFFFE60] =	vst v56;
	v12 =	vld.idx.msk [tilespmem:v49+s17+$0x0], $0xffff  }
0x12c: {  	v53 =	vmul.f32 v31, v17;
	[tilespmem:s3+$0x1E0] =	vst v57;
	v59 =	vld.idx.msk [tilespmem:v14+s17+$0x0], $0xffff  }
0x12d: {  	[tilespmem:s3+$0x160] =	vst v46;
	v54 =	vmul.f32 v10, v13;
	v10 =	vld.idx.msk [tilespmem:v55+s17+$0x0], $0xffff  }
0x12e: {  	v60 =	vmul.f32 v21, v18;
	v24 =	vld.idx.msk [tilespmem:v28+s17+$0x0], $0xffff;
	[tilespmem:s3+$0x60] =	vst v53  }
0x12f: {  	v61 =	vmul.f32 v22, v19;
	v25 =	vld.idx.msk [tilespmem:v26+s17+$0x0], $0xffff;
	[tilespmem:s3+$0xE0] =	vst v54  }
0x130: {  	[tilespmem:s3+$0xFFFFFEF0] =	vst v60;
	v58 =	vld.idx.msk [tilespmem:v27+s17+$0x0], $0xffff;
	v12 =	vmul.f32 v12, v20  }
0x131: {  	[tilespmem:s3+$0xFFFFFF70] =	vst v61;
	v9 =	vmul.f32 v59, v11  }
0x132: {  	v8 =	vmul.f32 v10, v8;
	[tilespmem:s3+$0xFFFFFFF0] =	vst v12  }
0x133: {  	p1 =	sne.s32 s4, $0x31;
	v16 =	vmul.f32 v24, v16;
	[tilespmem:s3+$0xFFFFFE70] =	vst v9  }
.Ltmp3:
0x134: {  	s11 =	sshll.u32 s9, $0x7;
	v62 =	vmul.f32 v25, v17;
	[tilespmem:s3+$0x1F0] =	vst v8;
	(pc) =	sbr.rel @p1 .LBB2_6-.Ltmp3, $4  }
0x135: {  	s12 =	sshll.u32 s9, $0xA;
	s10 =	sand.u32 $0xE00, s11;
	[tilespmem:s3+$0x170] =	vst v16;
	v63 =	vmul.f32 v58, v13  }
0x136: {  	s11 =	sand.u32 $0xFFF8000, s12;
	s7 =	sadd.s32 s5, s10;
	[tilespmem:s3+$0x70] =	vst v62  }
0x137: {  	s13 =	sadd.s32 s11, s7;
	[tilespmem:s3+$0xF0] =	vst v63  }
0x138: {  	[hbm4b:s13+s15] =	stream.strided.scatter [tilespmem:s22], [sflag:$0x5], $0x2000, s16, s15, $0x38;
	[tilespmem:$0x10100] =	vst v63  }
.Ltmp4:
0x139: {  	(pc) =	sbr.rel .LBB2_7-.Ltmp4, $4  }
0x13a: {  	_ = 	snop  }
0x13b: {  	_ =	swait.ge [sflag:s23], $0x2000  }
0x13c: {  	[sflag:s23] =	ssyncset.done $0x0  }
0x13d: {  	[sflag:s23] =	ssyncadd.s32 $0xFFFFE000  }
.LBB2_6:
0x13e: {  	s0 =	sadd.s32 $0x4, s9  }
0x13f: {  	s7 =	sshll.u32 s0, $0x7  }
0x140: {  	s0 =	sshll.u32 s0, $0xA;
	s7 =	sand.u32 $0xE00, s7  }
0x141: {  	s0 =	sand.u32 $0xFFF8000, s0;
	s7 =	sadd.s32 s1, s7  }
.Ltmp5:
0x142: {  	s0 =	sadd.s32 s0, s7;
	(pc) =	sbr.rel @p0 .LBB2_8-.Ltmp5, $4  }
0x143: {  	[tilespmem:s17], [sflag:$0x1] =	stream.strided.gather [hbm4b:s0+s15], $0x2000, s16, s15, $0x38;
	[tilespmem:$0x10100] =	vst v63  }
0x144: {  	_ =	swait.ge [sflag:s23], $0x2000  }
0x145: {  	[sflag:s23] =	ssyncset.done $0x0  }
0x146: {  	[sflag:s23] =	ssyncadd.s32 $0xFFFFE000  }
.LBB2_7:
0x147: {  	_ =	swait.ge [sflag:s24], $0x2000  }
0x148: {  	[sflag:s24] =	ssyncset.done $0x0  }
0x149: {  	[sflag:s24] =	ssyncadd.s32 $0xFFFFE000  }
.LBB2_8:
0x14a: {  	s0 =	simm.s32 $0x0  }
0x14b: {  	s7 =	simm.s32 $0x7;
	v8 =	vmov s0  }
0x14c: {  	s12 =	simm.s32 $0x1;
	v10 =	vmov s7;
	v8 =	vand.u32 $0xFFFFFFF8, v8  }
0x14d: {  	s13 =	simm.s32 $0x6;
	v9 =	vmov s12;
	v8 =	vbroadcast v8, $0x0  }
0x14e: {  	v11 =	vmov s13;
	v9 =	vand.u32 $0xFFFFFFF9, v9  }
0x14f: {  	s3 =	simm.s32 $0x2;
	v11 =	vand.u32 $0xFFFFFFFE, v11;
	v12 =	vbroadcast v9, $0x0  }
0x150: {  	s12 =	simm.s32 $0x3;
	v9 =	vmov s3;
	v11 =	vbroadcast v11, $0x0  }
0x151: {  	s13 =	simm.s32 $0x4;
	v14 =	vmov s12;
	v13 =	vand.u32 $0xFFFFFFFA, v9;
	v9 =	vld.idx.msk [tilespmem:v10+s14+$0x0], $0xffff  }
0x152: {  	s3 =	simm.s32 $0x5;
	v15 =	vbroadcast v13, $0x0;
	v13 =	vand.u32 $0xFFFFFFFB, v14;
	v14 =	vmov s13;
	v18 =	vld.idx.msk [tilespmem:v10+s6+$0x0], $0xffff  }
0x153: {  	v17 =	vbroadcast v13, $0x0;
	v13 =	vmov s3;
	v14 =	vand.u32 $0xFFFFFFFC, v14;
	v10 =	vld.idx.msk [tilespmem:v8+s14+$0x0], $0xffff  }
0x154: {  	v13 =	vand.u32 $0xFFFFFFFD, v13;
	v19 =	vbroadcast v14, $0x0;
	v8 =	vld.idx.msk [tilespmem:v8+s6+$0x0], $0xffff  }
0x155: {  	v20 =	vbroadcast v13, $0x0;
	v14 =	vld.idx.msk [tilespmem:v12+s6+$0x0], $0xffff  }
0x156: {  	v16 =	vld.idx.msk [tilespmem:v11+s6+$0x0], $0xffff  }
0x157: {  	v13 =	vld.idx.msk [tilespmem:v12+s14+$0x0], $0xffff  }
0x158: {  	v21 =	vld.idx.msk [tilespmem:v15+s6+$0x0], $0xffff  }
0x159: {  	v22 =	vld.idx.msk [tilespmem:v17+s6+$0x0], $0xffff  }
0x15a: {  	v25 =	vld.idx.msk [tilespmem:v19+s6+$0x0], $0xffff  }
0x15b: {  	v26 =	vld.idx.msk [tilespmem:v20+s6+$0x0], $0xffff;
	v28 =	vshll.u32 v16, $0x7  }
0x15c: {  	v27 =	vshll.u32 v14, $0x7;
	v16 =	vld.idx.msk [tilespmem:v15+s14+$0x0], $0xffff;
	v29 =	vor.u32 v0, v28  }
0x15d: {  	v14 =	vld.idx.msk [tilespmem:v17+s14+$0x0], $0xffff;
	v30 =	vor.u32 v0, v27;
	v24 =	vshll.u32 v21, $0x7  }
0x15e: {  	v15 =	vld.idx.msk [tilespmem:v19+s14+$0x0], $0xffff;
	v21 =	vor.u32 v0, v24;
	v23 =	vshll.u32 v22, $0x7  }
0x15f: {  	v12 =	vld.idx.msk [tilespmem:v20+s14+$0x0], $0xffff;
	v31 =	vor.u32 v0, v23;
	v22 =	vshll.u32 v25, $0x7  }
0x160: {  	v17 =	vld.idx.msk [tilespmem:v11+s14+$0x0], $0xffff;
	v20 =	vshll.u32 v8, $0x7;
	v25 =	vor.u32 v0, v22  }
0x161: {  	v19 =	vshll.u32 v26, $0x7;
	v26 =	vor.u32 v0, v20;
	v11 =	vld.idx.msk [tilespmem:v29+s18+$0x0], $0xffff  }
0x162: {  	v18 =	vshll.u32 v18, $0x7;
	v8 =	vor.u32 v0, v19;
	v29 =	vld.idx.msk [tilespmem:v30+s18+$0x0], $0xffff  }
0x163: {  	s12 =	simm.s32 $0xF;
	v30 =	vor.u32 v0, v18;
	v21 =	vld.idx.msk [tilespmem:v21+s18+$0x0], $0xffff  }
0x164: {  	v32 =	vmov s12;
	v31 =	vld.idx.msk [tilespmem:v31+s18+$0x0], $0xffff  }
0x165: {  	v33 =	vor.u32 v1, v28;
	v25 =	vld.idx.msk [tilespmem:v25+s18+$0x0], $0xffff  }
0x166: {  	v34 =	vor.u32 v1, v27;
	v26 =	vld.idx.msk [tilespmem:v26+s18+$0x0], $0xffff  }
0x167: {  	v36 =	vor.u32 v1, v24;
	v35 =	vld.idx.msk [tilespmem:v8+s18+$0x0], $0xffff;
	v11 =	vmul.f32 v11, v17  }
0x168: {  	s12 =	simm.s32 $0xA300;
	v37 =	vor.u32 v1, v23;
	v29 =	vmul.f32 v29, v13;
	v30 =	vld.idx.msk [tilespmem:v30+s18+$0x0], $0xffff  }
0x169: {  	v38 =	vor.u32 v1, v22;
	v8 =	vld.idx.msk [tilespmem:v32+s14+$0x0], $0xffff;
	v21 =	vmul.f32 v21, v16;
	[tilespmem:s12+$0x100] =	vst v11  }
0x16a: {  	v50 =	vor.u32 v1, v20;
	[tilespmem:s12+$0xFFFFFE80] =	vst v29;
	v11 =	vmul.f32 v31, v14;
	v31 =	vld.idx.msk [tilespmem:v33+s18+$0x0], $0xffff  }
0x16b: {  	v29 =	vor.u32 v1, v19;
	v34 =	vld.idx.msk [tilespmem:v34+s18+$0x0], $0xffff;
	[tilespmem:s12+$0xFFFFFF00] =	vst v21;
	v21 =	vmul.f32 v25, v15  }
0x16c: {  	v26 =	vmul.f32 v26, v10;
	v25 =	vld.idx.msk [tilespmem:v36+s18+$0x0], $0xffff;
	[tilespmem:s12+$0xFFFFFF80] =	vst v11  }
0x16d: {  	v51 =	vor.u32 v1, v18;
	v11 =	vmul.f32 v35, v12;
	v52 =	vld.idx.msk [tilespmem:v37+s18+$0x0], $0xffff;
	[tilespmem:s12+$0x0] =	vst v21  }
0x16e: {  	[tilespmem:s12+$0xFFFFFE00] =	vst v26;
	v26 =	vor.u32 v2, v27;
	v53 =	vld.idx.msk [tilespmem:v38+s18+$0x0], $0xffff  }
0x16f: {  	v21 =	vmul.f32 v30, v9;
	[tilespmem:s12+$0x80] =	vst v11;
	v11 =	vor.u32 v2, v28;
	v30 =	vld.idx.msk [tilespmem:v50+s18+$0x0], $0xffff  }
0x170: {  	v54 =	vor.u32 v2, v24;
	v29 =	vld.idx.msk [tilespmem:v29+s18+$0x0], $0xffff;
	v34 =	vmul.f32 v34, v13  }
0x171: {  	v55 =	vor.u32 v2, v23;
	v31 =	vmul.f32 v31, v17;
	[tilespmem:s12+$0x180] =	vst v21;
	v21 =	vld.idx.msk [tilespmem:v32+s6+$0x0], $0xffff  }
0x172: {  	s7 =	simm.s32 $0x8;
	v56 =	vor.u32 v2, v22;
	v35 =	vld.idx.msk [tilespmem:v51+s18+$0x0], $0xffff;
	v25 =	vmul.f32 v25, v16;
	[tilespmem:s12+$0xFFFFFE90] =	vst v34  }
0x173: {  	v39 =	vor.u32 v2, v20;
	[tilespmem:s12+$0x110] =	vst v31;
	v31 =	vmov s7;
	v57 =	vmul.f32 v52, v14;
	v26 =	vld.idx.msk [tilespmem:v26+s18+$0x0], $0xffff  }
0x174: {  	v58 =	vor.u32 v2, v19;
	v31 =	vand.u32 $0xFFFFFFF8, v31;
	v11 =	vld.idx.msk [tilespmem:v11+s18+$0x0], $0xffff;
	[tilespmem:s12+$0xFFFFFF10] =	vst v25;
	v25 =	vmul.f32 v53, v15  }
0x175: {  	v59 =	vor.u32 v2, v18;
	v31 =	vbroadcast v31, $0x0;
	v30 =	vmul.f32 v30, v10;
	v33 =	vld.idx.msk [tilespmem:v54+s18+$0x0], $0xffff;
	[tilespmem:s12+$0xFFFFFF90] =	vst v57  }
0x176: {  	v29 =	vmul.f32 v29, v12;
	v60 =	vld.idx.msk [tilespmem:v55+s18+$0x0], $0xffff;
	[tilespmem:s12+$0x10] =	vst v25  }
0x177: {  	v61 =	vmul.f32 v35, v9;
	[tilespmem:s12+$0xFFFFFE10] =	vst v30;
	v30 =	vor.u32 v3, v27;
	v25 =	vld.idx.msk [tilespmem:v56+s18+$0x0], $0xffff  }
0x178: {  	[tilespmem:s12+$0x90] =	vst v29;
	v29 =	vor.u32 v3, v28;
	v63 =	vld.idx.msk [tilespmem:v39+s18+$0x0], $0xffff  }
0x179: {  	v44 =	vor.u32 v3, v24;
	v62 =	vld.idx.msk [tilespmem:v58+s18+$0x0], $0xffff;
	[tilespmem:s12+$0x190] =	vst v61;
	v26 =	vmul.f32 v26, v13  }
0x17a: {  	v46 =	vor.u32 v3, v23;
	v45 =	vmul.f32 v11, v17;
	v34 =	vld.idx.msk [tilespmem:v59+s18+$0x0], $0xffff  }
0x17b: {  	v40 =	vor.u32 v3, v22;
	v11 =	vld.idx.msk [tilespmem:v31+s14+$0x0], $0xffff;
	v33 =	vmul.f32 v33, v16;
	[tilespmem:s12+$0xFFFFFEA0] =	vst v26  }
0x17c: {  	v48 =	vor.u32 v3, v20;
	[tilespmem:s12+$0x120] =	vst v45;
	v26 =	vmul.f32 v60, v14;
	v30 =	vld.idx.msk [tilespmem:v30+s18+$0x0], $0xffff  }
0x17d: {  	v47 =	vor.u32 v3, v19;
	v29 =	vld.idx.msk [tilespmem:v29+s18+$0x0], $0xffff;
	[tilespmem:s12+$0xFFFFFF20] =	vst v33;
	v25 =	vmul.f32 v25, v15  }
0x17e: {  	v36 =	vmul.f32 v63, v10;
	v33 =	vld.idx.msk [tilespmem:v44+s18+$0x0], $0xffff;
	[tilespmem:s12+$0xFFFFFFA0] =	vst v26  }
0x17f: {  	v49 =	vor.u32 v3, v18;
	v26 =	vmul.f32 v62, v12;
	v32 =	vld.idx.msk [tilespmem:v46+s18+$0x0], $0xffff;
	[tilespmem:s12+$0x20] =	vst v25  }
0x180: {  	v51 =	vor.u32 v4, v27;
	[tilespmem:s12+$0xFFFFFE20] =	vst v36;
	v50 =	vld.idx.msk [tilespmem:v40+s18+$0x0], $0xffff  }
0x181: {  	v25 =	vmul.f32 v34, v9;
	[tilespmem:s12+$0xA0] =	vst v26;
	v26 =	vor.u32 v4, v28;
	v53 =	vld.idx.msk [tilespmem:v48+s18+$0x0], $0xffff  }
0x182: {  	v54 =	vor.u32 v4, v24;
	v52 =	vld.idx.msk [tilespmem:v47+s18+$0x0], $0xffff;
	v30 =	vmul.f32 v30, v13  }
0x183: {  	v55 =	vor.u32 v4, v23;
	[tilespmem:s12+$0x1A0] =	vst v25;
	v25 =	vld.idx.msk [tilespmem:v31+s6+$0x0], $0xffff;
	v29 =	vmul.f32 v29, v17  }
0x184: {  	s13 =	simm.s32 $0x9;
	v56 =	vor.u32 v4, v22;
	v35 =	vld.idx.msk [tilespmem:v49+s18+$0x0], $0xffff;
	v31 =	vmul.f32 v33, v16;
	[tilespmem:s12+$0xFFFFFEB0] =	vst v30  }
0x185: {  	v57 =	vor.u32 v4, v19;
	[tilespmem:s12+$0x130] =	vst v29;
	v29 =	vmov s13;
	v30 =	vmul.f32 v32, v14;
	v34 =	vld.idx.msk [tilespmem:v51+s18+$0x0], $0xffff  }
0x186: {  	v41 =	vld.idx.msk [tilespmem:v26+s18+$0x0], $0xffff;
	v26 =	vand.u32 $0xFFFFFFF9, v29;
	v29 =	vor.u32 v4, v20;
	[tilespmem:s12+$0xFFFFFF30] =	vst v31;
	v31 =	vmul.f32 v50, v15  }
0x187: {  	v59 =	vor.u32 v4, v18;
	v26 =	vbroadcast v26, $0x0;
	v58 =	vld.idx.msk [tilespmem:v54+s18+$0x0], $0xffff;
	[tilespmem:s12+$0xFFFFFFB0] =	vst v30;
	v30 =	vmul.f32 v52, v12  }
0x188: {  	v37 =	vmul.f32 v53, v10;
	v60 =	vld.idx.msk [tilespmem:v55+s18+$0x0], $0xffff;
	[tilespmem:s12+$0x30] =	vst v31  }
0x189: {  	v62 =	vor.u32 v5, v27;
	v61 =	vmul.f32 v35, v9;
	v31 =	vld.idx.msk [tilespmem:v56+s18+$0x0], $0xffff;
	[tilespmem:s12+$0xB0] =	vst v30  }
0x18a: {  	[tilespmem:s12+$0xFFFFFE30] =	vst v37;
	v30 =	vor.u32 v5, v28;
	v32 =	vld.idx.msk [tilespmem:v57+s18+$0x0], $0xffff  }
0x18b: {  	v63 =	vor.u32 v5, v24;
	[tilespmem:s12+$0x1B0] =	vst v61;
	v45 =	vmul.f32 v34, v13;
	v37 =	vld.idx.msk [tilespmem:v29+s18+$0x0], $0xffff  }
0x18c: {  	v46 =	vor.u32 v5, v23;
	v41 =	vmul.f32 v41, v17;
	v36 =	vld.idx.msk [tilespmem:v59+s18+$0x0], $0xffff  }
0x18d: {  	s3 =	simm.s32 $0xA;
	v42 =	vor.u32 v5, v22;
	v38 =	vmul.f32 v58, v16;
	[tilespmem:s12+$0xFFFFFEC0] =	vst v45;
	v29 =	vld.idx.msk [tilespmem:v26+s6+$0x0], $0xffff  }
0x18e: {  	v47 =	vmov s3;
	v49 =	vor.u32 v5, v19;
	[tilespmem:s12+$0x140] =	vst v41;
	v48 =	vmul.f32 v60, v14;
	v35 =	vld.idx.msk [tilespmem:v62+s18+$0x0], $0xffff  }
0x18f: {  	v50 =	vor.u32 v5, v20;
	v43 =	vld.idx.msk [tilespmem:v30+s18+$0x0], $0xffff;
	v30 =	vand.u32 $0xFFFFFFFA, v47;
	[tilespmem:s12+$0xFFFFFF40] =	vst v38;
	v31 =	vmul.f32 v31, v15  }
0x190: {  	v51 =	vor.u32 v5, v18;
	v30 =	vbroadcast v30, $0x0;
	v38 =	vld.idx.msk [tilespmem:v63+s18+$0x0], $0xffff;
	[tilespmem:s12+$0xFFFFFFC0] =	vst v48;
	v32 =	vmul.f32 v32, v12  }
0x191: {  	v37 =	vmul.f32 v37, v10;
	v34 =	vld.idx.msk [tilespmem:v46+s18+$0x0], $0xffff;
	[tilespmem:s12+$0x40] =	vst v31  }
0x192: {  	v54 =	vor.u32 v6, v27;
	v31 =	vmul.f32 v36, v9;
	v52 =	vld.idx.msk [tilespmem:v42+s18+$0x0], $0xffff;
	[tilespmem:s12+$0xC0] =	vst v32  }
0x193: {  	v53 =	vor.u32 v6, v28;
	[tilespmem:s12+$0xFFFFFE40] =	vst v37;
	v39 =	vld.idx.msk [tilespmem:v49+s18+$0x0], $0xffff  }
0x194: {  	v55 =	vor.u32 v6, v24;
	[tilespmem:s12+$0x1C0] =	vst v31;
	v35 =	vmul.f32 v35, v13;
	v41 =	vld.idx.msk [tilespmem:v50+s18+$0x0], $0xffff  }
0x195: {  	v57 =	vor.u32 v6, v23;
	v56 =	vmul.f32 v43, v17;
	v44 =	vld.idx.msk [tilespmem:v51+s18+$0x0], $0xffff  }
0x196: {  	s13 =	simm.s32 $0xB;
	v59 =	vor.u32 v6, v22;
	v58 =	vmul.f32 v38, v16;
	[tilespmem:s12+$0xFFFFFED0] =	vst v35;
	v31 =	vld.idx.msk [tilespmem:v30+s6+$0x0], $0xffff  }
0x197: {  	v45 =	vor.u32 v6, v19;
	v62 =	vmov s13;
	[tilespmem:s12+$0x150] =	vst v56;
	v34 =	vmul.f32 v34, v14;
	v36 =	vld.idx.msk [tilespmem:v54+s18+$0x0], $0xffff  }
0x198: {  	v40 =	vor.u32 v6, v20;
	v63 =	vand.u32 $0xFFFFFFFB, v62;
	v37 =	vld.idx.msk [tilespmem:v53+s18+$0x0], $0xffff;
	[tilespmem:s12+$0xFFFFFF50] =	vst v58;
	v60 =	vmul.f32 v52, v15  }
0x199: {  	v32 =	vbroadcast v63, $0x0;
	v35 =	vld.idx.msk [tilespmem:v55+s18+$0x0], $0xffff;
	[tilespmem:s12+$0xFFFFFFD0] =	vst v34;
	v61 =	vmul.f32 v39, v12;
	v39 =	vor.u32 v6, v18  }
0x19a: {  	v46 =	vmul.f32 v41, v10;
	v34 =	vld.idx.msk [tilespmem:v57+s18+$0x0], $0xffff;
	[tilespmem:s12+$0x50] =	vst v60  }
0x19b: {  	v28 =	vor.u32 v7, v28;
	v41 =	vmul.f32 v44, v9;
	v33 =	vld.idx.msk [tilespmem:v59+s18+$0x0], $0xffff;
	[tilespmem:s12+$0xD0] =	vst v61  }
0x19c: {  	s0 =	simm.s32 $0x10;
	s13 =	simm.s32 $0xE;
	v38 =	vor.u32 v7, v27;
	[tilespmem:s12+$0xFFFFFE50] =	vst v46;
	v27 =	vld.idx.msk [tilespmem:v45+s18+$0x0], $0xffff  }
.LBB2_9:
0x19d: {  	p2 =	slt.u32 s0, $0x38;
	v42 =	vmov s13;
	v40 =	vld.idx.msk [tilespmem:v40+s18+$0x0], $0xffff;
	v24 =	vor.u32 v7, v24;
	v37 =	vmul.f32 v37, v17;
	[tilespmem:s12+$0x1D0] =	vst v41  }
0x19e: {  	v36 =	vmul.f32 v36, v13;
	v23 =	vor.u32 v7, v23;
	v41 =	vand.u32 $0xFFFFFFFE, v42;
	v39 =	vld.idx.msk [tilespmem:v39+s18+$0x0], $0xffff  }
0x19f: {  	s13 =	sadd.s32 $0x4, s7;
	s3 =	sadd.s32 $0x5, s7;
	v22 =	vor.u32 v7, v22;
	s7 =	smov.u32 s0;
	v35 =	vmul.f32 v35, v16;
	v42 =	vld.idx.msk [tilespmem:v32+s6+$0x0], $0xffff;
	v41 =	vbroadcast v41, $0x0;
	[tilespmem:s12+$0x160] =	vst v37  }
0x1a0: {  	v43 =	vmov s3;
	v37 =	vmov s13;
	v34 =	vmul.f32 v34, v14;
	[tilespmem:s12+$0xFFFFFEE0] =	vst v36;
	v28 =	vld.idx.msk [tilespmem:v28+s18+$0x0], $0xffff  }
0x1a1: {  	v19 =	vor.u32 v7, v19;
	v36 =	vand.u32 $0xFFFFFFFC, v37;
	v33 =	vmul.f32 v33, v15;
	v37 =	vld.idx.msk [tilespmem:v38+s18+$0x0], $0xffff;
	[tilespmem:s12+$0xFFFFFF60] =	vst v35  }
0x1a2: {  	v20 =	vor.u32 v7, v20;
	v35 =	vand.u32 $0xFFFFFFFD, v43;
	v27 =	vmul.f32 v27, v12;
	v24 =	vld.idx.msk [tilespmem:v24+s18+$0x0], $0xffff;
	[tilespmem:s12+$0xFFFFFFE0] =	vst v34  }
0x1a3: {  	v18 =	vor.u32 v7, v18;
	v34 =	vbroadcast v36, $0x0;
	v36 =	vmul.f32 v40, v10;
	v23 =	vld.idx.msk [tilespmem:v23+s18+$0x0], $0xffff;
	[tilespmem:s12+$0x60] =	vst v33  }
0x1a4: {  	v33 =	vbroadcast v35, $0x0;
	v22 =	vld.idx.msk [tilespmem:v22+s18+$0x0], $0xffff;
	[tilespmem:s12+$0xE0] =	vst v27;
	v27 =	vmul.f32 v39, v9  }
0x1a5: {  	v35 =	vld.idx.msk [tilespmem:v41+s6+$0x0], $0xffff;
	[tilespmem:s12+$0xFFFFFE60] =	vst v36  }
0x1a6: {  	v17 =	vmul.f32 v28, v17;
	v19 =	vld.idx.msk [tilespmem:v19+s18+$0x0], $0xffff;
	[tilespmem:s12+$0x1E0] =	vst v27  }
0x1a7: {  	v13 =	vmul.f32 v37, v13;
	v20 =	vld.idx.msk [tilespmem:v20+s18+$0x0], $0xffff  }
0x1a8: {  	v16 =	vmul.f32 v24, v16;
	[tilespmem:s12+$0x170] =	vst v17;
	v17 =	vld.idx.msk [tilespmem:v18+s18+$0x0], $0xffff  }
0x1a9: {  	v14 =	vmul.f32 v23, v14;
	v18 =	vld.idx.msk [tilespmem:v34+s6+$0x0], $0xffff;
	[tilespmem:s12+$0xFFFFFEF0] =	vst v13  }
0x1aa: {  	v15 =	vmul.f32 v22, v15;
	v36 =	vld.idx.msk [tilespmem:v33+s6+$0x0], $0xffff;
	[tilespmem:s12+$0xFFFFFF70] =	vst v16  }
0x1ab: {  	v28 =	vshll.u32 v35, $0x7;
	v13 =	vld.idx.msk [tilespmem:v26+s14+$0x0], $0xffff;
	[tilespmem:s12+$0xFFFFFFF0] =	vst v14  }
0x1ac: {  	v27 =	vshll.u32 v29, $0x7;
	v26 =	vor.u32 v0, v28;
	v12 =	vmul.f32 v19, v12;
	v16 =	vld.idx.msk [tilespmem:v30+s14+$0x0], $0xffff;
	[tilespmem:s12+$0x70] =	vst v15  }
0x1ad: {  	v29 =	vor.u32 v0, v27;
	v24 =	vshll.u32 v31, $0x7;
	v19 =	vmul.f32 v20, v10;
	v10 =	vmovc v11;
	v14 =	vld.idx.msk [tilespmem:v32+s14+$0x0], $0xffff  }
0x1ae: {  	v23 =	vshll.u32 v42, $0x7;
	v11 =	vor.u32 v0, v24;
	v20 =	vmul.f32 v17, v9;
	v15 =	vld.idx.msk [tilespmem:v34+s14+$0x0], $0xffff;
	[tilespmem:s12+$0xF0] =	vst v12  }
0x1af: {  	v30 =	vor.u32 v0, v23;
	v9 =	vmov v8;
	v22 =	vshll.u32 v18, $0x7;
	v12 =	vld.idx.msk [tilespmem:v33+s14+$0x0], $0xffff;
	[tilespmem:s12+$0xFFFFFE70] =	vst v19  }
0x1b0: {  	v8 =	vor.u32 v0, v22;
	v19 =	vshll.u32 v36, $0x7;
	v17 =	vld.idx.msk [tilespmem:v41+s14+$0x0], $0xffff;
	[tilespmem:s12+$0x1F0] =	vst v20  }
0x1b1: {  	v20 =	vshll.u32 v25, $0x7;
	v25 =	vor.u32 v0, v19;
	v26 =	vld.idx.msk [tilespmem:v26+s18+$0x0], $0xffff  }
0x1b2: {  	v18 =	vshll.u32 v21, $0x7;
	v31 =	vor.u32 v0, v20;
	v29 =	vld.idx.msk [tilespmem:v29+s18+$0x0], $0xffff  }
0x1b3: {  	s3 =	sadd.s32 $0x7, s0;
	v21 =	vor.u32 v0, v18;
	v11 =	vld.idx.msk [tilespmem:v11+s18+$0x0], $0xffff  }
0x1b4: {  	v32 =	vmov s3;
	v30 =	vld.idx.msk [tilespmem:v30+s18+$0x0], $0xffff  }
0x1b5: {  	v34 =	vor.u32 v1, v28;
	v33 =	vld.idx.msk [tilespmem:v8+s18+$0x0], $0xffff  }
0x1b6: {  	v35 =	vor.u32 v1, v27;
	v25 =	vld.idx.msk [tilespmem:v25+s18+$0x0], $0xffff  }
0x1b7: {  	v36 =	vor.u32 v1, v24;
	v26 =	vmul.f32 v26, v17;
	v31 =	vld.idx.msk [tilespmem:v31+s18+$0x0], $0xffff  }
0x1b8: {  	v37 =	vor.u32 v1, v23;
	s12 =	sadd.s32 $0x400, s12;
	v29 =	vmul.f32 v29, v13;
	v21 =	vld.idx.msk [tilespmem:v21+s18+$0x0], $0xffff  }
0x1b9: {  	v38 =	vor.u32 v1, v22;
	v11 =	vmul.f32 v11, v16;
	v8 =	vld.idx.msk [tilespmem:v32+s14+$0x0], $0xffff;
	[tilespmem:s12+$0x100] =	vst v26  }
0x1ba: {  	v26 =	vmul.f32 v30, v14;
	[tilespmem:s12+$0xFFFFFE80] =	vst v29;
	v29 =	vor.u32 v1, v19;
	v30 =	vld.idx.msk [tilespmem:v34+s18+$0x0], $0xffff  }
0x1bb: {  	v34 =	vor.u32 v1, v20;
	v35 =	vld.idx.msk [tilespmem:v35+s18+$0x0], $0xffff;
	[tilespmem:s12+$0xFFFFFF00] =	vst v11;
	v11 =	vmul.f32 v33, v15  }
0x1bc: {  	v25 =	vmul.f32 v25, v12;
	v33 =	vld.idx.msk [tilespmem:v36+s18+$0x0], $0xffff;
	[tilespmem:s12+$0xFFFFFF80] =	vst v26;
	v26 =	vor.u32 v1, v18  }
0x1bd: {  	v31 =	vmul.f32 v31, v10;
	v36 =	vld.idx.msk [tilespmem:v37+s18+$0x0], $0xffff;
	[tilespmem:s12+$0x0] =	vst v11  }
0x1be: {  	v21 =	vmul.f32 v21, v9;
	v11 =	vld.idx.msk [tilespmem:v38+s18+$0x0], $0xffff;
	[tilespmem:s12+$0x80] =	vst v25;
	v25 =	vor.u32 v2, v28  }
0x1bf: {  	[tilespmem:s12+$0xFFFFFE00] =	vst v31;
	v31 =	vor.u32 v2, v27;
	v29 =	vld.idx.msk [tilespmem:v29+s18+$0x0], $0xffff  }
0x1c0: {  	v37 =	vor.u32 v2, v24;
	v30 =	vmul.f32 v30, v17;
	v34 =	vld.idx.msk [tilespmem:v34+s18+$0x0], $0xffff;
	[tilespmem:s12+$0x180] =	vst v21  }
0x1c1: {  	v38 =	vor.u32 v2, v23;
	v35 =	vmul.f32 v35, v13;
	v26 =	vld.idx.msk [tilespmem:v26+s18+$0x0], $0xffff  }
0x1c2: {  	v21 =	vld.idx.msk [tilespmem:v32+s6+$0x0], $0xffff;
	v32 =	vmul.f32 v33, v16;
	v33 =	vor.u32 v2, v22;
	[tilespmem:s12+$0x110] =	vst v30  }
0x1c3: {  	v30 =	vmov s0;
	[tilespmem:s12+$0xFFFFFE90] =	vst v35;
	v35 =	vmul.f32 v36, v14;
	v36 =	vor.u32 v2, v19;
	v25 =	vld.idx.msk [tilespmem:v25+s18+$0x0], $0xffff  }
0x1c4: {  	v39 =	vor.u32 v2, v20;
	v30 =	vand.u32 $0xFFFFFFF8, v30;
	v11 =	vmul.f32 v11, v15;
	v31 =	vld.idx.msk [tilespmem:v31+s18+$0x0], $0xffff;
	[tilespmem:s12+$0xFFFFFF10] =	vst v32  }
0x1c5: {  	v30 =	vbroadcast v30, $0x0;
	v29 =	vmul.f32 v29, v12;
	v32 =	vld.idx.msk [tilespmem:v37+s18+$0x0], $0xffff;
	[tilespmem:s12+$0xFFFFFF90] =	vst v35;
	v35 =	vor.u32 v2, v18  }
0x1c6: {  	v34 =	vmul.f32 v34, v10;
	v37 =	vld.idx.msk [tilespmem:v38+s18+$0x0], $0xffff;
	[tilespmem:s12+$0x10] =	vst v11  }
0x1c7: {  	v11 =	vmul.f32 v26, v9;
	v33 =	vld.idx.msk [tilespmem:v33+s18+$0x0], $0xffff;
	[tilespmem:s12+$0x90] =	vst v29;
	v29 =	vor.u32 v3, v28  }
0x1c8: {  	v26 =	vor.u32 v3, v27;
	[tilespmem:s12+$0xFFFFFE10] =	vst v34;
	v34 =	vld.idx.msk [tilespmem:v36+s18+$0x0], $0xffff  }
0x1c9: {  	v38 =	vor.u32 v3, v24;
	v25 =	vmul.f32 v25, v17;
	v36 =	vld.idx.msk [tilespmem:v39+s18+$0x0], $0xffff;
	[tilespmem:s12+$0x190] =	vst v11  }
0x1ca: {  	v31 =	vmul.f32 v31, v13;
	v39 =	vor.u32 v3, v23;
	v35 =	vld.idx.msk [tilespmem:v35+s18+$0x0], $0xffff  }
0x1cb: {  	v40 =	vor.u32 v3, v22;
	v32 =	vmul.f32 v32, v16;
	v11 =	vld.idx.msk [tilespmem:v30+s14+$0x0], $0xffff;
	[tilespmem:s12+$0x120] =	vst v25  }
0x1cc: {  	v25 =	vmul.f32 v37, v14;
	[tilespmem:s12+$0xFFFFFEA0] =	vst v31;
	v31 =	vor.u32 v3, v19;
	v29 =	vld.idx.msk [tilespmem:v29+s18+$0x0], $0xffff  }
0x1cd: {  	v37 =	vor.u32 v3, v20;
	v26 =	vld.idx.msk [tilespmem:v26+s18+$0x0], $0xffff;
	[tilespmem:s12+$0xFFFFFF20] =	vst v32;
	v32 =	vmul.f32 v33, v15  }
0x1ce: {  	v33 =	vld.idx.msk [tilespmem:v38+s18+$0x0], $0xffff;
	[tilespmem:s12+$0xFFFFFFA0] =	vst v25;
	v25 =	vmul.f32 v34, v12;
	v34 =	vor.u32 v3, v18  }
0x1cf: {  	v36 =	vmul.f32 v36, v10;
	v38 =	vld.idx.msk [tilespmem:v39+s18+$0x0], $0xffff;
	[tilespmem:s12+$0x20] =	vst v32  }
0x1d0: {  	v39 =	vor.u32 v4, v28;
	v32 =	vld.idx.msk [tilespmem:v40+s18+$0x0], $0xffff;
	[tilespmem:s12+$0xA0] =	vst v25;
	v25 =	vmul.f32 v35, v9  }
0x1d1: {  	v35 =	vor.u32 v4, v27;
	[tilespmem:s12+$0xFFFFFE20] =	vst v36;
	v31 =	vld.idx.msk [tilespmem:v31+s18+$0x0], $0xffff  }
0x1d2: {  	v29 =	vmul.f32 v29, v17;
	v36 =	vld.idx.msk [tilespmem:v37+s18+$0x0], $0xffff;
	v37 =	vor.u32 v4, v24;
	[tilespmem:s12+$0x1A0] =	vst v25  }
0x1d3: {  	v40 =	vor.u32 v4, v23;
	v26 =	vmul.f32 v26, v13;
	v34 =	vld.idx.msk [tilespmem:v34+s18+$0x0], $0xffff  }
0x1d4: {  	s3 =	sadd.s32 $0x1, s0;
	v25 =	vld.idx.msk [tilespmem:v30+s6+$0x0], $0xffff;
	v30 =	vmul.f32 v33, v16;
	v33 =	vor.u32 v4, v22;
	[tilespmem:s12+$0x130] =	vst v29  }
0x1d5: {  	v41 =	vor.u32 v4, v19;
	v29 =	vmov s3;
	v38 =	vmul.f32 v38, v14;
	[tilespmem:s12+$0xFFFFFEB0] =	vst v26;
	v39 =	vld.idx.msk [tilespmem:v39+s18+$0x0], $0xffff  }
0x1d6: {  	v26 =	vand.u32 $0xFFFFFFF9, v29;
	v29 =	vor.u32 v4, v20;
	v35 =	vld.idx.msk [tilespmem:v35+s18+$0x0], $0xffff;
	[tilespmem:s12+$0xFFFFFF30] =	vst v30;
	v30 =	vmul.f32 v32, v15  }
0x1d7: {  	v26 =	vbroadcast v26, $0x0;
	v31 =	vmul.f32 v31, v12;
	v32 =	vld.idx.msk [tilespmem:v37+s18+$0x0], $0xffff;
	[tilespmem:s12+$0xFFFFFFB0] =	vst v38;
	v37 =	vor.u32 v4, v18  }
0x1d8: {  	v36 =	vmul.f32 v36, v10;
	v38 =	vld.idx.msk [tilespmem:v40+s18+$0x0], $0xffff;
	[tilespmem:s12+$0x30] =	vst v30  }
0x1d9: {  	v30 =	vld.idx.msk [tilespmem:v33+s18+$0x0], $0xffff;
	[tilespmem:s12+$0xB0] =	vst v31;
	v31 =	vor.u32 v5, v28;
	v33 =	vmul.f32 v34, v9  }
0x1da: {  	v34 =	vor.u32 v5, v27;
	[tilespmem:s12+$0xFFFFFE30] =	vst v36;
	v36 =	vld.idx.msk [tilespmem:v41+s18+$0x0], $0xffff  }
0x1db: {  	v41 =	vor.u32 v5, v24;
	v39 =	vmul.f32 v39, v17;
	v40 =	vld.idx.msk [tilespmem:v29+s18+$0x0], $0xffff;
	[tilespmem:s12+$0x1B0] =	vst v33  }
0x1dc: {  	v33 =	vmul.f32 v35, v13;
	v35 =	vor.u32 v5, v23;
	v37 =	vld.idx.msk [tilespmem:v37+s18+$0x0], $0xffff  }
0x1dd: {  	v42 =	vor.u32 v5, v22;
	s3 =	sadd.s32 $0x2, s0;
	v32 =	vmul.f32 v32, v16;
	v29 =	vld.idx.msk [tilespmem:v26+s6+$0x0], $0xffff;
	[tilespmem:s12+$0x140] =	vst v39  }
0x1de: {  	v39 =	vmov s3;
	[tilespmem:s12+$0xFFFFFEC0] =	vst v33;
	v33 =	vmul.f32 v38, v14;
	v38 =	vor.u32 v5, v19;
	v31 =	vld.idx.msk [tilespmem:v31+s18+$0x0], $0xffff  }
0x1df: {  	v43 =	vor.u32 v5, v20;
	v39 =	vand.u32 $0xFFFFFFFA, v39;
	v34 =	vld.idx.msk [tilespmem:v34+s18+$0x0], $0xffff;
	[tilespmem:s12+$0xFFFFFF40] =	vst v32;
	v32 =	vmul.f32 v30, v15  }
0x1e0: {  	v30 =	vbroadcast v39, $0x0;
	v39 =	vld.idx.msk [tilespmem:v41+s18+$0x0], $0xffff;
	[tilespmem:s12+$0xFFFFFFC0] =	vst v33;
	v33 =	vmul.f32 v36, v12;
	v36 =	vor.u32 v5, v18  }
0x1e1: {  	v40 =	vmul.f32 v40, v10;
	v35 =	vld.idx.msk [tilespmem:v35+s18+$0x0], $0xffff;
	[tilespmem:s12+$0x40] =	vst v32  }
0x1e2: {  	v37 =	vmul.f32 v37, v9;
	v32 =	vld.idx.msk [tilespmem:v42+s18+$0x0], $0xffff;
	[tilespmem:s12+$0xC0] =	vst v33;
	v33 =	vor.u32 v6, v28  }
0x1e3: {  	v41 =	vor.u32 v6, v27;
	[tilespmem:s12+$0xFFFFFE40] =	vst v40;
	v38 =	vld.idx.msk [tilespmem:v38+s18+$0x0], $0xffff  }
0x1e4: {  	v40 =	vmul.f32 v31, v17;
	v42 =	vld.idx.msk [tilespmem:v43+s18+$0x0], $0xffff;
	v43 =	vor.u32 v6, v24;
	[tilespmem:s12+$0x1C0] =	vst v37  }
0x1e5: {  	v44 =	vor.u32 v6, v23;
	v34 =	vmul.f32 v34, v13;
	v45 =	vld.idx.msk [tilespmem:v36+s18+$0x0], $0xffff  }
0x1e6: {  	v46 =	vor.u32 v6, v22;
	s3 =	sadd.s32 $0x3, s0;
	v39 =	vmul.f32 v39, v16;
	v31 =	vld.idx.msk [tilespmem:v30+s6+$0x0], $0xffff;
	[tilespmem:s12+$0x150] =	vst v40  }
0x1e7: {  	v47 =	vor.u32 v6, v19;
	v36 =	vmov s3;
	[tilespmem:s12+$0xFFFFFED0] =	vst v34;
	v34 =	vmul.f32 v35, v14;
	v37 =	vld.idx.msk [tilespmem:v33+s18+$0x0], $0xffff  }
.Ltmp6:
0x1e8: {  	v40 =	vor.u32 v6, v20;
	v33 =	vand.u32 $0xFFFFFFFB, v36;
	v36 =	vld.idx.msk [tilespmem:v41+s18+$0x0], $0xffff;
	[tilespmem:s12+$0xFFFFFF50] =	vst v39;
	v41 =	vmul.f32 v32, v15;
	(pc) =	sbr.rel @p2 .LBB2_9-.Ltmp6, $4  }
0x1e9: {  	v32 =	vbroadcast v33, $0x0;
	v38 =	vmul.f32 v38, v12;
	v39 =	vor.u32 v6, v18;
	v35 =	vld.idx.msk [tilespmem:v43+s18+$0x0], $0xffff;
	[tilespmem:s12+$0xFFFFFFD0] =	vst v34  }
0x1ea: {  	v42 =	vmul.f32 v42, v10;
	v34 =	vld.idx.msk [tilespmem:v44+s18+$0x0], $0xffff;
	[tilespmem:s12+$0x50] =	vst v41  }
0x1eb: {  	v28 =	vor.u32 v7, v28;
	v41 =	vmul.f32 v45, v9;
	v33 =	vld.idx.msk [tilespmem:v46+s18+$0x0], $0xffff;
	[tilespmem:s12+$0xD0] =	vst v38  }
0x1ec: {  	s13 =	sadd.s32 $0x6, s7;
	s0 =	sadd.s32 $0x8, s0;
	v38 =	vor.u32 v7, v27;
	[tilespmem:s12+$0xFFFFFE50] =	vst v42;
	v27 =	vld.idx.msk [tilespmem:v47+s18+$0x0], $0xffff  }
0x1ed: {  	_ =	sdelay $0x3  }
0x1ee: {  	v40 =	vld.idx.msk [tilespmem:v40+s18+$0x0], $0xffff;
	v24 =	vor.u32 v7, v24;
	v37 =	vmul.f32 v37, v17;
	[tilespmem:s12+$0x1D0] =	vst v41  }
0x1ef: {  	v42 =	vmov s13;
	v36 =	vmul.f32 v36, v13;
	v23 =	vor.u32 v7, v23;
	v39 =	vld.idx.msk [tilespmem:v39+s18+$0x0], $0xffff  }
0x1f0: {  	v22 =	vor.u32 v7, v22;
	v49 =	vand.u32 $0xFFFFFFFE, v42;
	v42 =	vld.idx.msk [tilespmem:v32+s6+$0x0], $0xffff;
	v35 =	vmul.f32 v35, v16;
	[tilespmem:s12+$0x160] =	vst v37  }
0x1f1: {  	v19 =	vor.u32 v7, v19;
	[tilespmem:s12+$0xFFFFFEE0] =	vst v36;
	v34 =	vmul.f32 v34, v14;
	v51 =	vld.idx.msk [tilespmem:v28+s18+$0x0], $0xffff  }
0x1f2: {  	v41 =	vbroadcast v49, $0x0;
	v38 =	vld.idx.msk [tilespmem:v38+s18+$0x0], $0xffff;
	[tilespmem:s12+$0xFFFFFF60] =	vst v35;
	v33 =	vmul.f32 v33, v15  }
0x1f3: {  	s0 =	sadd.s32 $0x4, s7;
	[tilespmem:s12+$0xFFFFFFE0] =	vst v34;
	v55 =	vmul.f32 v27, v12;
	v54 =	vld.idx.msk [tilespmem:v24+s18+$0x0], $0xffff  }
0x1f4: {  	v20 =	vor.u32 v7, v20;
	v50 =	vmov s0;
	v34 =	vld.idx.msk [tilespmem:v23+s18+$0x0], $0xffff;
	[tilespmem:s12+$0x60] =	vst v33  }
0x1f5: {  	v53 =	vand.u32 $0xFFFFFFFC, v50;
	v59 =	vld.idx.msk [tilespmem:v22+s18+$0x0], $0xffff;
	[tilespmem:s12+$0xE0] =	vst v55  }
0x1f6: {  	s3 =	sadd.s32 $0x5, s7;
	v18 =	vor.u32 v7, v18;
	v56 =	vbroadcast v53, $0x0;
	v57 =	vmul.f32 v40, v10;
	v62 =	vld.idx.msk [tilespmem:v19+s18+$0x0], $0xffff  }
0x1f7: {  	v52 =	vmov s3;
	v19 =	vld.idx.msk [tilespmem:v30+s14+$0x0], $0xffff  }
0x1f8: {  	v28 =	vand.u32 $0xFFFFFFFD, v52;
	v60 =	vmul.f32 v39, v9;
	[tilespmem:s12+$0xFFFFFE60] =	vst v57;
	v61 =	vld.idx.msk [tilespmem:v41+s6+$0x0], $0xffff  }
0x1f9: {  	v58 =	vbroadcast v28, $0x0;
	v63 =	vld.idx.msk [tilespmem:v20+s18+$0x0], $0xffff  }
0x1fa: {  	[tilespmem:s12+$0x1E0] =	vst v60;
	v20 =	vld.idx.msk [tilespmem:v32+s14+$0x0], $0xffff  }
0x1fb: {  	v43 =	vld.idx.msk [tilespmem:v18+s18+$0x0], $0xffff  }
0x1fc: {  	v22 =	vshll.u32 v29, $0x7;
	v44 =	vld.idx.msk [tilespmem:v56+s6+$0x0], $0xffff  }
0x1fd: {  	v24 =	vshll.u32 v31, $0x7;
	v23 =	vshll.u32 v42, $0x7;
	v49 =	vor.u32 v0, v22;
	v18 =	vld.idx.msk [tilespmem:v26+s14+$0x0], $0xffff  }
0x1fe: {  	v53 =	vor.u32 v0, v23;
	v50 =	vmul.f32 v51, v17;
	v51 =	vor.u32 v0, v24;
	v17 =	vld.idx.msk [tilespmem:v56+s14+$0x0], $0xffff  }
0x1ff: {  	v52 =	vmul.f32 v38, v13;
	v45 =	vld.idx.msk [tilespmem:v58+s6+$0x0], $0xffff;
	v34 =	vmul.f32 v34, v14;
	v14 =	vshll.u32 v25, $0x7  }
0x200: {  	v13 =	vld.idx.msk [tilespmem:v58+s14+$0x0], $0xffff;
	v57 =	vmul.f32 v59, v15;
	v58 =	vor.u32 v0, v14;
	v15 =	vshll.u32 v21, $0x7  }
0x201: {  	v54 =	vmul.f32 v54, v16;
	v16 =	vld.idx.msk [tilespmem:v41+s14+$0x0], $0xffff;
	v28 =	vshll.u32 v61, $0x7;
	v61 =	vor.u32 v0, v15  }
0x202: {  	[tilespmem:s12+$0x170] =	vst v50;
	v30 =	vld.idx.msk [tilespmem:v49+s18+$0x0], $0xffff;
	v48 =	vor.u32 v0, v28  }
0x203: {  	[tilespmem:s12+$0xFFFFFEF0] =	vst v52;
	v60 =	vld.idx.msk [tilespmem:v51+s18+$0x0], $0xffff;
	v26 =	vshll.u32 v44, $0x7  }
0x204: {  	v59 =	vmul.f32 v62, v12;
	v62 =	vmul.f32 v63, v10;
	v63 =	vld.idx.msk [tilespmem:v53+s18+$0x0], $0xffff;
	v55 =	vor.u32 v0, v26  }
0x205: {  	[tilespmem:s12+$0xFFFFFF70] =	vst v54;
	v41 =	vmul.f32 v43, v9;
	v43 =	vor.u32 v1, v22;
	v27 =	vshll.u32 v45, $0x7;
	v46 =	vld.idx.msk [tilespmem:v58+s18+$0x0], $0xffff  }
0x206: {  	[tilespmem:s12+$0xFFFFFFF0] =	vst v34;
	v56 =	vor.u32 v0, v27;
	v32 =	vld.idx.msk [tilespmem:v61+s18+$0x0], $0xffff  }
0x207: {  	[tilespmem:s12+$0x70] =	vst v57;
	v45 =	vor.u32 v1, v24;
	v30 =	vmul.f32 v30, v18;
	v29 =	vld.idx.msk [tilespmem:v48+s18+$0x0], $0xffff  }
0x208: {  	s7 =	sadd.s32 $0x400, s12;
	v52 =	vor.u32 v1, v14;
	[tilespmem:s12+$0xF0] =	vst v59;
	v21 =	vmul.f32 v60, v19  }
0x209: {  	v47 =	vor.u32 v1, v23;
	v49 =	vmul.f32 v63, v20;
	[tilespmem:s7+$0xFFFFFE80] =	vst v30;
	v42 =	vld.idx.msk [tilespmem:v55+s18+$0x0], $0xffff  }
0x20a: {  	v53 =	vor.u32 v1, v15;
	v31 =	vld.idx.msk [tilespmem:v43+s18+$0x0], $0xffff;
	[tilespmem:s7+$0xFFFFFF00] =	vst v21;
	v9 =	vmul.f32 v46, v11  }
0x20b: {  	v40 =	vor.u32 v1, v28;
	[tilespmem:s7+$0xFFFFFF80] =	vst v49;
	v44 =	vld.idx.msk [tilespmem:v56+s18+$0x0], $0xffff;
	v56 =	vmul.f32 v32, v8  }
0x20c: {  	v21 =	vld.idx.msk [tilespmem:v45+s18+$0x0], $0xffff;
	[tilespmem:s7+$0xFFFFFE00] =	vst v9;
	v29 =	vmul.f32 v29, v16  }
0x20d: {  	v48 =	vor.u32 v1, v26;
	v34 =	vld.idx.msk [tilespmem:v52+s18+$0x0], $0xffff;
	[tilespmem:s7+$0x180] =	vst v56  }
0x20e: {  	v50 =	vor.u32 v1, v27;
	v12 =	vmul.f32 v42, v17;
	[tilespmem:s7+$0x100] =	vst v29;
	v29 =	vld.idx.msk [tilespmem:v47+s18+$0x0], $0xffff  }
0x20f: {  	v57 =	vor.u32 v2, v22;
	[tilespmem:s12+$0xFFFFFE70] =	vst v62;
	v60 =	vmul.f32 v31, v18;
	v25 =	vld.idx.msk [tilespmem:v53+s18+$0x0], $0xffff  }
0x210: {  	v59 =	vor.u32 v2, v24;
	v10 =	vmul.f32 v44, v13;
	v51 =	vld.idx.msk [tilespmem:v40+s18+$0x0], $0xffff;
	[tilespmem:s7+$0x0] =	vst v12  }
0x211: {  	v61 =	vor.u32 v2, v23;
	v21 =	vmul.f32 v21, v19;
	[tilespmem:s7+$0xFFFFFE90] =	vst v60  }
0x212: {  	v38 =	vor.u32 v2, v14;
	v55 =	vld.idx.msk [tilespmem:v48+s18+$0x0], $0xffff;
	[tilespmem:s7+$0x80] =	vst v10;
	v34 =	vmul.f32 v34, v11  }
0x213: {  	v40 =	vor.u32 v2, v15;
	[tilespmem:s7+$0xFFFFFF10] =	vst v21;
	v58 =	vld.idx.msk [tilespmem:v50+s18+$0x0], $0xffff;
	v63 =	vmul.f32 v29, v20  }
0x214: {  	v54 =	vor.u32 v2, v28;
	v32 =	vld.idx.msk [tilespmem:v57+s18+$0x0], $0xffff;
	v43 =	vmul.f32 v25, v8;
	[tilespmem:s7+$0xFFFFFE10] =	vst v34  }
0x215: {  	v62 =	vor.u32 v2, v26;
	v30 =	vld.idx.msk [tilespmem:v59+s18+$0x0], $0xffff;
	v33 =	vmul.f32 v51, v16;
	[tilespmem:s7+$0xFFFFFF90] =	vst v63  }
0x216: {  	v37 =	vor.u32 v2, v27;
	[tilespmem:s7+$0x190] =	vst v43;
	v31 =	vld.idx.msk [tilespmem:v61+s18+$0x0], $0xffff  }
0x217: {  	v44 =	vor.u32 v3, v22;
	v39 =	vmul.f32 v55, v17;
	[tilespmem:s7+$0x110] =	vst v33;
	v33 =	vld.idx.msk [tilespmem:v38+s18+$0x0], $0xffff  }
0x218: {  	[tilespmem:s12+$0x1F0] =	vst v41;
	v45 =	vor.u32 v3, v24;
	v9 =	vmul.f32 v58, v13;
	v10 =	vld.idx.msk [tilespmem:v40+s18+$0x0], $0xffff  }
0x219: {  	v47 =	vor.u32 v3, v23;
	v46 =	vmul.f32 v32, v18;
	v12 =	vld.idx.msk [tilespmem:v54+s18+$0x0], $0xffff;
	[tilespmem:s7+$0x10] =	vst v39  }
0x21a: {  	v51 =	vor.u32 v3, v14;
	v30 =	vmul.f32 v30, v19;
	v42 =	vld.idx.msk [tilespmem:v62+s18+$0x0], $0xffff;
	[tilespmem:s7+$0x90] =	vst v9  }
0x21b: {  	[tilespmem:s7+$0xFFFFFEA0] =	vst v46;
	v54 =	vor.u32 v3, v15;
	v29 =	vld.idx.msk [tilespmem:v37+s18+$0x0], $0xffff;
	v49 =	vmul.f32 v31, v20  }
0x21c: {  	v41 =	vor.u32 v3, v28;
	v25 =	vld.idx.msk [tilespmem:v44+s18+$0x0], $0xffff;
	[tilespmem:s7+$0xFFFFFF20] =	vst v30;
	v33 =	vmul.f32 v33, v11  }
0x21d: {  	v48 =	vor.u32 v3, v26;
	v34 =	vld.idx.msk [tilespmem:v45+s18+$0x0], $0xffff;
	v57 =	vmul.f32 v10, v8;
	[tilespmem:s7+$0xFFFFFFA0] =	vst v49  }
0x21e: {  	v50 =	vor.u32 v3, v27;
	v12 =	vmul.f32 v12, v16;
	[tilespmem:s7+$0xFFFFFE20] =	vst v33;
	v32 =	vld.idx.msk [tilespmem:v47+s18+$0x0], $0xffff  }
0x21f: {  	v58 =	vor.u32 v4, v22;
	v52 =	vmul.f32 v42, v17;
	[tilespmem:s7+$0x1A0] =	vst v57;
	v31 =	vld.idx.msk [tilespmem:v51+s18+$0x0], $0xffff  }
0x220: {  	v59 =	vor.u32 v4, v24;
	[tilespmem:s7+$0x120] =	vst v12;
	v53 =	vmul.f32 v29, v13;
	v29 =	vld.idx.msk [tilespmem:v54+s18+$0x0], $0xffff  }
0x221: {  	v61 =	vor.u32 v4, v23;
	v60 =	vmul.f32 v25, v18;
	v21 =	vld.idx.msk [tilespmem:v41+s18+$0x0], $0xffff;
	[tilespmem:s7+$0x20] =	vst v52  }
0x222: {  	v38 =	vor.u32 v4, v14;
	v34 =	vmul.f32 v34, v19;
	v56 =	vld.idx.msk [tilespmem:v48+s18+$0x0], $0xffff;
	[tilespmem:s7+$0xA0] =	vst v53  }
0x223: {  	[tilespmem:s7+$0xFFFFFEB0] =	vst v60;
	v41 =	vor.u32 v4, v15;
	v12 =	vld.idx.msk [tilespmem:v50+s18+$0x0], $0xffff;
	v63 =	vmul.f32 v32, v20  }
0x224: {  	v55 =	vor.u32 v4, v28;
	v10 =	vld.idx.msk [tilespmem:v58+s18+$0x0], $0xffff;
	[tilespmem:s7+$0xFFFFFF30] =	vst v34;
	v31 =	vmul.f32 v31, v11  }
0x225: {  	v62 =	vor.u32 v4, v26;
	v33 =	vld.idx.msk [tilespmem:v59+s18+$0x0], $0xffff;
	v44 =	vmul.f32 v29, v8;
	[tilespmem:s7+$0xFFFFFFB0] =	vst v63  }
0x226: {  	v37 =	vor.u32 v4, v27;
	v21 =	vmul.f32 v21, v16;
	[tilespmem:s7+$0xFFFFFE30] =	vst v31;
	v25 =	vld.idx.msk [tilespmem:v61+s18+$0x0], $0xffff  }
0x227: {  	v45 =	vor.u32 v5, v22;
	v39 =	vmul.f32 v56, v17;
	[tilespmem:s7+$0x1B0] =	vst v44;
	v32 =	vld.idx.msk [tilespmem:v38+s18+$0x0], $0xffff  }
0x228: {  	v46 =	vor.u32 v5, v24;
	[tilespmem:s7+$0x130] =	vst v21;
	v40 =	vmul.f32 v12, v13;
	v12 =	vld.idx.msk [tilespmem:v41+s18+$0x0], $0xffff  }
0x229: {  	v48 =	vor.u32 v5, v23;
	v47 =	vmul.f32 v10, v18;
	v30 =	vld.idx.msk [tilespmem:v55+s18+$0x0], $0xffff;
	[tilespmem:s7+$0x30] =	vst v39  }
0x22a: {  	v52 =	vor.u32 v5, v14;
	v33 =	vmul.f32 v33, v19;
	v43 =	vld.idx.msk [tilespmem:v62+s18+$0x0], $0xffff;
	[tilespmem:s7+$0xB0] =	vst v40  }
0x22b: {  	[tilespmem:s7+$0xFFFFFEC0] =	vst v47;
	v55 =	vor.u32 v5, v15;
	v21 =	vld.idx.msk [tilespmem:v37+s18+$0x0], $0xffff;
	v50 =	vmul.f32 v25, v20  }
0x22c: {  	v42 =	vor.u32 v5, v28;
	v29 =	vld.idx.msk [tilespmem:v45+s18+$0x0], $0xffff;
	[tilespmem:s7+$0xFFFFFF40] =	vst v33;
	v32 =	vmul.f32 v32, v11  }
0x22d: {  	v49 =	vor.u32 v5, v26;
	v31 =	vld.idx.msk [tilespmem:v46+s18+$0x0], $0xffff;
	v58 =	vmul.f32 v12, v8;
	[tilespmem:s7+$0xFFFFFFC0] =	vst v50  }
0x22e: {  	v51 =	vor.u32 v5, v27;
	v30 =	vmul.f32 v30, v16;
	[tilespmem:s7+$0xFFFFFE40] =	vst v32;
	v10 =	vld.idx.msk [tilespmem:v48+s18+$0x0], $0xffff  }
0x22f: {  	v59 =	vor.u32 v6, v22;
	v53 =	vmul.f32 v43, v17;
	[tilespmem:s7+$0x1C0] =	vst v58;
	v34 =	vld.idx.msk [tilespmem:v52+s18+$0x0], $0xffff  }
0x230: {  	v60 =	vor.u32 v6, v24;
	[tilespmem:s7+$0x140] =	vst v30;
	v54 =	vmul.f32 v21, v13;
	v21 =	vld.idx.msk [tilespmem:v55+s18+$0x0], $0xffff  }
0x231: {  	v62 =	vor.u32 v6, v23;
	v61 =	vmul.f32 v29, v18;
	v30 =	vld.idx.msk [tilespmem:v42+s18+$0x0], $0xffff;
	[tilespmem:s7+$0x40] =	vst v53  }
0x232: {  	v39 =	vor.u32 v6, v14;
	v31 =	vmul.f32 v31, v19;
	v57 =	vld.idx.msk [tilespmem:v49+s18+$0x0], $0xffff;
	[tilespmem:s7+$0xC0] =	vst v54  }
0x233: {  	[tilespmem:s7+$0xFFFFFED0] =	vst v61;
	v42 =	vor.u32 v6, v15;
	v25 =	vld.idx.msk [tilespmem:v51+s18+$0x0], $0xffff;
	v37 =	vmul.f32 v10, v20  }
0x234: {  	v56 =	vor.u32 v6, v28;
	v12 =	vld.idx.msk [tilespmem:v59+s18+$0x0], $0xffff;
	[tilespmem:s7+$0xFFFFFF50] =	vst v31;
	v34 =	vmul.f32 v34, v11  }
0x235: {  	v63 =	vor.u32 v6, v26;
	v32 =	vld.idx.msk [tilespmem:v60+s18+$0x0], $0xffff;
	v43 =	vmul.f32 v21, v8;
	[tilespmem:s7+$0xFFFFFFD0] =	vst v37  }
0x236: {  	v38 =	vor.u32 v6, v27;
	v30 =	vmul.f32 v30, v16;
	[tilespmem:s7+$0xFFFFFE50] =	vst v34;
	v29 =	vld.idx.msk [tilespmem:v62+s18+$0x0], $0xffff  }
0x237: {  	v44 =	vor.u32 v7, v22;
	v40 =	vmul.f32 v57, v17;
	[tilespmem:s7+$0x1D0] =	vst v43;
	v47 =	vld.idx.msk [tilespmem:v39+s18+$0x0], $0xffff  }
0x238: {  	v45 =	vor.u32 v7, v24;
	[tilespmem:s7+$0x150] =	vst v30;
	v41 =	vmul.f32 v25, v13;
	v50 =	vld.idx.msk [tilespmem:v42+s18+$0x0], $0xffff  }
0x239: {  	v49 =	vor.u32 v7, v23;
	v48 =	vmul.f32 v12, v18;
	v30 =	vld.idx.msk [tilespmem:v56+s18+$0x0], $0xffff;
	[tilespmem:s7+$0x50] =	vst v40  }
0x23a: {  	v14 =	vor.u32 v7, v14;
	v51 =	vmul.f32 v32, v19;
	v31 =	vld.idx.msk [tilespmem:v63+s18+$0x0], $0xffff;
	[tilespmem:s7+$0xD0] =	vst v41  }
0x23b: {  	v55 =	vor.u32 v7, v15;
	[tilespmem:s7+$0xFFFFFEE0] =	vst v48;
	v10 =	vld.idx.msk [tilespmem:v38+s18+$0x0], $0xffff;
	v52 =	vmul.f32 v29, v20  }
0x23c: {  	v28 =	vor.u32 v7, v28;
	v21 =	vld.idx.msk [tilespmem:v44+s18+$0x0], $0xffff;
	[tilespmem:s7+$0xFFFFFF60] =	vst v51;
	v56 =	vmul.f32 v47, v11  }
0x23d: {  	v26 =	vor.u32 v7, v26;
	v22 =	vld.idx.msk [tilespmem:v45+s18+$0x0], $0xffff;
	v57 =	vmul.f32 v50, v8;
	[tilespmem:s7+$0xFFFFFFE0] =	vst v52  }
0x23e: {  	v27 =	vor.u32 v7, v27;
	v46 =	vmul.f32 v30, v16;
	[tilespmem:s7+$0xFFFFFE60] =	vst v56;
	v12 =	vld.idx.msk [tilespmem:v49+s18+$0x0], $0xffff  }
0x23f: {  	v53 =	vmul.f32 v31, v17;
	[tilespmem:s7+$0x1E0] =	vst v57;
	v59 =	vld.idx.msk [tilespmem:v14+s18+$0x0], $0xffff  }
0x240: {  	[tilespmem:s7+$0x160] =	vst v46;
	v54 =	vmul.f32 v10, v13;
	v10 =	vld.idx.msk [tilespmem:v55+s18+$0x0], $0xffff  }
0x241: {  	v60 =	vmul.f32 v21, v18;
	v24 =	vld.idx.msk [tilespmem:v28+s18+$0x0], $0xffff;
	[tilespmem:s7+$0x60] =	vst v53  }
0x242: {  	v61 =	vmul.f32 v22, v19;
	v25 =	vld.idx.msk [tilespmem:v26+s18+$0x0], $0xffff;
	[tilespmem:s7+$0xE0] =	vst v54  }
0x243: {  	[tilespmem:s7+$0xFFFFFEF0] =	vst v60;
	v58 =	vld.idx.msk [tilespmem:v27+s18+$0x0], $0xffff;
	v12 =	vmul.f32 v12, v20  }
0x244: {  	[tilespmem:s7+$0xFFFFFF70] =	vst v61;
	v9 =	vmul.f32 v59, v11  }
0x245: {  	v8 =	vmul.f32 v10, v8;
	[tilespmem:s7+$0xFFFFFFF0] =	vst v12  }
0x246: {  	v16 =	vmul.f32 v24, v16;
	[tilespmem:s7+$0xFFFFFE70] =	vst v9  }
.Ltmp7:
0x247: {  	v62 =	vmul.f32 v25, v17;
	[tilespmem:s7+$0x1F0] =	vst v8;
	(pc) =	sbr.rel @p1 .LBB2_12-.Ltmp7, $4  }
0x248: {  	s12 =	sadd.s32 s5, s11;
	[tilespmem:s7+$0x170] =	vst v16;
	v63 =	vmul.f32 v58, v13  }
0x249: {  	s10 =	sadd.s32 s10, s12;
	[tilespmem:s7+$0x70] =	vst v62  }
0x24a: {  	s13 =	sadd.s32 $0x80, s10;
	[tilespmem:s7+$0xF0] =	vst v63  }
0x24b: {  	[hbm4b:s13+s15] =	stream.strided.scatter [tilespmem:s25], [sflag:$0x6], $0x2000, s16, s15, $0x38;
	[tilespmem:$0x10100] =	vst v63  }
.Ltmp8:
0x24c: {  	(pc) =	sbr.rel .LBB2_13-.Ltmp8, $4  }
0x24d: {  	_ = 	snop  }
0x24e: {  	_ =	swait.ge [sflag:s26], $0x2000  }
0x24f: {  	[sflag:s26] =	ssyncset.done $0x0  }
0x250: {  	[sflag:s26] =	ssyncadd.s32 $0xFFFFE000  }
.LBB2_12:
0x251: {  	s0 =	sadd.s32 $0x5, s9  }
0x252: {  	s3 =	sshll.u32 s0, $0x7  }
0x253: {  	s0 =	sshll.u32 s0, $0xA;
	s3 =	sand.u32 $0xE80, s3  }
0x254: {  	s0 =	sand.u32 $0xFFF8000, s0;
	s3 =	sadd.s32 s1, s3  }
.Ltmp9:
0x255: {  	s0 =	sadd.s32 s0, s3;
	(pc) =	sbr.rel @p0 .LBB2_14-.Ltmp9, $4  }
0x256: {  	[tilespmem:s18], [sflag:$0x2] =	stream.strided.gather [hbm4b:s0+s15], $0x2000, s16, s15, $0x38;
	[tilespmem:$0x10100] =	vst v63  }
0x257: {  	_ =	swait.ge [sflag:s26], $0x2000  }
0x258: {  	[sflag:s26] =	ssyncset.done $0x0  }
0x259: {  	[sflag:s26] =	ssyncadd.s32 $0xFFFFE000  }
.LBB2_13:
0x25a: {  	_ =	swait.ge [sflag:s28], $0x2000  }
0x25b: {  	[sflag:s28] =	ssyncset.done $0x0  }
0x25c: {  	[sflag:s28] =	ssyncadd.s32 $0xFFFFE000  }
.LBB2_14:
0x25d: {  	s0 =	simm.s32 $0x0  }
0x25e: {  	s3 =	simm.s32 $0x7;
	v8 =	vmov s0  }
0x25f: {  	s11 =	simm.s32 $0x1;
	v10 =	vmov s3;
	v8 =	vand.u32 $0xFFFFFFF8, v8  }
0x260: {  	s12 =	simm.s32 $0x6;
	v9 =	vmov s11;
	v8 =	vbroadcast v8, $0x0  }
0x261: {  	v11 =	vmov s12;
	v9 =	vand.u32 $0xFFFFFFF9, v9  }
0x262: {  	s13 =	simm.s32 $0x2;
	v11 =	vand.u32 $0xFFFFFFFE, v11;
	v12 =	vbroadcast v9, $0x0  }
0x263: {  	s7 =	simm.s32 $0x3;
	v9 =	vmov s13;
	v11 =	vbroadcast v11, $0x0  }
0x264: {  	v14 =	vmov s7;
	s11 =	simm.s32 $0x4;
	v13 =	vand.u32 $0xFFFFFFFA, v9;
	v9 =	vld.idx.msk [tilespmem:v10+s14+$0x0], $0xffff  }
0x265: {  	s12 =	simm.s32 $0x5;
	v15 =	vbroadcast v13, $0x0;
	v13 =	vand.u32 $0xFFFFFFFB, v14;
	v14 =	vmov s11;
	v18 =	vld.idx.msk [tilespmem:v10+s6+$0x0], $0xffff  }
0x266: {  	v17 =	vbroadcast v13, $0x0;
	v13 =	vmov s12;
	v14 =	vand.u32 $0xFFFFFFFC, v14;
	v10 =	vld.idx.msk [tilespmem:v8+s14+$0x0], $0xffff  }
0x267: {  	v13 =	vand.u32 $0xFFFFFFFD, v13;
	v19 =	vbroadcast v14, $0x0;
	v8 =	vld.idx.msk [tilespmem:v8+s6+$0x0], $0xffff  }
0x268: {  	v20 =	vbroadcast v13, $0x0;
	v14 =	vld.idx.msk [tilespmem:v12+s6+$0x0], $0xffff  }
0x269: {  	v16 =	vld.idx.msk [tilespmem:v11+s6+$0x0], $0xffff  }
0x26a: {  	v13 =	vld.idx.msk [tilespmem:v12+s14+$0x0], $0xffff  }
0x26b: {  	v21 =	vld.idx.msk [tilespmem:v15+s6+$0x0], $0xffff  }
0x26c: {  	v22 =	vld.idx.msk [tilespmem:v17+s6+$0x0], $0xffff  }
0x26d: {  	v25 =	vld.idx.msk [tilespmem:v19+s6+$0x0], $0xffff  }
0x26e: {  	v26 =	vld.idx.msk [tilespmem:v20+s6+$0x0], $0xffff;
	v28 =	vshll.u32 v16, $0x7  }
0x26f: {  	v27 =	vshll.u32 v14, $0x7;
	v16 =	vld.idx.msk [tilespmem:v15+s14+$0x0], $0xffff;
	v29 =	vor.u32 v0, v28  }
0x270: {  	v14 =	vld.idx.msk [tilespmem:v17+s14+$0x0], $0xffff;
	v30 =	vor.u32 v0, v27;
	v24 =	vshll.u32 v21, $0x7  }
0x271: {  	v15 =	vld.idx.msk [tilespmem:v19+s14+$0x0], $0xffff;
	v21 =	vor.u32 v0, v24;
	v23 =	vshll.u32 v22, $0x7  }
0x272: {  	v12 =	vld.idx.msk [tilespmem:v20+s14+$0x0], $0xffff;
	v31 =	vor.u32 v0, v23;
	v22 =	vshll.u32 v25, $0x7  }
0x273: {  	v17 =	vld.idx.msk [tilespmem:v11+s14+$0x0], $0xffff;
	v20 =	vshll.u32 v8, $0x7;
	v25 =	vor.u32 v0, v22  }
0x274: {  	v19 =	vshll.u32 v26, $0x7;
	v26 =	vor.u32 v0, v20;
	v11 =	vld.idx.msk [tilespmem:v29+s19+$0x0], $0xffff  }
0x275: {  	v18 =	vshll.u32 v18, $0x7;
	v8 =	vor.u32 v0, v19;
	v29 =	vld.idx.msk [tilespmem:v30+s19+$0x0], $0xffff  }
0x276: {  	s13 =	simm.s32 $0xF;
	v30 =	vor.u32 v0, v18;
	v21 =	vld.idx.msk [tilespmem:v21+s19+$0x0], $0xffff  }
0x277: {  	v32 =	vmov s13;
	v31 =	vld.idx.msk [tilespmem:v31+s19+$0x0], $0xffff  }
0x278: {  	v33 =	vor.u32 v1, v28;
	v25 =	vld.idx.msk [tilespmem:v25+s19+$0x0], $0xffff  }
0x279: {  	v34 =	vor.u32 v1, v27;
	v26 =	vld.idx.msk [tilespmem:v26+s19+$0x0], $0xffff  }
0x27a: {  	v36 =	vor.u32 v1, v24;
	v35 =	vld.idx.msk [tilespmem:v8+s19+$0x0], $0xffff;
	v11 =	vmul.f32 v11, v17  }
0x27b: {  	s11 =	simm.s32 $0xC300;
	v37 =	vor.u32 v1, v23;
	v29 =	vmul.f32 v29, v13;
	v30 =	vld.idx.msk [tilespmem:v30+s19+$0x0], $0xffff  }
0x27c: {  	v38 =	vor.u32 v1, v22;
	v8 =	vld.idx.msk [tilespmem:v32+s14+$0x0], $0xffff;
	v21 =	vmul.f32 v21, v16;
	[tilespmem:s11+$0x100] =	vst v11  }
0x27d: {  	v50 =	vor.u32 v1, v20;
	[tilespmem:s11+$0xFFFFFE80] =	vst v29;
	v11 =	vmul.f32 v31, v14;
	v31 =	vld.idx.msk [tilespmem:v33+s19+$0x0], $0xffff  }
0x27e: {  	v29 =	vor.u32 v1, v19;
	v34 =	vld.idx.msk [tilespmem:v34+s19+$0x0], $0xffff;
	[tilespmem:s11+$0xFFFFFF00] =	vst v21;
	v21 =	vmul.f32 v25, v15  }
0x27f: {  	v26 =	vmul.f32 v26, v10;
	v25 =	vld.idx.msk [tilespmem:v36+s19+$0x0], $0xffff;
	[tilespmem:s11+$0xFFFFFF80] =	vst v11  }
0x280: {  	v51 =	vor.u32 v1, v18;
	v11 =	vmul.f32 v35, v12;
	v52 =	vld.idx.msk [tilespmem:v37+s19+$0x0], $0xffff;
	[tilespmem:s11+$0x0] =	vst v21  }
0x281: {  	[tilespmem:s11+$0xFFFFFE00] =	vst v26;
	v26 =	vor.u32 v2, v27;
	v53 =	vld.idx.msk [tilespmem:v38+s19+$0x0], $0xffff  }
0x282: {  	v21 =	vmul.f32 v30, v9;
	[tilespmem:s11+$0x80] =	vst v11;
	v11 =	vor.u32 v2, v28;
	v30 =	vld.idx.msk [tilespmem:v50+s19+$0x0], $0xffff  }
0x283: {  	v54 =	vor.u32 v2, v24;
	v29 =	vld.idx.msk [tilespmem:v29+s19+$0x0], $0xffff;
	v34 =	vmul.f32 v34, v13  }
0x284: {  	v55 =	vor.u32 v2, v23;
	v31 =	vmul.f32 v31, v17;
	[tilespmem:s11+$0x180] =	vst v21;
	v21 =	vld.idx.msk [tilespmem:v32+s6+$0x0], $0xffff  }
0x285: {  	s7 =	simm.s32 $0x8;
	v56 =	vor.u32 v2, v22;
	v35 =	vld.idx.msk [tilespmem:v51+s19+$0x0], $0xffff;
	v25 =	vmul.f32 v25, v16;
	[tilespmem:s11+$0xFFFFFE90] =	vst v34  }
0x286: {  	v39 =	vor.u32 v2, v20;
	[tilespmem:s11+$0x110] =	vst v31;
	v31 =	vmov s7;
	v57 =	vmul.f32 v52, v14;
	v26 =	vld.idx.msk [tilespmem:v26+s19+$0x0], $0xffff  }
0x287: {  	v58 =	vor.u32 v2, v19;
	v31 =	vand.u32 $0xFFFFFFF8, v31;
	v11 =	vld.idx.msk [tilespmem:v11+s19+$0x0], $0xffff;
	[tilespmem:s11+$0xFFFFFF10] =	vst v25;
	v25 =	vmul.f32 v53, v15  }
0x288: {  	v59 =	vor.u32 v2, v18;
	v31 =	vbroadcast v31, $0x0;
	v30 =	vmul.f32 v30, v10;
	v33 =	vld.idx.msk [tilespmem:v54+s19+$0x0], $0xffff;
	[tilespmem:s11+$0xFFFFFF90] =	vst v57  }
0x289: {  	v29 =	vmul.f32 v29, v12;
	v60 =	vld.idx.msk [tilespmem:v55+s19+$0x0], $0xffff;
	[tilespmem:s11+$0x10] =	vst v25  }
0x28a: {  	v61 =	vmul.f32 v35, v9;
	[tilespmem:s11+$0xFFFFFE10] =	vst v30;
	v30 =	vor.u32 v3, v27;
	v25 =	vld.idx.msk [tilespmem:v56+s19+$0x0], $0xffff  }
0x28b: {  	[tilespmem:s11+$0x90] =	vst v29;
	v29 =	vor.u32 v3, v28;
	v63 =	vld.idx.msk [tilespmem:v39+s19+$0x0], $0xffff  }
0x28c: {  	v44 =	vor.u32 v3, v24;
	v62 =	vld.idx.msk [tilespmem:v58+s19+$0x0], $0xffff;
	[tilespmem:s11+$0x190] =	vst v61;
	v26 =	vmul.f32 v26, v13  }
0x28d: {  	v46 =	vor.u32 v3, v23;
	v45 =	vmul.f32 v11, v17;
	v34 =	vld.idx.msk [tilespmem:v59+s19+$0x0], $0xffff  }
0x28e: {  	v40 =	vor.u32 v3, v22;
	v11 =	vld.idx.msk [tilespmem:v31+s14+$0x0], $0xffff;
	v33 =	vmul.f32 v33, v16;
	[tilespmem:s11+$0xFFFFFEA0] =	vst v26  }
0x28f: {  	v48 =	vor.u32 v3, v20;
	[tilespmem:s11+$0x120] =	vst v45;
	v26 =	vmul.f32 v60, v14;
	v30 =	vld.idx.msk [tilespmem:v30+s19+$0x0], $0xffff  }
0x290: {  	v47 =	vor.u32 v3, v19;
	v29 =	vld.idx.msk [tilespmem:v29+s19+$0x0], $0xffff;
	[tilespmem:s11+$0xFFFFFF20] =	vst v33;
	v25 =	vmul.f32 v25, v15  }
0x291: {  	v36 =	vmul.f32 v63, v10;
	v33 =	vld.idx.msk [tilespmem:v44+s19+$0x0], $0xffff;
	[tilespmem:s11+$0xFFFFFFA0] =	vst v26  }
0x292: {  	v49 =	vor.u32 v3, v18;
	v26 =	vmul.f32 v62, v12;
	v32 =	vld.idx.msk [tilespmem:v46+s19+$0x0], $0xffff;
	[tilespmem:s11+$0x20] =	vst v25  }
0x293: {  	v51 =	vor.u32 v4, v27;
	[tilespmem:s11+$0xFFFFFE20] =	vst v36;
	v50 =	vld.idx.msk [tilespmem:v40+s19+$0x0], $0xffff  }
0x294: {  	v25 =	vmul.f32 v34, v9;
	[tilespmem:s11+$0xA0] =	vst v26;
	v26 =	vor.u32 v4, v28;
	v53 =	vld.idx.msk [tilespmem:v48+s19+$0x0], $0xffff  }
0x295: {  	v54 =	vor.u32 v4, v24;
	v52 =	vld.idx.msk [tilespmem:v47+s19+$0x0], $0xffff;
	v30 =	vmul.f32 v30, v13  }
0x296: {  	v55 =	vor.u32 v4, v23;
	[tilespmem:s11+$0x1A0] =	vst v25;
	v25 =	vld.idx.msk [tilespmem:v31+s6+$0x0], $0xffff;
	v29 =	vmul.f32 v29, v17  }
0x297: {  	s3 =	simm.s32 $0x9;
	v56 =	vor.u32 v4, v22;
	v35 =	vld.idx.msk [tilespmem:v49+s19+$0x0], $0xffff;
	v31 =	vmul.f32 v33, v16;
	[tilespmem:s11+$0xFFFFFEB0] =	vst v30  }
0x298: {  	v57 =	vor.u32 v4, v19;
	[tilespmem:s11+$0x130] =	vst v29;
	v29 =	vmov s3;
	v30 =	vmul.f32 v32, v14;
	v34 =	vld.idx.msk [tilespmem:v51+s19+$0x0], $0xffff  }
0x299: {  	v41 =	vld.idx.msk [tilespmem:v26+s19+$0x0], $0xffff;
	v26 =	vand.u32 $0xFFFFFFF9, v29;
	v29 =	vor.u32 v4, v20;
	[tilespmem:s11+$0xFFFFFF30] =	vst v31;
	v31 =	vmul.f32 v50, v15  }
0x29a: {  	v59 =	vor.u32 v4, v18;
	v26 =	vbroadcast v26, $0x0;
	v58 =	vld.idx.msk [tilespmem:v54+s19+$0x0], $0xffff;
	[tilespmem:s11+$0xFFFFFFB0] =	vst v30;
	v30 =	vmul.f32 v52, v12  }
0x29b: {  	v37 =	vmul.f32 v53, v10;
	v60 =	vld.idx.msk [tilespmem:v55+s19+$0x0], $0xffff;
	[tilespmem:s11+$0x30] =	vst v31  }
0x29c: {  	v62 =	vor.u32 v5, v27;
	v61 =	vmul.f32 v35, v9;
	v31 =	vld.idx.msk [tilespmem:v56+s19+$0x0], $0xffff;
	[tilespmem:s11+$0xB0] =	vst v30  }
0x29d: {  	[tilespmem:s11+$0xFFFFFE30] =	vst v37;
	v30 =	vor.u32 v5, v28;
	v32 =	vld.idx.msk [tilespmem:v57+s19+$0x0], $0xffff  }
0x29e: {  	v63 =	vor.u32 v5, v24;
	[tilespmem:s11+$0x1B0] =	vst v61;
	v45 =	vmul.f32 v34, v13;
	v37 =	vld.idx.msk [tilespmem:v29+s19+$0x0], $0xffff  }
0x29f: {  	v46 =	vor.u32 v5, v23;
	v41 =	vmul.f32 v41, v17;
	v36 =	vld.idx.msk [tilespmem:v59+s19+$0x0], $0xffff  }
0x2a0: {  	s12 =	simm.s32 $0xA;
	v42 =	vor.u32 v5, v22;
	v38 =	vmul.f32 v58, v16;
	[tilespmem:s11+$0xFFFFFEC0] =	vst v45;
	v29 =	vld.idx.msk [tilespmem:v26+s6+$0x0], $0xffff  }
0x2a1: {  	v47 =	vmov s12;
	v49 =	vor.u32 v5, v19;
	[tilespmem:s11+$0x140] =	vst v41;
	v48 =	vmul.f32 v60, v14;
	v35 =	vld.idx.msk [tilespmem:v62+s19+$0x0], $0xffff  }
0x2a2: {  	v50 =	vor.u32 v5, v20;
	v43 =	vld.idx.msk [tilespmem:v30+s19+$0x0], $0xffff;
	v30 =	vand.u32 $0xFFFFFFFA, v47;
	[tilespmem:s11+$0xFFFFFF40] =	vst v38;
	v31 =	vmul.f32 v31, v15  }
0x2a3: {  	v51 =	vor.u32 v5, v18;
	v30 =	vbroadcast v30, $0x0;
	v38 =	vld.idx.msk [tilespmem:v63+s19+$0x0], $0xffff;
	[tilespmem:s11+$0xFFFFFFC0] =	vst v48;
	v32 =	vmul.f32 v32, v12  }
0x2a4: {  	v37 =	vmul.f32 v37, v10;
	v34 =	vld.idx.msk [tilespmem:v46+s19+$0x0], $0xffff;
	[tilespmem:s11+$0x40] =	vst v31  }
0x2a5: {  	v54 =	vor.u32 v6, v27;
	v31 =	vmul.f32 v36, v9;
	v52 =	vld.idx.msk [tilespmem:v42+s19+$0x0], $0xffff;
	[tilespmem:s11+$0xC0] =	vst v32  }
0x2a6: {  	v53 =	vor.u32 v6, v28;
	[tilespmem:s11+$0xFFFFFE40] =	vst v37;
	v39 =	vld.idx.msk [tilespmem:v49+s19+$0x0], $0xffff  }
0x2a7: {  	v55 =	vor.u32 v6, v24;
	[tilespmem:s11+$0x1C0] =	vst v31;
	v35 =	vmul.f32 v35, v13;
	v41 =	vld.idx.msk [tilespmem:v50+s19+$0x0], $0xffff  }
0x2a8: {  	v57 =	vor.u32 v6, v23;
	v56 =	vmul.f32 v43, v17;
	v44 =	vld.idx.msk [tilespmem:v51+s19+$0x0], $0xffff  }
0x2a9: {  	s13 =	simm.s32 $0xB;
	v59 =	vor.u32 v6, v22;
	v58 =	vmul.f32 v38, v16;
	[tilespmem:s11+$0xFFFFFED0] =	vst v35;
	v31 =	vld.idx.msk [tilespmem:v30+s6+$0x0], $0xffff  }
0x2aa: {  	v45 =	vor.u32 v6, v19;
	v62 =	vmov s13;
	[tilespmem:s11+$0x150] =	vst v56;
	v34 =	vmul.f32 v34, v14;
	v36 =	vld.idx.msk [tilespmem:v54+s19+$0x0], $0xffff  }
0x2ab: {  	v40 =	vor.u32 v6, v20;
	v63 =	vand.u32 $0xFFFFFFFB, v62;
	v37 =	vld.idx.msk [tilespmem:v53+s19+$0x0], $0xffff;
	[tilespmem:s11+$0xFFFFFF50] =	vst v58;
	v60 =	vmul.f32 v52, v15  }
0x2ac: {  	v32 =	vbroadcast v63, $0x0;
	v35 =	vld.idx.msk [tilespmem:v55+s19+$0x0], $0xffff;
	[tilespmem:s11+$0xFFFFFFD0] =	vst v34;
	v61 =	vmul.f32 v39, v12;
	v39 =	vor.u32 v6, v18  }
0x2ad: {  	v46 =	vmul.f32 v41, v10;
	v34 =	vld.idx.msk [tilespmem:v57+s19+$0x0], $0xffff;
	[tilespmem:s11+$0x50] =	vst v60  }
0x2ae: {  	v28 =	vor.u32 v7, v28;
	v41 =	vmul.f32 v44, v9;
	v33 =	vld.idx.msk [tilespmem:v59+s19+$0x0], $0xffff;
	[tilespmem:s11+$0xD0] =	vst v61  }
0x2af: {  	s0 =	simm.s32 $0x10;
	s12 =	simm.s32 $0xE;
	v38 =	vor.u32 v7, v27;
	[tilespmem:s11+$0xFFFFFE50] =	vst v46;
	v27 =	vld.idx.msk [tilespmem:v45+s19+$0x0], $0xffff  }
.LBB2_15:
0x2b0: {  	p2 =	slt.u32 s0, $0x38;
	v42 =	vmov s12;
	v40 =	vld.idx.msk [tilespmem:v40+s19+$0x0], $0xffff;
	v24 =	vor.u32 v7, v24;
	v37 =	vmul.f32 v37, v17;
	[tilespmem:s11+$0x1D0] =	vst v41  }
0x2b1: {  	v36 =	vmul.f32 v36, v13;
	v23 =	vor.u32 v7, v23;
	v41 =	vand.u32 $0xFFFFFFFE, v42;
	v39 =	vld.idx.msk [tilespmem:v39+s19+$0x0], $0xffff  }
0x2b2: {  	s3 =	sadd.s32 $0x4, s7;
	s12 =	sadd.s32 $0x5, s7;
	v22 =	vor.u32 v7, v22;
	s7 =	smov.u32 s0;
	v35 =	vmul.f32 v35, v16;
	v42 =	vld.idx.msk [tilespmem:v32+s6+$0x0], $0xffff;
	v41 =	vbroadcast v41, $0x0;
	[tilespmem:s11+$0x160] =	vst v37  }
0x2b3: {  	v43 =	vmov s12;
	v37 =	vmov s3;
	v34 =	vmul.f32 v34, v14;
	[tilespmem:s11+$0xFFFFFEE0] =	vst v36;
	v28 =	vld.idx.msk [tilespmem:v28+s19+$0x0], $0xffff  }
0x2b4: {  	v19 =	vor.u32 v7, v19;
	v36 =	vand.u32 $0xFFFFFFFC, v37;
	v33 =	vmul.f32 v33, v15;
	v37 =	vld.idx.msk [tilespmem:v38+s19+$0x0], $0xffff;
	[tilespmem:s11+$0xFFFFFF60] =	vst v35  }
0x2b5: {  	v20 =	vor.u32 v7, v20;
	v35 =	vand.u32 $0xFFFFFFFD, v43;
	v27 =	vmul.f32 v27, v12;
	v24 =	vld.idx.msk [tilespmem:v24+s19+$0x0], $0xffff;
	[tilespmem:s11+$0xFFFFFFE0] =	vst v34  }
0x2b6: {  	v18 =	vor.u32 v7, v18;
	v34 =	vbroadcast v36, $0x0;
	v36 =	vmul.f32 v40, v10;
	v23 =	vld.idx.msk [tilespmem:v23+s19+$0x0], $0xffff;
	[tilespmem:s11+$0x60] =	vst v33  }
0x2b7: {  	v33 =	vbroadcast v35, $0x0;
	v22 =	vld.idx.msk [tilespmem:v22+s19+$0x0], $0xffff;
	[tilespmem:s11+$0xE0] =	vst v27;
	v27 =	vmul.f32 v39, v9  }
0x2b8: {  	v35 =	vld.idx.msk [tilespmem:v41+s6+$0x0], $0xffff;
	[tilespmem:s11+$0xFFFFFE60] =	vst v36  }
0x2b9: {  	v17 =	vmul.f32 v28, v17;
	v19 =	vld.idx.msk [tilespmem:v19+s19+$0x0], $0xffff;
	[tilespmem:s11+$0x1E0] =	vst v27  }
0x2ba: {  	v13 =	vmul.f32 v37, v13;
	v20 =	vld.idx.msk [tilespmem:v20+s19+$0x0], $0xffff  }
0x2bb: {  	v16 =	vmul.f32 v24, v16;
	[tilespmem:s11+$0x170] =	vst v17;
	v17 =	vld.idx.msk [tilespmem:v18+s19+$0x0], $0xffff  }
0x2bc: {  	v14 =	vmul.f32 v23, v14;
	v18 =	vld.idx.msk [tilespmem:v34+s6+$0x0], $0xffff;
	[tilespmem:s11+$0xFFFFFEF0] =	vst v13  }
0x2bd: {  	v15 =	vmul.f32 v22, v15;
	v36 =	vld.idx.msk [tilespmem:v33+s6+$0x0], $0xffff;
	[tilespmem:s11+$0xFFFFFF70] =	vst v16  }
0x2be: {  	v28 =	vshll.u32 v35, $0x7;
	v13 =	vld.idx.msk [tilespmem:v26+s14+$0x0], $0xffff;
	[tilespmem:s11+$0xFFFFFFF0] =	vst v14  }
0x2bf: {  	v27 =	vshll.u32 v29, $0x7;
	v26 =	vor.u32 v0, v28;
	v12 =	vmul.f32 v19, v12;
	v16 =	vld.idx.msk [tilespmem:v30+s14+$0x0], $0xffff;
	[tilespmem:s11+$0x70] =	vst v15  }
0x2c0: {  	v29 =	vor.u32 v0, v27;
	v24 =	vshll.u32 v31, $0x7;
	v19 =	vmul.f32 v20, v10;
	v10 =	vmovc v11;
	v14 =	vld.idx.msk [tilespmem:v32+s14+$0x0], $0xffff  }
0x2c1: {  	v23 =	vshll.u32 v42, $0x7;
	v11 =	vor.u32 v0, v24;
	v20 =	vmul.f32 v17, v9;
	v15 =	vld.idx.msk [tilespmem:v34+s14+$0x0], $0xffff;
	[tilespmem:s11+$0xF0] =	vst v12  }
0x2c2: {  	v30 =	vor.u32 v0, v23;
	v9 =	vmov v8;
	v22 =	vshll.u32 v18, $0x7;
	v12 =	vld.idx.msk [tilespmem:v33+s14+$0x0], $0xffff;
	[tilespmem:s11+$0xFFFFFE70] =	vst v19  }
0x2c3: {  	v8 =	vor.u32 v0, v22;
	v19 =	vshll.u32 v36, $0x7;
	v17 =	vld.idx.msk [tilespmem:v41+s14+$0x0], $0xffff;
	[tilespmem:s11+$0x1F0] =	vst v20  }
0x2c4: {  	v20 =	vshll.u32 v25, $0x7;
	v25 =	vor.u32 v0, v19;
	v26 =	vld.idx.msk [tilespmem:v26+s19+$0x0], $0xffff  }
0x2c5: {  	v18 =	vshll.u32 v21, $0x7;
	v31 =	vor.u32 v0, v20;
	v29 =	vld.idx.msk [tilespmem:v29+s19+$0x0], $0xffff  }
0x2c6: {  	s3 =	sadd.s32 $0x7, s0;
	v21 =	vor.u32 v0, v18;
	v11 =	vld.idx.msk [tilespmem:v11+s19+$0x0], $0xffff  }
0x2c7: {  	v32 =	vmov s3;
	v30 =	vld.idx.msk [tilespmem:v30+s19+$0x0], $0xffff  }
0x2c8: {  	v34 =	vor.u32 v1, v28;
	v33 =	vld.idx.msk [tilespmem:v8+s19+$0x0], $0xffff  }
0x2c9: {  	v35 =	vor.u32 v1, v27;
	v25 =	vld.idx.msk [tilespmem:v25+s19+$0x0], $0xffff  }
0x2ca: {  	v36 =	vor.u32 v1, v24;
	v26 =	vmul.f32 v26, v17;
	v31 =	vld.idx.msk [tilespmem:v31+s19+$0x0], $0xffff  }
0x2cb: {  	v37 =	vor.u32 v1, v23;
	s11 =	sadd.s32 $0x400, s11;
	v29 =	vmul.f32 v29, v13;
	v21 =	vld.idx.msk [tilespmem:v21+s19+$0x0], $0xffff  }
0x2cc: {  	v38 =	vor.u32 v1, v22;
	v11 =	vmul.f32 v11, v16;
	v8 =	vld.idx.msk [tilespmem:v32+s14+$0x0], $0xffff;
	[tilespmem:s11+$0x100] =	vst v26  }
0x2cd: {  	v26 =	vmul.f32 v30, v14;
	[tilespmem:s11+$0xFFFFFE80] =	vst v29;
	v29 =	vor.u32 v1, v19;
	v30 =	vld.idx.msk [tilespmem:v34+s19+$0x0], $0xffff  }
0x2ce: {  	v34 =	vor.u32 v1, v20;
	v35 =	vld.idx.msk [tilespmem:v35+s19+$0x0], $0xffff;
	[tilespmem:s11+$0xFFFFFF00] =	vst v11;
	v11 =	vmul.f32 v33, v15  }
0x2cf: {  	v25 =	vmul.f32 v25, v12;
	v33 =	vld.idx.msk [tilespmem:v36+s19+$0x0], $0xffff;
	[tilespmem:s11+$0xFFFFFF80] =	vst v26;
	v26 =	vor.u32 v1, v18  }
0x2d0: {  	v31 =	vmul.f32 v31, v10;
	v36 =	vld.idx.msk [tilespmem:v37+s19+$0x0], $0xffff;
	[tilespmem:s11+$0x0] =	vst v11  }
0x2d1: {  	v21 =	vmul.f32 v21, v9;
	v11 =	vld.idx.msk [tilespmem:v38+s19+$0x0], $0xffff;
	[tilespmem:s11+$0x80] =	vst v25;
	v25 =	vor.u32 v2, v28  }
0x2d2: {  	[tilespmem:s11+$0xFFFFFE00] =	vst v31;
	v31 =	vor.u32 v2, v27;
	v29 =	vld.idx.msk [tilespmem:v29+s19+$0x0], $0xffff  }
0x2d3: {  	v37 =	vor.u32 v2, v24;
	v30 =	vmul.f32 v30, v17;
	v34 =	vld.idx.msk [tilespmem:v34+s19+$0x0], $0xffff;
	[tilespmem:s11+$0x180] =	vst v21  }
0x2d4: {  	v38 =	vor.u32 v2, v23;
	v35 =	vmul.f32 v35, v13;
	v26 =	vld.idx.msk [tilespmem:v26+s19+$0x0], $0xffff  }
0x2d5: {  	v21 =	vld.idx.msk [tilespmem:v32+s6+$0x0], $0xffff;
	v32 =	vmul.f32 v33, v16;
	v33 =	vor.u32 v2, v22;
	[tilespmem:s11+$0x110] =	vst v30  }
0x2d6: {  	v30 =	vmov s0;
	[tilespmem:s11+$0xFFFFFE90] =	vst v35;
	v35 =	vmul.f32 v36, v14;
	v36 =	vor.u32 v2, v19;
	v25 =	vld.idx.msk [tilespmem:v25+s19+$0x0], $0xffff  }
0x2d7: {  	v39 =	vor.u32 v2, v20;
	v30 =	vand.u32 $0xFFFFFFF8, v30;
	v11 =	vmul.f32 v11, v15;
	v31 =	vld.idx.msk [tilespmem:v31+s19+$0x0], $0xffff;
	[tilespmem:s11+$0xFFFFFF10] =	vst v32  }
0x2d8: {  	v30 =	vbroadcast v30, $0x0;
	v29 =	vmul.f32 v29, v12;
	v32 =	vld.idx.msk [tilespmem:v37+s19+$0x0], $0xffff;
	[tilespmem:s11+$0xFFFFFF90] =	vst v35;
	v35 =	vor.u32 v2, v18  }
0x2d9: {  	v34 =	vmul.f32 v34, v10;
	v37 =	vld.idx.msk [tilespmem:v38+s19+$0x0], $0xffff;
	[tilespmem:s11+$0x10] =	vst v11  }
0x2da: {  	v11 =	vmul.f32 v26, v9;
	v33 =	vld.idx.msk [tilespmem:v33+s19+$0x0], $0xffff;
	[tilespmem:s11+$0x90] =	vst v29;
	v29 =	vor.u32 v3, v28  }
0x2db: {  	v26 =	vor.u32 v3, v27;
	[tilespmem:s11+$0xFFFFFE10] =	vst v34;
	v34 =	vld.idx.msk [tilespmem:v36+s19+$0x0], $0xffff  }
0x2dc: {  	v38 =	vor.u32 v3, v24;
	v25 =	vmul.f32 v25, v17;
	v36 =	vld.idx.msk [tilespmem:v39+s19+$0x0], $0xffff;
	[tilespmem:s11+$0x190] =	vst v11  }
0x2dd: {  	v31 =	vmul.f32 v31, v13;
	v39 =	vor.u32 v3, v23;
	v35 =	vld.idx.msk [tilespmem:v35+s19+$0x0], $0xffff  }
0x2de: {  	v40 =	vor.u32 v3, v22;
	v32 =	vmul.f32 v32, v16;
	v11 =	vld.idx.msk [tilespmem:v30+s14+$0x0], $0xffff;
	[tilespmem:s11+$0x120] =	vst v25  }
0x2df: {  	v25 =	vmul.f32 v37, v14;
	[tilespmem:s11+$0xFFFFFEA0] =	vst v31;
	v31 =	vor.u32 v3, v19;
	v29 =	vld.idx.msk [tilespmem:v29+s19+$0x0], $0xffff  }
0x2e0: {  	v37 =	vor.u32 v3, v20;
	v26 =	vld.idx.msk [tilespmem:v26+s19+$0x0], $0xffff;
	[tilespmem:s11+$0xFFFFFF20] =	vst v32;
	v32 =	vmul.f32 v33, v15  }
0x2e1: {  	v33 =	vld.idx.msk [tilespmem:v38+s19+$0x0], $0xffff;
	[tilespmem:s11+$0xFFFFFFA0] =	vst v25;
	v25 =	vmul.f32 v34, v12;
	v34 =	vor.u32 v3, v18  }
0x2e2: {  	v36 =	vmul.f32 v36, v10;
	v38 =	vld.idx.msk [tilespmem:v39+s19+$0x0], $0xffff;
	[tilespmem:s11+$0x20] =	vst v32  }
0x2e3: {  	v39 =	vor.u32 v4, v28;
	v32 =	vld.idx.msk [tilespmem:v40+s19+$0x0], $0xffff;
	[tilespmem:s11+$0xA0] =	vst v25;
	v25 =	vmul.f32 v35, v9  }
0x2e4: {  	v35 =	vor.u32 v4, v27;
	[tilespmem:s11+$0xFFFFFE20] =	vst v36;
	v31 =	vld.idx.msk [tilespmem:v31+s19+$0x0], $0xffff  }
0x2e5: {  	v29 =	vmul.f32 v29, v17;
	v36 =	vld.idx.msk [tilespmem:v37+s19+$0x0], $0xffff;
	v37 =	vor.u32 v4, v24;
	[tilespmem:s11+$0x1A0] =	vst v25  }
0x2e6: {  	v40 =	vor.u32 v4, v23;
	v26 =	vmul.f32 v26, v13;
	v34 =	vld.idx.msk [tilespmem:v34+s19+$0x0], $0xffff  }
0x2e7: {  	s3 =	sadd.s32 $0x1, s0;
	v25 =	vld.idx.msk [tilespmem:v30+s6+$0x0], $0xffff;
	v30 =	vmul.f32 v33, v16;
	v33 =	vor.u32 v4, v22;
	[tilespmem:s11+$0x130] =	vst v29  }
0x2e8: {  	v41 =	vor.u32 v4, v19;
	v29 =	vmov s3;
	v38 =	vmul.f32 v38, v14;
	[tilespmem:s11+$0xFFFFFEB0] =	vst v26;
	v39 =	vld.idx.msk [tilespmem:v39+s19+$0x0], $0xffff  }
0x2e9: {  	v26 =	vand.u32 $0xFFFFFFF9, v29;
	v29 =	vor.u32 v4, v20;
	v35 =	vld.idx.msk [tilespmem:v35+s19+$0x0], $0xffff;
	[tilespmem:s11+$0xFFFFFF30] =	vst v30;
	v30 =	vmul.f32 v32, v15  }
0x2ea: {  	v26 =	vbroadcast v26, $0x0;
	v31 =	vmul.f32 v31, v12;
	v32 =	vld.idx.msk [tilespmem:v37+s19+$0x0], $0xffff;
	[tilespmem:s11+$0xFFFFFFB0] =	vst v38;
	v37 =	vor.u32 v4, v18  }
0x2eb: {  	v36 =	vmul.f32 v36, v10;
	v38 =	vld.idx.msk [tilespmem:v40+s19+$0x0], $0xffff;
	[tilespmem:s11+$0x30] =	vst v30  }
0x2ec: {  	v30 =	vld.idx.msk [tilespmem:v33+s19+$0x0], $0xffff;
	[tilespmem:s11+$0xB0] =	vst v31;
	v31 =	vor.u32 v5, v28;
	v33 =	vmul.f32 v34, v9  }
0x2ed: {  	v34 =	vor.u32 v5, v27;
	[tilespmem:s11+$0xFFFFFE30] =	vst v36;
	v36 =	vld.idx.msk [tilespmem:v41+s19+$0x0], $0xffff  }
0x2ee: {  	v41 =	vor.u32 v5, v24;
	v39 =	vmul.f32 v39, v17;
	v40 =	vld.idx.msk [tilespmem:v29+s19+$0x0], $0xffff;
	[tilespmem:s11+$0x1B0] =	vst v33  }
0x2ef: {  	v33 =	vmul.f32 v35, v13;
	v35 =	vor.u32 v5, v23;
	v37 =	vld.idx.msk [tilespmem:v37+s19+$0x0], $0xffff  }
0x2f0: {  	v42 =	vor.u32 v5, v22;
	s3 =	sadd.s32 $0x2, s0;
	v32 =	vmul.f32 v32, v16;
	v29 =	vld.idx.msk [tilespmem:v26+s6+$0x0], $0xffff;
	[tilespmem:s11+$0x140] =	vst v39  }
0x2f1: {  	v39 =	vmov s3;
	[tilespmem:s11+$0xFFFFFEC0] =	vst v33;
	v33 =	vmul.f32 v38, v14;
	v38 =	vor.u32 v5, v19;
	v31 =	vld.idx.msk [tilespmem:v31+s19+$0x0], $0xffff  }
0x2f2: {  	v43 =	vor.u32 v5, v20;
	v39 =	vand.u32 $0xFFFFFFFA, v39;
	v34 =	vld.idx.msk [tilespmem:v34+s19+$0x0], $0xffff;
	[tilespmem:s11+$0xFFFFFF40] =	vst v32;
	v32 =	vmul.f32 v30, v15  }
0x2f3: {  	v30 =	vbroadcast v39, $0x0;
	v39 =	vld.idx.msk [tilespmem:v41+s19+$0x0], $0xffff;
	[tilespmem:s11+$0xFFFFFFC0] =	vst v33;
	v33 =	vmul.f32 v36, v12;
	v36 =	vor.u32 v5, v18  }
0x2f4: {  	v40 =	vmul.f32 v40, v10;
	v35 =	vld.idx.msk [tilespmem:v35+s19+$0x0], $0xffff;
	[tilespmem:s11+$0x40] =	vst v32  }
0x2f5: {  	v37 =	vmul.f32 v37, v9;
	v32 =	vld.idx.msk [tilespmem:v42+s19+$0x0], $0xffff;
	[tilespmem:s11+$0xC0] =	vst v33;
	v33 =	vor.u32 v6, v28  }
0x2f6: {  	v41 =	vor.u32 v6, v27;
	[tilespmem:s11+$0xFFFFFE40] =	vst v40;
	v38 =	vld.idx.msk [tilespmem:v38+s19+$0x0], $0xffff  }
0x2f7: {  	v40 =	vmul.f32 v31, v17;
	v42 =	vld.idx.msk [tilespmem:v43+s19+$0x0], $0xffff;
	v43 =	vor.u32 v6, v24;
	[tilespmem:s11+$0x1C0] =	vst v37  }
0x2f8: {  	v44 =	vor.u32 v6, v23;
	v34 =	vmul.f32 v34, v13;
	v45 =	vld.idx.msk [tilespmem:v36+s19+$0x0], $0xffff  }
0x2f9: {  	v46 =	vor.u32 v6, v22;
	s3 =	sadd.s32 $0x3, s0;
	v39 =	vmul.f32 v39, v16;
	v31 =	vld.idx.msk [tilespmem:v30+s6+$0x0], $0xffff;
	[tilespmem:s11+$0x150] =	vst v40  }
0x2fa: {  	v47 =	vor.u32 v6, v19;
	v36 =	vmov s3;
	[tilespmem:s11+$0xFFFFFED0] =	vst v34;
	v34 =	vmul.f32 v35, v14;
	v37 =	vld.idx.msk [tilespmem:v33+s19+$0x0], $0xffff  }
.Ltmp10:
0x2fb: {  	v40 =	vor.u32 v6, v20;
	v33 =	vand.u32 $0xFFFFFFFB, v36;
	v36 =	vld.idx.msk [tilespmem:v41+s19+$0x0], $0xffff;
	[tilespmem:s11+$0xFFFFFF50] =	vst v39;
	v41 =	vmul.f32 v32, v15;
	(pc) =	sbr.rel @p2 .LBB2_15-.Ltmp10, $4  }
0x2fc: {  	v32 =	vbroadcast v33, $0x0;
	v38 =	vmul.f32 v38, v12;
	v39 =	vor.u32 v6, v18;
	v35 =	vld.idx.msk [tilespmem:v43+s19+$0x0], $0xffff;
	[tilespmem:s11+$0xFFFFFFD0] =	vst v34  }
0x2fd: {  	v42 =	vmul.f32 v42, v10;
	v34 =	vld.idx.msk [tilespmem:v44+s19+$0x0], $0xffff;
	[tilespmem:s11+$0x50] =	vst v41  }
0x2fe: {  	v28 =	vor.u32 v7, v28;
	v41 =	vmul.f32 v45, v9;
	v33 =	vld.idx.msk [tilespmem:v46+s19+$0x0], $0xffff;
	[tilespmem:s11+$0xD0] =	vst v38  }
0x2ff: {  	s12 =	sadd.s32 $0x6, s7;
	s0 =	sadd.s32 $0x8, s0;
	v38 =	vor.u32 v7, v27;
	[tilespmem:s11+$0xFFFFFE50] =	vst v42;
	v27 =	vld.idx.msk [tilespmem:v47+s19+$0x0], $0xffff  }
0x300: {  	_ =	sdelay $0x3  }
0x301: {  	v40 =	vld.idx.msk [tilespmem:v40+s19+$0x0], $0xffff;
	v24 =	vor.u32 v7, v24;
	v37 =	vmul.f32 v37, v17;
	[tilespmem:s11+$0x1D0] =	vst v41  }
0x302: {  	v42 =	vmov s12;
	v36 =	vmul.f32 v36, v13;
	v23 =	vor.u32 v7, v23;
	v39 =	vld.idx.msk [tilespmem:v39+s19+$0x0], $0xffff  }
0x303: {  	v22 =	vor.u32 v7, v22;
	v49 =	vand.u32 $0xFFFFFFFE, v42;
	v42 =	vld.idx.msk [tilespmem:v32+s6+$0x0], $0xffff;
	v35 =	vmul.f32 v35, v16;
	[tilespmem:s11+$0x160] =	vst v37  }
0x304: {  	v19 =	vor.u32 v7, v19;
	[tilespmem:s11+$0xFFFFFEE0] =	vst v36;
	v34 =	vmul.f32 v34, v14;
	v51 =	vld.idx.msk [tilespmem:v28+s19+$0x0], $0xffff  }
0x305: {  	v41 =	vbroadcast v49, $0x0;
	v38 =	vld.idx.msk [tilespmem:v38+s19+$0x0], $0xffff;
	[tilespmem:s11+$0xFFFFFF60] =	vst v35;
	v33 =	vmul.f32 v33, v15  }
0x306: {  	s0 =	sadd.s32 $0x4, s7;
	[tilespmem:s11+$0xFFFFFFE0] =	vst v34;
	v55 =	vmul.f32 v27, v12;
	v54 =	vld.idx.msk [tilespmem:v24+s19+$0x0], $0xffff  }
0x307: {  	v20 =	vor.u32 v7, v20;
	v50 =	vmov s0;
	v34 =	vld.idx.msk [tilespmem:v23+s19+$0x0], $0xffff;
	[tilespmem:s11+$0x60] =	vst v33  }
0x308: {  	v53 =	vand.u32 $0xFFFFFFFC, v50;
	v59 =	vld.idx.msk [tilespmem:v22+s19+$0x0], $0xffff;
	[tilespmem:s11+$0xE0] =	vst v55  }
0x309: {  	s3 =	sadd.s32 $0x5, s7;
	v18 =	vor.u32 v7, v18;
	v56 =	vbroadcast v53, $0x0;
	v57 =	vmul.f32 v40, v10;
	v62 =	vld.idx.msk [tilespmem:v19+s19+$0x0], $0xffff  }
0x30a: {  	v52 =	vmov s3;
	v19 =	vld.idx.msk [tilespmem:v30+s14+$0x0], $0xffff  }
0x30b: {  	v28 =	vand.u32 $0xFFFFFFFD, v52;
	v60 =	vmul.f32 v39, v9;
	[tilespmem:s11+$0xFFFFFE60] =	vst v57;
	v61 =	vld.idx.msk [tilespmem:v41+s6+$0x0], $0xffff  }
0x30c: {  	v58 =	vbroadcast v28, $0x0;
	v63 =	vld.idx.msk [tilespmem:v20+s19+$0x0], $0xffff  }
0x30d: {  	[tilespmem:s11+$0x1E0] =	vst v60;
	v20 =	vld.idx.msk [tilespmem:v32+s14+$0x0], $0xffff  }
0x30e: {  	v43 =	vld.idx.msk [tilespmem:v18+s19+$0x0], $0xffff  }
0x30f: {  	v22 =	vshll.u32 v29, $0x7;
	v44 =	vld.idx.msk [tilespmem:v56+s6+$0x0], $0xffff  }
0x310: {  	v24 =	vshll.u32 v31, $0x7;
	v23 =	vshll.u32 v42, $0x7;
	v49 =	vor.u32 v0, v22;
	v18 =	vld.idx.msk [tilespmem:v26+s14+$0x0], $0xffff  }
0x311: {  	v53 =	vor.u32 v0, v23;
	v50 =	vmul.f32 v51, v17;
	v51 =	vor.u32 v0, v24;
	v17 =	vld.idx.msk [tilespmem:v56+s14+$0x0], $0xffff  }
0x312: {  	v52 =	vmul.f32 v38, v13;
	v45 =	vld.idx.msk [tilespmem:v58+s6+$0x0], $0xffff;
	v34 =	vmul.f32 v34, v14;
	v14 =	vshll.u32 v25, $0x7  }
0x313: {  	v13 =	vld.idx.msk [tilespmem:v58+s14+$0x0], $0xffff;
	v57 =	vmul.f32 v59, v15;
	v58 =	vor.u32 v0, v14;
	v15 =	vshll.u32 v21, $0x7  }
0x314: {  	v54 =	vmul.f32 v54, v16;
	v16 =	vld.idx.msk [tilespmem:v41+s14+$0x0], $0xffff;
	v28 =	vshll.u32 v61, $0x7;
	v61 =	vor.u32 v0, v15  }
0x315: {  	[tilespmem:s11+$0x170] =	vst v50;
	v30 =	vld.idx.msk [tilespmem:v49+s19+$0x0], $0xffff;
	v48 =	vor.u32 v0, v28  }
0x316: {  	[tilespmem:s11+$0xFFFFFEF0] =	vst v52;
	v60 =	vld.idx.msk [tilespmem:v51+s19+$0x0], $0xffff;
	v26 =	vshll.u32 v44, $0x7  }
0x317: {  	v59 =	vmul.f32 v62, v12;
	v62 =	vmul.f32 v63, v10;
	v63 =	vld.idx.msk [tilespmem:v53+s19+$0x0], $0xffff;
	v55 =	vor.u32 v0, v26  }
0x318: {  	[tilespmem:s11+$0xFFFFFF70] =	vst v54;
	v41 =	vmul.f32 v43, v9;
	v43 =	vor.u32 v1, v22;
	v27 =	vshll.u32 v45, $0x7;
	v46 =	vld.idx.msk [tilespmem:v58+s19+$0x0], $0xffff  }
0x319: {  	[tilespmem:s11+$0xFFFFFFF0] =	vst v34;
	v56 =	vor.u32 v0, v27;
	v32 =	vld.idx.msk [tilespmem:v61+s19+$0x0], $0xffff  }
0x31a: {  	[tilespmem:s11+$0x70] =	vst v57;
	v45 =	vor.u32 v1, v24;
	v30 =	vmul.f32 v30, v18;
	v29 =	vld.idx.msk [tilespmem:v48+s19+$0x0], $0xffff  }
0x31b: {  	s12 =	sadd.s32 $0x400, s11;
	v52 =	vor.u32 v1, v14;
	[tilespmem:s11+$0xF0] =	vst v59;
	v21 =	vmul.f32 v60, v19  }
0x31c: {  	v47 =	vor.u32 v1, v23;
	v49 =	vmul.f32 v63, v20;
	[tilespmem:s12+$0xFFFFFE80] =	vst v30;
	v42 =	vld.idx.msk [tilespmem:v55+s19+$0x0], $0xffff  }
0x31d: {  	v53 =	vor.u32 v1, v15;
	v31 =	vld.idx.msk [tilespmem:v43+s19+$0x0], $0xffff;
	[tilespmem:s12+$0xFFFFFF00] =	vst v21;
	v9 =	vmul.f32 v46, v11  }
0x31e: {  	v40 =	vor.u32 v1, v28;
	[tilespmem:s12+$0xFFFFFF80] =	vst v49;
	v44 =	vld.idx.msk [tilespmem:v56+s19+$0x0], $0xffff;
	v56 =	vmul.f32 v32, v8  }
0x31f: {  	v21 =	vld.idx.msk [tilespmem:v45+s19+$0x0], $0xffff;
	[tilespmem:s12+$0xFFFFFE00] =	vst v9;
	v29 =	vmul.f32 v29, v16  }
0x320: {  	v48 =	vor.u32 v1, v26;
	v34 =	vld.idx.msk [tilespmem:v52+s19+$0x0], $0xffff;
	[tilespmem:s12+$0x180] =	vst v56  }
0x321: {  	v50 =	vor.u32 v1, v27;
	v12 =	vmul.f32 v42, v17;
	[tilespmem:s12+$0x100] =	vst v29;
	v29 =	vld.idx.msk [tilespmem:v47+s19+$0x0], $0xffff  }
0x322: {  	v57 =	vor.u32 v2, v22;
	[tilespmem:s11+$0xFFFFFE70] =	vst v62;
	v60 =	vmul.f32 v31, v18;
	v25 =	vld.idx.msk [tilespmem:v53+s19+$0x0], $0xffff  }
0x323: {  	v59 =	vor.u32 v2, v24;
	v10 =	vmul.f32 v44, v13;
	v51 =	vld.idx.msk [tilespmem:v40+s19+$0x0], $0xffff;
	[tilespmem:s12+$0x0] =	vst v12  }
0x324: {  	v61 =	vor.u32 v2, v23;
	v21 =	vmul.f32 v21, v19;
	[tilespmem:s12+$0xFFFFFE90] =	vst v60  }
0x325: {  	v38 =	vor.u32 v2, v14;
	v55 =	vld.idx.msk [tilespmem:v48+s19+$0x0], $0xffff;
	[tilespmem:s12+$0x80] =	vst v10;
	v34 =	vmul.f32 v34, v11  }
0x326: {  	v40 =	vor.u32 v2, v15;
	[tilespmem:s12+$0xFFFFFF10] =	vst v21;
	v58 =	vld.idx.msk [tilespmem:v50+s19+$0x0], $0xffff;
	v63 =	vmul.f32 v29, v20  }
0x327: {  	v54 =	vor.u32 v2, v28;
	v32 =	vld.idx.msk [tilespmem:v57+s19+$0x0], $0xffff;
	v43 =	vmul.f32 v25, v8;
	[tilespmem:s12+$0xFFFFFE10] =	vst v34  }
0x328: {  	v62 =	vor.u32 v2, v26;
	v30 =	vld.idx.msk [tilespmem:v59+s19+$0x0], $0xffff;
	v33 =	vmul.f32 v51, v16;
	[tilespmem:s12+$0xFFFFFF90] =	vst v63  }
0x329: {  	v37 =	vor.u32 v2, v27;
	[tilespmem:s12+$0x190] =	vst v43;
	v31 =	vld.idx.msk [tilespmem:v61+s19+$0x0], $0xffff  }
0x32a: {  	v44 =	vor.u32 v3, v22;
	v39 =	vmul.f32 v55, v17;
	[tilespmem:s12+$0x110] =	vst v33;
	v33 =	vld.idx.msk [tilespmem:v38+s19+$0x0], $0xffff  }
0x32b: {  	[tilespmem:s11+$0x1F0] =	vst v41;
	v45 =	vor.u32 v3, v24;
	v9 =	vmul.f32 v58, v13;
	v10 =	vld.idx.msk [tilespmem:v40+s19+$0x0], $0xffff  }
0x32c: {  	v47 =	vor.u32 v3, v23;
	v46 =	vmul.f32 v32, v18;
	v12 =	vld.idx.msk [tilespmem:v54+s19+$0x0], $0xffff;
	[tilespmem:s12+$0x10] =	vst v39  }
0x32d: {  	v51 =	vor.u32 v3, v14;
	v30 =	vmul.f32 v30, v19;
	v42 =	vld.idx.msk [tilespmem:v62+s19+$0x0], $0xffff;
	[tilespmem:s12+$0x90] =	vst v9  }
0x32e: {  	[tilespmem:s12+$0xFFFFFEA0] =	vst v46;
	v54 =	vor.u32 v3, v15;
	v29 =	vld.idx.msk [tilespmem:v37+s19+$0x0], $0xffff;
	v49 =	vmul.f32 v31, v20  }
0x32f: {  	v41 =	vor.u32 v3, v28;
	v25 =	vld.idx.msk [tilespmem:v44+s19+$0x0], $0xffff;
	[tilespmem:s12+$0xFFFFFF20] =	vst v30;
	v33 =	vmul.f32 v33, v11  }
0x330: {  	v48 =	vor.u32 v3, v26;
	v34 =	vld.idx.msk [tilespmem:v45+s19+$0x0], $0xffff;
	v57 =	vmul.f32 v10, v8;
	[tilespmem:s12+$0xFFFFFFA0] =	vst v49  }
0x331: {  	v50 =	vor.u32 v3, v27;
	v12 =	vmul.f32 v12, v16;
	[tilespmem:s12+$0xFFFFFE20] =	vst v33;
	v32 =	vld.idx.msk [tilespmem:v47+s19+$0x0], $0xffff  }
0x332: {  	v58 =	vor.u32 v4, v22;
	v52 =	vmul.f32 v42, v17;
	[tilespmem:s12+$0x1A0] =	vst v57;
	v31 =	vld.idx.msk [tilespmem:v51+s19+$0x0], $0xffff  }
0x333: {  	v59 =	vor.u32 v4, v24;
	[tilespmem:s12+$0x120] =	vst v12;
	v53 =	vmul.f32 v29, v13;
	v29 =	vld.idx.msk [tilespmem:v54+s19+$0x0], $0xffff  }
0x334: {  	v61 =	vor.u32 v4, v23;
	v60 =	vmul.f32 v25, v18;
	v21 =	vld.idx.msk [tilespmem:v41+s19+$0x0], $0xffff;
	[tilespmem:s12+$0x20] =	vst v52  }
0x335: {  	v38 =	vor.u32 v4, v14;
	v34 =	vmul.f32 v34, v19;
	v56 =	vld.idx.msk [tilespmem:v48+s19+$0x0], $0xffff;
	[tilespmem:s12+$0xA0] =	vst v53  }
0x336: {  	[tilespmem:s12+$0xFFFFFEB0] =	vst v60;
	v41 =	vor.u32 v4, v15;
	v12 =	vld.idx.msk [tilespmem:v50+s19+$0x0], $0xffff;
	v63 =	vmul.f32 v32, v20  }
0x337: {  	v55 =	vor.u32 v4, v28;
	v10 =	vld.idx.msk [tilespmem:v58+s19+$0x0], $0xffff;
	[tilespmem:s12+$0xFFFFFF30] =	vst v34;
	v31 =	vmul.f32 v31, v11  }
0x338: {  	v62 =	vor.u32 v4, v26;
	v33 =	vld.idx.msk [tilespmem:v59+s19+$0x0], $0xffff;
	v44 =	vmul.f32 v29, v8;
	[tilespmem:s12+$0xFFFFFFB0] =	vst v63  }
0x339: {  	v37 =	vor.u32 v4, v27;
	v21 =	vmul.f32 v21, v16;
	[tilespmem:s12+$0xFFFFFE30] =	vst v31;
	v25 =	vld.idx.msk [tilespmem:v61+s19+$0x0], $0xffff  }
0x33a: {  	v45 =	vor.u32 v5, v22;
	v39 =	vmul.f32 v56, v17;
	[tilespmem:s12+$0x1B0] =	vst v44;
	v32 =	vld.idx.msk [tilespmem:v38+s19+$0x0], $0xffff  }
0x33b: {  	v46 =	vor.u32 v5, v24;
	[tilespmem:s12+$0x130] =	vst v21;
	v40 =	vmul.f32 v12, v13;
	v12 =	vld.idx.msk [tilespmem:v41+s19+$0x0], $0xffff  }
0x33c: {  	v48 =	vor.u32 v5, v23;
	v47 =	vmul.f32 v10, v18;
	v30 =	vld.idx.msk [tilespmem:v55+s19+$0x0], $0xffff;
	[tilespmem:s12+$0x30] =	vst v39  }
0x33d: {  	v52 =	vor.u32 v5, v14;
	v33 =	vmul.f32 v33, v19;
	v43 =	vld.idx.msk [tilespmem:v62+s19+$0x0], $0xffff;
	[tilespmem:s12+$0xB0] =	vst v40  }
0x33e: {  	[tilespmem:s12+$0xFFFFFEC0] =	vst v47;
	v55 =	vor.u32 v5, v15;
	v21 =	vld.idx.msk [tilespmem:v37+s19+$0x0], $0xffff;
	v50 =	vmul.f32 v25, v20  }
0x33f: {  	v42 =	vor.u32 v5, v28;
	v29 =	vld.idx.msk [tilespmem:v45+s19+$0x0], $0xffff;
	[tilespmem:s12+$0xFFFFFF40] =	vst v33;
	v32 =	vmul.f32 v32, v11  }
0x340: {  	v49 =	vor.u32 v5, v26;
	v31 =	vld.idx.msk [tilespmem:v46+s19+$0x0], $0xffff;
	v58 =	vmul.f32 v12, v8;
	[tilespmem:s12+$0xFFFFFFC0] =	vst v50  }
0x341: {  	v51 =	vor.u32 v5, v27;
	v30 =	vmul.f32 v30, v16;
	[tilespmem:s12+$0xFFFFFE40] =	vst v32;
	v10 =	vld.idx.msk [tilespmem:v48+s19+$0x0], $0xffff  }
0x342: {  	v59 =	vor.u32 v6, v22;
	v53 =	vmul.f32 v43, v17;
	[tilespmem:s12+$0x1C0] =	vst v58;
	v34 =	vld.idx.msk [tilespmem:v52+s19+$0x0], $0xffff  }
0x343: {  	v60 =	vor.u32 v6, v24;
	[tilespmem:s12+$0x140] =	vst v30;
	v54 =	vmul.f32 v21, v13;
	v21 =	vld.idx.msk [tilespmem:v55+s19+$0x0], $0xffff  }
0x344: {  	v62 =	vor.u32 v6, v23;
	v61 =	vmul.f32 v29, v18;
	v30 =	vld.idx.msk [tilespmem:v42+s19+$0x0], $0xffff;
	[tilespmem:s12+$0x40] =	vst v53  }
0x345: {  	v39 =	vor.u32 v6, v14;
	v31 =	vmul.f32 v31, v19;
	v57 =	vld.idx.msk [tilespmem:v49+s19+$0x0], $0xffff;
	[tilespmem:s12+$0xC0] =	vst v54  }
0x346: {  	[tilespmem:s12+$0xFFFFFED0] =	vst v61;
	v42 =	vor.u32 v6, v15;
	v25 =	vld.idx.msk [tilespmem:v51+s19+$0x0], $0xffff;
	v37 =	vmul.f32 v10, v20  }
0x347: {  	v56 =	vor.u32 v6, v28;
	v12 =	vld.idx.msk [tilespmem:v59+s19+$0x0], $0xffff;
	[tilespmem:s12+$0xFFFFFF50] =	vst v31;
	v34 =	vmul.f32 v34, v11  }
0x348: {  	v63 =	vor.u32 v6, v26;
	v32 =	vld.idx.msk [tilespmem:v60+s19+$0x0], $0xffff;
	v43 =	vmul.f32 v21, v8;
	[tilespmem:s12+$0xFFFFFFD0] =	vst v37  }
0x349: {  	v38 =	vor.u32 v6, v27;
	v30 =	vmul.f32 v30, v16;
	[tilespmem:s12+$0xFFFFFE50] =	vst v34;
	v29 =	vld.idx.msk [tilespmem:v62+s19+$0x0], $0xffff  }
0x34a: {  	v44 =	vor.u32 v7, v22;
	v40 =	vmul.f32 v57, v17;
	[tilespmem:s12+$0x1D0] =	vst v43;
	v47 =	vld.idx.msk [tilespmem:v39+s19+$0x0], $0xffff  }
0x34b: {  	v45 =	vor.u32 v7, v24;
	[tilespmem:s12+$0x150] =	vst v30;
	v41 =	vmul.f32 v25, v13;
	v50 =	vld.idx.msk [tilespmem:v42+s19+$0x0], $0xffff  }
0x34c: {  	v49 =	vor.u32 v7, v23;
	v48 =	vmul.f32 v12, v18;
	v30 =	vld.idx.msk [tilespmem:v56+s19+$0x0], $0xffff;
	[tilespmem:s12+$0x50] =	vst v40  }
0x34d: {  	v14 =	vor.u32 v7, v14;
	v51 =	vmul.f32 v32, v19;
	v31 =	vld.idx.msk [tilespmem:v63+s19+$0x0], $0xffff;
	[tilespmem:s12+$0xD0] =	vst v41  }
0x34e: {  	v55 =	vor.u32 v7, v15;
	[tilespmem:s12+$0xFFFFFEE0] =	vst v48;
	v10 =	vld.idx.msk [tilespmem:v38+s19+$0x0], $0xffff;
	v52 =	vmul.f32 v29, v20  }
0x34f: {  	v28 =	vor.u32 v7, v28;
	v21 =	vld.idx.msk [tilespmem:v44+s19+$0x0], $0xffff;
	[tilespmem:s12+$0xFFFFFF60] =	vst v51;
	v56 =	vmul.f32 v47, v11  }
0x350: {  	v26 =	vor.u32 v7, v26;
	v22 =	vld.idx.msk [tilespmem:v45+s19+$0x0], $0xffff;
	v57 =	vmul.f32 v50, v8;
	[tilespmem:s12+$0xFFFFFFE0] =	vst v52  }
0x351: {  	v27 =	vor.u32 v7, v27;
	v46 =	vmul.f32 v30, v16;
	[tilespmem:s12+$0xFFFFFE60] =	vst v56;
	v12 =	vld.idx.msk [tilespmem:v49+s19+$0x0], $0xffff  }
0x352: {  	v53 =	vmul.f32 v31, v17;
	[tilespmem:s12+$0x1E0] =	vst v57;
	v59 =	vld.idx.msk [tilespmem:v14+s19+$0x0], $0xffff  }
0x353: {  	[tilespmem:s12+$0x160] =	vst v46;
	v54 =	vmul.f32 v10, v13;
	v10 =	vld.idx.msk [tilespmem:v55+s19+$0x0], $0xffff  }
0x354: {  	v60 =	vmul.f32 v21, v18;
	v24 =	vld.idx.msk [tilespmem:v28+s19+$0x0], $0xffff;
	[tilespmem:s12+$0x60] =	vst v53  }
0x355: {  	v61 =	vmul.f32 v22, v19;
	v25 =	vld.idx.msk [tilespmem:v26+s19+$0x0], $0xffff;
	[tilespmem:s12+$0xE0] =	vst v54  }
0x356: {  	[tilespmem:s12+$0xFFFFFEF0] =	vst v60;
	v58 =	vld.idx.msk [tilespmem:v27+s19+$0x0], $0xffff;
	v12 =	vmul.f32 v12, v20  }
0x357: {  	[tilespmem:s12+$0xFFFFFF70] =	vst v61;
	v9 =	vmul.f32 v59, v11  }
0x358: {  	v8 =	vmul.f32 v10, v8;
	[tilespmem:s12+$0xFFFFFFF0] =	vst v12  }
0x359: {  	v16 =	vmul.f32 v24, v16;
	[tilespmem:s12+$0xFFFFFE70] =	vst v9  }
.Ltmp11:
0x35a: {  	v62 =	vmul.f32 v25, v17;
	[tilespmem:s12+$0x1F0] =	vst v8;
	(pc) =	sbr.rel @p1 .LBB2_18-.Ltmp11, $4  }
0x35b: {  	[tilespmem:s12+$0x170] =	vst v16;
	v63 =	vmul.f32 v58, v13  }
0x35c: {  	[tilespmem:s12+$0x70] =	vst v62  }
0x35d: {  	s13 =	sadd.s32 $0x100, s10;
	[tilespmem:s12+$0xF0] =	vst v63  }
0x35e: {  	[hbm4b:s13+s15] =	stream.strided.scatter [tilespmem:s29], [sflag:$0x7], $0x2000, s16, s15, $0x38;
	[tilespmem:$0x10100] =	vst v63  }
.Ltmp12:
0x35f: {  	(pc) =	sbr.rel .LBB2_19-.Ltmp12, $4  }
0x360: {  	_ = 	snop  }
0x361: {  	_ =	swait.ge [sflag:s30], $0x2000  }
0x362: {  	[sflag:s30] =	ssyncset.done $0x0  }
0x363: {  	[sflag:s30] =	ssyncadd.s32 $0xFFFFE000  }
.LBB2_18:
0x364: {  	s0 =	sadd.s32 $0x6, s9  }
0x365: {  	s3 =	sshll.u32 s0, $0x7  }
0x366: {  	s0 =	sshll.u32 s0, $0xA;
	s3 =	sand.u32 $0xF00, s3  }
0x367: {  	s0 =	sand.u32 $0xFFF8000, s0;
	s3 =	sadd.s32 s1, s3  }
.Ltmp13:
0x368: {  	s0 =	sadd.s32 s0, s3;
	(pc) =	sbr.rel @p0 .LBB2_20-.Ltmp13, $4  }
0x369: {  	[tilespmem:s19], [sflag:$0x3] =	stream.strided.gather [hbm4b:s0+s15], $0x2000, s16, s15, $0x38;
	[tilespmem:$0x10100] =	vst v63  }
0x36a: {  	_ =	swait.ge [sflag:s30], $0x2000  }
0x36b: {  	[sflag:s30] =	ssyncset.done $0x0  }
0x36c: {  	[sflag:s30] =	ssyncadd.s32 $0xFFFFE000  }
.LBB2_19:
0x36d: {  	_ =	swait.ge [sflag:s31], $0x2000  }
0x36e: {  	[sflag:s31] =	ssyncset.done $0x0  }
0x36f: {  	[sflag:s31] =	ssyncadd.s32 $0xFFFFE000  }
.LBB2_20:
0x370: {  	s0 =	simm.s32 $0x0  }
0x371: {  	s3 =	simm.s32 $0x7;
	v8 =	vmov s0  }
0x372: {  	s11 =	simm.s32 $0x1;
	v10 =	vmov s3;
	v8 =	vand.u32 $0xFFFFFFF8, v8  }
0x373: {  	s12 =	simm.s32 $0x6;
	v9 =	vmov s11;
	v8 =	vbroadcast v8, $0x0  }
0x374: {  	v11 =	vmov s12;
	v9 =	vand.u32 $0xFFFFFFF9, v9  }
0x375: {  	s13 =	simm.s32 $0x2;
	v11 =	vand.u32 $0xFFFFFFFE, v11;
	v12 =	vbroadcast v9, $0x0  }
0x376: {  	s7 =	simm.s32 $0x3;
	v9 =	vmov s13;
	v11 =	vbroadcast v11, $0x0  }
0x377: {  	v14 =	vmov s7;
	s11 =	simm.s32 $0x4;
	v13 =	vand.u32 $0xFFFFFFFA, v9;
	v9 =	vld.idx.msk [tilespmem:v10+s14+$0x0], $0xffff  }
0x378: {  	s12 =	simm.s32 $0x5;
	v15 =	vbroadcast v13, $0x0;
	v13 =	vand.u32 $0xFFFFFFFB, v14;
	v14 =	vmov s11;
	v18 =	vld.idx.msk [tilespmem:v10+s6+$0x0], $0xffff  }
0x379: {  	v17 =	vbroadcast v13, $0x0;
	v13 =	vmov s12;
	v14 =	vand.u32 $0xFFFFFFFC, v14;
	v10 =	vld.idx.msk [tilespmem:v8+s14+$0x0], $0xffff  }
0x37a: {  	v13 =	vand.u32 $0xFFFFFFFD, v13;
	v19 =	vbroadcast v14, $0x0;
	v8 =	vld.idx.msk [tilespmem:v8+s6+$0x0], $0xffff  }
0x37b: {  	v20 =	vbroadcast v13, $0x0;
	v14 =	vld.idx.msk [tilespmem:v12+s6+$0x0], $0xffff  }
0x37c: {  	v16 =	vld.idx.msk [tilespmem:v11+s6+$0x0], $0xffff  }
0x37d: {  	v13 =	vld.idx.msk [tilespmem:v12+s14+$0x0], $0xffff  }
0x37e: {  	v21 =	vld.idx.msk [tilespmem:v15+s6+$0x0], $0xffff  }
0x37f: {  	v22 =	vld.idx.msk [tilespmem:v17+s6+$0x0], $0xffff  }
0x380: {  	v25 =	vld.idx.msk [tilespmem:v19+s6+$0x0], $0xffff  }
0x381: {  	v26 =	vld.idx.msk [tilespmem:v20+s6+$0x0], $0xffff;
	v28 =	vshll.u32 v16, $0x7  }
0x382: {  	v27 =	vshll.u32 v14, $0x7;
	v16 =	vld.idx.msk [tilespmem:v15+s14+$0x0], $0xffff;
	v29 =	vor.u32 v0, v28  }
0x383: {  	v14 =	vld.idx.msk [tilespmem:v17+s14+$0x0], $0xffff;
	v30 =	vor.u32 v0, v27;
	v24 =	vshll.u32 v21, $0x7  }
0x384: {  	v15 =	vld.idx.msk [tilespmem:v19+s14+$0x0], $0xffff;
	v21 =	vor.u32 v0, v24;
	v23 =	vshll.u32 v22, $0x7  }
0x385: {  	v12 =	vld.idx.msk [tilespmem:v20+s14+$0x0], $0xffff;
	v31 =	vor.u32 v0, v23;
	v22 =	vshll.u32 v25, $0x7  }
0x386: {  	v17 =	vld.idx.msk [tilespmem:v11+s14+$0x0], $0xffff;
	v20 =	vshll.u32 v8, $0x7;
	v25 =	vor.u32 v0, v22  }
0x387: {  	v19 =	vshll.u32 v26, $0x7;
	v26 =	vor.u32 v0, v20;
	v11 =	vld.idx.msk [tilespmem:v29+s20+$0x0], $0xffff  }
0x388: {  	v18 =	vshll.u32 v18, $0x7;
	v8 =	vor.u32 v0, v19;
	v29 =	vld.idx.msk [tilespmem:v30+s20+$0x0], $0xffff  }
0x389: {  	s13 =	simm.s32 $0xF;
	v30 =	vor.u32 v0, v18;
	v21 =	vld.idx.msk [tilespmem:v21+s20+$0x0], $0xffff  }
0x38a: {  	v32 =	vmov s13;
	v31 =	vld.idx.msk [tilespmem:v31+s20+$0x0], $0xffff  }
0x38b: {  	v33 =	vor.u32 v1, v28;
	v25 =	vld.idx.msk [tilespmem:v25+s20+$0x0], $0xffff  }
0x38c: {  	v34 =	vor.u32 v1, v27;
	v26 =	vld.idx.msk [tilespmem:v26+s20+$0x0], $0xffff  }
0x38d: {  	v36 =	vor.u32 v1, v24;
	v35 =	vld.idx.msk [tilespmem:v8+s20+$0x0], $0xffff;
	v11 =	vmul.f32 v11, v17  }
0x38e: {  	s11 =	simm.s32 $0xE300;
	v37 =	vor.u32 v1, v23;
	v29 =	vmul.f32 v29, v13;
	v30 =	vld.idx.msk [tilespmem:v30+s20+$0x0], $0xffff  }
0x38f: {  	v38 =	vor.u32 v1, v22;
	v8 =	vld.idx.msk [tilespmem:v32+s14+$0x0], $0xffff;
	v21 =	vmul.f32 v21, v16;
	[tilespmem:s11+$0x100] =	vst v11  }
0x390: {  	v50 =	vor.u32 v1, v20;
	[tilespmem:s11+$0xFFFFFE80] =	vst v29;
	v11 =	vmul.f32 v31, v14;
	v31 =	vld.idx.msk [tilespmem:v33+s20+$0x0], $0xffff  }
0x391: {  	v29 =	vor.u32 v1, v19;
	v34 =	vld.idx.msk [tilespmem:v34+s20+$0x0], $0xffff;
	[tilespmem:s11+$0xFFFFFF00] =	vst v21;
	v21 =	vmul.f32 v25, v15  }
0x392: {  	v26 =	vmul.f32 v26, v10;
	v25 =	vld.idx.msk [tilespmem:v36+s20+$0x0], $0xffff;
	[tilespmem:s11+$0xFFFFFF80] =	vst v11  }
0x393: {  	v51 =	vor.u32 v1, v18;
	v11 =	vmul.f32 v35, v12;
	v52 =	vld.idx.msk [tilespmem:v37+s20+$0x0], $0xffff;
	[tilespmem:s11+$0x0] =	vst v21  }
0x394: {  	[tilespmem:s11+$0xFFFFFE00] =	vst v26;
	v26 =	vor.u32 v2, v27;
	v53 =	vld.idx.msk [tilespmem:v38+s20+$0x0], $0xffff  }
0x395: {  	v21 =	vmul.f32 v30, v9;
	[tilespmem:s11+$0x80] =	vst v11;
	v11 =	vor.u32 v2, v28;
	v30 =	vld.idx.msk [tilespmem:v50+s20+$0x0], $0xffff  }
0x396: {  	v54 =	vor.u32 v2, v24;
	v29 =	vld.idx.msk [tilespmem:v29+s20+$0x0], $0xffff;
	v34 =	vmul.f32 v34, v13  }
0x397: {  	v55 =	vor.u32 v2, v23;
	v31 =	vmul.f32 v31, v17;
	[tilespmem:s11+$0x180] =	vst v21;
	v21 =	vld.idx.msk [tilespmem:v32+s6+$0x0], $0xffff  }
0x398: {  	s7 =	simm.s32 $0x8;
	v56 =	vor.u32 v2, v22;
	v35 =	vld.idx.msk [tilespmem:v51+s20+$0x0], $0xffff;
	v25 =	vmul.f32 v25, v16;
	[tilespmem:s11+$0xFFFFFE90] =	vst v34  }
0x399: {  	v39 =	vor.u32 v2, v20;
	[tilespmem:s11+$0x110] =	vst v31;
	v31 =	vmov s7;
	v57 =	vmul.f32 v52, v14;
	v26 =	vld.idx.msk [tilespmem:v26+s20+$0x0], $0xffff  }
0x39a: {  	v58 =	vor.u32 v2, v19;
	v31 =	vand.u32 $0xFFFFFFF8, v31;
	v11 =	vld.idx.msk [tilespmem:v11+s20+$0x0], $0xffff;
	[tilespmem:s11+$0xFFFFFF10] =	vst v25;
	v25 =	vmul.f32 v53, v15  }
0x39b: {  	v59 =	vor.u32 v2, v18;
	v31 =	vbroadcast v31, $0x0;
	v30 =	vmul.f32 v30, v10;
	v33 =	vld.idx.msk [tilespmem:v54+s20+$0x0], $0xffff;
	[tilespmem:s11+$0xFFFFFF90] =	vst v57  }
0x39c: {  	v29 =	vmul.f32 v29, v12;
	v60 =	vld.idx.msk [tilespmem:v55+s20+$0x0], $0xffff;
	[tilespmem:s11+$0x10] =	vst v25  }
0x39d: {  	v61 =	vmul.f32 v35, v9;
	[tilespmem:s11+$0xFFFFFE10] =	vst v30;
	v30 =	vor.u32 v3, v27;
	v25 =	vld.idx.msk [tilespmem:v56+s20+$0x0], $0xffff  }
0x39e: {  	[tilespmem:s11+$0x90] =	vst v29;
	v29 =	vor.u32 v3, v28;
	v63 =	vld.idx.msk [tilespmem:v39+s20+$0x0], $0xffff  }
0x39f: {  	v44 =	vor.u32 v3, v24;
	v62 =	vld.idx.msk [tilespmem:v58+s20+$0x0], $0xffff;
	[tilespmem:s11+$0x190] =	vst v61;
	v26 =	vmul.f32 v26, v13  }
0x3a0: {  	v46 =	vor.u32 v3, v23;
	v45 =	vmul.f32 v11, v17;
	v34 =	vld.idx.msk [tilespmem:v59+s20+$0x0], $0xffff  }
0x3a1: {  	v40 =	vor.u32 v3, v22;
	v11 =	vld.idx.msk [tilespmem:v31+s14+$0x0], $0xffff;
	v33 =	vmul.f32 v33, v16;
	[tilespmem:s11+$0xFFFFFEA0] =	vst v26  }
0x3a2: {  	v48 =	vor.u32 v3, v20;
	[tilespmem:s11+$0x120] =	vst v45;
	v26 =	vmul.f32 v60, v14;
	v30 =	vld.idx.msk [tilespmem:v30+s20+$0x0], $0xffff  }
0x3a3: {  	v47 =	vor.u32 v3, v19;
	v29 =	vld.idx.msk [tilespmem:v29+s20+$0x0], $0xffff;
	[tilespmem:s11+$0xFFFFFF20] =	vst v33;
	v25 =	vmul.f32 v25, v15  }
0x3a4: {  	v36 =	vmul.f32 v63, v10;
	v33 =	vld.idx.msk [tilespmem:v44+s20+$0x0], $0xffff;
	[tilespmem:s11+$0xFFFFFFA0] =	vst v26  }
0x3a5: {  	v49 =	vor.u32 v3, v18;
	v26 =	vmul.f32 v62, v12;
	v32 =	vld.idx.msk [tilespmem:v46+s20+$0x0], $0xffff;
	[tilespmem:s11+$0x20] =	vst v25  }
0x3a6: {  	v51 =	vor.u32 v4, v27;
	[tilespmem:s11+$0xFFFFFE20] =	vst v36;
	v50 =	vld.idx.msk [tilespmem:v40+s20+$0x0], $0xffff  }
0x3a7: {  	v25 =	vmul.f32 v34, v9;
	[tilespmem:s11+$0xA0] =	vst v26;
	v26 =	vor.u32 v4, v28;
	v53 =	vld.idx.msk [tilespmem:v48+s20+$0x0], $0xffff  }
0x3a8: {  	v54 =	vor.u32 v4, v24;
	v52 =	vld.idx.msk [tilespmem:v47+s20+$0x0], $0xffff;
	v30 =	vmul.f32 v30, v13  }
0x3a9: {  	v55 =	vor.u32 v4, v23;
	[tilespmem:s11+$0x1A0] =	vst v25;
	v25 =	vld.idx.msk [tilespmem:v31+s6+$0x0], $0xffff;
	v29 =	vmul.f32 v29, v17  }
0x3aa: {  	s3 =	simm.s32 $0x9;
	v56 =	vor.u32 v4, v22;
	v35 =	vld.idx.msk [tilespmem:v49+s20+$0x0], $0xffff;
	v31 =	vmul.f32 v33, v16;
	[tilespmem:s11+$0xFFFFFEB0] =	vst v30  }
0x3ab: {  	v57 =	vor.u32 v4, v19;
	[tilespmem:s11+$0x130] =	vst v29;
	v29 =	vmov s3;
	v30 =	vmul.f32 v32, v14;
	v34 =	vld.idx.msk [tilespmem:v51+s20+$0x0], $0xffff  }
0x3ac: {  	v41 =	vld.idx.msk [tilespmem:v26+s20+$0x0], $0xffff;
	v26 =	vand.u32 $0xFFFFFFF9, v29;
	v29 =	vor.u32 v4, v20;
	[tilespmem:s11+$0xFFFFFF30] =	vst v31;
	v31 =	vmul.f32 v50, v15  }
0x3ad: {  	v59 =	vor.u32 v4, v18;
	v26 =	vbroadcast v26, $0x0;
	v58 =	vld.idx.msk [tilespmem:v54+s20+$0x0], $0xffff;
	[tilespmem:s11+$0xFFFFFFB0] =	vst v30;
	v30 =	vmul.f32 v52, v12  }
0x3ae: {  	v37 =	vmul.f32 v53, v10;
	v60 =	vld.idx.msk [tilespmem:v55+s20+$0x0], $0xffff;
	[tilespmem:s11+$0x30] =	vst v31  }
0x3af: {  	v62 =	vor.u32 v5, v27;
	v61 =	vmul.f32 v35, v9;
	v31 =	vld.idx.msk [tilespmem:v56+s20+$0x0], $0xffff;
	[tilespmem:s11+$0xB0] =	vst v30  }
0x3b0: {  	[tilespmem:s11+$0xFFFFFE30] =	vst v37;
	v30 =	vor.u32 v5, v28;
	v32 =	vld.idx.msk [tilespmem:v57+s20+$0x0], $0xffff  }
0x3b1: {  	v63 =	vor.u32 v5, v24;
	[tilespmem:s11+$0x1B0] =	vst v61;
	v45 =	vmul.f32 v34, v13;
	v37 =	vld.idx.msk [tilespmem:v29+s20+$0x0], $0xffff  }
0x3b2: {  	v46 =	vor.u32 v5, v23;
	v41 =	vmul.f32 v41, v17;
	v36 =	vld.idx.msk [tilespmem:v59+s20+$0x0], $0xffff  }
0x3b3: {  	s12 =	simm.s32 $0xA;
	v42 =	vor.u32 v5, v22;
	v38 =	vmul.f32 v58, v16;
	[tilespmem:s11+$0xFFFFFEC0] =	vst v45;
	v29 =	vld.idx.msk [tilespmem:v26+s6+$0x0], $0xffff  }
0x3b4: {  	v47 =	vmov s12;
	v49 =	vor.u32 v5, v19;
	[tilespmem:s11+$0x140] =	vst v41;
	v48 =	vmul.f32 v60, v14;
	v35 =	vld.idx.msk [tilespmem:v62+s20+$0x0], $0xffff  }
0x3b5: {  	v50 =	vor.u32 v5, v20;
	v43 =	vld.idx.msk [tilespmem:v30+s20+$0x0], $0xffff;
	v30 =	vand.u32 $0xFFFFFFFA, v47;
	[tilespmem:s11+$0xFFFFFF40] =	vst v38;
	v31 =	vmul.f32 v31, v15  }
0x3b6: {  	v51 =	vor.u32 v5, v18;
	v30 =	vbroadcast v30, $0x0;
	v38 =	vld.idx.msk [tilespmem:v63+s20+$0x0], $0xffff;
	[tilespmem:s11+$0xFFFFFFC0] =	vst v48;
	v32 =	vmul.f32 v32, v12  }
0x3b7: {  	v37 =	vmul.f32 v37, v10;
	v34 =	vld.idx.msk [tilespmem:v46+s20+$0x0], $0xffff;
	[tilespmem:s11+$0x40] =	vst v31  }
0x3b8: {  	v54 =	vor.u32 v6, v27;
	v31 =	vmul.f32 v36, v9;
	v52 =	vld.idx.msk [tilespmem:v42+s20+$0x0], $0xffff;
	[tilespmem:s11+$0xC0] =	vst v32  }
0x3b9: {  	v53 =	vor.u32 v6, v28;
	[tilespmem:s11+$0xFFFFFE40] =	vst v37;
	v39 =	vld.idx.msk [tilespmem:v49+s20+$0x0], $0xffff  }
0x3ba: {  	v55 =	vor.u32 v6, v24;
	[tilespmem:s11+$0x1C0] =	vst v31;
	v35 =	vmul.f32 v35, v13;
	v41 =	vld.idx.msk [tilespmem:v50+s20+$0x0], $0xffff  }
0x3bb: {  	v57 =	vor.u32 v6, v23;
	v56 =	vmul.f32 v43, v17;
	v44 =	vld.idx.msk [tilespmem:v51+s20+$0x0], $0xffff  }
0x3bc: {  	s13 =	simm.s32 $0xB;
	v59 =	vor.u32 v6, v22;
	v58 =	vmul.f32 v38, v16;
	[tilespmem:s11+$0xFFFFFED0] =	vst v35;
	v31 =	vld.idx.msk [tilespmem:v30+s6+$0x0], $0xffff  }
0x3bd: {  	v45 =	vor.u32 v6, v19;
	v62 =	vmov s13;
	[tilespmem:s11+$0x150] =	vst v56;
	v34 =	vmul.f32 v34, v14;
	v36 =	vld.idx.msk [tilespmem:v54+s20+$0x0], $0xffff  }
0x3be: {  	v40 =	vor.u32 v6, v20;
	v63 =	vand.u32 $0xFFFFFFFB, v62;
	v37 =	vld.idx.msk [tilespmem:v53+s20+$0x0], $0xffff;
	[tilespmem:s11+$0xFFFFFF50] =	vst v58;
	v60 =	vmul.f32 v52, v15  }
0x3bf: {  	v32 =	vbroadcast v63, $0x0;
	v35 =	vld.idx.msk [tilespmem:v55+s20+$0x0], $0xffff;
	[tilespmem:s11+$0xFFFFFFD0] =	vst v34;
	v61 =	vmul.f32 v39, v12;
	v39 =	vor.u32 v6, v18  }
0x3c0: {  	v46 =	vmul.f32 v41, v10;
	v34 =	vld.idx.msk [tilespmem:v57+s20+$0x0], $0xffff;
	[tilespmem:s11+$0x50] =	vst v60  }
0x3c1: {  	v28 =	vor.u32 v7, v28;
	v41 =	vmul.f32 v44, v9;
	v33 =	vld.idx.msk [tilespmem:v59+s20+$0x0], $0xffff;
	[tilespmem:s11+$0xD0] =	vst v61  }
0x3c2: {  	s0 =	simm.s32 $0x10;
	s12 =	simm.s32 $0xE;
	v38 =	vor.u32 v7, v27;
	[tilespmem:s11+$0xFFFFFE50] =	vst v46;
	v27 =	vld.idx.msk [tilespmem:v45+s20+$0x0], $0xffff  }
.LBB2_21:
0x3c3: {  	p0 =	slt.u32 s0, $0x38;
	v42 =	vmov s12;
	v40 =	vld.idx.msk [tilespmem:v40+s20+$0x0], $0xffff;
	v24 =	vor.u32 v7, v24;
	v37 =	vmul.f32 v37, v17;
	[tilespmem:s11+$0x1D0] =	vst v41  }
0x3c4: {  	v36 =	vmul.f32 v36, v13;
	v23 =	vor.u32 v7, v23;
	v41 =	vand.u32 $0xFFFFFFFE, v42;
	v39 =	vld.idx.msk [tilespmem:v39+s20+$0x0], $0xffff  }
0x3c5: {  	s3 =	sadd.s32 $0x4, s7;
	s12 =	sadd.s32 $0x5, s7;
	v22 =	vor.u32 v7, v22;
	s7 =	smov.u32 s0;
	v35 =	vmul.f32 v35, v16;
	v42 =	vld.idx.msk [tilespmem:v32+s6+$0x0], $0xffff;
	v41 =	vbroadcast v41, $0x0;
	[tilespmem:s11+$0x160] =	vst v37  }
0x3c6: {  	v43 =	vmov s12;
	v37 =	vmov s3;
	v34 =	vmul.f32 v34, v14;
	[tilespmem:s11+$0xFFFFFEE0] =	vst v36;
	v28 =	vld.idx.msk [tilespmem:v28+s20+$0x0], $0xffff  }
0x3c7: {  	v19 =	vor.u32 v7, v19;
	v36 =	vand.u32 $0xFFFFFFFC, v37;
	v33 =	vmul.f32 v33, v15;
	v37 =	vld.idx.msk [tilespmem:v38+s20+$0x0], $0xffff;
	[tilespmem:s11+$0xFFFFFF60] =	vst v35  }
0x3c8: {  	v20 =	vor.u32 v7, v20;
	v35 =	vand.u32 $0xFFFFFFFD, v43;
	v27 =	vmul.f32 v27, v12;
	v24 =	vld.idx.msk [tilespmem:v24+s20+$0x0], $0xffff;
	[tilespmem:s11+$0xFFFFFFE0] =	vst v34  }
0x3c9: {  	v18 =	vor.u32 v7, v18;
	v34 =	vbroadcast v36, $0x0;
	v36 =	vmul.f32 v40, v10;
	v23 =	vld.idx.msk [tilespmem:v23+s20+$0x0], $0xffff;
	[tilespmem:s11+$0x60] =	vst v33  }
0x3ca: {  	v33 =	vbroadcast v35, $0x0;
	v22 =	vld.idx.msk [tilespmem:v22+s20+$0x0], $0xffff;
	[tilespmem:s11+$0xE0] =	vst v27;
	v27 =	vmul.f32 v39, v9  }
0x3cb: {  	v35 =	vld.idx.msk [tilespmem:v41+s6+$0x0], $0xffff;
	[tilespmem:s11+$0xFFFFFE60] =	vst v36  }
0x3cc: {  	v17 =	vmul.f32 v28, v17;
	v19 =	vld.idx.msk [tilespmem:v19+s20+$0x0], $0xffff;
	[tilespmem:s11+$0x1E0] =	vst v27  }
0x3cd: {  	v13 =	vmul.f32 v37, v13;
	v20 =	vld.idx.msk [tilespmem:v20+s20+$0x0], $0xffff  }
0x3ce: {  	v16 =	vmul.f32 v24, v16;
	[tilespmem:s11+$0x170] =	vst v17;
	v17 =	vld.idx.msk [tilespmem:v18+s20+$0x0], $0xffff  }
0x3cf: {  	v14 =	vmul.f32 v23, v14;
	v18 =	vld.idx.msk [tilespmem:v34+s6+$0x0], $0xffff;
	[tilespmem:s11+$0xFFFFFEF0] =	vst v13  }
0x3d0: {  	v15 =	vmul.f32 v22, v15;
	v36 =	vld.idx.msk [tilespmem:v33+s6+$0x0], $0xffff;
	[tilespmem:s11+$0xFFFFFF70] =	vst v16  }
0x3d1: {  	v28 =	vshll.u32 v35, $0x7;
	v13 =	vld.idx.msk [tilespmem:v26+s14+$0x0], $0xffff;
	[tilespmem:s11+$0xFFFFFFF0] =	vst v14  }
0x3d2: {  	v27 =	vshll.u32 v29, $0x7;
	v26 =	vor.u32 v0, v28;
	v12 =	vmul.f32 v19, v12;
	v16 =	vld.idx.msk [tilespmem:v30+s14+$0x0], $0xffff;
	[tilespmem:s11+$0x70] =	vst v15  }
0x3d3: {  	v29 =	vor.u32 v0, v27;
	v24 =	vshll.u32 v31, $0x7;
	v19 =	vmul.f32 v20, v10;
	v10 =	vmovc v11;
	v14 =	vld.idx.msk [tilespmem:v32+s14+$0x0], $0xffff  }
0x3d4: {  	v23 =	vshll.u32 v42, $0x7;
	v11 =	vor.u32 v0, v24;
	v20 =	vmul.f32 v17, v9;
	v15 =	vld.idx.msk [tilespmem:v34+s14+$0x0], $0xffff;
	[tilespmem:s11+$0xF0] =	vst v12  }
0x3d5: {  	v30 =	vor.u32 v0, v23;
	v9 =	vmov v8;
	v22 =	vshll.u32 v18, $0x7;
	v12 =	vld.idx.msk [tilespmem:v33+s14+$0x0], $0xffff;
	[tilespmem:s11+$0xFFFFFE70] =	vst v19  }
0x3d6: {  	v8 =	vor.u32 v0, v22;
	v19 =	vshll.u32 v36, $0x7;
	v17 =	vld.idx.msk [tilespmem:v41+s14+$0x0], $0xffff;
	[tilespmem:s11+$0x1F0] =	vst v20  }
0x3d7: {  	v20 =	vshll.u32 v25, $0x7;
	v25 =	vor.u32 v0, v19;
	v26 =	vld.idx.msk [tilespmem:v26+s20+$0x0], $0xffff  }
0x3d8: {  	v18 =	vshll.u32 v21, $0x7;
	v31 =	vor.u32 v0, v20;
	v29 =	vld.idx.msk [tilespmem:v29+s20+$0x0], $0xffff  }
0x3d9: {  	s3 =	sadd.s32 $0x7, s0;
	v21 =	vor.u32 v0, v18;
	v11 =	vld.idx.msk [tilespmem:v11+s20+$0x0], $0xffff  }
0x3da: {  	v32 =	vmov s3;
	v30 =	vld.idx.msk [tilespmem:v30+s20+$0x0], $0xffff  }
0x3db: {  	v34 =	vor.u32 v1, v28;
	v33 =	vld.idx.msk [tilespmem:v8+s20+$0x0], $0xffff  }
0x3dc: {  	v35 =	vor.u32 v1, v27;
	v25 =	vld.idx.msk [tilespmem:v25+s20+$0x0], $0xffff  }
0x3dd: {  	v36 =	vor.u32 v1, v24;
	v26 =	vmul.f32 v26, v17;
	v31 =	vld.idx.msk [tilespmem:v31+s20+$0x0], $0xffff  }
0x3de: {  	v37 =	vor.u32 v1, v23;
	s11 =	sadd.s32 $0x400, s11;
	v29 =	vmul.f32 v29, v13;
	v21 =	vld.idx.msk [tilespmem:v21+s20+$0x0], $0xffff  }
0x3df: {  	v38 =	vor.u32 v1, v22;
	v11 =	vmul.f32 v11, v16;
	v8 =	vld.idx.msk [tilespmem:v32+s14+$0x0], $0xffff;
	[tilespmem:s11+$0x100] =	vst v26  }
0x3e0: {  	v26 =	vmul.f32 v30, v14;
	[tilespmem:s11+$0xFFFFFE80] =	vst v29;
	v29 =	vor.u32 v1, v19;
	v30 =	vld.idx.msk [tilespmem:v34+s20+$0x0], $0xffff  }
0x3e1: {  	v34 =	vor.u32 v1, v20;
	v35 =	vld.idx.msk [tilespmem:v35+s20+$0x0], $0xffff;
	[tilespmem:s11+$0xFFFFFF00] =	vst v11;
	v11 =	vmul.f32 v33, v15  }
0x3e2: {  	v25 =	vmul.f32 v25, v12;
	v33 =	vld.idx.msk [tilespmem:v36+s20+$0x0], $0xffff;
	[tilespmem:s11+$0xFFFFFF80] =	vst v26;
	v26 =	vor.u32 v1, v18  }
0x3e3: {  	v31 =	vmul.f32 v31, v10;
	v36 =	vld.idx.msk [tilespmem:v37+s20+$0x0], $0xffff;
	[tilespmem:s11+$0x0] =	vst v11  }
0x3e4: {  	v21 =	vmul.f32 v21, v9;
	v11 =	vld.idx.msk [tilespmem:v38+s20+$0x0], $0xffff;
	[tilespmem:s11+$0x80] =	vst v25;
	v25 =	vor.u32 v2, v28  }
0x3e5: {  	[tilespmem:s11+$0xFFFFFE00] =	vst v31;
	v31 =	vor.u32 v2, v27;
	v29 =	vld.idx.msk [tilespmem:v29+s20+$0x0], $0xffff  }
0x3e6: {  	v37 =	vor.u32 v2, v24;
	v30 =	vmul.f32 v30, v17;
	v34 =	vld.idx.msk [tilespmem:v34+s20+$0x0], $0xffff;
	[tilespmem:s11+$0x180] =	vst v21  }
0x3e7: {  	v38 =	vor.u32 v2, v23;
	v35 =	vmul.f32 v35, v13;
	v26 =	vld.idx.msk [tilespmem:v26+s20+$0x0], $0xffff  }
0x3e8: {  	v21 =	vld.idx.msk [tilespmem:v32+s6+$0x0], $0xffff;
	v32 =	vmul.f32 v33, v16;
	v33 =	vor.u32 v2, v22;
	[tilespmem:s11+$0x110] =	vst v30  }
0x3e9: {  	v30 =	vmov s0;
	[tilespmem:s11+$0xFFFFFE90] =	vst v35;
	v35 =	vmul.f32 v36, v14;
	v36 =	vor.u32 v2, v19;
	v25 =	vld.idx.msk [tilespmem:v25+s20+$0x0], $0xffff  }
0x3ea: {  	v39 =	vor.u32 v2, v20;
	v30 =	vand.u32 $0xFFFFFFF8, v30;
	v11 =	vmul.f32 v11, v15;
	v31 =	vld.idx.msk [tilespmem:v31+s20+$0x0], $0xffff;
	[tilespmem:s11+$0xFFFFFF10] =	vst v32  }
0x3eb: {  	v30 =	vbroadcast v30, $0x0;
	v29 =	vmul.f32 v29, v12;
	v32 =	vld.idx.msk [tilespmem:v37+s20+$0x0], $0xffff;
	[tilespmem:s11+$0xFFFFFF90] =	vst v35;
	v35 =	vor.u32 v2, v18  }
0x3ec: {  	v34 =	vmul.f32 v34, v10;
	v37 =	vld.idx.msk [tilespmem:v38+s20+$0x0], $0xffff;
	[tilespmem:s11+$0x10] =	vst v11  }
0x3ed: {  	v11 =	vmul.f32 v26, v9;
	v33 =	vld.idx.msk [tilespmem:v33+s20+$0x0], $0xffff;
	[tilespmem:s11+$0x90] =	vst v29;
	v29 =	vor.u32 v3, v28  }
0x3ee: {  	v26 =	vor.u32 v3, v27;
	[tilespmem:s11+$0xFFFFFE10] =	vst v34;
	v34 =	vld.idx.msk [tilespmem:v36+s20+$0x0], $0xffff  }
0x3ef: {  	v38 =	vor.u32 v3, v24;
	v25 =	vmul.f32 v25, v17;
	v36 =	vld.idx.msk [tilespmem:v39+s20+$0x0], $0xffff;
	[tilespmem:s11+$0x190] =	vst v11  }
0x3f0: {  	v31 =	vmul.f32 v31, v13;
	v39 =	vor.u32 v3, v23;
	v35 =	vld.idx.msk [tilespmem:v35+s20+$0x0], $0xffff  }
0x3f1: {  	v40 =	vor.u32 v3, v22;
	v32 =	vmul.f32 v32, v16;
	v11 =	vld.idx.msk [tilespmem:v30+s14+$0x0], $0xffff;
	[tilespmem:s11+$0x120] =	vst v25  }
0x3f2: {  	v25 =	vmul.f32 v37, v14;
	[tilespmem:s11+$0xFFFFFEA0] =	vst v31;
	v31 =	vor.u32 v3, v19;
	v29 =	vld.idx.msk [tilespmem:v29+s20+$0x0], $0xffff  }
0x3f3: {  	v37 =	vor.u32 v3, v20;
	v26 =	vld.idx.msk [tilespmem:v26+s20+$0x0], $0xffff;
	[tilespmem:s11+$0xFFFFFF20] =	vst v32;
	v32 =	vmul.f32 v33, v15  }
0x3f4: {  	v33 =	vld.idx.msk [tilespmem:v38+s20+$0x0], $0xffff;
	[tilespmem:s11+$0xFFFFFFA0] =	vst v25;
	v25 =	vmul.f32 v34, v12;
	v34 =	vor.u32 v3, v18  }
0x3f5: {  	v36 =	vmul.f32 v36, v10;
	v38 =	vld.idx.msk [tilespmem:v39+s20+$0x0], $0xffff;
	[tilespmem:s11+$0x20] =	vst v32  }
0x3f6: {  	v39 =	vor.u32 v4, v28;
	v32 =	vld.idx.msk [tilespmem:v40+s20+$0x0], $0xffff;
	[tilespmem:s11+$0xA0] =	vst v25;
	v25 =	vmul.f32 v35, v9  }
0x3f7: {  	v35 =	vor.u32 v4, v27;
	[tilespmem:s11+$0xFFFFFE20] =	vst v36;
	v31 =	vld.idx.msk [tilespmem:v31+s20+$0x0], $0xffff  }
0x3f8: {  	v29 =	vmul.f32 v29, v17;
	v36 =	vld.idx.msk [tilespmem:v37+s20+$0x0], $0xffff;
	v37 =	vor.u32 v4, v24;
	[tilespmem:s11+$0x1A0] =	vst v25  }
0x3f9: {  	v40 =	vor.u32 v4, v23;
	v26 =	vmul.f32 v26, v13;
	v34 =	vld.idx.msk [tilespmem:v34+s20+$0x0], $0xffff  }
0x3fa: {  	s3 =	sadd.s32 $0x1, s0;
	v25 =	vld.idx.msk [tilespmem:v30+s6+$0x0], $0xffff;
	v30 =	vmul.f32 v33, v16;
	v33 =	vor.u32 v4, v22;
	[tilespmem:s11+$0x130] =	vst v29  }
0x3fb: {  	v41 =	vor.u32 v4, v19;
	v29 =	vmov s3;
	v38 =	vmul.f32 v38, v14;
	[tilespmem:s11+$0xFFFFFEB0] =	vst v26;
	v39 =	vld.idx.msk [tilespmem:v39+s20+$0x0], $0xffff  }
0x3fc: {  	v26 =	vand.u32 $0xFFFFFFF9, v29;
	v29 =	vor.u32 v4, v20;
	v35 =	vld.idx.msk [tilespmem:v35+s20+$0x0], $0xffff;
	[tilespmem:s11+$0xFFFFFF30] =	vst v30;
	v30 =	vmul.f32 v32, v15  }
0x3fd: {  	v26 =	vbroadcast v26, $0x0;
	v31 =	vmul.f32 v31, v12;
	v32 =	vld.idx.msk [tilespmem:v37+s20+$0x0], $0xffff;
	[tilespmem:s11+$0xFFFFFFB0] =	vst v38;
	v37 =	vor.u32 v4, v18  }
0x3fe: {  	v36 =	vmul.f32 v36, v10;
	v38 =	vld.idx.msk [tilespmem:v40+s20+$0x0], $0xffff;
	[tilespmem:s11+$0x30] =	vst v30  }
0x3ff: {  	v30 =	vld.idx.msk [tilespmem:v33+s20+$0x0], $0xffff;
	[tilespmem:s11+$0xB0] =	vst v31;
	v31 =	vor.u32 v5, v28;
	v33 =	vmul.f32 v34, v9  }
0x400: {  	v34 =	vor.u32 v5, v27;
	[tilespmem:s11+$0xFFFFFE30] =	vst v36;
	v36 =	vld.idx.msk [tilespmem:v41+s20+$0x0], $0xffff  }
0x401: {  	v41 =	vor.u32 v5, v24;
	v39 =	vmul.f32 v39, v17;
	v40 =	vld.idx.msk [tilespmem:v29+s20+$0x0], $0xffff;
	[tilespmem:s11+$0x1B0] =	vst v33  }
0x402: {  	v33 =	vmul.f32 v35, v13;
	v35 =	vor.u32 v5, v23;
	v37 =	vld.idx.msk [tilespmem:v37+s20+$0x0], $0xffff  }
0x403: {  	v42 =	vor.u32 v5, v22;
	s3 =	sadd.s32 $0x2, s0;
	v32 =	vmul.f32 v32, v16;
	v29 =	vld.idx.msk [tilespmem:v26+s6+$0x0], $0xffff;
	[tilespmem:s11+$0x140] =	vst v39  }
0x404: {  	v39 =	vmov s3;
	[tilespmem:s11+$0xFFFFFEC0] =	vst v33;
	v33 =	vmul.f32 v38, v14;
	v38 =	vor.u32 v5, v19;
	v31 =	vld.idx.msk [tilespmem:v31+s20+$0x0], $0xffff  }
0x405: {  	v43 =	vor.u32 v5, v20;
	v39 =	vand.u32 $0xFFFFFFFA, v39;
	v34 =	vld.idx.msk [tilespmem:v34+s20+$0x0], $0xffff;
	[tilespmem:s11+$0xFFFFFF40] =	vst v32;
	v32 =	vmul.f32 v30, v15  }
0x406: {  	v30 =	vbroadcast v39, $0x0;
	v39 =	vld.idx.msk [tilespmem:v41+s20+$0x0], $0xffff;
	[tilespmem:s11+$0xFFFFFFC0] =	vst v33;
	v33 =	vmul.f32 v36, v12;
	v36 =	vor.u32 v5, v18  }
0x407: {  	v40 =	vmul.f32 v40, v10;
	v35 =	vld.idx.msk [tilespmem:v35+s20+$0x0], $0xffff;
	[tilespmem:s11+$0x40] =	vst v32  }
0x408: {  	v37 =	vmul.f32 v37, v9;
	v32 =	vld.idx.msk [tilespmem:v42+s20+$0x0], $0xffff;
	[tilespmem:s11+$0xC0] =	vst v33;
	v33 =	vor.u32 v6, v28  }
0x409: {  	v41 =	vor.u32 v6, v27;
	[tilespmem:s11+$0xFFFFFE40] =	vst v40;
	v38 =	vld.idx.msk [tilespmem:v38+s20+$0x0], $0xffff  }
0x40a: {  	v40 =	vmul.f32 v31, v17;
	v42 =	vld.idx.msk [tilespmem:v43+s20+$0x0], $0xffff;
	v43 =	vor.u32 v6, v24;
	[tilespmem:s11+$0x1C0] =	vst v37  }
0x40b: {  	v44 =	vor.u32 v6, v23;
	v34 =	vmul.f32 v34, v13;
	v45 =	vld.idx.msk [tilespmem:v36+s20+$0x0], $0xffff  }
0x40c: {  	v46 =	vor.u32 v6, v22;
	s3 =	sadd.s32 $0x3, s0;
	v39 =	vmul.f32 v39, v16;
	v31 =	vld.idx.msk [tilespmem:v30+s6+$0x0], $0xffff;
	[tilespmem:s11+$0x150] =	vst v40  }
0x40d: {  	v47 =	vor.u32 v6, v19;
	v36 =	vmov s3;
	[tilespmem:s11+$0xFFFFFED0] =	vst v34;
	v34 =	vmul.f32 v35, v14;
	v37 =	vld.idx.msk [tilespmem:v33+s20+$0x0], $0xffff  }
.Ltmp14:
0x40e: {  	v40 =	vor.u32 v6, v20;
	v33 =	vand.u32 $0xFFFFFFFB, v36;
	v36 =	vld.idx.msk [tilespmem:v41+s20+$0x0], $0xffff;
	[tilespmem:s11+$0xFFFFFF50] =	vst v39;
	v41 =	vmul.f32 v32, v15;
	(pc) =	sbr.rel @p0 .LBB2_21-.Ltmp14, $4  }
0x40f: {  	v32 =	vbroadcast v33, $0x0;
	v38 =	vmul.f32 v38, v12;
	v39 =	vor.u32 v6, v18;
	v35 =	vld.idx.msk [tilespmem:v43+s20+$0x0], $0xffff;
	[tilespmem:s11+$0xFFFFFFD0] =	vst v34  }
0x410: {  	v42 =	vmul.f32 v42, v10;
	v34 =	vld.idx.msk [tilespmem:v44+s20+$0x0], $0xffff;
	[tilespmem:s11+$0x50] =	vst v41  }
0x411: {  	v28 =	vor.u32 v7, v28;
	v41 =	vmul.f32 v45, v9;
	v33 =	vld.idx.msk [tilespmem:v46+s20+$0x0], $0xffff;
	[tilespmem:s11+$0xD0] =	vst v38  }
0x412: {  	s12 =	sadd.s32 $0x6, s7;
	s0 =	sadd.s32 $0x8, s0;
	v38 =	vor.u32 v7, v27;
	[tilespmem:s11+$0xFFFFFE50] =	vst v42;
	v27 =	vld.idx.msk [tilespmem:v47+s20+$0x0], $0xffff  }
0x413: {  	_ =	sdelay $0x3  }
0x414: {  	v40 =	vld.idx.msk [tilespmem:v40+s20+$0x0], $0xffff;
	v24 =	vor.u32 v7, v24;
	v37 =	vmul.f32 v37, v17;
	[tilespmem:s11+$0x1D0] =	vst v41  }
0x415: {  	v42 =	vmov s12;
	v36 =	vmul.f32 v36, v13;
	v23 =	vor.u32 v7, v23;
	v39 =	vld.idx.msk [tilespmem:v39+s20+$0x0], $0xffff  }
0x416: {  	v22 =	vor.u32 v7, v22;
	v49 =	vand.u32 $0xFFFFFFFE, v42;
	v42 =	vld.idx.msk [tilespmem:v32+s6+$0x0], $0xffff;
	v35 =	vmul.f32 v35, v16;
	[tilespmem:s11+$0x160] =	vst v37  }
0x417: {  	v19 =	vor.u32 v7, v19;
	[tilespmem:s11+$0xFFFFFEE0] =	vst v36;
	v34 =	vmul.f32 v34, v14;
	v51 =	vld.idx.msk [tilespmem:v28+s20+$0x0], $0xffff  }
0x418: {  	v41 =	vbroadcast v49, $0x0;
	v38 =	vld.idx.msk [tilespmem:v38+s20+$0x0], $0xffff;
	[tilespmem:s11+$0xFFFFFF60] =	vst v35;
	v33 =	vmul.f32 v33, v15  }
0x419: {  	s0 =	sadd.s32 $0x4, s7;
	[tilespmem:s11+$0xFFFFFFE0] =	vst v34;
	v55 =	vmul.f32 v27, v12;
	v54 =	vld.idx.msk [tilespmem:v24+s20+$0x0], $0xffff  }
0x41a: {  	v20 =	vor.u32 v7, v20;
	v50 =	vmov s0;
	v34 =	vld.idx.msk [tilespmem:v23+s20+$0x0], $0xffff;
	[tilespmem:s11+$0x60] =	vst v33  }
0x41b: {  	v53 =	vand.u32 $0xFFFFFFFC, v50;
	v59 =	vld.idx.msk [tilespmem:v22+s20+$0x0], $0xffff;
	[tilespmem:s11+$0xE0] =	vst v55  }
0x41c: {  	s3 =	sadd.s32 $0x5, s7;
	v18 =	vor.u32 v7, v18;
	v56 =	vbroadcast v53, $0x0;
	v57 =	vmul.f32 v40, v10;
	v62 =	vld.idx.msk [tilespmem:v19+s20+$0x0], $0xffff  }
0x41d: {  	v52 =	vmov s3;
	v19 =	vld.idx.msk [tilespmem:v30+s14+$0x0], $0xffff  }
0x41e: {  	v28 =	vand.u32 $0xFFFFFFFD, v52;
	v60 =	vmul.f32 v39, v9;
	[tilespmem:s11+$0xFFFFFE60] =	vst v57;
	v61 =	vld.idx.msk [tilespmem:v41+s6+$0x0], $0xffff  }
0x41f: {  	v58 =	vbroadcast v28, $0x0;
	v63 =	vld.idx.msk [tilespmem:v20+s20+$0x0], $0xffff  }
0x420: {  	[tilespmem:s11+$0x1E0] =	vst v60;
	v20 =	vld.idx.msk [tilespmem:v32+s14+$0x0], $0xffff  }
0x421: {  	v43 =	vld.idx.msk [tilespmem:v18+s20+$0x0], $0xffff  }
0x422: {  	v22 =	vshll.u32 v29, $0x7;
	v44 =	vld.idx.msk [tilespmem:v56+s6+$0x0], $0xffff  }
0x423: {  	v24 =	vshll.u32 v31, $0x7;
	v23 =	vshll.u32 v42, $0x7;
	v49 =	vor.u32 v0, v22;
	v18 =	vld.idx.msk [tilespmem:v26+s14+$0x0], $0xffff  }
0x424: {  	v53 =	vor.u32 v0, v23;
	v50 =	vmul.f32 v51, v17;
	v51 =	vor.u32 v0, v24;
	v17 =	vld.idx.msk [tilespmem:v56+s14+$0x0], $0xffff  }
0x425: {  	v52 =	vmul.f32 v38, v13;
	v45 =	vld.idx.msk [tilespmem:v58+s6+$0x0], $0xffff;
	v34 =	vmul.f32 v34, v14;
	v14 =	vshll.u32 v25, $0x7  }
0x426: {  	v13 =	vld.idx.msk [tilespmem:v58+s14+$0x0], $0xffff;
	v57 =	vmul.f32 v59, v15;
	v58 =	vor.u32 v0, v14;
	v15 =	vshll.u32 v21, $0x7  }
0x427: {  	v54 =	vmul.f32 v54, v16;
	v16 =	vld.idx.msk [tilespmem:v41+s14+$0x0], $0xffff;
	v28 =	vshll.u32 v61, $0x7;
	v61 =	vor.u32 v0, v15  }
0x428: {  	[tilespmem:s11+$0x170] =	vst v50;
	v30 =	vld.idx.msk [tilespmem:v49+s20+$0x0], $0xffff;
	v48 =	vor.u32 v0, v28  }
0x429: {  	[tilespmem:s11+$0xFFFFFEF0] =	vst v52;
	v60 =	vld.idx.msk [tilespmem:v51+s20+$0x0], $0xffff;
	v26 =	vshll.u32 v44, $0x7  }
0x42a: {  	v59 =	vmul.f32 v62, v12;
	v62 =	vmul.f32 v63, v10;
	v63 =	vld.idx.msk [tilespmem:v53+s20+$0x0], $0xffff;
	v55 =	vor.u32 v0, v26  }
0x42b: {  	[tilespmem:s11+$0xFFFFFF70] =	vst v54;
	v41 =	vmul.f32 v43, v9;
	v43 =	vor.u32 v1, v22;
	v27 =	vshll.u32 v45, $0x7;
	v46 =	vld.idx.msk [tilespmem:v58+s20+$0x0], $0xffff  }
0x42c: {  	[tilespmem:s11+$0xFFFFFFF0] =	vst v34;
	v56 =	vor.u32 v0, v27;
	v32 =	vld.idx.msk [tilespmem:v61+s20+$0x0], $0xffff  }
0x42d: {  	[tilespmem:s11+$0x70] =	vst v57;
	v45 =	vor.u32 v1, v24;
	v30 =	vmul.f32 v30, v18;
	v29 =	vld.idx.msk [tilespmem:v48+s20+$0x0], $0xffff  }
0x42e: {  	s12 =	sadd.s32 $0x400, s11;
	v52 =	vor.u32 v1, v14;
	[tilespmem:s11+$0xF0] =	vst v59;
	v21 =	vmul.f32 v60, v19  }
0x42f: {  	v47 =	vor.u32 v1, v23;
	v49 =	vmul.f32 v63, v20;
	[tilespmem:s12+$0xFFFFFE80] =	vst v30;
	v42 =	vld.idx.msk [tilespmem:v55+s20+$0x0], $0xffff  }
0x430: {  	v53 =	vor.u32 v1, v15;
	v31 =	vld.idx.msk [tilespmem:v43+s20+$0x0], $0xffff;
	[tilespmem:s12+$0xFFFFFF00] =	vst v21;
	v9 =	vmul.f32 v46, v11  }
0x431: {  	v40 =	vor.u32 v1, v28;
	[tilespmem:s12+$0xFFFFFF80] =	vst v49;
	v44 =	vld.idx.msk [tilespmem:v56+s20+$0x0], $0xffff;
	v56 =	vmul.f32 v32, v8  }
0x432: {  	v21 =	vld.idx.msk [tilespmem:v45+s20+$0x0], $0xffff;
	[tilespmem:s12+$0xFFFFFE00] =	vst v9;
	v29 =	vmul.f32 v29, v16  }
0x433: {  	v48 =	vor.u32 v1, v26;
	v34 =	vld.idx.msk [tilespmem:v52+s20+$0x0], $0xffff;
	[tilespmem:s12+$0x180] =	vst v56  }
0x434: {  	v50 =	vor.u32 v1, v27;
	v12 =	vmul.f32 v42, v17;
	[tilespmem:s12+$0x100] =	vst v29;
	v29 =	vld.idx.msk [tilespmem:v47+s20+$0x0], $0xffff  }
0x435: {  	v57 =	vor.u32 v2, v22;
	[tilespmem:s11+$0xFFFFFE70] =	vst v62;
	v60 =	vmul.f32 v31, v18;
	v25 =	vld.idx.msk [tilespmem:v53+s20+$0x0], $0xffff  }
0x436: {  	v59 =	vor.u32 v2, v24;
	v10 =	vmul.f32 v44, v13;
	v51 =	vld.idx.msk [tilespmem:v40+s20+$0x0], $0xffff;
	[tilespmem:s12+$0x0] =	vst v12  }
0x437: {  	v61 =	vor.u32 v2, v23;
	v21 =	vmul.f32 v21, v19;
	[tilespmem:s12+$0xFFFFFE90] =	vst v60  }
0x438: {  	v38 =	vor.u32 v2, v14;
	v55 =	vld.idx.msk [tilespmem:v48+s20+$0x0], $0xffff;
	[tilespmem:s12+$0x80] =	vst v10;
	v34 =	vmul.f32 v34, v11  }
0x439: {  	v40 =	vor.u32 v2, v15;
	[tilespmem:s12+$0xFFFFFF10] =	vst v21;
	v58 =	vld.idx.msk [tilespmem:v50+s20+$0x0], $0xffff;
	v63 =	vmul.f32 v29, v20  }
0x43a: {  	v54 =	vor.u32 v2, v28;
	v32 =	vld.idx.msk [tilespmem:v57+s20+$0x0], $0xffff;
	v43 =	vmul.f32 v25, v8;
	[tilespmem:s12+$0xFFFFFE10] =	vst v34  }
0x43b: {  	v62 =	vor.u32 v2, v26;
	v30 =	vld.idx.msk [tilespmem:v59+s20+$0x0], $0xffff;
	v33 =	vmul.f32 v51, v16;
	[tilespmem:s12+$0xFFFFFF90] =	vst v63  }
0x43c: {  	v37 =	vor.u32 v2, v27;
	[tilespmem:s12+$0x190] =	vst v43;
	v31 =	vld.idx.msk [tilespmem:v61+s20+$0x0], $0xffff  }
0x43d: {  	v44 =	vor.u32 v3, v22;
	v39 =	vmul.f32 v55, v17;
	[tilespmem:s12+$0x110] =	vst v33;
	v33 =	vld.idx.msk [tilespmem:v38+s20+$0x0], $0xffff  }
0x43e: {  	[tilespmem:s11+$0x1F0] =	vst v41;
	v45 =	vor.u32 v3, v24;
	v9 =	vmul.f32 v58, v13;
	v10 =	vld.idx.msk [tilespmem:v40+s20+$0x0], $0xffff  }
0x43f: {  	v47 =	vor.u32 v3, v23;
	v46 =	vmul.f32 v32, v18;
	v12 =	vld.idx.msk [tilespmem:v54+s20+$0x0], $0xffff;
	[tilespmem:s12+$0x10] =	vst v39  }
0x440: {  	v51 =	vor.u32 v3, v14;
	v30 =	vmul.f32 v30, v19;
	v42 =	vld.idx.msk [tilespmem:v62+s20+$0x0], $0xffff;
	[tilespmem:s12+$0x90] =	vst v9  }
0x441: {  	[tilespmem:s12+$0xFFFFFEA0] =	vst v46;
	v54 =	vor.u32 v3, v15;
	v29 =	vld.idx.msk [tilespmem:v37+s20+$0x0], $0xffff;
	v49 =	vmul.f32 v31, v20  }
0x442: {  	v41 =	vor.u32 v3, v28;
	v25 =	vld.idx.msk [tilespmem:v44+s20+$0x0], $0xffff;
	[tilespmem:s12+$0xFFFFFF20] =	vst v30;
	v33 =	vmul.f32 v33, v11  }
0x443: {  	v48 =	vor.u32 v3, v26;
	v34 =	vld.idx.msk [tilespmem:v45+s20+$0x0], $0xffff;
	v57 =	vmul.f32 v10, v8;
	[tilespmem:s12+$0xFFFFFFA0] =	vst v49  }
0x444: {  	v50 =	vor.u32 v3, v27;
	v12 =	vmul.f32 v12, v16;
	[tilespmem:s12+$0xFFFFFE20] =	vst v33;
	v32 =	vld.idx.msk [tilespmem:v47+s20+$0x0], $0xffff  }
0x445: {  	v58 =	vor.u32 v4, v22;
	v52 =	vmul.f32 v42, v17;
	[tilespmem:s12+$0x1A0] =	vst v57;
	v31 =	vld.idx.msk [tilespmem:v51+s20+$0x0], $0xffff  }
0x446: {  	v59 =	vor.u32 v4, v24;
	[tilespmem:s12+$0x120] =	vst v12;
	v53 =	vmul.f32 v29, v13;
	v29 =	vld.idx.msk [tilespmem:v54+s20+$0x0], $0xffff  }
0x447: {  	v61 =	vor.u32 v4, v23;
	v60 =	vmul.f32 v25, v18;
	v21 =	vld.idx.msk [tilespmem:v41+s20+$0x0], $0xffff;
	[tilespmem:s12+$0x20] =	vst v52  }
0x448: {  	v38 =	vor.u32 v4, v14;
	v34 =	vmul.f32 v34, v19;
	v56 =	vld.idx.msk [tilespmem:v48+s20+$0x0], $0xffff;
	[tilespmem:s12+$0xA0] =	vst v53  }
0x449: {  	[tilespmem:s12+$0xFFFFFEB0] =	vst v60;
	v41 =	vor.u32 v4, v15;
	v12 =	vld.idx.msk [tilespmem:v50+s20+$0x0], $0xffff;
	v63 =	vmul.f32 v32, v20  }
0x44a: {  	v55 =	vor.u32 v4, v28;
	v10 =	vld.idx.msk [tilespmem:v58+s20+$0x0], $0xffff;
	[tilespmem:s12+$0xFFFFFF30] =	vst v34;
	v31 =	vmul.f32 v31, v11  }
0x44b: {  	v62 =	vor.u32 v4, v26;
	v33 =	vld.idx.msk [tilespmem:v59+s20+$0x0], $0xffff;
	v44 =	vmul.f32 v29, v8;
	[tilespmem:s12+$0xFFFFFFB0] =	vst v63  }
0x44c: {  	v37 =	vor.u32 v4, v27;
	v21 =	vmul.f32 v21, v16;
	[tilespmem:s12+$0xFFFFFE30] =	vst v31;
	v25 =	vld.idx.msk [tilespmem:v61+s20+$0x0], $0xffff  }
0x44d: {  	v45 =	vor.u32 v5, v22;
	v39 =	vmul.f32 v56, v17;
	[tilespmem:s12+$0x1B0] =	vst v44;
	v32 =	vld.idx.msk [tilespmem:v38+s20+$0x0], $0xffff  }
0x44e: {  	v46 =	vor.u32 v5, v24;
	[tilespmem:s12+$0x130] =	vst v21;
	v40 =	vmul.f32 v12, v13;
	v12 =	vld.idx.msk [tilespmem:v41+s20+$0x0], $0xffff  }
0x44f: {  	v48 =	vor.u32 v5, v23;
	v47 =	vmul.f32 v10, v18;
	v30 =	vld.idx.msk [tilespmem:v55+s20+$0x0], $0xffff;
	[tilespmem:s12+$0x30] =	vst v39  }
0x450: {  	v52 =	vor.u32 v5, v14;
	v33 =	vmul.f32 v33, v19;
	v43 =	vld.idx.msk [tilespmem:v62+s20+$0x0], $0xffff;
	[tilespmem:s12+$0xB0] =	vst v40  }
0x451: {  	[tilespmem:s12+$0xFFFFFEC0] =	vst v47;
	v55 =	vor.u32 v5, v15;
	v21 =	vld.idx.msk [tilespmem:v37+s20+$0x0], $0xffff;
	v50 =	vmul.f32 v25, v20  }
0x452: {  	v42 =	vor.u32 v5, v28;
	v29 =	vld.idx.msk [tilespmem:v45+s20+$0x0], $0xffff;
	[tilespmem:s12+$0xFFFFFF40] =	vst v33;
	v32 =	vmul.f32 v32, v11  }
0x453: {  	v49 =	vor.u32 v5, v26;
	v31 =	vld.idx.msk [tilespmem:v46+s20+$0x0], $0xffff;
	v58 =	vmul.f32 v12, v8;
	[tilespmem:s12+$0xFFFFFFC0] =	vst v50  }
0x454: {  	v51 =	vor.u32 v5, v27;
	v30 =	vmul.f32 v30, v16;
	[tilespmem:s12+$0xFFFFFE40] =	vst v32;
	v10 =	vld.idx.msk [tilespmem:v48+s20+$0x0], $0xffff  }
0x455: {  	v59 =	vor.u32 v6, v22;
	v53 =	vmul.f32 v43, v17;
	[tilespmem:s12+$0x1C0] =	vst v58;
	v34 =	vld.idx.msk [tilespmem:v52+s20+$0x0], $0xffff  }
0x456: {  	v60 =	vor.u32 v6, v24;
	[tilespmem:s12+$0x140] =	vst v30;
	v54 =	vmul.f32 v21, v13;
	v21 =	vld.idx.msk [tilespmem:v55+s20+$0x0], $0xffff  }
0x457: {  	v62 =	vor.u32 v6, v23;
	v61 =	vmul.f32 v29, v18;
	v30 =	vld.idx.msk [tilespmem:v42+s20+$0x0], $0xffff;
	[tilespmem:s12+$0x40] =	vst v53  }
0x458: {  	v39 =	vor.u32 v6, v14;
	v31 =	vmul.f32 v31, v19;
	v57 =	vld.idx.msk [tilespmem:v49+s20+$0x0], $0xffff;
	[tilespmem:s12+$0xC0] =	vst v54  }
0x459: {  	[tilespmem:s12+$0xFFFFFED0] =	vst v61;
	v42 =	vor.u32 v6, v15;
	v25 =	vld.idx.msk [tilespmem:v51+s20+$0x0], $0xffff;
	v37 =	vmul.f32 v10, v20  }
0x45a: {  	v56 =	vor.u32 v6, v28;
	v12 =	vld.idx.msk [tilespmem:v59+s20+$0x0], $0xffff;
	[tilespmem:s12+$0xFFFFFF50] =	vst v31;
	v34 =	vmul.f32 v34, v11  }
0x45b: {  	v63 =	vor.u32 v6, v26;
	v32 =	vld.idx.msk [tilespmem:v60+s20+$0x0], $0xffff;
	v43 =	vmul.f32 v21, v8;
	[tilespmem:s12+$0xFFFFFFD0] =	vst v37  }
0x45c: {  	v38 =	vor.u32 v6, v27;
	v30 =	vmul.f32 v30, v16;
	[tilespmem:s12+$0xFFFFFE50] =	vst v34;
	v29 =	vld.idx.msk [tilespmem:v62+s20+$0x0], $0xffff  }
0x45d: {  	v44 =	vor.u32 v7, v22;
	v40 =	vmul.f32 v57, v17;
	[tilespmem:s12+$0x1D0] =	vst v43;
	v47 =	vld.idx.msk [tilespmem:v39+s20+$0x0], $0xffff  }
0x45e: {  	v45 =	vor.u32 v7, v24;
	[tilespmem:s12+$0x150] =	vst v30;
	v41 =	vmul.f32 v25, v13;
	v50 =	vld.idx.msk [tilespmem:v42+s20+$0x0], $0xffff  }
0x45f: {  	v49 =	vor.u32 v7, v23;
	v48 =	vmul.f32 v12, v18;
	v30 =	vld.idx.msk [tilespmem:v56+s20+$0x0], $0xffff;
	[tilespmem:s12+$0x50] =	vst v40  }
0x460: {  	v14 =	vor.u32 v7, v14;
	v51 =	vmul.f32 v32, v19;
	v31 =	vld.idx.msk [tilespmem:v63+s20+$0x0], $0xffff;
	[tilespmem:s12+$0xD0] =	vst v41  }
0x461: {  	v55 =	vor.u32 v7, v15;
	[tilespmem:s12+$0xFFFFFEE0] =	vst v48;
	v10 =	vld.idx.msk [tilespmem:v38+s20+$0x0], $0xffff;
	v52 =	vmul.f32 v29, v20  }
0x462: {  	v28 =	vor.u32 v7, v28;
	v21 =	vld.idx.msk [tilespmem:v44+s20+$0x0], $0xffff;
	[tilespmem:s12+$0xFFFFFF60] =	vst v51;
	v56 =	vmul.f32 v47, v11  }
0x463: {  	v26 =	vor.u32 v7, v26;
	v22 =	vld.idx.msk [tilespmem:v45+s20+$0x0], $0xffff;
	v57 =	vmul.f32 v50, v8;
	[tilespmem:s12+$0xFFFFFFE0] =	vst v52  }
0x464: {  	v27 =	vor.u32 v7, v27;
	v46 =	vmul.f32 v30, v16;
	[tilespmem:s12+$0xFFFFFE60] =	vst v56;
	v12 =	vld.idx.msk [tilespmem:v49+s20+$0x0], $0xffff  }
0x465: {  	v53 =	vmul.f32 v31, v17;
	[tilespmem:s12+$0x1E0] =	vst v57;
	v59 =	vld.idx.msk [tilespmem:v14+s20+$0x0], $0xffff  }
0x466: {  	[tilespmem:s12+$0x160] =	vst v46;
	v54 =	vmul.f32 v10, v13;
	v10 =	vld.idx.msk [tilespmem:v55+s20+$0x0], $0xffff  }
0x467: {  	v60 =	vmul.f32 v21, v18;
	v24 =	vld.idx.msk [tilespmem:v28+s20+$0x0], $0xffff;
	[tilespmem:s12+$0x60] =	vst v53  }
0x468: {  	v61 =	vmul.f32 v22, v19;
	v25 =	vld.idx.msk [tilespmem:v26+s20+$0x0], $0xffff;
	[tilespmem:s12+$0xE0] =	vst v54  }
0x469: {  	[tilespmem:s12+$0xFFFFFEF0] =	vst v60;
	v58 =	vld.idx.msk [tilespmem:v27+s20+$0x0], $0xffff;
	v12 =	vmul.f32 v12, v20  }
0x46a: {  	[tilespmem:s12+$0xFFFFFF70] =	vst v61;
	v9 =	vmul.f32 v59, v11  }
0x46b: {  	v8 =	vmul.f32 v10, v8;
	[tilespmem:s12+$0xFFFFFFF0] =	vst v12  }
0x46c: {  	p0 =	seq.s32 s4, $0x31;
	v16 =	vmul.f32 v24, v16;
	[tilespmem:s12+$0xFFFFFE70] =	vst v9  }
.Ltmp15:
0x46d: {  	v62 =	vmul.f32 v25, v17;
	[tilespmem:s12+$0x1F0] =	vst v8;
	(pc) =	sbr.rel @p0 .LBB2_24-.Ltmp15, $4  }
0x46e: {  	[tilespmem:s12+$0x170] =	vst v16;
	v63 =	vmul.f32 v58, v13  }
0x46f: {  	[tilespmem:s12+$0x70] =	vst v62  }
0x470: {  	s13 =	sadd.s32 $0x180, s10;
	[tilespmem:s12+$0xF0] =	vst v63  }
0x471: {  	[hbm4b:s13+s15] =	stream.strided.scatter [tilespmem:s2], [sflag:$0x8], $0x2000, s16, s15, $0x38;
	[tilespmem:$0x10100] =	vst v63  }
0x472: {  	s0 =	sadd.s32 $0x7, s9  }
.Ltmp16:
0x473: {  	s3 =	sshll.u32 s0, $0x7;
	(pc) =	sbr.rel .LBB2_2-.Ltmp16, $4  }
0x474: {  	s0 =	sshll.u32 s0, $0xA;
	s3 =	sand.u32 $0xF80, s3  }
0x475: {  	s0 =	sand.u32 $0xFFF8000, s0;
	s3 =	sadd.s32 s1, s3  }
0x476: {  	s4 =	sadd.s32 $0x1, s4;
	s0 =	sadd.s32 s0, s3  }
0x477: {  	[tilespmem:s20], [sflag:$0x4] =	stream.strided.gather [hbm4b:s0+s15], $0x2000, s16, s15, $0x38;
	[tilespmem:$0x10100] =	vst v63  }
.LBB2_25:
0x478: {  	_ =	sfence.sel $0x180000  }
0x479: {  	[bflag:$0x0] =	sbarrier.arrive $0xFFFF  }
0x47a: {  	_ =	strace $0x90000047  }
0x47b: {  	s0 =	stileid.u32;
	[bflag:$0x2] =	sbarrier.arrive $0xFFFF  }
0x47c: {  	p0 =	sne.s32 s0, $0x0;
	s0 =	rddreg [dreg:$0x4]  }
0x47d: {  	s0 =	sadd.s32 @!p0 $0x100000, s0  }
0x47e: {  	[sflag:s0] =	ssyncadd.tile.s32 @!p0 $0x1;
	_ =	shalt  }
.Lfunc_end2:
_tile_overlayer_lowered:
.L_overlay_start_2:
0x47f: {  	(tag) =	ssettag $0x2  }
0x480: {  	s0 =	rddreg [dreg:$0x0];
	s2 =	stileid.u32  }
0x481: {  	s1 =	rddreg [dreg:$0x1];
	p0 =	sne.s32 s2, $0x0  }
0x482: {  	s3 =	rddreg [dreg:$0x2];
	[bflag:$0x3] =	sbarrier.arrive $0xFFFF;
	s2 =	simm.s32 @!p0 $0x1C09  }
0x483: {  	[timem:s3], [sflag:s2] =	dma.local @!p0 [hbm:s0], s1  }
0x484: {  	s0 =	simm.s32 @!p0 $0x9  }
0x485: {  	_ =	swait.ge @!p0 [sflag:s0], s1  }
0x486: {  	s1 =	ssub.s32 @!p0 $0x0, s1;
	[sflag:s0] =	ssyncset.done @!p0 $0x0  }
0x487: {  	[sflag:s0] =	ssyncadd.s32 @!p0 s1  }
0x488: {  	[bflag:$0x3] =	sbarrier.arrive $0xFFFF  }
0x489: {  	_ =	shalt  }

</sc_bundles>
